<compile_context>
chip_gen: v7x
topology: tpu7x:2x2x1
jax: 0.10.2.dev20260603
libtpu: 0.0.44.dev20260713+nightly
codegen_flags: <defaults>
</compile_context>

<pallas_src>
import functools

import jax
import jax.numpy as jnp
from jax import lax
from jax.experimental import pallas as pl
from jax.experimental.pallas import tpu as pltpu
from jax.experimental.pallas import tpu_sc as plsc

N = 10000
E = 320000
IN_CH = 128
HID_CH = 128
LAT = 64
C = 128

NC = 2
NS = 16
NW = NC * NS
K = 80
CPW = E // K // NW
CPWP = 128
NP = 10240
RPT = NP // NS
DEPTH = 4
SLOTS = 3


def _agg_kernel():
    mesh = plsc.VectorSubcoreMesh(core_axis_name="c", subcore_axis_name="s")

    @functools.partial(
        pl.kernel,
        mesh=mesh,
        out_type=jax.ShapeDtypeStruct((NC * NP, C), jnp.float32),
        scratch_types=[
            pltpu.VMEM((CPWP, K), jnp.int32),
            pltpu.VMEM((K, C), jnp.float32),
            pltpu.VMEM((K, C), jnp.float32),
            pltpu.VMEM((K, C), jnp.float32),
            pltpu.VMEM((K,), jnp.int32),
            pltpu.VMEM((K,), jnp.int32),
            pltpu.VMEM((K,), jnp.int32),
            pltpu.VMEM((K,), jnp.int32),
            pltpu.VMEM((K,), jnp.int32),
            pltpu.VMEM((K,), jnp.int32),
            pltpu.VMEM_SHARED((NP, C), jnp.float32),
            pltpu.SemaphoreType.DMA,
            pltpu.SemaphoreType.DMA,
            pltpu.SemaphoreType.DMA,
            pltpu.SemaphoreType.DMA,
            pltpu.SemaphoreType.DMA,
            pltpu.SemaphoreType.DMA,
            pltpu.SemaphoreType.DMA,
        ],
    )
    def k(h_hbm, pk_hbm, out_hbm, pidx, r0, r1, r2, sv0, dv0, sv1, dv1,
          sv2, dv2, acc_sh, g0, g1, g2, s0, s1, s2, sem_i):
        cid = lax.axis_index("c")
        sid = lax.axis_index("s")
        wid = sid * NC + cid
        rows = [r0, r1, r2]
        svs = [sv0, sv1, sv2]
        dvs = [dv0, dv1, dv2]
        gsem = [g0, g1, g2]
        ssem = [s0, s1, s2]

        idx_cp = pltpu.async_copy(pk_hbm.at[pl.ds(wid * CPWP, CPWP)], pidx, sem_i)

        def zrow(r, carry):
            for j in range(C // 16):
                r0[r, pl.ds(j * 16, 16)] = jnp.zeros((16,), jnp.float32)
            return carry
        lax.fori_loop(0, K, zrow, 0)
        zcps = [pltpu.async_copy(r0, acc_sh.at[pl.ds(sid * RPT + t * K, K)], g1)
                for t in range(RPT // K)]
        for cp in zcps:
            cp.wait()
        idx_cp.wait()
        plsc.subcore_barrier()

        def unpack(i, j):
            @pl.when(i < CPW)
            def _():
                for q in range(K // 16):
                    v = pidx[i, pl.ds(q * 16, 16)]
                    svs[j][pl.ds(q * 16, 16)] = lax.bitwise_and(v, 16383)
                    dvs[j][pl.ds(q * 16, 16)] = lax.shift_right_logical(v, 14)

        def issue_gather(i, j):
            @pl.when(i < CPW)
            def _():
                pltpu.async_copy(h_hbm.at[svs[j]], rows[j], gsem[j])

        def wait_gather(i, j):
            @pl.when(jnp.logical_and(i >= 0, i < CPW))
            def _():
                pltpu.make_async_copy(h_hbm.at[svs[j]], rows[j], gsem[j]).wait()

        def issue_scatter(i, j):
            @pl.when(jnp.logical_and(i >= 0, i < CPW))
            def _():
                pltpu.async_copy(rows[j], acc_sh.at[dvs[j]], ssem[j], add=True)

        def wait_scatter(i, j):
            @pl.when(jnp.logical_and(i >= 0, i < CPW))
            def _():
                pltpu.make_async_copy(rows[j], acc_sh.at[dvs[j]], ssem[j]).wait()

        def body(it, carry):
            base = it * SLOTS
            for j in range(SLOTS):
                ch = base + j
                wait_scatter(ch - SLOTS, j)
                unpack(ch, j)
                issue_gather(ch, j)
                jm1 = (j + SLOTS - 1) % SLOTS
                wait_gather(ch - 1, jm1)
                issue_scatter(ch - 1, jm1)
            return carry
        lax.fori_loop(0, (CPW + SLOTS) // SLOTS, body, 0)
        wait_scatter(CPW - 2, (CPW - 2) % SLOTS)
        wait_scatter(CPW - 1, (CPW - 1) % SLOTS)
        plsc.subcore_barrier()

        pltpu.sync_copy(acc_sh.at[pl.ds(sid * RPT, RPT)],
                        out_hbm.at[pl.ds(cid * NP + sid * RPT, RPT)])

    return k


DEG_W = 128


def _deg_kernel():
    mesh = plsc.VectorSubcoreMesh(core_axis_name="c", subcore_axis_name="s")

    @functools.partial(
        pl.kernel,
        mesh=mesh,
        out_type=jax.ShapeDtypeStruct((NC * NP, DEG_W), jnp.float32),
        scratch_types=[
            pltpu.VMEM((K, DEG_W), jnp.float32),
            pltpu.VMEM((CPWP, K), jnp.int32),
            pltpu.VMEM_SHARED((NP, DEG_W), jnp.float32),
            pltpu.SemaphoreType.DMA,
            pltpu.SemaphoreType.DMA,
        ],
    )
    def k(dst_hbm, out_hbm, ones_v, didx, acc_sh, sem_s, sem_i):
        cid = lax.axis_index("c")
        sid = lax.axis_index("s")
        wid = sid * NC + cid

        idx_cp = pltpu.async_copy(dst_hbm.at[pl.ds(wid * CPWP, CPWP)], didx, sem_i)

        def zrow(r, carry):
            for j in range(DEG_W // 16):
                ones_v[r, pl.ds(j * 16, 16)] = jnp.zeros((16,), jnp.float32)
            return carry
        lax.fori_loop(0, K, zrow, 0)
        zcps = [pltpu.async_copy(ones_v, acc_sh.at[pl.ds(sid * RPT + t * K, K)],
                                 sem_s) for t in range(RPT // K)]
        for cp in zcps:
            cp.wait()

        def orow(r, carry):
            for j in range(DEG_W // 16):
                ones_v[r, pl.ds(j * 16, 16)] = jnp.ones((16,), jnp.float32)
            return carry
        lax.fori_loop(0, K, orow, 0)
        idx_cp.wait()
        plsc.subcore_barrier()

        def fire(i):
            @pl.when(i < CPW)
            def _():
                pltpu.async_copy(ones_v, acc_sh.at[didx.at[i]], sem_s, add=True)

        def drain(i):
            @pl.when(i < CPW)
            def _():
                pltpu.make_async_copy(ones_v, acc_sh.at[didx.at[i]], sem_s).wait()

        for j in range(DEPTH):
            fire(j)

        def body(i, carry):
            drain(i)
            fire(i + DEPTH)
            return carry
        lax.fori_loop(0, CPW, body, 0)
        plsc.subcore_barrier()

        pltpu.sync_copy(acc_sh.at[pl.ds(sid * RPT, RPT)],
                        out_hbm.at[pl.ds(cid * NP + sid * RPT, RPT)])

    return k


_R = 2000


def _rows_spec(width):
    return pl.BlockSpec((_R, width), lambda i: (i, 0))


def _full_spec(r, c):
    return pl.BlockSpec((r, c), lambda i: (0, 0))


def _tc_layer(relu):
    def body(a0, a1, d0r, d1r, hr, wl, wr, br, out):
        inv = 1.0 / jnp.maximum(d0r[...] + d1r[...], 1.0)
        mean = (a0[...] + a1[...]) * inv
        o = jnp.dot(mean, wl[...], preferred_element_type=jnp.float32)
        o += jnp.dot(hr[...], wr[...], preferred_element_type=jnp.float32)
        o = o + br[...]
        if relu:
            o = jnp.maximum(o, 0.0)
        out[...] = o

    return pl.pallas_call(
        body,
        grid=(N // _R,),
        in_specs=[_rows_spec(C), _rows_spec(C), _rows_spec(1),
                  _rows_spec(1), _rows_spec(C),
                  _full_spec(C, C), _full_spec(C, C), _full_spec(1, C)],
        out_specs=_rows_spec(C),
        out_shape=jax.ShapeDtypeStruct((N, C), jnp.float32),
    )


def _pad_w(w):
    return jnp.zeros((C, C), jnp.float32).at[:w.shape[0], :w.shape[1]].set(w)


def _pad_b(b):
    return jnp.zeros((1, C), jnp.float32).at[0, :b.shape[0]].set(b)


def _worker_major(idx):
    p = idx.reshape(NW, CPW, K)
    p = jnp.concatenate([p, jnp.zeros((NW, CPWP - CPW, K), jnp.int32)], axis=1)
    return p.reshape(NW * CPWP, K)


def kernel(x, edge_index, enc1_Wl, enc1_Wr, enc1_b, enc2_Wl, enc2_Wr, enc2_b,
           dec1_Wl, dec1_Wr, dec1_b, dec2_Wl, dec2_Wr, dec2_b):
    src = edge_index[0].astype(jnp.int32)
    dst = edge_index[1].astype(jnp.int32)
    pk = _worker_major(jnp.left_shift(dst, 14) + src)
    dstw = _worker_major(dst)

    deg = _deg_kernel()(dstw)
    d0 = deg[:N, :1]
    d1 = deg[NP:NP + N, :1]

    agg = _agg_kernel()
    relu_layer = _tc_layer(True)
    lin_layer = _tc_layer(False)

    weights = [
        (_pad_w(enc1_Wl), _pad_w(enc1_Wr), _pad_b(enc1_b)),
        (_pad_w(enc2_Wl), _pad_w(enc2_Wr), _pad_b(enc2_b)),
        (_pad_w(dec1_Wl), _pad_w(dec1_Wr), _pad_b(dec1_b)),
        (_pad_w(dec2_Wl), _pad_w(dec2_Wr), _pad_b(dec2_b)),
    ]

    h = x
    for i, (wl, wr, b) in enumerate(weights):
        a = agg(h, pk)
        layer = relu_layer if i in (0, 2) else lin_layer
        h = layer(a[:N], a[NP:NP + N], d0, d1, h, wl, wr, b)
    return h

# --- scband reference (transcript-rebuilt; emitter-appended) ---
"""Pipeline reference for scband-gnnautoencoder-88656714924668 (READ-ONLY COPY).

The authoritative reference and input builder live on the scoring server;
editing this copy changes nothing except your own understanding.
"""

import jax, jax.numpy as jnp
import numpy as np

N_NODES = 10000
N_EDGES = 320000
IN_CH = 128
HID_CH = 128
LAT = 64


def _sage_conv(x, src, dst, Wl, Wr, b):
    # PyG-style SAGEConv with mean aggregation:
    # out = lin_l(mean_{j in N(i)} x_j) + lin_r(x_i)
    msg = x[src]
    agg = jax.ops.segment_sum(msg, dst, num_segments=x.shape[0])
    cnt = jax.ops.segment_sum(jnp.ones((src.shape[0], 1), dtype=x.dtype), dst, num_segments=x.shape[0])
    mean = agg / jnp.maximum(cnt, 1.0)
    return mean @ Wl + x @ Wr + b


def setup_inputs(seed: int = 0) -> dict:
    key = jax.random.key(seed)
    ks = jax.random.split(key, 16)
    x = jax.random.normal(ks[0], (N_NODES, IN_CH), dtype=jnp.float32)
    edge_index = jax.random.randint(ks[1], (2, N_EDGES), 0, N_NODES, dtype=jnp.int64 if jax.config.jax_enable_x64 else jnp.int32)
    def w(k, i, o):
        return jax.random.normal(k, (i, o), dtype=jnp.float32) * (1.0 / np.sqrt(i))
    inp = {
        'x': x,
        'edge_index': edge_index,
        'enc1_Wl': w(ks[2], IN_CH, HID_CH), 'enc1_Wr': w(ks[3], IN_CH, HID_CH), 'enc1_b': jnp.zeros((HID_CH,), jnp.float32),
        'enc2_Wl': w(ks[4], HID_CH, LAT), 'enc2_Wr': w(ks[5], HID_CH, LAT), 'enc2_b': jnp.zeros((LAT,), jnp.float32),
        'dec1_Wl': w(ks[6], LAT, HID_CH), 'dec1_Wr': w(ks[7], LAT, HID_CH), 'dec1_b': jnp.zeros((HID_CH,), jnp.float32),
        'dec2_Wl': w(ks[8], HID_CH, IN_CH), 'dec2_Wr': w(ks[9], HID_CH, IN_CH), 'dec2_b': jnp.zeros((IN_CH,), jnp.float32),
    }
    return inp


def reference(x, edge_index, enc1_Wl, enc1_Wr, enc1_b, enc2_Wl, enc2_Wr, enc2_b, dec1_Wl, dec1_Wr, dec1_b, dec2_Wl, dec2_Wr, dec2_b):
    src = edge_index[0]
    dst = edge_index[1]
    # encode
    h = _sage_conv(x, src, dst, enc1_Wl, enc1_Wr, enc1_b)
    h = jax.nn.relu(h)
    z = _sage_conv(h, src, dst, enc2_Wl, enc2_Wr, enc2_b)
    # decode
    d = _sage_conv(z, src, dst, dec1_Wl, dec1_Wr, dec1_b)
    d = jax.nn.relu(d)
    x_rec = _sage_conv(d, src, dst, dec2_Wl, dec2_Wr, dec2_b)
    return x_rec

if __name__ == "__main__":
    import jax
    _d = setup_inputs()
    print(jax.jit(kernel)(*tuple(_d.values())))

</pallas_src>

<mosaic_0001>
#map = affine_map<(d0, d1) -> (0, 0)>
module attributes {stable_mosaic.version = 14 : i64} {
  func.func @k(%arg0: i32, %arg1: i32, %arg2: memref<10000x128xf32, #tpu.memory_space<hbm>>, %arg3: memref<4096x80xi32, #tpu.memory_space<hbm>>, %arg4: memref<20480x128xf32, #tpu.memory_space<hbm>>, %arg5: memref<128x80xi32, #tpu.memory_space<vmem>>, %arg6: memref<80x128xf32, #tpu.memory_space<vmem>>, %arg7: memref<80x128xf32, #tpu.memory_space<vmem>>, %arg8: memref<80x128xf32, #tpu.memory_space<vmem>>, %arg9: memref<80xi32, #tpu.memory_space<vmem>>, %arg10: memref<80xi32, #tpu.memory_space<vmem>>, %arg11: memref<80xi32, #tpu.memory_space<vmem>>, %arg12: memref<80xi32, #tpu.memory_space<vmem>>, %arg13: memref<80xi32, #tpu.memory_space<vmem>>, %arg14: memref<80xi32, #tpu.memory_space<vmem>>, %arg15: memref<10240x128xf32, #tpu.memory_space<vmem_shared>>, %arg16: memref<!tpu.dma_semaphore, #tpu.memory_space<semaphore_mem>>, %arg17: memref<!tpu.dma_semaphore, #tpu.memory_space<semaphore_mem>>, %arg18: memref<!tpu.dma_semaphore, #tpu.memory_space<semaphore_mem>>, %arg19: memref<!tpu.dma_semaphore, #tpu.memory_space<semaphore_mem>>, %arg20: memref<!tpu.dma_semaphore, #tpu.memory_space<semaphore_mem>>, %arg21: memref<!tpu.dma_semaphore, #tpu.memory_space<semaphore_mem>>, %arg22: memref<!tpu.dma_semaphore, #tpu.memory_space<semaphore_mem>>) attributes {dimension_semantics = [#tpu.dimension_semantics<core_parallel>, #tpu.dimension_semantics<subcore_parallel>], iteration_bounds = array<i64: 2, 16>, scalar_prefetch = 0 : i64, scratch_operands = 18 : i64, tpu.core_type = #tpu.core_type<sc_vector_subcore>, window_params = [{transform_indices = #map}, {transform_indices = #map}, {transform_indices = #map}]} {
    %mul3A = arith.constant 2 : i32
    %mul3A_0 = arith.muli %arg1, %mul3A : i32
    %add3A = arith.addi %mul3A_0, %arg0 : i32
    %mul3A_1 = arith.constant 128 : i32
    %mul3A_2 = arith.muli %add3A, %mul3A_1 : i32
    %dma_start3A = arith.constant 0 : i32
    %dma_start3A_3 = tpu.memref_slice %arg3[%mul3A_2, %dma_start3A] : memref<4096x80xi32, #tpu.memory_space<hbm>> -> memref<128x80xi32, #tpu.memory_space<hbm>>
    %dma_start3A_4 = arith.constant 0 : i32
    %dma_start3A_5 = tpu.memref_slice %arg3[%mul3A_2, %dma_start3A_4] : memref<4096x80xi32, #tpu.memory_space<hbm>> -> memref<128x80xi32, #tpu.memory_space<hbm>>
    tpu.enqueue_dma source(%dma_start3A_5 : memref<128x80xi32, #tpu.memory_space<hbm>>) target(%arg5 : memref<128x80xi32, #tpu.memory_space<vmem>>) target_semaphore(%arg22 : memref<!tpu.dma_semaphore, #tpu.memory_space<semaphore_mem>>)
    %scan3A = arith.constant 0 : i32
    %scan3A_6 = arith.constant 0 : i32
    %scan3A_7 = arith.constant 80 : i32
    %scan3A_8 = arith.addi %scan3A_6, %scan3A_7 : i32
    %scan3A_9 = arith.constant 1 : i32
    scf.for %scan3A_133 = %scan3A_6 to %scan3A_8 step %scan3A_9  : i32 {
      %broadcast_in_dim3A = arith.constant 0.000000e+00 : f32
      %broadcast_in_dim3A_134 = vector.broadcast %broadcast_in_dim3A : f32 to vector<16xf32>
      %swap3A = arith.index_cast %scan3A_133 : i32 to index
      %swap3A_135 = arith.constant 0 : index
      %swap3A_136 = tpu.vector_load %arg6[%swap3A, %swap3A_135] {strides = array<i32>} : memref<80x128xf32, #tpu.memory_space<vmem>>, vector<1x16xf32>,
      %swap3A_137 = vector.shape_cast %swap3A_136 : vector<1x16xf32> to vector<16xf32>
      %swap3A_138 = vector.shape_cast %broadcast_in_dim3A_134 : vector<16xf32> to vector<1x16xf32>
      tpu.vector_store %arg6[%swap3A, %swap3A_135], %swap3A_138 {strides = array<i32>} : memref<80x128xf32, #tpu.memory_space<vmem>>, vector<1x16xf32>,
      %broadcast_in_dim3A_139 = arith.constant 0.000000e+00 : f32
      %broadcast_in_dim3A_140 = vector.broadcast %broadcast_in_dim3A_139 : f32 to vector<16xf32>
      %swap3A_141 = arith.index_cast %scan3A_133 : i32 to index
      %swap3A_142 = arith.constant 16 : index
      %swap3A_143 = tpu.vector_load %arg6[%swap3A_141, %swap3A_142] {strides = array<i32>} : memref<80x128xf32, #tpu.memory_space<vmem>>, vector<1x16xf32>,
      %swap3A_144 = vector.shape_cast %swap3A_143 : vector<1x16xf32> to vector<16xf32>
      %swap3A_145 = vector.shape_cast %broadcast_in_dim3A_140 : vector<16xf32> to vector<1x16xf32>
      tpu.vector_store %arg6[%swap3A_141, %swap3A_142], %swap3A_145 {strides = array<i32>} : memref<80x128xf32, #tpu.memory_space<vmem>>, vector<1x16xf32>,
      %broadcast_in_dim3A_146 = arith.constant 0.000000e+00 : f32
      %broadcast_in_dim3A_147 = vector.broadcast %broadcast_in_dim3A_146 : f32 to vector<16xf32>
      %swap3A_148 = arith.index_cast %scan3A_133 : i32 to index
      %swap3A_149 = arith.constant 32 : index
      %swap3A_150 = tpu.vector_load %arg6[%swap3A_148, %swap3A_149] {strides = array<i32>} : memref<80x128xf32, #tpu.memory_space<vmem>>, vector<1x16xf32>,
      %swap3A_151 = vector.shape_cast %swap3A_150 : vector<1x16xf32> to vector<16xf32>
      %swap3A_152 = vector.shape_cast %broadcast_in_dim3A_147 : vector<16xf32> to vector<1x16xf32>
      tpu.vector_store %arg6[%swap3A_148, %swap3A_149], %swap3A_152 {strides = array<i32>} : memref<80x128xf32, #tpu.memory_space<vmem>>, vector<1x16xf32>,
      %broadcast_in_dim3A_153 = arith.constant 0.000000e+00 : f32
      %broadcast_in_dim3A_154 = vector.broadcast %broadcast_in_dim3A_153 : f32 to vector<16xf32>
      %swap3A_155 = arith.index_cast %scan3A_133 : i32 to index
      %swap3A_156 = arith.constant 48 : index
      %swap3A_157 = tpu.vector_load %arg6[%swap3A_155, %swap3A_156] {strides = array<i32>} : memref<80x128xf32, #tpu.memory_space<vmem>>, vector<1x16xf32>,
      %swap3A_158 = vector.shape_cast %swap3A_157 : vector<1x16xf32> to vector<16xf32>
      %swap3A_159 = vector.shape_cast %broadcast_in_dim3A_154 : vector<16xf32> to vector<1x16xf32>
      tpu.vector_store %arg6[%swap3A_155, %swap3A_156], %swap3A_159 {strides = array<i32>} : memref<80x128xf32, #tpu.memory_space<vmem>>, vector<1x16xf32>,
      %broadcast_in_dim3A_160 = arith.constant 0.000000e+00 : f32
      %broadcast_in_dim3A_161 = vector.broadcast %broadcast_in_dim3A_160 : f32 to vector<16xf32>
      %swap3A_162 = arith.index_cast %scan3A_133 : i32 to index
      %swap3A_163 = arith.constant 64 : index
      %swap3A_164 = tpu.vector_load %arg6[%swap3A_162, %swap3A_163] {strides = array<i32>} : memref<80x128xf32, #tpu.memory_space<vmem>>, vector<1x16xf32>,
      %swap3A_165 = vector.shape_cast %swap3A_164 : vector<1x16xf32> to vector<16xf32>
      %swap3A_166 = vector.shape_cast %broadcast_in_dim3A_161 : vector<16xf32> to vector<1x16xf32>
      tpu.vector_store %arg6[%swap3A_162, %swap3A_163], %swap3A_166 {strides = array<i32>} : memref<80x128xf32, #tpu.memory_space<vmem>>, vector<1x16xf32>,
      %broadcast_in_dim3A_167 = arith.constant 0.000000e+00 : f32
      %broadcast_in_dim3A_168 = vector.broadcast %broadcast_in_dim3A_167 : f32 to vector<16xf32>
      %swap3A_169 = arith.index_cast %scan3A_133 : i32 to index
      %swap3A_170 = arith.constant 80 : index
      %swap3A_171 = tpu.vector_load %arg6[%swap3A_169, %swap3A_170] {strides = array<i32>} : memref<80x128xf32, #tpu.memory_space<vmem>>, vector<1x16xf32>,
      %swap3A_172 = vector.shape_cast %swap3A_171 : vector<1x16xf32> to vector<16xf32>
      %swap3A_173 = vector.shape_cast %broadcast_in_dim3A_168 : vector<16xf32> to vector<1x16xf32>
      tpu.vector_store %arg6[%swap3A_169, %swap3A_170], %swap3A_173 {strides = array<i32>} : memref<80x128xf32, #tpu.memory_space<vmem>>, vector<1x16xf32>,
      %broadcast_in_dim3A_174 = arith.constant 0.000000e+00 : f32
      %broadcast_in_dim3A_175 = vector.broadcast %broadcast_in_dim3A_174 : f32 to vector<16xf32>
      %swap3A_176 = arith.index_cast %scan3A_133 : i32 to index
      %swap3A_177 = arith.constant 96 : index
      %swap3A_178 = tpu.vector_load %arg6[%swap3A_176, %swap3A_177] {strides = array<i32>} : memref<80x128xf32, #tpu.memory_space<vmem>>, vector<1x16xf32>,
      %swap3A_179 = vector.shape_cast %swap3A_178 : vector<1x16xf32> to vector<16xf32>
      %swap3A_180 = vector.shape_cast %broadcast_in_dim3A_175 : vector<16xf32> to vector<1x16xf32>
      tpu.vector_store %arg6[%swap3A_176, %swap3A_177], %swap3A_180 {strides = array<i32>} : memref<80x128xf32, #tpu.memory_space<vmem>>, vector<1x16xf32>,
      %broadcast_in_dim3A_181 = arith.constant 0.000000e+00 : f32
      %broadcast_in_dim3A_182 = vector.broadcast %broadcast_in_dim3A_181 : f32 to vector<16xf32>
      %swap3A_183 = arith.index_cast %scan3A_133 : i32 to index
      %swap3A_184 = arith.constant 112 : index
      %swap3A_185 = tpu.vector_load %arg6[%swap3A_183, %swap3A_184] {strides = array<i32>} : memref<80x128xf32, #tpu.memory_space<vmem>>, vector<1x16xf32>,
      %swap3A_186 = vector.shape_cast %swap3A_185 : vector<1x16xf32> to vector<16xf32>
      %swap3A_187 = vector.shape_cast %broadcast_in_dim3A_182 : vector<16xf32> to vector<1x16xf32>
      tpu.vector_store %arg6[%swap3A_183, %swap3A_184], %swap3A_187 {strides = array<i32>} : memref<80x128xf32, #tpu.memory_space<vmem>>, vector<1x16xf32>,
    }
    %scan3A_10 = arith.constant 80 : i32
    %mul3A_11 = arith.constant 640 : i32
    %mul3A_12 = arith.muli %arg1, %mul3A_11 : i32
    %add3A_13 = arith.constant 0 : i32
    %add3A_14 = arith.addi %mul3A_12, %add3A_13 : i32
    %dma_start3A_15 = arith.constant 0 : i32
    %dma_start3A_16 = tpu.memref_slice %arg15[%add3A_14, %dma_start3A_15] : memref<10240x128xf32, #tpu.memory_space<vmem_shared>> -> memref<80x128xf32, #tpu.memory_space<vmem_shared>>
    %dma_start3A_17 = arith.constant 0 : i32
    %dma_start3A_18 = tpu.memref_slice %arg15[%add3A_14, %dma_start3A_17] : memref<10240x128xf32, #tpu.memory_space<vmem_shared>> -> memref<80x128xf32, #tpu.memory_space<vmem_shared>>
    tpu.enqueue_dma source(%arg6 : memref<80x128xf32, #tpu.memory_space<vmem>>) target(%dma_start3A_18 : memref<80x128xf32, #tpu.memory_space<vmem_shared>>) target_semaphore(%arg17 : memref<!tpu.dma_semaphore, #tpu.memory_space<semaphore_mem>>)
    %mul3A_19 = arith.constant 640 : i32
    %mul3A_20 = arith.muli %arg1, %mul3A_19 : i32
    %add3A_21 = arith.constant 80 : i32
    %add3A_22 = arith.addi %mul3A_20, %add3A_21 : i32
    %dma_start3A_23 = arith.constant 0 : i32
    %dma_start3A_24 = tpu.memref_slice %arg15[%add3A_22, %dma_start3A_23] : memref<10240x128xf32, #tpu.memory_space<vmem_shared>> -> memref<80x128xf32, #tpu.memory_space<vmem_shared>>
    %dma_start3A_25 = arith.constant 0 : i32
    %dma_start3A_26 = tpu.memref_slice %arg15[%add3A_22, %dma_start3A_25] : memref<10240x128xf32, #tpu.memory_space<vmem_shared>> -> memref<80x128xf32, #tpu.memory_space<vmem_shared>>
    tpu.enqueue_dma source(%arg6 : memref<80x128xf32, #tpu.memory_space<vmem>>) target(%dma_start3A_26 : memref<80x128xf32, #tpu.memory_space<vmem_shared>>) target_semaphore(%arg17 : memref<!tpu.dma_semaphore, #tpu.memory_space<semaphore_mem>>)
    %mul3A_27 = arith.constant 640 : i32
    %mul3A_28 = arith.muli %arg1, %mul3A_27 : i32
    %add3A_29 = arith.constant 160 : i32
    %add3A_30 = arith.addi %mul3A_28, %add3A_29 : i32
    %dma_start3A_31 = arith.constant 0 : i32
    %dma_start3A_32 = tpu.memref_slice %arg15[%add3A_30, %dma_start3A_31] : memref<10240x128xf32, #tpu.memory_space<vmem_shared>> -> memref<80x128xf32, #tpu.memory_space<vmem_shared>>
    %dma_start3A_33 = arith.constant 0 : i32
    %dma_start3A_34 = tpu.memref_slice %arg15[%add3A_30, %dma_start3A_33] : memref<10240x128xf32, #tpu.memory_space<vmem_shared>> -> memref<80x128xf32, #tpu.memory_space<vmem_shared>>
    tpu.enqueue_dma source(%arg6 : memref<80x128xf32, #tpu.memory_space<vmem>>) target(%dma_start3A_34 : memref<80x128xf32, #tpu.memory_space<vmem_shared>>) target_semaphore(%arg17 : memref<!tpu.dma_semaphore, #tpu.memory_space<semaphore_mem>>)
    %mul3A_35 = arith.constant 640 : i32
    %mul3A_36 = arith.muli %arg1, %mul3A_35 : i32
    %add3A_37 = arith.constant 240 : i32
    %add3A_38 = arith.addi %mul3A_36, %add3A_37 : i32
    %dma_start3A_39 = arith.constant 0 : i32
    %dma_start3A_40 = tpu.memref_slice %arg15[%add3A_38, %dma_start3A_39] : memref<10240x128xf32, #tpu.memory_space<vmem_shared>> -> memref<80x128xf32, #tpu.memory_space<vmem_shared>>
    %dma_start3A_41 = arith.constant 0 : i32
    %dma_start3A_42 = tpu.memref_slice %arg15[%add3A_38, %dma_start3A_41] : memref<10240x128xf32, #tpu.memory_space<vmem_shared>> -> memref<80x128xf32, #tpu.memory_space<vmem_shared>>
    tpu.enqueue_dma source(%arg6 : memref<80x128xf32, #tpu.memory_space<vmem>>) target(%dma_start3A_42 : memref<80x128xf32, #tpu.memory_space<vmem_shared>>) target_semaphore(%arg17 : memref<!tpu.dma_semaphore, #tpu.memory_space<semaphore_mem>>)
    %mul3A_43 = arith.constant 640 : i32
    %mul3A_44 = arith.muli %arg1, %mul3A_43 : i32
    %add3A_45 = arith.constant 320 : i32
    %add3A_46 = arith.addi %mul3A_44, %add3A_45 : i32
    %dma_start3A_47 = arith.constant 0 : i32
    %dma_start3A_48 = tpu.memref_slice %arg15[%add3A_46, %dma_start3A_47] : memref<10240x128xf32, #tpu.memory_space<vmem_shared>> -> memref<80x128xf32, #tpu.memory_space<vmem_shared>>
    %dma_start3A_49 = arith.constant 0 : i32
    %dma_start3A_50 = tpu.memref_slice %arg15[%add3A_46, %dma_start3A_49] : memref<10240x128xf32, #tpu.memory_space<vmem_shared>> -> memref<80x128xf32, #tpu.memory_space<vmem_shared>>
    tpu.enqueue_dma source(%arg6 : memref<80x128xf32, #tpu.memory_space<vmem>>) target(%dma_start3A_50 : memref<80x128xf32, #tpu.memory_space<vmem_shared>>) target_semaphore(%arg17 : memref<!tpu.dma_semaphore, #tpu.memory_space<semaphore_mem>>)
    %mul3A_51 = arith.constant 640 : i32
    %mul3A_52 = arith.muli %arg1, %mul3A_51 : i32
    %add3A_53 = arith.constant 400 : i32
    %add3A_54 = arith.addi %mul3A_52, %add3A_53 : i32
    %dma_start3A_55 = arith.constant 0 : i32
    %dma_start3A_56 = tpu.memref_slice %arg15[%add3A_54, %dma_start3A_55] : memref<10240x128xf32, #tpu.memory_space<vmem_shared>> -> memref<80x128xf32, #tpu.memory_space<vmem_shared>>
    %dma_start3A_57 = arith.constant 0 : i32
    %dma_start3A_58 = tpu.memref_slice %arg15[%add3A_54, %dma_start3A_57] : memref<10240x128xf32, #tpu.memory_space<vmem_shared>> -> memref<80x128xf32, #tpu.memory_space<vmem_shared>>
    tpu.enqueue_dma source(%arg6 : memref<80x128xf32, #tpu.memory_space<vmem>>) target(%dma_start3A_58 : memref<80x128xf32, #tpu.memory_space<vmem_shared>>) target_semaphore(%arg17 : memref<!tpu.dma_semaphore, #tpu.memory_space<semaphore_mem>>)
    %mul3A_59 = arith.constant 640 : i32
    %mul3A_60 = arith.muli %arg1, %mul3A_59 : i32
    %add3A_61 = arith.constant 480 : i32
    %add3A_62 = arith.addi %mul3A_60, %add3A_61 : i32
    %dma_start3A_63 = arith.constant 0 : i32
    %dma_start3A_64 = tpu.memref_slice %arg15[%add3A_62, %dma_start3A_63] : memref<10240x128xf32, #tpu.memory_space<vmem_shared>> -> memref<80x128xf32, #tpu.memory_space<vmem_shared>>
    %dma_start3A_65 = arith.constant 0 : i32
    %dma_start3A_66 = tpu.memref_slice %arg15[%add3A_62, %dma_start3A_65] : memref<10240x128xf32, #tpu.memory_space<vmem_shared>> -> memref<80x128xf32, #tpu.memory_space<vmem_shared>>
    tpu.enqueue_dma source(%arg6 : memref<80x128xf32, #tpu.memory_space<vmem>>) target(%dma_start3A_66 : memref<80x128xf32, #tpu.memory_space<vmem_shared>>) target_semaphore(%arg17 : memref<!tpu.dma_semaphore, #tpu.memory_space<semaphore_mem>>)
    %mul3A_67 = arith.constant 640 : i32
    %mul3A_68 = arith.muli %arg1, %mul3A_67 : i32
    %add3A_69 = arith.constant 560 : i32
    %add3A_70 = arith.addi %mul3A_68, %add3A_69 : i32
    %dma_start3A_71 = arith.constant 0 : i32
    %dma_start3A_72 = tpu.memref_slice %arg15[%add3A_70, %dma_start3A_71] : memref<10240x128xf32, #tpu.memory_space<vmem_shared>> -> memref<80x128xf32, #tpu.memory_space<vmem_shared>>
    %dma_start3A_73 = arith.constant 0 : i32
    %dma_start3A_74 = tpu.memref_slice %arg15[%add3A_70, %dma_start3A_73] : memref<10240x128xf32, #tpu.memory_space<vmem_shared>> -> memref<80x128xf32, #tpu.memory_space<vmem_shared>>
    tpu.enqueue_dma source(%arg6 : memref<80x128xf32, #tpu.memory_space<vmem>>) target(%dma_start3A_74 : memref<80x128xf32, #tpu.memory_space<vmem_shared>>) target_semaphore(%arg17 : memref<!tpu.dma_semaphore, #tpu.memory_space<semaphore_mem>>)
    %dma_wait3A = arith.constant 0 : i32
    %dma_wait3A_75 = tpu.memref_slice %arg15[%add3A_14, %dma_wait3A] : memref<10240x128xf32, #tpu.memory_space<vmem_shared>> -> memref<80x128xf32, #tpu.memory_space<vmem_shared>>
    %dma_wait3A_76 = arith.constant 0 : i32
    %dma_wait3A_77 = tpu.memref_slice %arg15[%add3A_14, %dma_wait3A_76] : memref<10240x128xf32, #tpu.memory_space<vmem_shared>> -> memref<80x128xf32, #tpu.memory_space<vmem_shared>>
    tpu.wait_dma2 semaphore(%arg17 : memref<!tpu.dma_semaphore, #tpu.memory_space<semaphore_mem>>) src(%arg6 : memref<80x128xf32, #tpu.memory_space<vmem>>) dst(%dma_wait3A_77 : memref<80x128xf32, #tpu.memory_space<vmem_shared>>)
    %dma_wait3A_78 = arith.constant 0 : i32
    %dma_wait3A_79 = tpu.memref_slice %arg15[%add3A_22, %dma_wait3A_78] : memref<10240x128xf32, #tpu.memory_space<vmem_shared>> -> memref<80x128xf32, #tpu.memory_space<vmem_shared>>
    %dma_wait3A_80 = arith.constant 0 : i32
    %dma_wait3A_81 = tpu.memref_slice %arg15[%add3A_22, %dma_wait3A_80] : memref<10240x128xf32, #tpu.memory_space<vmem_shared>> -> memref<80x128xf32, #tpu.memory_space<vmem_shared>>
    tpu.wait_dma2 semaphore(%arg17 : memref<!tpu.dma_semaphore, #tpu.memory_space<semaphore_mem>>) src(%arg6 : memref<80x128xf32, #tpu.memory_space<vmem>>) dst(%dma_wait3A_81 : memref<80x128xf32, #tpu.memory_space<vmem_shared>>)
    %dma_wait3A_82 = arith.constant 0 : i32
    %dma_wait3A_83 = tpu.memref_slice %arg15[%add3A_30, %dma_wait3A_82] : memref<10240x128xf32, #tpu.memory_space<vmem_shared>> -> memref<80x128xf32, #tpu.memory_space<vmem_shared>>
    %dma_wait3A_84 = arith.constant 0 : i32
    %dma_wait3A_85 = tpu.memref_slice %arg15[%add3A_30, %dma_wait3A_84] : memref<10240x128xf32, #tpu.memory_space<vmem_shared>> -> memref<80x128xf32, #tpu.memory_space<vmem_shared>>
    tpu.wait_dma2 semaphore(%arg17 : memref<!tpu.dma_semaphore, #tpu.memory_space<semaphore_mem>>) src(%arg6 : memref<80x128xf32, #tpu.memory_space<vmem>>) dst(%dma_wait3A_85 : memref<80x128xf32, #tpu.memory_space<vmem_shared>>)
    %dma_wait3A_86 = arith.constant 0 : i32
    %dma_wait3A_87 = tpu.memref_slice %arg15[%add3A_38, %dma_wait3A_86] : memref<10240x128xf32, #tpu.memory_space<vmem_shared>> -> memref<80x128xf32, #tpu.memory_space<vmem_shared>>
    %dma_wait3A_88 = arith.constant 0 : i32
    %dma_wait3A_89 = tpu.memref_slice %arg15[%add3A_38, %dma_wait3A_88] : memref<10240x128xf32, #tpu.memory_space<vmem_shared>> -> memref<80x128xf32, #tpu.memory_space<vmem_shared>>
    tpu.wait_dma2 semaphore(%arg17 : memref<!tpu.dma_semaphore, #tpu.memory_space<semaphore_mem>>) src(%arg6 : memref<80x128xf32, #tpu.memory_space<vmem>>) dst(%dma_wait3A_89 : memref<80x128xf32, #tpu.memory_space<vmem_shared>>)
    %dma_wait3A_90 = arith.constant 0 : i32
    %dma_wait3A_91 = tpu.memref_slice %arg15[%add3A_46, %dma_wait3A_90] : memref<10240x128xf32, #tpu.memory_space<vmem_shared>> -> memref<80x128xf32, #tpu.memory_space<vmem_shared>>
    %dma_wait3A_92 = arith.constant 0 : i32
    %dma_wait3A_93 = tpu.memref_slice %arg15[%add3A_46, %dma_wait3A_92] : memref<10240x128xf32, #tpu.memory_space<vmem_shared>> -> memref<80x128xf32, #tpu.memory_space<vmem_shared>>
    tpu.wait_dma2 semaphore(%arg17 : memref<!tpu.dma_semaphore, #tpu.memory_space<semaphore_mem>>) src(%arg6 : memref<80x128xf32, #tpu.memory_space<vmem>>) dst(%dma_wait3A_93 : memref<80x128xf32, #tpu.memory_space<vmem_shared>>)
    %dma_wait3A_94 = arith.constant 0 : i32
    %dma_wait3A_95 = tpu.memref_slice %arg15[%add3A_54, %dma_wait3A_94] : memref<10240x128xf32, #tpu.memory_space<vmem_shared>> -> memref<80x128xf32, #tpu.memory_space<vmem_shared>>
    %dma_wait3A_96 = arith.constant 0 : i32
    %dma_wait3A_97 = tpu.memref_slice %arg15[%add3A_54, %dma_wait3A_96] : memref<10240x128xf32, #tpu.memory_space<vmem_shared>> -> memref<80x128xf32, #tpu.memory_space<vmem_shared>>
    tpu.wait_dma2 semaphore(%arg17 : memref<!tpu.dma_semaphore, #tpu.memory_space<semaphore_mem>>) src(%arg6 : memref<80x128xf32, #tpu.memory_space<vmem>>) dst(%dma_wait3A_97 : memref<80x128xf32, #tpu.memory_space<vmem_shared>>)
    %dma_wait3A_98 = arith.constant 0 : i32
    %dma_wait3A_99 = tpu.memref_slice %arg15[%add3A_62, %dma_wait3A_98] : memref<10240x128xf32, #tpu.memory_space<vmem_shared>> -> memref<80x128xf32, #tpu.memory_space<vmem_shared>>
    %dma_wait3A_100 = arith.constant 0 : i32
    %dma_wait3A_101 = tpu.memref_slice %arg15[%add3A_62, %dma_wait3A_100] : memref<10240x128xf32, #tpu.memory_space<vmem_shared>> -> memref<80x128xf32, #tpu.memory_space<vmem_shared>>
    tpu.wait_dma2 semaphore(%arg17 : memref<!tpu.dma_semaphore, #tpu.memory_space<semaphore_mem>>) src(%arg6 : memref<80x128xf32, #tpu.memory_space<vmem>>) dst(%dma_wait3A_101 : memref<80x128xf32, #tpu.memory_space<vmem_shared>>)
    %dma_wait3A_102 = arith.constant 0 : i32
    %dma_wait3A_103 = tpu.memref_slice %arg15[%add3A_70, %dma_wait3A_102] : memref<10240x128xf32, #tpu.memory_space<vmem_shared>> -> memref<80x128xf32, #tpu.memory_space<vmem_shared>>
    %dma_wait3A_104 = arith.constant 0 : i32
    %dma_wait3A_105 = tpu.memref_slice %arg15[%add3A_70, %dma_wait3A_104] : memref<10240x128xf32, #tpu.memory_space<vmem_shared>> -> memref<80x128xf32, #tpu.memory_space<vmem_shared>>
    tpu.wait_dma2 semaphore(%arg17 : memref<!tpu.dma_semaphore, #tpu.memory_space<semaphore_mem>>) src(%arg6 : memref<80x128xf32, #tpu.memory_space<vmem>>) dst(%dma_wait3A_105 : memref<80x128xf32, #tpu.memory_space<vmem_shared>>)
    %dma_wait3A_106 = arith.constant 0 : i32
    %dma_wait3A_107 = tpu.memref_slice %arg3[%mul3A_2, %dma_wait3A_106] : memref<4096x80xi32, #tpu.memory_space<hbm>> -> memref<128x80xi32, #tpu.memory_space<hbm>>
    %dma_wait3A_108 = arith.constant 0 : i32
    %dma_wait3A_109 = tpu.memref_slice %arg3[%mul3A_2, %dma_wait3A_108] : memref<4096x80xi32, #tpu.memory_space<hbm>> -> memref<128x80xi32, #tpu.memory_space<hbm>>
    tpu.wait_dma2 semaphore(%arg22 : memref<!tpu.dma_semaphore, #tpu.memory_space<semaphore_mem>>) src(%dma_wait3A_109 : memref<128x80xi32, #tpu.memory_space<hbm>>) dst(%arg5 : memref<128x80xi32, #tpu.memory_space<vmem>>)
    %barrier3A = arith.constant 0 : index
    tpu.barrier barrier_id(%barrier3A)
    %scan3A_110 = arith.constant 0 : i32
    %scan3A_111 = arith.constant 0 : i32
    %scan3A_112 = arith.constant 42 : i32
    %scan3A_113 = arith.addi %scan3A_111, %scan3A_112 : i32
    %scan3A_114 = arith.constant 1 : i32
    scf.for %scan3A_133 = %scan3A_111 to %scan3A_113 step %scan3A_114  : i32 {
      %mul3A_134 = arith.constant 3 : i32
      %mul3A_135 = arith.muli %scan3A_133, %mul3A_134 : i32
      %add3A_136 = arith.constant 0 : i32
      %add3A_137 = arith.addi %mul3A_135, %add3A_136 : i32
      %sub3A = arith.constant 3 : i32
      %sub3A_138 = arith.subi %add3A_137, %sub3A : i32
      %ge3A = arith.constant 0 : i32
      %ge3A_139 = arith.cmpi sge, %sub3A_138, %ge3A : i32
      %lt3A = arith.constant 125 : i32
      %lt3A_140 = arith.cmpi slt, %sub3A_138, %lt3A : i32
      %and3A_141 = arith.andi %ge3A_139, %lt3A_140 : i1
      %convert_element_type3A_142 = arith.extui %and3A_141 : i1 to i32
      %cond3A_143 = arith.constant 0 : i32
      %cond3A_144 = arith.cmpi ne, %convert_element_type3A_142, %cond3A_143 : i32
      scf.if %cond3A_144 {
        %dma_wait3A_259 = arith.constant 0 : i32
        %dma_wait3A_260 = arith.constant 0 : i32
        %dma_wait3A_261 = tpu.memref_slice %arg15[%dma_wait3A_259, %dma_wait3A_260] : memref<10240x128xf32, #tpu.memory_space<vmem_shared>> -> memref<10240x128xf32, #tpu.memory_space<vmem_shared>>
        tpu.wait_indirect_dma semaphore(%arg19 : memref<!tpu.dma_semaphore, #tpu.memory_space<semaphore_mem>>) src(%arg6 : memref<80x128xf32, #tpu.memory_space<vmem>>) dst(%dma_wait3A_261 : memref<10240x128xf32, #tpu.memory_space<vmem_shared>>)
      } else {
      }
      %lt3A_145 = arith.constant 125 : i32
      %lt3A_146 = arith.cmpi slt, %add3A_137, %lt3A_145 : i32
      %convert_element_type3A_147 = arith.extui %lt3A_146 : i1 to i32
      %cond3A_148 = arith.constant 0 : i32
      %cond3A_149 = arith.cmpi ne, %convert_element_type3A_147, %cond3A_148 : i32
      scf.if %cond3A_149 {
        %get3A = arith.index_cast %add3A_137 : i32 to index
        %get3A_259 = arith.constant 0 : index
        %get3A_260 = tpu.vector_load %arg5[%get3A, %get3A_259] {strides = array<i32>} : memref<128x80xi32, #tpu.memory_space<vmem>>, vector<1x16xi32>,
        %get3A_261 = vector.shape_cast %get3A_260 : vector<1x16xi32> to vector<16xi32>
        %and3A_262 = arith.constant 16383 : i32
        %and3A_263 = vector.broadcast %and3A_262 : i32 to vector<16xi32>
        %and3A_264 = arith.andi %get3A_261, %and3A_263 : vector<16xi32>
        %swap3A = arith.constant 0 : index
        %swap3A_265 = tpu.vector_load %arg9[%swap3A] {strides = array<i32>} : memref<80xi32, #tpu.memory_space<vmem>>, vector<16xi32>,
        %swap3A_266 = vector.shape_cast %swap3A_265 : vector<16xi32> to vector<16xi32>
        %swap3A_267 = vector.shape_cast %and3A_264 : vector<16xi32> to vector<16xi32>
        tpu.vector_store %arg9[%swap3A], %swap3A_267 {strides = array<i32>} : memref<80xi32, #tpu.memory_space<vmem>>, vector<16xi32>,
        %shift_right_logical3A = arith.constant 14 : i32
        %shift_right_logical3A_268 = vector.broadcast %shift_right_logical3A : i32 to vector<16xi32>
        %shift_right_logical3A_269 = arith.shrui %get3A_261, %shift_right_logical3A_268 : vector<16xi32>
        %swap3A_270 = arith.constant 0 : index
        %swap3A_271 = tpu.vector_load %arg10[%swap3A_270] {strides = array<i32>} : memref<80xi32, #tpu.memory_space<vmem>>, vector<16xi32>,
        %swap3A_272 = vector.shape_cast %swap3A_271 : vector<16xi32> to vector<16xi32>
        %swap3A_273 = vector.shape_cast %shift_right_logical3A_269 : vector<16xi32> to vector<16xi32>
        tpu.vector_store %arg10[%swap3A_270], %swap3A_273 {strides = array<i32>} : memref<80xi32, #tpu.memory_space<vmem>>, vector<16xi32>,
        %get3A_274 = arith.index_cast %add3A_137 : i32 to index
        %get3A_275 = arith.constant 16 : index
        %get3A_276 = tpu.vector_load %arg5[%get3A_274, %get3A_275] {strides = array<i32>} : memref<128x80xi32, #tpu.memory_space<vmem>>, vector<1x16xi32>,
        %get3A_277 = vector.shape_cast %get3A_276 : vector<1x16xi32> to vector<16xi32>
        %and3A_278 = arith.constant 16383 : i32
        %and3A_279 = vector.broadcast %and3A_278 : i32 to vector<16xi32>
        %and3A_280 = arith.andi %get3A_277, %and3A_279 : vector<16xi32>
        %swap3A_281 = arith.constant 16 : index
        %swap3A_282 = tpu.vector_load %arg9[%swap3A_281] {strides = array<i32>} : memref<80xi32, #tpu.memory_space<vmem>>, vector<16xi32>,
        %swap3A_283 = vector.shape_cast %swap3A_282 : vector<16xi32> to vector<16xi32>
        %swap3A_284 = vector.shape_cast %and3A_280 : vector<16xi32> to vector<16xi32>
        tpu.vector_store %arg9[%swap3A_281], %swap3A_284 {strides = array<i32>} : memref<80xi32, #tpu.memory_space<vmem>>, vector<16xi32>,
        %shift_right_logical3A_285 = arith.constant 14 : i32
        %shift_right_logical3A_286 = vector.broadcast %shift_right_logical3A_285 : i32 to vector<16xi32>
        %shift_right_logical3A_287 = arith.shrui %get3A_277, %shift_right_logical3A_286 : vector<16xi32>
        %swap3A_288 = arith.constant 16 : index
        %swap3A_289 = tpu.vector_load %arg10[%swap3A_288] {strides = array<i32>} : memref<80xi32, #tpu.memory_space<vmem>>, vector<16xi32>,
        %swap3A_290 = vector.shape_cast %swap3A_289 : vector<16xi32> to vector<16xi32>
        %swap3A_291 = vector.shape_cast %shift_right_logical3A_287 : vector<16xi32> to vector<16xi32>
        tpu.vector_store %arg10[%swap3A_288], %swap3A_291 {strides = array<i32>} : memref<80xi32, #tpu.memory_space<vmem>>, vector<16xi32>,
        %get3A_292 = arith.index_cast %add3A_137 : i32 to index
        %get3A_293 = arith.constant 32 : index
        %get3A_294 = tpu.vector_load %arg5[%get3A_292, %get3A_293] {strides = array<i32>} : memref<128x80xi32, #tpu.memory_space<vmem>>, vector<1x16xi32>,
        %get3A_295 = vector.shape_cast %get3A_294 : vector<1x16xi32> to vector<16xi32>
        %and3A_296 = arith.constant 16383 : i32
        %and3A_297 = vector.broadcast %and3A_296 : i32 to vector<16xi32>
        %and3A_298 = arith.andi %get3A_295, %and3A_297 : vector<16xi32>
        %swap3A_299 = arith.constant 32 : index
        %swap3A_300 = tpu.vector_load %arg9[%swap3A_299] {strides = array<i32>} : memref<80xi32, #tpu.memory_space<vmem>>, vector<16xi32>,
        %swap3A_301 = vector.shape_cast %swap3A_300 : vector<16xi32> to vector<16xi32>
        %swap3A_302 = vector.shape_cast %and3A_298 : vector<16xi32> to vector<16xi32>
        tpu.vector_store %arg9[%swap3A_299], %swap3A_302 {strides = array<i32>} : memref<80xi32, #tpu.memory_space<vmem>>, vector<16xi32>,
        %shift_right_logical3A_303 = arith.constant 14 : i32
        %shift_right_logical3A_304 = vector.broadcast %shift_right_logical3A_303 : i32 to vector<16xi32>
        %shift_right_logical3A_305 = arith.shrui %get3A_295, %shift_right_logical3A_304 : vector<16xi32>
        %swap3A_306 = arith.constant 32 : index
        %swap3A_307 = tpu.vector_load %arg10[%swap3A_306] {strides = array<i32>} : memref<80xi32, #tpu.memory_space<vmem>>, vector<16xi32>,
        %swap3A_308 = vector.shape_cast %swap3A_307 : vector<16xi32> to vector<16xi32>
        %swap3A_309 = vector.shape_cast %shift_right_logical3A_305 : vector<16xi32> to vector<16xi32>
        tpu.vector_store %arg10[%swap3A_306], %swap3A_309 {strides = array<i32>} : memref<80xi32, #tpu.memory_space<vmem>>, vector<16xi32>,
        %get3A_310 = arith.index_cast %add3A_137 : i32 to index
        %get3A_311 = arith.constant 48 : index
        %get3A_312 = tpu.vector_load %arg5[%get3A_310, %get3A_311] {strides = array<i32>} : memref<128x80xi32, #tpu.memory_space<vmem>>, vector<1x16xi32>,
        %get3A_313 = vector.shape_cast %get3A_312 : vector<1x16xi32> to vector<16xi32>
        %and3A_314 = arith.constant 16383 : i32
        %and3A_315 = vector.broadcast %and3A_314 : i32 to vector<16xi32>
        %and3A_316 = arith.andi %get3A_313, %and3A_315 : vector<16xi32>
        %swap3A_317 = arith.constant 48 : index
        %swap3A_318 = tpu.vector_load %arg9[%swap3A_317] {strides = array<i32>} : memref<80xi32, #tpu.memory_space<vmem>>, vector<16xi32>,
        %swap3A_319 = vector.shape_cast %swap3A_318 : vector<16xi32> to vector<16xi32>
        %swap3A_320 = vector.shape_cast %and3A_316 : vector<16xi32> to vector<16xi32>
        tpu.vector_store %arg9[%swap3A_317], %swap3A_320 {strides = array<i32>} : memref<80xi32, #tpu.memory_space<vmem>>, vector<16xi32>,
        %shift_right_logical3A_321 = arith.constant 14 : i32
        %shift_right_logical3A_322 = vector.broadcast %shift_right_logical3A_321 : i32 to vector<16xi32>
        %shift_right_logical3A_323 = arith.shrui %get3A_313, %shift_right_logical3A_322 : vector<16xi32>
        %swap3A_324 = arith.constant 48 : index
        %swap3A_325 = tpu.vector_load %arg10[%swap3A_324] {strides = array<i32>} : memref<80xi32, #tpu.memory_space<vmem>>, vector<16xi32>,
        %swap3A_326 = vector.shape_cast %swap3A_325 : vector<16xi32> to vector<16xi32>
        %swap3A_327 = vector.shape_cast %shift_right_logical3A_323 : vector<16xi32> to vector<16xi32>
        tpu.vector_store %arg10[%swap3A_324], %swap3A_327 {strides = array<i32>} : memref<80xi32, #tpu.memory_space<vmem>>, vector<16xi32>,
        %get3A_328 = arith.index_cast %add3A_137 : i32 to index
        %get3A_329 = arith.constant 64 : index
        %get3A_330 = tpu.vector_load %arg5[%get3A_328, %get3A_329] {strides = array<i32>} : memref<128x80xi32, #tpu.memory_space<vmem>>, vector<1x16xi32>,
        %get3A_331 = vector.shape_cast %get3A_330 : vector<1x16xi32> to vector<16xi32>
        %and3A_332 = arith.constant 16383 : i32
        %and3A_333 = vector.broadcast %and3A_332 : i32 to vector<16xi32>
        %and3A_334 = arith.andi %get3A_331, %and3A_333 : vector<16xi32>
        %swap3A_335 = arith.constant 64 : index
        %swap3A_336 = tpu.vector_load %arg9[%swap3A_335] {strides = array<i32>} : memref<80xi32, #tpu.memory_space<vmem>>, vector<16xi32>,
        %swap3A_337 = vector.shape_cast %swap3A_336 : vector<16xi32> to vector<16xi32>
        %swap3A_338 = vector.shape_cast %and3A_334 : vector<16xi32> to vector<16xi32>
        tpu.vector_store %arg9[%swap3A_335], %swap3A_338 {strides = array<i32>} : memref<80xi32, #tpu.memory_space<vmem>>, vector<16xi32>,
        %shift_right_logical3A_339 = arith.constant 14 : i32
        %shift_right_logical3A_340 = vector.broadcast %shift_right_logical3A_339 : i32 to vector<16xi32>
        %shift_right_logical3A_341 = arith.shrui %get3A_331, %shift_right_logical3A_340 : vector<16xi32>
        %swap3A_342 = arith.constant 64 : index
        %swap3A_343 = tpu.vector_load %arg10[%swap3A_342] {strides = array<i32>} : memref<80xi32, #tpu.memory_space<vmem>>, vector<16xi32>,
        %swap3A_344 = vector.shape_cast %swap3A_343 : vector<16xi32> to vector<16xi32>
        %swap3A_345 = vector.shape_cast %shift_right_logical3A_341 : vector<16xi32> to vector<16xi32>
        tpu.vector_store %arg10[%swap3A_342], %swap3A_345 {strides = array<i32>} : memref<80xi32, #tpu.memory_space<vmem>>, vector<16xi32>,
      } else {
      }
      %lt3A_150 = arith.constant 125 : i32
      %lt3A_151 = arith.cmpi slt, %add3A_137, %lt3A_150 : i32
      %convert_element_type3A_152 = arith.extui %lt3A_151 : i1 to i32
      %cond3A_153 = arith.constant 0 : i32
      %cond3A_154 = arith.cmpi ne, %convert_element_type3A_152, %cond3A_153 : i32
      scf.if %cond3A_154 {
        %dma_start3A_259 = arith.constant 0 : i32
        %dma_start3A_260 = arith.constant 0 : i32
        %dma_start3A_261 = tpu.memref_slice %arg2[%dma_start3A_259, %dma_start3A_260] : memref<10000x128xf32, #tpu.memory_space<hbm>> -> memref<10000x128xf32, #tpu.memory_space<hbm>>
        tpu.enqueue_indirect_dma source(%dma_start3A_261 : memref<10000x128xf32, #tpu.memory_space<hbm>>) target(%arg6 : memref<80x128xf32, #tpu.memory_space<vmem>>) offsets(%arg9 : memref<80xi32, #tpu.memory_space<vmem>>) semaphore(%arg16 : memref<!tpu.dma_semaphore, #tpu.memory_space<semaphore_mem>>)
      } else {
      }
      %sub3A_155 = arith.constant 1 : i32
      %sub3A_156 = arith.subi %add3A_137, %sub3A_155 : i32
      %ge3A_157 = arith.constant 0 : i32
      %ge3A_158 = arith.cmpi sge, %sub3A_156, %ge3A_157 : i32
      %lt3A_159 = arith.constant 125 : i32
      %lt3A_160 = arith.cmpi slt, %sub3A_156, %lt3A_159 : i32
      %and3A_161 = arith.andi %ge3A_158, %lt3A_160 : i1
      %convert_element_type3A_162 = arith.extui %and3A_161 : i1 to i32
      %cond3A_163 = arith.constant 0 : i32
      %cond3A_164 = arith.cmpi ne, %convert_element_type3A_162, %cond3A_163 : i32
      scf.if %cond3A_164 {
        %dma_wait3A_259 = arith.constant 0 : i32
        %dma_wait3A_260 = arith.constant 0 : i32
        %dma_wait3A_261 = tpu.memref_slice %arg2[%dma_wait3A_259, %dma_wait3A_260] : memref<10000x128xf32, #tpu.memory_space<hbm>> -> memref<10000x128xf32, #tpu.memory_space<hbm>>
        tpu.wait_indirect_dma semaphore(%arg18 : memref<!tpu.dma_semaphore, #tpu.memory_space<semaphore_mem>>) src(%dma_wait3A_261 : memref<10000x128xf32, #tpu.memory_space<hbm>>) dst(%arg8 : memref<80x128xf32, #tpu.memory_space<vmem>>)
      } else {
      }
      %sub3A_165 = arith.constant 1 : i32
      %sub3A_166 = arith.subi %add3A_137, %sub3A_165 : i32
      %ge3A_167 = arith.constant 0 : i32
      %ge3A_168 = arith.cmpi sge, %sub3A_166, %ge3A_167 : i32
      %lt3A_169 = arith.constant 125 : i32
      %lt3A_170 = arith.cmpi slt, %sub3A_166, %lt3A_169 : i32
      %and3A_171 = arith.andi %ge3A_168, %lt3A_170 : i1
      %convert_element_type3A_172 = arith.extui %and3A_171 : i1 to i32
      %cond3A_173 = arith.constant 0 : i32
      %cond3A_174 = arith.cmpi ne, %convert_element_type3A_172, %cond3A_173 : i32
      scf.if %cond3A_174 {
        %dma_start3A_259 = arith.constant 0 : i32
        %dma_start3A_260 = arith.constant 0 : i32
        %dma_start3A_261 = tpu.memref_slice %arg15[%dma_start3A_259, %dma_start3A_260] : memref<10240x128xf32, #tpu.memory_space<vmem_shared>> -> memref<10240x128xf32, #tpu.memory_space<vmem_shared>>
        tpu.enqueue_indirect_dma source(%arg8 : memref<80x128xf32, #tpu.memory_space<vmem>>) target(%dma_start3A_261 : memref<10240x128xf32, #tpu.memory_space<vmem_shared>>) offsets(%arg14 : memref<80xi32, #tpu.memory_space<vmem>>) semaphore(%arg21 : memref<!tpu.dma_semaphore, #tpu.memory_space<semaphore_mem>>) {add = true}
      } else {
      }
      %add3A_175 = arith.constant 1 : i32
      %add3A_176 = arith.addi %mul3A_135, %add3A_175 : i32
      %sub3A_177 = arith.constant 3 : i32
      %sub3A_178 = arith.subi %add3A_176, %sub3A_177 : i32
      %ge3A_179 = arith.constant 0 : i32
      %ge3A_180 = arith.cmpi sge, %sub3A_178, %ge3A_179 : i32
      %lt3A_181 = arith.constant 125 : i32
      %lt3A_182 = arith.cmpi slt, %sub3A_178, %lt3A_181 : i32
      %and3A_183 = arith.andi %ge3A_180, %lt3A_182 : i1
      %convert_element_type3A_184 = arith.extui %and3A_183 : i1 to i32
      %cond3A_185 = arith.constant 0 : i32
      %cond3A_186 = arith.cmpi ne, %convert_element_type3A_184, %cond3A_185 : i32
      scf.if %cond3A_186 {
        %dma_wait3A_259 = arith.constant 0 : i32
        %dma_wait3A_260 = arith.constant 0 : i32
        %dma_wait3A_261 = tpu.memref_slice %arg15[%dma_wait3A_259, %dma_wait3A_260] : memref<10240x128xf32, #tpu.memory_space<vmem_shared>> -> memref<10240x128xf32, #tpu.memory_space<vmem_shared>>
        tpu.wait_indirect_dma semaphore(%arg20 : memref<!tpu.dma_semaphore, #tpu.memory_space<semaphore_mem>>) src(%arg7 : memref<80x128xf32, #tpu.memory_space<vmem>>) dst(%dma_wait3A_261 : memref<10240x128xf32, #tpu.memory_space<vmem_shared>>)
      } else {
      }
      %lt3A_187 = arith.constant 125 : i32
      %lt3A_188 = arith.cmpi slt, %add3A_176, %lt3A_187 : i32
      %convert_element_type3A_189 = arith.extui %lt3A_188 : i1 to i32
      %cond3A_190 = arith.constant 0 : i32
      %cond3A_191 = arith.cmpi ne, %convert_element_type3A_189, %cond3A_190 : i32
      scf.if %cond3A_191 {
        %get3A = arith.index_cast %add3A_176 : i32 to index
        %get3A_259 = arith.constant 0 : index
        %get3A_260 = tpu.vector_load %arg5[%get3A, %get3A_259] {strides = array<i32>} : memref<128x80xi32, #tpu.memory_space<vmem>>, vector<1x16xi32>,
        %get3A_261 = vector.shape_cast %get3A_260 : vector<1x16xi32> to vector<16xi32>
        %and3A_262 = arith.constant 16383 : i32
        %and3A_263 = vector.broadcast %and3A_262 : i32 to vector<16xi32>
        %and3A_264 = arith.andi %get3A_261, %and3A_263 : vector<16xi32>
        %swap3A = arith.constant 0 : index
        %swap3A_265 = tpu.vector_load %arg11[%swap3A] {strides = array<i32>} : memref<80xi32, #tpu.memory_space<vmem>>, vector<16xi32>,
        %swap3A_266 = vector.shape_cast %swap3A_265 : vector<16xi32> to vector<16xi32>
        %swap3A_267 = vector.shape_cast %and3A_264 : vector<16xi32> to vector<16xi32>
        tpu.vector_store %arg11[%swap3A], %swap3A_267 {strides = array<i32>} : memref<80xi32, #tpu.memory_space<vmem>>, vector<16xi32>,
        %shift_right_logical3A = arith.constant 14 : i32
        %shift_right_logical3A_268 = vector.broadcast %shift_right_logical3A : i32 to vector<16xi32>
        %shift_right_logical3A_269 = arith.shrui %get3A_261, %shift_right_logical3A_268 : vector<16xi32>
        %swap3A_270 = arith.constant 0 : index
        %swap3A_271 = tpu.vector_load %arg12[%swap3A_270] {strides = array<i32>} : memref<80xi32, #tpu.memory_space<vmem>>, vector<16xi32>,
        %swap3A_272 = vector.shape_cast %swap3A_271 : vector<16xi32> to vector<16xi32>
        %swap3A_273 = vector.shape_cast %shift_right_logical3A_269 : vector<16xi32> to vector<16xi32>
        tpu.vector_store %arg12[%swap3A_270], %swap3A_273 {strides = array<i32>} : memref<80xi32, #tpu.memory_space<vmem>>, vector<16xi32>,
        %get3A_274 = arith.index_cast %add3A_176 : i32 to index
        %get3A_275 = arith.constant 16 : index
        %get3A_276 = tpu.vector_load %arg5[%get3A_274, %get3A_275] {strides = array<i32>} : memref<128x80xi32, #tpu.memory_space<vmem>>, vector<1x16xi32>,
        %get3A_277 = vector.shape_cast %get3A_276 : vector<1x16xi32> to vector<16xi32>
        %and3A_278 = arith.constant 16383 : i32
        %and3A_279 = vector.broadcast %and3A_278 : i32 to vector<16xi32>
        %and3A_280 = arith.andi %get3A_277, %and3A_279 : vector<16xi32>
        %swap3A_281 = arith.constant 16 : index
        %swap3A_282 = tpu.vector_load %arg11[%swap3A_281] {strides = array<i32>} : memref<80xi32, #tpu.memory_space<vmem>>, vector<16xi32>,
        %swap3A_283 = vector.shape_cast %swap3A_282 : vector<16xi32> to vector<16xi32>
        %swap3A_284 = vector.shape_cast %and3A_280 : vector<16xi32> to vector<16xi32>
        tpu.vector_store %arg11[%swap3A_281], %swap3A_284 {strides = array<i32>} : memref<80xi32, #tpu.memory_space<vmem>>, vector<16xi32>,
        %shift_right_logical3A_285 = arith.constant 14 : i32
        %shift_right_logical3A_286 = vector.broadcast %shift_right_logical3A_285 : i32 to vector<16xi32>
        %shift_right_logical3A_287 = arith.shrui %get3A_277, %shift_right_logical3A_286 : vector<16xi32>
        %swap3A_288 = arith.constant 16 : index
        %swap3A_289 = tpu.vector_load %arg12[%swap3A_288] {strides = array<i32>} : memref<80xi32, #tpu.memory_space<vmem>>, vector<16xi32>,
        %swap3A_290 = vector.shape_cast %swap3A_289 : vector<16xi32> to vector<16xi32>
        %swap3A_291 = vector.shape_cast %shift_right_logical3A_287 : vector<16xi32> to vector<16xi32>
        tpu.vector_store %arg12[%swap3A_288], %swap3A_291 {strides = array<i32>} : memref<80xi32, #tpu.memory_space<vmem>>, vector<16xi32>,
        %get3A_292 = arith.index_cast %add3A_176 : i32 to index
        %get3A_293 = arith.constant 32 : index
        %get3A_294 = tpu.vector_load %arg5[%get3A_292, %get3A_293] {strides = array<i32>} : memref<128x80xi32, #tpu.memory_space<vmem>>, vector<1x16xi32>,
        %get3A_295 = vector.shape_cast %get3A_294 : vector<1x16xi32> to vector<16xi32>
        %and3A_296 = arith.constant 16383 : i32
        %and3A_297 = vector.broadcast %and3A_296 : i32 to vector<16xi32>
        %and3A_298 = arith.andi %get3A_295, %and3A_297 : vector<16xi32>
        %swap3A_299 = arith.constant 32 : index
        %swap3A_300 = tpu.vector_load %arg11[%swap3A_299] {strides = array<i32>} : memref<80xi32, #tpu.memory_space<vmem>>, vector<16xi32>,
        %swap3A_301 = vector.shape_cast %swap3A_300 : vector<16xi32> to vector<16xi32>
        %swap3A_302 = vector.shape_cast %and3A_298 : vector<16xi32> to vector<16xi32>
        tpu.vector_store %arg11[%swap3A_299], %swap3A_302 {strides = array<i32>} : memref<80xi32, #tpu.memory_space<vmem>>, vector<16xi32>,
        %shift_right_logical3A_303 = arith.constant 14 : i32
        %shift_right_logical3A_304 = vector.broadcast %shift_right_logical3A_303 : i32 to vector<16xi32>
        %shift_right_logical3A_305 = arith.shrui %get3A_295, %shift_right_logical3A_304 : vector<16xi32>
        %swap3A_306 = arith.constant 32 : index
        %swap3A_307 = tpu.vector_load %arg12[%swap3A_306] {strides = array<i32>} : memref<80xi32, #tpu.memory_space<vmem>>, vector<16xi32>,
        %swap3A_308 = vector.shape_cast %swap3A_307 : vector<16xi32> to vector<16xi32>
        %swap3A_309 = vector.shape_cast %shift_right_logical3A_305 : vector<16xi32> to vector<16xi32>
        tpu.vector_store %arg12[%swap3A_306], %swap3A_309 {strides = array<i32>} : memref<80xi32, #tpu.memory_space<vmem>>, vector<16xi32>,
        %get3A_310 = arith.index_cast %add3A_176 : i32 to index
        %get3A_311 = arith.constant 48 : index
        %get3A_312 = tpu.vector_load %arg5[%get3A_310, %get3A_311] {strides = array<i32>} : memref<128x80xi32, #tpu.memory_space<vmem>>, vector<1x16xi32>,
        %get3A_313 = vector.shape_cast %get3A_312 : vector<1x16xi32> to vector<16xi32>
        %and3A_314 = arith.constant 16383 : i32
        %and3A_315 = vector.broadcast %and3A_314 : i32 to vector<16xi32>
        %and3A_316 = arith.andi %get3A_313, %and3A_315 : vector<16xi32>
        %swap3A_317 = arith.constant 48 : index
        %swap3A_318 = tpu.vector_load %arg11[%swap3A_317] {strides = array<i32>} : memref<80xi32, #tpu.memory_space<vmem>>, vector<16xi32>,
        %swap3A_319 = vector.shape_cast %swap3A_318 : vector<16xi32> to vector<16xi32>
        %swap3A_320 = vector.shape_cast %and3A_316 : vector<16xi32> to vector<16xi32>
        tpu.vector_store %arg11[%swap3A_317], %swap3A_320 {strides = array<i32>} : memref<80xi32, #tpu.memory_space<vmem>>, vector<16xi32>,
        %shift_right_logical3A_321 = arith.constant 14 : i32
        %shift_right_logical3A_322 = vector.broadcast %shift_right_logical3A_321 : i32 to vector<16xi32>
        %shift_right_logical3A_323 = arith.shrui %get3A_313, %shift_right_logical3A_322 : vector<16xi32>
        %swap3A_324 = arith.constant 48 : index
        %swap3A_325 = tpu.vector_load %arg12[%swap3A_324] {strides = array<i32>} : memref<80xi32, #tpu.memory_space<vmem>>, vector<16xi32>,
        %swap3A_326 = vector.shape_cast %swap3A_325 : vector<16xi32> to vector<16xi32>
        %swap3A_327 = vector.shape_cast %shift_right_logical3A_323 : vector<16xi32> to vector<16xi32>
        tpu.vector_store %arg12[%swap3A_324], %swap3A_327 {strides = array<i32>} : memref<80xi32, #tpu.memory_space<vmem>>, vector<16xi32>,
        %get3A_328 = arith.index_cast %add3A_176 : i32 to index
        %get3A_329 = arith.constant 64 : index
        %get3A_330 = tpu.vector_load %arg5[%get3A_328, %get3A_329] {strides = array<i32>} : memref<128x80xi32, #tpu.memory_space<vmem>>, vector<1x16xi32>,
        %get3A_331 = vector.shape_cast %get3A_330 : vector<1x16xi32> to vector<16xi32>
        %and3A_332 = arith.constant 16383 : i32
        %and3A_333 = vector.broadcast %and3A_332 : i32 to vector<16xi32>
        %and3A_334 = arith.andi %get3A_331, %and3A_333 : vector<16xi32>
        %swap3A_335 = arith.constant 64 : index
        %swap3A_336 = tpu.vector_load %arg11[%swap3A_335] {strides = array<i32>} : memref<80xi32, #tpu.memory_space<vmem>>, vector<16xi32>,
        %swap3A_337 = vector.shape_cast %swap3A_336 : vector<16xi32> to vector<16xi32>
        %swap3A_338 = vector.shape_cast %and3A_334 : vector<16xi32> to vector<16xi32>
        tpu.vector_store %arg11[%swap3A_335], %swap3A_338 {strides = array<i32>} : memref<80xi32, #tpu.memory_space<vmem>>, vector<16xi32>,
        %shift_right_logical3A_339 = arith.constant 14 : i32
        %shift_right_logical3A_340 = vector.broadcast %shift_right_logical3A_339 : i32 to vector<16xi32>
        %shift_right_logical3A_341 = arith.shrui %get3A_331, %shift_right_logical3A_340 : vector<16xi32>
        %swap3A_342 = arith.constant 64 : index
        %swap3A_343 = tpu.vector_load %arg12[%swap3A_342] {strides = array<i32>} : memref<80xi32, #tpu.memory_space<vmem>>, vector<16xi32>,
        %swap3A_344 = vector.shape_cast %swap3A_343 : vector<16xi32> to vector<16xi32>
        %swap3A_345 = vector.shape_cast %shift_right_logical3A_341 : vector<16xi32> to vector<16xi32>
        tpu.vector_store %arg12[%swap3A_342], %swap3A_345 {strides = array<i32>} : memref<80xi32, #tpu.memory_space<vmem>>, vector<16xi32>,
      } else {
      }
      %lt3A_192 = arith.constant 125 : i32
      %lt3A_193 = arith.cmpi slt, %add3A_176, %lt3A_192 : i32
      %convert_element_type3A_194 = arith.extui %lt3A_193 : i1 to i32
      %cond3A_195 = arith.constant 0 : i32
      %cond3A_196 = arith.cmpi ne, %convert_element_type3A_194, %cond3A_195 : i32
      scf.if %cond3A_196 {
        %dma_start3A_259 = arith.constant 0 : i32
        %dma_start3A_260 = arith.constant 0 : i32
        %dma_start3A_261 = tpu.memref_slice %arg2[%dma_start3A_259, %dma_start3A_260] : memref<10000x128xf32, #tpu.memory_space<hbm>> -> memref<10000x128xf32, #tpu.memory_space<hbm>>
        tpu.enqueue_indirect_dma source(%dma_start3A_261 : memref<10000x128xf32, #tpu.memory_space<hbm>>) target(%arg7 : memref<80x128xf32, #tpu.memory_space<vmem>>) offsets(%arg11 : memref<80xi32, #tpu.memory_space<vmem>>) semaphore(%arg17 : memref<!tpu.dma_semaphore, #tpu.memory_space<semaphore_mem>>)
      } else {
      }
      %sub3A_197 = arith.constant 1 : i32
      %sub3A_198 = arith.subi %add3A_176, %sub3A_197 : i32
      %ge3A_199 = arith.constant 0 : i32
      %ge3A_200 = arith.cmpi sge, %sub3A_198, %ge3A_199 : i32
      %lt3A_201 = arith.constant 125 : i32
      %lt3A_202 = arith.cmpi slt, %sub3A_198, %lt3A_201 : i32
      %and3A_203 = arith.andi %ge3A_200, %lt3A_202 : i1
      %convert_element_type3A_204 = arith.extui %and3A_203 : i1 to i32
      %cond3A_205 = arith.constant 0 : i32
      %cond3A_206 = arith.cmpi ne, %convert_element_type3A_204, %cond3A_205 : i32
      scf.if %cond3A_206 {
        %dma_wait3A_259 = arith.constant 0 : i32
        %dma_wait3A_260 = arith.constant 0 : i32
        %dma_wait3A_261 = tpu.memref_slice %arg2[%dma_wait3A_259, %dma_wait3A_260] : memref<10000x128xf32, #tpu.memory_space<hbm>> -> memref<10000x128xf32, #tpu.memory_space<hbm>>
        tpu.wait_indirect_dma semaphore(%arg16 : memref<!tpu.dma_semaphore, #tpu.memory_space<semaphore_mem>>) src(%dma_wait3A_261 : memref<10000x128xf32, #tpu.memory_space<hbm>>) dst(%arg6 : memref<80x128xf32, #tpu.memory_space<vmem>>)
      } else {
      }
      %sub3A_207 = arith.constant 1 : i32
      %sub3A_208 = arith.subi %add3A_176, %sub3A_207 : i32
      %ge3A_209 = arith.constant 0 : i32
      %ge3A_210 = arith.cmpi sge, %sub3A_208, %ge3A_209 : i32
      %lt3A_211 = arith.constant 125 : i32
      %lt3A_212 = arith.cmpi slt, %sub3A_208, %lt3A_211 : i32
      %and3A_213 = arith.andi %ge3A_210, %lt3A_212 : i1
      %convert_element_type3A_214 = arith.extui %and3A_213 : i1 to i32
      %cond3A_215 = arith.constant 0 : i32
      %cond3A_216 = arith.cmpi ne, %convert_element_type3A_214, %cond3A_215 : i32
      scf.if %cond3A_216 {
        %dma_start3A_259 = arith.constant 0 : i32
        %dma_start3A_260 = arith.constant 0 : i32
        %dma_start3A_261 = tpu.memref_slice %arg15[%dma_start3A_259, %dma_start3A_260] : memref<10240x128xf32, #tpu.memory_space<vmem_shared>> -> memref<10240x128xf32, #tpu.memory_space<vmem_shared>>
        tpu.enqueue_indirect_dma source(%arg6 : memref<80x128xf32, #tpu.memory_space<vmem>>) target(%dma_start3A_261 : memref<10240x128xf32, #tpu.memory_space<vmem_shared>>) offsets(%arg10 : memref<80xi32, #tpu.memory_space<vmem>>) semaphore(%arg19 : memref<!tpu.dma_semaphore, #tpu.memory_space<semaphore_mem>>) {add = true}
      } else {
      }
      %add3A_217 = arith.constant 2 : i32
      %add3A_218 = arith.addi %mul3A_135, %add3A_217 : i32
      %sub3A_219 = arith.constant 3 : i32
      %sub3A_220 = arith.subi %add3A_218, %sub3A_219 : i32
      %ge3A_221 = arith.constant 0 : i32
      %ge3A_222 = arith.cmpi sge, %sub3A_220, %ge3A_221 : i32
      %lt3A_223 = arith.constant 125 : i32
      %lt3A_224 = arith.cmpi slt, %sub3A_220, %lt3A_223 : i32
      %and3A_225 = arith.andi %ge3A_222, %lt3A_224 : i1
      %convert_element_type3A_226 = arith.extui %and3A_225 : i1 to i32
      %cond3A_227 = arith.constant 0 : i32
      %cond3A_228 = arith.cmpi ne, %convert_element_type3A_226, %cond3A_227 : i32
      scf.if %cond3A_228 {
        %dma_wait3A_259 = arith.constant 0 : i32
        %dma_wait3A_260 = arith.constant 0 : i32
        %dma_wait3A_261 = tpu.memref_slice %arg15[%dma_wait3A_259, %dma_wait3A_260] : memref<10240x128xf32, #tpu.memory_space<vmem_shared>> -> memref<10240x128xf32, #tpu.memory_space<vmem_shared>>
        tpu.wait_indirect_dma semaphore(%arg21 : memref<!tpu.dma_semaphore, #tpu.memory_space<semaphore_mem>>) src(%arg8 : memref<80x128xf32, #tpu.memory_space<vmem>>) dst(%dma_wait3A_261 : memref<10240x128xf32, #tpu.memory_space<vmem_shared>>)
      } else {
      }
      %lt3A_229 = arith.constant 125 : i32
      %lt3A_230 = arith.cmpi slt, %add3A_218, %lt3A_229 : i32
      %convert_element_type3A_231 = arith.extui %lt3A_230 : i1 to i32
      %cond3A_232 = arith.constant 0 : i32
      %cond3A_233 = arith.cmpi ne, %convert_element_type3A_231, %cond3A_232 : i32
      scf.if %cond3A_233 {
        %get3A = arith.index_cast %add3A_218 : i32 to index
        %get3A_259 = arith.constant 0 : index
        %get3A_260 = tpu.vector_load %arg5[%get3A, %get3A_259] {strides = array<i32>} : memref<128x80xi32, #tpu.memory_space<vmem>>, vector<1x16xi32>,
        %get3A_261 = vector.shape_cast %get3A_260 : vector<1x16xi32> to vector<16xi32>
        %and3A_262 = arith.constant 16383 : i32
        %and3A_263 = vector.broadcast %and3A_262 : i32 to vector<16xi32>
        %and3A_264 = arith.andi %get3A_261, %and3A_263 : vector<16xi32>
        %swap3A = arith.constant 0 : index
        %swap3A_265 = tpu.vector_load %arg13[%swap3A] {strides = array<i32>} : memref<80xi32, #tpu.memory_space<vmem>>, vector<16xi32>,
        %swap3A_266 = vector.shape_cast %swap3A_265 : vector<16xi32> to vector<16xi32>
        %swap3A_267 = vector.shape_cast %and3A_264 : vector<16xi32> to vector<16xi32>
        tpu.vector_store %arg13[%swap3A], %swap3A_267 {strides = array<i32>} : memref<80xi32, #tpu.memory_space<vmem>>, vector<16xi32>,
        %shift_right_logical3A = arith.constant 14 : i32
        %shift_right_logical3A_268 = vector.broadcast %shift_right_logical3A : i32 to vector<16xi32>
        %shift_right_logical3A_269 = arith.shrui %get3A_261, %shift_right_logical3A_268 : vector<16xi32>
        %swap3A_270 = arith.constant 0 : index
        %swap3A_271 = tpu.vector_load %arg14[%swap3A_270] {strides = array<i32>} : memref<80xi32, #tpu.memory_space<vmem>>, vector<16xi32>,
        %swap3A_272 = vector.shape_cast %swap3A_271 : vector<16xi32> to vector<16xi32>
        %swap3A_273 = vector.shape_cast %shift_right_logical3A_269 : vector<16xi32> to vector<16xi32>
        tpu.vector_store %arg14[%swap3A_270], %swap3A_273 {strides = array<i32>} : memref<80xi32, #tpu.memory_space<vmem>>, vector<16xi32>,
        %get3A_274 = arith.index_cast %add3A_218 : i32 to index
        %get3A_275 = arith.constant 16 : index
        %get3A_276 = tpu.vector_load %arg5[%get3A_274, %get3A_275] {strides = array<i32>} : memref<128x80xi32, #tpu.memory_space<vmem>>, vector<1x16xi32>,
        %get3A_277 = vector.shape_cast %get3A_276 : vector<1x16xi32> to vector<16xi32>
        %and3A_278 = arith.constant 16383 : i32
        %and3A_279 = vector.broadcast %and3A_278 : i32 to vector<16xi32>
        %and3A_280 = arith.andi %get3A_277, %and3A_279 : vector<16xi32>
        %swap3A_281 = arith.constant 16 : index
        %swap3A_282 = tpu.vector_load %arg13[%swap3A_281] {strides = array<i32>} : memref<80xi32, #tpu.memory_space<vmem>>, vector<16xi32>,
        %swap3A_283 = vector.shape_cast %swap3A_282 : vector<16xi32> to vector<16xi32>
        %swap3A_284 = vector.shape_cast %and3A_280 : vector<16xi32> to vector<16xi32>
        tpu.vector_store %arg13[%swap3A_281], %swap3A_284 {strides = array<i32>} : memref<80xi32, #tpu.memory_space<vmem>>, vector<16xi32>,
        %shift_right_logical3A_285 = arith.constant 14 : i32
        %shift_right_logical3A_286 = vector.broadcast %shift_right_logical3A_285 : i32 to vector<16xi32>
        %shift_right_logical3A_287 = arith.shrui %get3A_277, %shift_right_logical3A_286 : vector<16xi32>
        %swap3A_288 = arith.constant 16 : index
        %swap3A_289 = tpu.vector_load %arg14[%swap3A_288] {strides = array<i32>} : memref<80xi32, #tpu.memory_space<vmem>>, vector<16xi32>,
        %swap3A_290 = vector.shape_cast %swap3A_289 : vector<16xi32> to vector<16xi32>
        %swap3A_291 = vector.shape_cast %shift_right_logical3A_287 : vector<16xi32> to vector<16xi32>
        tpu.vector_store %arg14[%swap3A_288], %swap3A_291 {strides = array<i32>} : memref<80xi32, #tpu.memory_space<vmem>>, vector<16xi32>,
        %get3A_292 = arith.index_cast %add3A_218 : i32 to index
        %get3A_293 = arith.constant 32 : index
        %get3A_294 = tpu.vector_load %arg5[%get3A_292, %get3A_293] {strides = array<i32>} : memref<128x80xi32, #tpu.memory_space<vmem>>, vector<1x16xi32>,
        %get3A_295 = vector.shape_cast %get3A_294 : vector<1x16xi32> to vector<16xi32>
        %and3A_296 = arith.constant 16383 : i32
        %and3A_297 = vector.broadcast %and3A_296 : i32 to vector<16xi32>
        %and3A_298 = arith.andi %get3A_295, %and3A_297 : vector<16xi32>
        %swap3A_299 = arith.constant 32 : index
        %swap3A_300 = tpu.vector_load %arg13[%swap3A_299] {strides = array<i32>} : memref<80xi32, #tpu.memory_space<vmem>>, vector<16xi32>,
        %swap3A_301 = vector.shape_cast %swap3A_300 : vector<16xi32> to vector<16xi32>
        %swap3A_302 = vector.shape_cast %and3A_298 : vector<16xi32> to vector<16xi32>
        tpu.vector_store %arg13[%swap3A_299], %swap3A_302 {strides = array<i32>} : memref<80xi32, #tpu.memory_space<vmem>>, vector<16xi32>,
        %shift_right_logical3A_303 = arith.constant 14 : i32
        %shift_right_logical3A_304 = vector.broadcast %shift_right_logical3A_303 : i32 to vector<16xi32>
        %shift_right_logical3A_305 = arith.shrui %get3A_295, %shift_right_logical3A_304 : vector<16xi32>
        %swap3A_306 = arith.constant 32 : index
        %swap3A_307 = tpu.vector_load %arg14[%swap3A_306] {strides = array<i32>} : memref<80xi32, #tpu.memory_space<vmem>>, vector<16xi32>,
        %swap3A_308 = vector.shape_cast %swap3A_307 : vector<16xi32> to vector<16xi32>
        %swap3A_309 = vector.shape_cast %shift_right_logical3A_305 : vector<16xi32> to vector<16xi32>
        tpu.vector_store %arg14[%swap3A_306], %swap3A_309 {strides = array<i32>} : memref<80xi32, #tpu.memory_space<vmem>>, vector<16xi32>,
        %get3A_310 = arith.index_cast %add3A_218 : i32 to index
        %get3A_311 = arith.constant 48 : index
        %get3A_312 = tpu.vector_load %arg5[%get3A_310, %get3A_311] {strides = array<i32>} : memref<128x80xi32, #tpu.memory_space<vmem>>, vector<1x16xi32>,
        %get3A_313 = vector.shape_cast %get3A_312 : vector<1x16xi32> to vector<16xi32>
        %and3A_314 = arith.constant 16383 : i32
        %and3A_315 = vector.broadcast %and3A_314 : i32 to vector<16xi32>
        %and3A_316 = arith.andi %get3A_313, %and3A_315 : vector<16xi32>
        %swap3A_317 = arith.constant 48 : index
        %swap3A_318 = tpu.vector_load %arg13[%swap3A_317] {strides = array<i32>} : memref<80xi32, #tpu.memory_space<vmem>>, vector<16xi32>,
        %swap3A_319 = vector.shape_cast %swap3A_318 : vector<16xi32> to vector<16xi32>
        %swap3A_320 = vector.shape_cast %and3A_316 : vector<16xi32> to vector<16xi32>
        tpu.vector_store %arg13[%swap3A_317], %swap3A_320 {strides = array<i32>} : memref<80xi32, #tpu.memory_space<vmem>>, vector<16xi32>,
        %shift_right_logical3A_321 = arith.constant 14 : i32
        %shift_right_logical3A_322 = vector.broadcast %shift_right_logical3A_321 : i32 to vector<16xi32>
        %shift_right_logical3A_323 = arith.shrui %get3A_313, %shift_right_logical3A_322 : vector<16xi32>
        %swap3A_324 = arith.constant 48 : index
        %swap3A_325 = tpu.vector_load %arg14[%swap3A_324] {strides = array<i32>} : memref<80xi32, #tpu.memory_space<vmem>>, vector<16xi32>,
        %swap3A_326 = vector.shape_cast %swap3A_325 : vector<16xi32> to vector<16xi32>
        %swap3A_327 = vector.shape_cast %shift_right_logical3A_323 : vector<16xi32> to vector<16xi32>
        tpu.vector_store %arg14[%swap3A_324], %swap3A_327 {strides = array<i32>} : memref<80xi32, #tpu.memory_space<vmem>>, vector<16xi32>,
        %get3A_328 = arith.index_cast %add3A_218 : i32 to index
        %get3A_329 = arith.constant 64 : index
        %get3A_330 = tpu.vector_load %arg5[%get3A_328, %get3A_329] {strides = array<i32>} : memref<128x80xi32, #tpu.memory_space<vmem>>, vector<1x16xi32>,
        %get3A_331 = vector.shape_cast %get3A_330 : vector<1x16xi32> to vector<16xi32>
        %and3A_332 = arith.constant 16383 : i32
        %and3A_333 = vector.broadcast %and3A_332 : i32 to vector<16xi32>
        %and3A_334 = arith.andi %get3A_331, %and3A_333 : vector<16xi32>
        %swap3A_335 = arith.constant 64 : index
        %swap3A_336 = tpu.vector_load %arg13[%swap3A_335] {strides = array<i32>} : memref<80xi32, #tpu.memory_space<vmem>>, vector<16xi32>,
        %swap3A_337 = vector.shape_cast %swap3A_336 : vector<16xi32> to vector<16xi32>
        %swap3A_338 = vector.shape_cast %and3A_334 : vector<16xi32> to vector<16xi32>
        tpu.vector_store %arg13[%swap3A_335], %swap3A_338 {strides = array<i32>} : memref<80xi32, #tpu.memory_space<vmem>>, vector<16xi32>,
        %shift_right_logical3A_339 = arith.constant 14 : i32
        %shift_right_logical3A_340 = vector.broadcast %shift_right_logical3A_339 : i32 to vector<16xi32>
        %shift_right_logical3A_341 = arith.shrui %get3A_331, %shift_right_logical3A_340 : vector<16xi32>
        %swap3A_342 = arith.constant 64 : index
        %swap3A_343 = tpu.vector_load %arg14[%swap3A_342] {strides = array<i32>} : memref<80xi32, #tpu.memory_space<vmem>>, vector<16xi32>,
        %swap3A_344 = vector.shape_cast %swap3A_343 : vector<16xi32> to vector<16xi32>
        %swap3A_345 = vector.shape_cast %shift_right_logical3A_341 : vector<16xi32> to vector<16xi32>
        tpu.vector_store %arg14[%swap3A_342], %swap3A_345 {strides = array<i32>} : memref<80xi32, #tpu.memory_space<vmem>>, vector<16xi32>,
      } else {
      }
      %lt3A_234 = arith.constant 125 : i32
      %lt3A_235 = arith.cmpi slt, %add3A_218, %lt3A_234 : i32
      %convert_element_type3A_236 = arith.extui %lt3A_235 : i1 to i32
      %cond3A_237 = arith.constant 0 : i32
      %cond3A_238 = arith.cmpi ne, %convert_element_type3A_236, %cond3A_237 : i32
      scf.if %cond3A_238 {
        %dma_start3A_259 = arith.constant 0 : i32
        %dma_start3A_260 = arith.constant 0 : i32
        %dma_start3A_261 = tpu.memref_slice %arg2[%dma_start3A_259, %dma_start3A_260] : memref<10000x128xf32, #tpu.memory_space<hbm>> -> memref<10000x128xf32, #tpu.memory_space<hbm>>
        tpu.enqueue_indirect_dma source(%dma_start3A_261 : memref<10000x128xf32, #tpu.memory_space<hbm>>) target(%arg8 : memref<80x128xf32, #tpu.memory_space<vmem>>) offsets(%arg13 : memref<80xi32, #tpu.memory_space<vmem>>) semaphore(%arg18 : memref<!tpu.dma_semaphore, #tpu.memory_space<semaphore_mem>>)
      } else {
      }
      %sub3A_239 = arith.constant 1 : i32
      %sub3A_240 = arith.subi %add3A_218, %sub3A_239 : i32
      %ge3A_241 = arith.constant 0 : i32
      %ge3A_242 = arith.cmpi sge, %sub3A_240, %ge3A_241 : i32
      %lt3A_243 = arith.constant 125 : i32
      %lt3A_244 = arith.cmpi slt, %sub3A_240, %lt3A_243 : i32
      %and3A_245 = arith.andi %ge3A_242, %lt3A_244 : i1
      %convert_element_type3A_246 = arith.extui %and3A_245 : i1 to i32
      %cond3A_247 = arith.constant 0 : i32
      %cond3A_248 = arith.cmpi ne, %convert_element_type3A_246, %cond3A_247 : i32
      scf.if %cond3A_248 {
        %dma_wait3A_259 = arith.constant 0 : i32
        %dma_wait3A_260 = arith.constant 0 : i32
        %dma_wait3A_261 = tpu.memref_slice %arg2[%dma_wait3A_259, %dma_wait3A_260] : memref<10000x128xf32, #tpu.memory_space<hbm>> -> memref<10000x128xf32, #tpu.memory_space<hbm>>
        tpu.wait_indirect_dma semaphore(%arg17 : memref<!tpu.dma_semaphore, #tpu.memory_space<semaphore_mem>>) src(%dma_wait3A_261 : memref<10000x128xf32, #tpu.memory_space<hbm>>) dst(%arg7 : memref<80x128xf32, #tpu.memory_space<vmem>>)
      } else {
      }
      %sub3A_249 = arith.constant 1 : i32
      %sub3A_250 = arith.subi %add3A_218, %sub3A_249 : i32
      %ge3A_251 = arith.constant 0 : i32
      %ge3A_252 = arith.cmpi sge, %sub3A_250, %ge3A_251 : i32
      %lt3A_253 = arith.constant 125 : i32
      %lt3A_254 = arith.cmpi slt, %sub3A_250, %lt3A_253 : i32
      %and3A_255 = arith.andi %ge3A_252, %lt3A_254 : i1
      %convert_element_type3A_256 = arith.extui %and3A_255 : i1 to i32
      %cond3A_257 = arith.constant 0 : i32
      %cond3A_258 = arith.cmpi ne, %convert_element_type3A_256, %cond3A_257 : i32
      scf.if %cond3A_258 {
        %dma_start3A_259 = arith.constant 0 : i32
        %dma_start3A_260 = arith.constant 0 : i32
        %dma_start3A_261 = tpu.memref_slice %arg15[%dma_start3A_259, %dma_start3A_260] : memref<10240x128xf32, #tpu.memory_space<vmem_shared>> -> memref<10240x128xf32, #tpu.memory_space<vmem_shared>>
        tpu.enqueue_indirect_dma source(%arg7 : memref<80x128xf32, #tpu.memory_space<vmem>>) target(%dma_start3A_261 : memref<10240x128xf32, #tpu.memory_space<vmem_shared>>) offsets(%arg12 : memref<80xi32, #tpu.memory_space<vmem>>) semaphore(%arg20 : memref<!tpu.dma_semaphore, #tpu.memory_space<semaphore_mem>>) {add = true}
      } else {
      }
    }
    %scan3A_115 = arith.constant 42 : i32
    %and3A = arith.constant true
    %and3A_116 = arith.constant true
    %and3A_117 = arith.andi %and3A, %and3A_116 : i1
    %convert_element_type3A = arith.extui %and3A_117 : i1 to i32
    %cond3A = arith.constant 0 : i32
    %cond3A_118 = arith.cmpi ne, %convert_element_type3A, %cond3A : i32
    scf.if %cond3A_118 {
      %dma_wait3A_133 = arith.constant 0 : i32
      %dma_wait3A_134 = arith.constant 0 : i32
      %dma_wait3A_135 = tpu.memref_slice %arg15[%dma_wait3A_133, %dma_wait3A_134] : memref<10240x128xf32, #tpu.memory_space<vmem_shared>> -> memref<10240x128xf32, #tpu.memory_space<vmem_shared>>
      tpu.wait_indirect_dma semaphore(%arg19 : memref<!tpu.dma_semaphore, #tpu.memory_space<semaphore_mem>>) src(%arg6 : memref<80x128xf32, #tpu.memory_space<vmem>>) dst(%dma_wait3A_135 : memref<10240x128xf32, #tpu.memory_space<vmem_shared>>)
    } else {
    }
    %and3A_119 = arith.constant true
    %and3A_120 = arith.constant true
    %and3A_121 = arith.andi %and3A_119, %and3A_120 : i1
    %convert_element_type3A_122 = arith.extui %and3A_121 : i1 to i32
    %cond3A_123 = arith.constant 0 : i32
    %cond3A_124 = arith.cmpi ne, %convert_element_type3A_122, %cond3A_123 : i32
    scf.if %cond3A_124 {
      %dma_wait3A_133 = arith.constant 0 : i32
      %dma_wait3A_134 = arith.constant 0 : i32
      %dma_wait3A_135 = tpu.memref_slice %arg15[%dma_wait3A_133, %dma_wait3A_134] : memref<10240x128xf32, #tpu.memory_space<vmem_shared>> -> memref<10240x128xf32, #tpu.memory_space<vmem_shared>>
      tpu.wait_indirect_dma semaphore(%arg20 : memref<!tpu.dma_semaphore, #tpu.memory_space<semaphore_mem>>) src(%arg7 : memref<80x128xf32, #tpu.memory_space<vmem>>) dst(%dma_wait3A_135 : memref<10240x128xf32, #tpu.memory_space<vmem_shared>>)
    } else {
    }
    %barrier3A_125 = arith.constant 0 : index
    tpu.barrier barrier_id(%barrier3A_125)
    %mul3A_126 = arith.constant 640 : i32
    %mul3A_127 = arith.muli %arg1, %mul3A_126 : i32
    %mul3A_128 = arith.constant 10240 : i32
    %mul3A_129 = arith.muli %arg0, %mul3A_128 : i32
    %mul3A_130 = arith.constant 640 : i32
    %mul3A_131 = arith.muli %arg1, %mul3A_130 : i32
    %add3A_132 = arith.addi %mul3A_129, %mul3A_131 : i32
    "tpu.region"() ({
      %run_scoped3A = tpu.sem_alloc : memref<!tpu.dma_semaphore, #tpu.memory_space<semaphore_mem>>
      %dma_start3A_133 = arith.constant 0 : i32
      %dma_start3A_134 = tpu.memref_slice %arg4[%add3A_132, %dma_start3A_133] : memref<20480x128xf32, #tpu.memory_space<hbm>> -> memref<640x128xf32, #tpu.memory_space<hbm>>
      %dma_start3A_135 = arith.constant 0 : i32
      %dma_start3A_136 = tpu.memref_slice %arg15[%mul3A_127, %dma_start3A_135] : memref<10240x128xf32, #tpu.memory_space<vmem_shared>> -> memref<640x128xf32, #tpu.memory_space<vmem_shared>>
      tpu.enqueue_dma source(%dma_start3A_136 : memref<640x128xf32, #tpu.memory_space<vmem_shared>>) target(%dma_start3A_134 : memref<640x128xf32, #tpu.memory_space<hbm>>) target_semaphore(%run_scoped3A : memref<!tpu.dma_semaphore, #tpu.memory_space<semaphore_mem>>)
      %dma_wait3A_137 = arith.constant 0 : i32
      %dma_wait3A_138 = tpu.memref_slice %arg4[%add3A_132, %dma_wait3A_137] : memref<20480x128xf32, #tpu.memory_space<hbm>> -> memref<640x128xf32, #tpu.memory_space<hbm>>
      %dma_wait3A_139 = arith.constant 0 : i32
      %dma_wait3A_140 = tpu.memref_slice %arg15[%mul3A_127, %dma_wait3A_139] : memref<10240x128xf32, #tpu.memory_space<vmem_shared>> -> memref<640x128xf32, #tpu.memory_space<vmem_shared>>
      tpu.wait_dma2 semaphore(%run_scoped3A : memref<!tpu.dma_semaphore, #tpu.memory_space<semaphore_mem>>) src(%dma_wait3A_140 : memref<640x128xf32, #tpu.memory_space<vmem_shared>>) dst(%dma_wait3A_138 : memref<640x128xf32, #tpu.memory_space<hbm>>)
      tpu.yield
    }) : () -> ()
    return
  }
}

#map = affine_map<(d0, d1) -> (0, 0)>
module attributes {stable_mosaic.version = 14 : i64} {
  func.func @k(%arg0: i32, %arg1: i32, %arg2: memref<10000x128xf32, #tpu.memory_space<hbm>>, %arg3: memref<4096x80xi32, #tpu.memory_space<hbm>>, %arg4: memref<20480x128xf32, #tpu.memory_space<hbm>>, %arg5: memref<128x80xi32, #tpu.memory_space<vmem>>, %arg6: memref<80x128xf32, #tpu.memory_space<vmem>>, %arg7: memref<80x128xf32, #tpu.memory_space<vmem>>, %arg8: memref<80x128xf32, #tpu.memory_space<vmem>>, %arg9: memref<80xi32, #tpu.memory_space<vmem>>, %arg10: memref<80xi32, #tpu.memory_space<vmem>>, %arg11: memref<80xi32, #tpu.memory_space<vmem>>, %arg12: memref<80xi32, #tpu.memory_space<vmem>>, %arg13: memref<80xi32, #tpu.memory_space<vmem>>, %arg14: memref<80xi32, #tpu.memory_space<vmem>>, %arg15: memref<10240x128xf32, #tpu.memory_space<vmem_shared>>, %arg16: memref<!tpu.dma_semaphore, #tpu.memory_space<semaphore_mem>>, %arg17: memref<!tpu.dma_semaphore, #tpu.memory_space<semaphore_mem>>, %arg18: memref<!tpu.dma_semaphore, #tpu.memory_space<semaphore_mem>>, %arg19: memref<!tpu.dma_semaphore, #tpu.memory_space<semaphore_mem>>, %arg20: memref<!tpu.dma_semaphore, #tpu.memory_space<semaphore_mem>>, %arg21: memref<!tpu.dma_semaphore, #tpu.memory_space<semaphore_mem>>, %arg22: memref<!tpu.dma_semaphore, #tpu.memory_space<semaphore_mem>>) attributes {dimension_semantics = [#tpu.dimension_semantics<core_parallel>, #tpu.dimension_semantics<subcore_parallel>], iteration_bounds = array<i64: 2, 16>, scalar_prefetch = 0 : i64, scratch_operands = 18 : i64, tpu.core_type = #tpu.core_type<sc_vector_subcore>, window_params = [{transform_indices = #map}, {transform_indices = #map}, {transform_indices = #map}]} {
    %mul3A = arith.constant 2 : i32
    %mul3A_0 = arith.muli %arg1, %mul3A : i32
    %add3A = arith.addi %mul3A_0, %arg0 : i32
    %mul3A_1 = arith.constant 128 : i32
    %mul3A_2 = arith.muli %add3A, %mul3A_1 : i32
    %dma_start3A = arith.constant 0 : i32
    %dma_start3A_3 = tpu.memref_slice %arg3[%mul3A_2, %dma_start3A] : memref<4096x80xi32, #tpu.memory_space<hbm>> -> memref<128x80xi32, #tpu.memory_space<hbm>>
    %dma_start3A_4 = arith.constant 0 : i32
    %dma_start3A_5 = tpu.memref_slice %arg3[%mul3A_2, %dma_start3A_4] : memref<4096x80xi32, #tpu.memory_space<hbm>> -> memref<128x80xi32, #tpu.memory_space<hbm>>
    tpu.enqueue_dma source(%dma_start3A_5 : memref<128x80xi32, #tpu.memory_space<hbm>>) target(%arg5 : memref<128x80xi32, #tpu.memory_space<vmem>>) target_semaphore(%arg22 : memref<!tpu.dma_semaphore, #tpu.memory_space<semaphore_mem>>)
    %scan3A = arith.constant 0 : i32
    %scan3A_6 = arith.constant 0 : i32
    %scan3A_7 = arith.constant 80 : i32
    %scan3A_8 = arith.addi %scan3A_6, %scan3A_7 : i32
    %scan3A_9 = arith.constant 1 : i32
    scf.for %scan3A_133 = %scan3A_6 to %scan3A_8 step %scan3A_9  : i32 {
      %broadcast_in_dim3A = arith.constant 0.000000e+00 : f32
      %broadcast_in_dim3A_134 = vector.broadcast %broadcast_in_dim3A : f32 to vector<16xf32>
      %swap3A = arith.index_cast %scan3A_133 : i32 to index
      %swap3A_135 = arith.constant 0 : index
      %swap3A_136 = tpu.vector_load %arg6[%swap3A, %swap3A_135] {strides = array<i32>} : memref<80x128xf32, #tpu.memory_space<vmem>>, vector<1x16xf32>,
      %swap3A_137 = vector.shape_cast %swap3A_136 : vector<1x16xf32> to vector<16xf32>
      %swap3A_138 = vector.shape_cast %broadcast_in_dim3A_134 : vector<16xf32> to vector<1x16xf32>
      tpu.vector_store %arg6[%swap3A, %swap3A_135], %swap3A_138 {strides = array<i32>} : memref<80x128xf32, #tpu.memory_space<vmem>>, vector<1x16xf32>,
      %broadcast_in_dim3A_139 = arith.constant 0.000000e+00 : f32
      %broadcast_in_dim3A_140 = vector.broadcast %broadcast_in_dim3A_139 : f32 to vector<16xf32>
      %swap3A_141 = arith.index_cast %scan3A_133 : i32 to index
      %swap3A_142 = arith.constant 16 : index
      %swap3A_143 = tpu.vector_load %arg6[%swap3A_141, %swap3A_142] {strides = array<i32>} : memref<80x128xf32, #tpu.memory_space<vmem>>, vector<1x16xf32>,
      %swap3A_144 = vector.shape_cast %swap3A_143 : vector<1x16xf32> to vector<16xf32>
      %swap3A_145 = vector.shape_cast %broadcast_in_dim3A_140 : vector<16xf32> to vector<1x16xf32>
      tpu.vector_store %arg6[%swap3A_141, %swap3A_142], %swap3A_145 {strides = array<i32>} : memref<80x128xf32, #tpu.memory_space<vmem>>, vector<1x16xf32>,
      %broadcast_in_dim3A_146 = arith.constant 0.000000e+00 : f32
      %broadcast_in_dim3A_147 = vector.broadcast %broadcast_in_dim3A_146 : f32 to vector<16xf32>
      %swap3A_148 = arith.index_cast %scan3A_133 : i32 to index
      %swap3A_149 = arith.constant 32 : index
      %swap3A_150 = tpu.vector_load %arg6[%swap3A_148, %swap3A_149] {strides = array<i32>} : memref<80x128xf32, #tpu.memory_space<vmem>>, vector<1x16xf32>,
      %swap3A_151 = vector.shape_cast %swap3A_150 : vector<1x16xf32> to vector<16xf32>
      %swap3A_152 = vector.shape_cast %broadcast_in_dim3A_147 : vector<16xf32> to vector<1x16xf32>
      tpu.vector_store %arg6[%swap3A_148, %swap3A_149], %swap3A_152 {strides = array<i32>} : memref<80x128xf32, #tpu.memory_space<vmem>>, vector<1x16xf32>,
      %broadcast_in_dim3A_153 = arith.constant 0.000000e+00 : f32
      %broadcast_in_dim3A_154 = vector.broadcast %broadcast_in_dim3A_153 : f32 to vector<16xf32>
      %swap3A_155 = arith.index_cast %scan3A_133 : i32 to index
      %swap3A_156 = arith.constant 48 : index
      %swap3A_157 = tpu.vector_load %arg6[%swap3A_155, %swap3A_156] {strides = array<i32>} : memref<80x128xf32, #tpu.memory_space<vmem>>, vector<1x16xf32>,
      %swap3A_158 = vector.shape_cast %swap3A_157 : vector<1x16xf32> to vector<16xf32>
      %swap3A_159 = vector.shape_cast %broadcast_in_dim3A_154 : vector<16xf32> to vector<1x16xf32>
      tpu.vector_store %arg6[%swap3A_155, %swap3A_156], %swap3A_159 {strides = array<i32>} : memref<80x128xf32, #tpu.memory_space<vmem>>, vector<1x16xf32>,
      %broadcast_in_dim3A_160 = arith.constant 0.000000e+00 : f32
      %broadcast_in_dim3A_161 = vector.broadcast %broadcast_in_dim3A_160 : f32 to vector<16xf32>
      %swap3A_162 = arith.index_cast %scan3A_133 : i32 to index
      %swap3A_163 = arith.constant 64 : index
      %swap3A_164 = tpu.vector_load %arg6[%swap3A_162, %swap3A_163] {strides = array<i32>} : memref<80x128xf32, #tpu.memory_space<vmem>>, vector<1x16xf32>,
      %swap3A_165 = vector.shape_cast %swap3A_164 : vector<1x16xf32> to vector<16xf32>
      %swap3A_166 = vector.shape_cast %broadcast_in_dim3A_161 : vector<16xf32> to vector<1x16xf32>
      tpu.vector_store %arg6[%swap3A_162, %swap3A_163], %swap3A_166 {strides = array<i32>} : memref<80x128xf32, #tpu.memory_space<vmem>>, vector<1x16xf32>,
      %broadcast_in_dim3A_167 = arith.constant 0.000000e+00 : f32
      %broadcast_in_dim3A_168 = vector.broadcast %broadcast_in_dim3A_167 : f32 to vector<16xf32>
      %swap3A_169 = arith.index_cast %scan3A_133 : i32 to index
      %swap3A_170 = arith.constant 80 : index
      %swap3A_171 = tpu.vector_load %arg6[%swap3A_169, %swap3A_170] {strides = array<i32>} : memref<80x128xf32, #tpu.memory_space<vmem>>, vector<1x16xf32>,
      %swap3A_172 = vector.shape_cast %swap3A_171 : vector<1x16xf32> to vector<16xf32>
      %swap3A_173 = vector.shape_cast %broadcast_in_dim3A_168 : vector<16xf32> to vector<1x16xf32>
      tpu.vector_store %arg6[%swap3A_169, %swap3A_170], %swap3A_173 {strides = array<i32>} : memref<80x128xf32, #tpu.memory_space<vmem>>, vector<1x16xf32>,
      %broadcast_in_dim3A_174 = arith.constant 0.000000e+00 : f32
      %broadcast_in_dim3A_175 = vector.broadcast %broadcast_in_dim3A_174 : f32 to vector<16xf32>
      %swap3A_176 = arith.index_cast %scan3A_133 : i32 to index
      %swap3A_177 = arith.constant 96 : index
      %swap3A_178 = tpu.vector_load %arg6[%swap3A_176, %swap3A_177] {strides = array<i32>} : memref<80x128xf32, #tpu.memory_space<vmem>>, vector<1x16xf32>,
      %swap3A_179 = vector.shape_cast %swap3A_178 : vector<1x16xf32> to vector<16xf32>
      %swap3A_180 = vector.shape_cast %broadcast_in_dim3A_175 : vector<16xf32> to vector<1x16xf32>
      tpu.vector_store %arg6[%swap3A_176, %swap3A_177], %swap3A_180 {strides = array<i32>} : memref<80x128xf32, #tpu.memory_space<vmem>>, vector<1x16xf32>,
      %broadcast_in_dim3A_181 = arith.constant 0.000000e+00 : f32
      %broadcast_in_dim3A_182 = vector.broadcast %broadcast_in_dim3A_181 : f32 to vector<16xf32>
      %swap3A_183 = arith.index_cast %scan3A_133 : i32 to index
      %swap3A_184 = arith.constant 112 : index
      %swap3A_185 = tpu.vector_load %arg6[%swap3A_183, %swap3A_184] {strides = array<i32>} : memref<80x128xf32, #tpu.memory_space<vmem>>, vector<1x16xf32>,
      %swap3A_186 = vector.shape_cast %swap3A_185 : vector<1x16xf32> to vector<16xf32>
      %swap3A_187 = vector.shape_cast %broadcast_in_dim3A_182 : vector<16xf32> to vector<1x16xf32>
      tpu.vector_store %arg6[%swap3A_183, %swap3A_184], %swap3A_187 {strides = array<i32>} : memref<80x128xf32, #tpu.memory_space<vmem>>, vector<1x16xf32>,
    }
    %scan3A_10 = arith.constant 80 : i32
    %mul3A_11 = arith.constant 640 : i32
    %mul3A_12 = arith.muli %arg1, %mul3A_11 : i32
    %add3A_13 = arith.constant 0 : i32
    %add3A_14 = arith.addi %mul3A_12, %add3A_13 : i32
    %dma_start3A_15 = arith.constant 0 : i32
    %dma_start3A_16 = tpu.memref_slice %arg15[%add3A_14, %dma_start3A_15] : memref<10240x128xf32, #tpu.memory_space<vmem_shared>> -> memref<80x128xf32, #tpu.memory_space<vmem_shared>>
    %dma_start3A_17 = arith.constant 0 : i32
    %dma_start3A_18 = tpu.memref_slice %arg15[%add3A_14, %dma_start3A_17] : memref<10240x128xf32, #tpu.memory_space<vmem_shared>> -> memref<80x128xf32, #tpu.memory_space<vmem_shared>>
    tpu.enqueue_dma source(%arg6 : memref<80x128xf32, #tpu.memory_space<vmem>>) target(%dma_start3A_18 : memref<80x128xf32, #tpu.memory_space<vmem_shared>>) target_semaphore(%arg17 : memref<!tpu.dma_semaphore, #tpu.memory_space<semaphore_mem>>)
    %mul3A_19 = arith.constant 640 : i32
    %mul3A_20 = arith.muli %arg1, %mul3A_19 : i32
    %add3A_21 = arith.constant 80 : i32
    %add3A_22 = arith.addi %mul3A_20, %add3A_21 : i32
    %dma_start3A_23 = arith.constant 0 : i32
    %dma_start3A_24 = tpu.memref_slice %arg15[%add3A_22, %dma_start3A_23] : memref<10240x128xf32, #tpu.memory_space<vmem_shared>> -> memref<80x128xf32, #tpu.memory_space<vmem_shared>>
    %dma_start3A_25 = arith.constant 0 : i32
    %dma_start3A_26 = tpu.memref_slice %arg15[%add3A_22, %dma_start3A_25] : memref<10240x128xf32, #tpu.memory_space<vmem_shared>> -> memref<80x128xf32, #tpu.memory_space<vmem_shared>>
    tpu.enqueue_dma source(%arg6 : memref<80x128xf32, #tpu.memory_space<vmem>>) target(%dma_start3A_26 : memref<80x128xf32, #tpu.memory_space<vmem_shared>>) target_semaphore(%arg17 : memref<!tpu.dma_semaphore, #tpu.memory_space<semaphore_mem>>)
    %mul3A_27 = arith.constant 640 : i32
    %mul3A_28 = arith.muli %arg1, %mul3A_27 : i32
    %add3A_29 = arith.constant 160 : i32
    %add3A_30 = arith.addi %mul3A_28, %add3A_29 : i32
    %dma_start3A_31 = arith.constant 0 : i32
    %dma_start3A_32 = tpu.memref_slice %arg15[%add3A_30, %dma_start3A_31] : memref<10240x128xf32, #tpu.memory_space<vmem_shared>> -> memref<80x128xf32, #tpu.memory_space<vmem_shared>>
    %dma_start3A_33 = arith.constant 0 : i32
    %dma_start3A_34 = tpu.memref_slice %arg15[%add3A_30, %dma_start3A_33] : memref<10240x128xf32, #tpu.memory_space<vmem_shared>> -> memref<80x128xf32, #tpu.memory_space<vmem_shared>>
    tpu.enqueue_dma source(%arg6 : memref<80x128xf32, #tpu.memory_space<vmem>>) target(%dma_start3A_34 : memref<80x128xf32, #tpu.memory_space<vmem_shared>>) target_semaphore(%arg17 : memref<!tpu.dma_semaphore, #tpu.memory_space<semaphore_mem>>)
    %mul3A_35 = arith.constant 640 : i32
    %mul3A_36 = arith.muli %arg1, %mul3A_35 : i32
    %add3A_37 = arith.constant 240 : i32
    %add3A_38 = arith.addi %mul3A_36, %add3A_37 : i32
    %dma_start3A_39 = arith.constant 0 : i32
    %dma_start3A_40 = tpu.memref_slice %arg15[%add3A_38, %dma_start3A_39] : memref<10240x128xf32, #tpu.memory_space<vmem_shared>> -> memref<80x128xf32, #tpu.memory_space<vmem_shared>>
    %dma_start3A_41 = arith.constant 0 : i32
    %dma_start3A_42 = tpu.memref_slice %arg15[%add3A_38, %dma_start3A_41] : memref<10240x128xf32, #tpu.memory_space<vmem_shared>> -> memref<80x128xf32, #tpu.memory_space<vmem_shared>>
    tpu.enqueue_dma source(%arg6 : memref<80x128xf32, #tpu.memory_space<vmem>>) target(%dma_start3A_42 : memref<80x128xf32, #tpu.memory_space<vmem_shared>>) target_semaphore(%arg17 : memref<!tpu.dma_semaphore, #tpu.memory_space<semaphore_mem>>)
    %mul3A_43 = arith.constant 640 : i32
    %mul3A_44 = arith.muli %arg1, %mul3A_43 : i32
    %add3A_45 = arith.constant 320 : i32
    %add3A_46 = arith.addi %mul3A_44, %add3A_45 : i32
    %dma_start3A_47 = arith.constant 0 : i32
    %dma_start3A_48 = tpu.memref_slice %arg15[%add3A_46, %dma_start3A_47] : memref<10240x128xf32, #tpu.memory_space<vmem_shared>> -> memref<80x128xf32, #tpu.memory_space<vmem_shared>>
    %dma_start3A_49 = arith.constant 0 : i32
    %dma_start3A_50 = tpu.memref_slice %arg15[%add3A_46, %dma_start3A_49] : memref<10240x128xf32, #tpu.memory_space<vmem_shared>> -> memref<80x128xf32, #tpu.memory_space<vmem_shared>>
    tpu.enqueue_dma source(%arg6 : memref<80x128xf32, #tpu.memory_space<vmem>>) target(%dma_start3A_50 : memref<80x128xf32, #tpu.memory_space<vmem_shared>>) target_semaphore(%arg17 : memref<!tpu.dma_semaphore, #tpu.memory_space<semaphore_mem>>)
    %mul3A_51 = arith.constant 640 : i32
    %mul3A_52 = arith.muli %arg1, %mul3A_51 : i32
    %add3A_53 = arith.constant 400 : i32
    %add3A_54 = arith.addi %mul3A_52, %add3A_53 : i32
    %dma_start3A_55 = arith.constant 0 : i32
    %dma_start3A_56 = tpu.memref_slice %arg15[%add3A_54, %dma_start3A_55] : memref<10240x128xf32, #tpu.memory_space<vmem_shared>> -> memref<80x128xf32, #tpu.memory_space<vmem_shared>>
    %dma_start3A_57 = arith.constant 0 : i32
    %dma_start3A_58 = tpu.memref_slice %arg15[%add3A_54, %dma_start3A_57] : memref<10240x128xf32, #tpu.memory_space<vmem_shared>> -> memref<80x128xf32, #tpu.memory_space<vmem_shared>>
    tpu.enqueue_dma source(%arg6 : memref<80x128xf32, #tpu.memory_space<vmem>>) target(%dma_start3A_58 : memref<80x128xf32, #tpu.memory_space<vmem_shared>>) target_semaphore(%arg17 : memref<!tpu.dma_semaphore, #tpu.memory_space<semaphore_mem>>)
    %mul3A_59 = arith.constant 640 : i32
    %mul3A_60 = arith.muli %arg1, %mul3A_59 : i32
    %add3A_61 = arith.constant 480 : i32
    %add3A_62 = arith.addi %mul3A_60, %add3A_61 : i32
    %dma_start3A_63 = arith.constant 0 : i32
    %dma_start3A_64 = tpu.memref_slice %arg15[%add3A_62, %dma_start3A_63] : memref<10240x128xf32, #tpu.memory_space<vmem_shared>> -> memref<80x128xf32, #tpu.memory_space<vmem_shared>>
    %dma_start3A_65 = arith.constant 0 : i32
    %dma_start3A_66 = tpu.memref_slice %arg15[%add3A_62, %dma_start3A_65] : memref<10240x128xf32, #tpu.memory_space<vmem_shared>> -> memref<80x128xf32, #tpu.memory_space<vmem_shared>>
    tpu.enqueue_dma source(%arg6 : memref<80x128xf32, #tpu.memory_space<vmem>>) target(%dma_start3A_66 : memref<80x128xf32, #tpu.memory_space<vmem_shared>>) target_semaphore(%arg17 : memref<!tpu.dma_semaphore, #tpu.memory_space<semaphore_mem>>)
    %mul3A_67 = arith.constant 640 : i32
    %mul3A_68 = arith.muli %arg1, %mul3A_67 : i32
    %add3A_69 = arith.constant 560 : i32
    %add3A_70 = arith.addi %mul3A_68, %add3A_69 : i32
    %dma_start3A_71 = arith.constant 0 : i32
    %dma_start3A_72 = tpu.memref_slice %arg15[%add3A_70, %dma_start3A_71] : memref<10240x128xf32, #tpu.memory_space<vmem_shared>> -> memref<80x128xf32, #tpu.memory_space<vmem_shared>>
    %dma_start3A_73 = arith.constant 0 : i32
    %dma_start3A_74 = tpu.memref_slice %arg15[%add3A_70, %dma_start3A_73] : memref<10240x128xf32, #tpu.memory_space<vmem_shared>> -> memref<80x128xf32, #tpu.memory_space<vmem_shared>>
    tpu.enqueue_dma source(%arg6 : memref<80x128xf32, #tpu.memory_space<vmem>>) target(%dma_start3A_74 : memref<80x128xf32, #tpu.memory_space<vmem_shared>>) target_semaphore(%arg17 : memref<!tpu.dma_semaphore, #tpu.memory_space<semaphore_mem>>)
    %dma_wait3A = arith.constant 0 : i32
    %dma_wait3A_75 = tpu.memref_slice %arg15[%add3A_14, %dma_wait3A] : memref<10240x128xf32, #tpu.memory_space<vmem_shared>> -> memref<80x128xf32, #tpu.memory_space<vmem_shared>>
    %dma_wait3A_76 = arith.constant 0 : i32
    %dma_wait3A_77 = tpu.memref_slice %arg15[%add3A_14, %dma_wait3A_76] : memref<10240x128xf32, #tpu.memory_space<vmem_shared>> -> memref<80x128xf32, #tpu.memory_space<vmem_shared>>
    tpu.wait_dma2 semaphore(%arg17 : memref<!tpu.dma_semaphore, #tpu.memory_space<semaphore_mem>>) src(%arg6 : memref<80x128xf32, #tpu.memory_space<vmem>>) dst(%dma_wait3A_77 : memref<80x128xf32, #tpu.memory_space<vmem_shared>>)
    %dma_wait3A_78 = arith.constant 0 : i32
    %dma_wait3A_79 = tpu.memref_slice %arg15[%add3A_22, %dma_wait3A_78] : memref<10240x128xf32, #tpu.memory_space<vmem_shared>> -> memref<80x128xf32, #tpu.memory_space<vmem_shared>>
    %dma_wait3A_80 = arith.constant 0 : i32
    %dma_wait3A_81 = tpu.memref_slice %arg15[%add3A_22, %dma_wait3A_80] : memref<10240x128xf32, #tpu.memory_space<vmem_shared>> -> memref<80x128xf32, #tpu.memory_space<vmem_shared>>
    tpu.wait_dma2 semaphore(%arg17 : memref<!tpu.dma_semaphore, #tpu.memory_space<semaphore_mem>>) src(%arg6 : memref<80x128xf32, #tpu.memory_space<vmem>>) dst(%dma_wait3A_81 : memref<80x128xf32, #tpu.memory_space<vmem_shared>>)
    %dma_wait3A_82 = arith.constant 0 : i32
    %dma_wait3A_83 = tpu.memref_slice %arg15[%add3A_30, %dma_wait3A_82] : memref<10240x128xf32, #tpu.memory_space<vmem_shared>> -> memref<80x128xf32, #tpu.memory_space<vmem_shared>>
    %dma_wait3A_84 = arith.constant 0 : i32
    %dma_wait3A_85 = tpu.memref_slice %arg15[%add3A_30, %dma_wait3A_84] : memref<10240x128xf32, #tpu.memory_space<vmem_shared>> -> memref<80x128xf32, #tpu.memory_space<vmem_shared>>
    tpu.wait_dma2 semaphore(%arg17 : memref<!tpu.dma_semaphore, #tpu.memory_space<semaphore_mem>>) src(%arg6 : memref<80x128xf32, #tpu.memory_space<vmem>>) dst(%dma_wait3A_85 : memref<80x128xf32, #tpu.memory_space<vmem_shared>>)
    %dma_wait3A_86 = arith.constant 0 : i32
    %dma_wait3A_87 = tpu.memref_slice %arg15[%add3A_38, %dma_wait3A_86] : memref<10240x128xf32, #tpu.memory_space<vmem_shared>> -> memref<80x128xf32, #tpu.memory_space<vmem_shared>>
    %dma_wait3A_88 = arith.constant 0 : i32
    %dma_wait3A_89 = tpu.memref_slice %arg15[%add3A_38, %dma_wait3A_88] : memref<10240x128xf32, #tpu.memory_space<vmem_shared>> -> memref<80x128xf32, #tpu.memory_space<vmem_shared>>
    tpu.wait_dma2 semaphore(%arg17 : memref<!tpu.dma_semaphore, #tpu.memory_space<semaphore_mem>>) src(%arg6 : memref<80x128xf32, #tpu.memory_space<vmem>>) dst(%dma_wait3A_89 : memref<80x128xf32, #tpu.memory_space<vmem_shared>>)
    %dma_wait3A_90 = arith.constant 0 : i32
    %dma_wait3A_91 = tpu.memref_slice %arg15[%add3A_46, %dma_wait3A_90] : memref<10240x128xf32, #tpu.memory_space<vmem_shared>> -> memref<80x128xf32, #tpu.memory_space<vmem_shared>>
    %dma_wait3A_92 = arith.constant 0 : i32
    %dma_wait3A_93 = tpu.memref_slice %arg15[%add3A_46, %dma_wait3A_92] : memref<10240x128xf32, #tpu.memory_space<vmem_shared>> -> memref<80x128xf32, #tpu.memory_space<vmem_shared>>
    tpu.wait_dma2 semaphore(%arg17 : memref<!tpu.dma_semaphore, #tpu.memory_space<semaphore_mem>>) src(%arg6 : memref<80x128xf32, #tpu.memory_space<vmem>>) dst(%dma_wait3A_93 : memref<80x128xf32, #tpu.memory_space<vmem_shared>>)
    %dma_wait3A_94 = arith.constant 0 : i32
    %dma_wait3A_95 = tpu.memref_slice %arg15[%add3A_54, %dma_wait3A_94] : memref<10240x128xf32, #tpu.memory_space<vmem_shared>> -> memref<80x128xf32, #tpu.memory_space<vmem_shared>>
    %dma_wait3A_96 = arith.constant 0 : i32
    %dma_wait3A_97 = tpu.memref_slice %arg15[%add3A_54, %dma_wait3A_96] : memref<10240x128xf32, #tpu.memory_space<vmem_shared>> -> memref<80x128xf32, #tpu.memory_space<vmem_shared>>
    tpu.wait_dma2 semaphore(%arg17 : memref<!tpu.dma_semaphore, #tpu.memory_space<semaphore_mem>>) src(%arg6 : memref<80x128xf32, #tpu.memory_space<vmem>>) dst(%dma_wait3A_97 : memref<80x128xf32, #tpu.memory_space<vmem_shared>>)
    %dma_wait3A_98 = arith.constant 0 : i32
    %dma_wait3A_99 = tpu.memref_slice %arg15[%add3A_62, %dma_wait3A_98] : memref<10240x128xf32, #tpu.memory_space<vmem_shared>> -> memref<80x128xf32, #tpu.memory_space<vmem_shared>>
    %dma_wait3A_100 = arith.constant 0 : i32
    %dma_wait3A_101 = tpu.memref_slice %arg15[%add3A_62, %dma_wait3A_100] : memref<10240x128xf32, #tpu.memory_space<vmem_shared>> -> memref<80x128xf32, #tpu.memory_space<vmem_shared>>
    tpu.wait_dma2 semaphore(%arg17 : memref<!tpu.dma_semaphore, #tpu.memory_space<semaphore_mem>>) src(%arg6 : memref<80x128xf32, #tpu.memory_space<vmem>>) dst(%dma_wait3A_101 : memref<80x128xf32, #tpu.memory_space<vmem_shared>>)
    %dma_wait3A_102 = arith.constant 0 : i32
    %dma_wait3A_103 = tpu.memref_slice %arg15[%add3A_70, %dma_wait3A_102] : memref<10240x128xf32, #tpu.memory_space<vmem_shared>> -> memref<80x128xf32, #tpu.memory_space<vmem_shared>>
    %dma_wait3A_104 = arith.constant 0 : i32
    %dma_wait3A_105 = tpu.memref_slice %arg15[%add3A_70, %dma_wait3A_104] : memref<10240x128xf32, #tpu.memory_space<vmem_shared>> -> memref<80x128xf32, #tpu.memory_space<vmem_shared>>
    tpu.wait_dma2 semaphore(%arg17 : memref<!tpu.dma_semaphore, #tpu.memory_space<semaphore_mem>>) src(%arg6 : memref<80x128xf32, #tpu.memory_space<vmem>>) dst(%dma_wait3A_105 : memref<80x128xf32, #tpu.memory_space<vmem_shared>>)
    %dma_wait3A_106 = arith.constant 0 : i32
    %dma_wait3A_107 = tpu.memref_slice %arg3[%mul3A_2, %dma_wait3A_106] : memref<4096x80xi32, #tpu.memory_space<hbm>> -> memref<128x80xi32, #tpu.memory_space<hbm>>
    %dma_wait3A_108 = arith.constant 0 : i32
    %dma_wait3A_109 = tpu.memref_slice %arg3[%mul3A_2, %dma_wait3A_108] : memref<4096x80xi32, #tpu.memory_space<hbm>> -> memref<128x80xi32, #tpu.memory_space<hbm>>
    tpu.wait_dma2 semaphore(%arg22 : memref<!tpu.dma_semaphore, #tpu.memory_space<semaphore_mem>>) src(%dma_wait3A_109 : memref<128x80xi32, #tpu.memory_space<hbm>>) dst(%arg5 : memref<128x80xi32, #tpu.memory_space<vmem>>)
    %barrier3A = arith.constant 0 : index
    tpu.barrier barrier_id(%barrier3A)
    %scan3A_110 = arith.constant 0 : i32
    %scan3A_111 = arith.constant 0 : i32
    %scan3A_112 = arith.constant 42 : i32
    %scan3A_113 = arith.addi %scan3A_111, %scan3A_112 : i32
    %scan3A_114 = arith.constant 1 : i32
    scf.for %scan3A_133 = %scan3A_111 to %scan3A_113 step %scan3A_114  : i32 {
      %mul3A_134 = arith.constant 3 : i32
      %mul3A_135 = arith.muli %scan3A_133, %mul3A_134 : i32
      %add3A_136 = arith.constant 0 : i32
      %add3A_137 = arith.addi %mul3A_135, %add3A_136 : i32
      %sub3A = arith.constant 3 : i32
      %sub3A_138 = arith.subi %add3A_137, %sub3A : i32
      %ge3A = arith.constant 0 : i32
      %ge3A_139 = arith.cmpi sge, %sub3A_138, %ge3A : i32
      %lt3A = arith.constant 125 : i32
      %lt3A_140 = arith.cmpi slt, %sub3A_138, %lt3A : i32
      %and3A_141 = arith.andi %ge3A_139, %lt3A_140 : i1
      %convert_element_type3A_142 = arith.extui %and3A_141 : i1 to i32
      %cond3A_143 = arith.constant 0 : i32
      %cond3A_144 = arith.cmpi ne, %convert_element_type3A_142, %cond3A_143 : i32
      scf.if %cond3A_144 {
        %dma_wait3A_259 = arith.constant 0 : i32
        %dma_wait3A_260 = arith.constant 0 : i32
        %dma_wait3A_261 = tpu.memref_slice %arg15[%dma_wait3A_259, %dma_wait3A_260] : memref<10240x128xf32, #tpu.memory_space<vmem_shared>> -> memref<10240x128xf32, #tpu.memory_space<vmem_shared>>
        tpu.wait_indirect_dma semaphore(%arg19 : memref<!tpu.dma_semaphore, #tpu.memory_space<semaphore_mem>>) src(%arg6 : memref<80x128xf32, #tpu.memory_space<vmem>>) dst(%dma_wait3A_261 : memref<10240x128xf32, #tpu.memory_space<vmem_shared>>)
      } else {
      }
      %lt3A_145 = arith.constant 125 : i32
      %lt3A_146 = arith.cmpi slt, %add3A_137, %lt3A_145 : i32
      %convert_element_type3A_147 = arith.extui %lt3A_146 : i1 to i32
      %cond3A_148 = arith.constant 0 : i32
      %cond3A_149 = arith.cmpi ne, %convert_element_type3A_147, %cond3A_148 : i32
      scf.if %cond3A_149 {
        %get3A = arith.index_cast %add3A_137 : i32 to index
        %get3A_259 = arith.constant 0 : index
        %get3A_260 = tpu.vector_load %arg5[%get3A, %get3A_259] {strides = array<i32>} : memref<128x80xi32, #tpu.memory_space<vmem>>, vector<1x16xi32>,
        %get3A_261 = vector.shape_cast %get3A_260 : vector<1x16xi32> to vector<16xi32>
        %and3A_262 = arith.constant 16383 : i32
        %and3A_263 = vector.broadcast %and3A_262 : i32 to vector<16xi32>
        %and3A_264 = arith.andi %get3A_261, %and3A_263 : vector<16xi32>
        %swap3A = arith.constant 0 : index
        %swap3A_265 = tpu.vector_load %arg9[%swap3A] {strides = array<i32>} : memref<80xi32, #tpu.memory_space<vmem>>, vector<16xi32>,
        %swap3A_266 = vector.shape_cast %swap3A_265 : vector<16xi32> to vector<16xi32>
        %swap3A_267 = vector.shape_cast %and3A_264 : vector<16xi32> to vector<16xi32>
        tpu.vector_store %arg9[%swap3A], %swap3A_267 {strides = array<i32>} : memref<80xi32, #tpu.memory_space<vmem>>, vector<16xi32>,
        %shift_right_logical3A = arith.constant 14 : i32
        %shift_right_logical3A_268 = vector.broadcast %shift_right_logical3A : i32 to vector<16xi32>
        %shift_right_logical3A_269 = arith.shrui %get3A_261, %shift_right_logical3A_268 : vector<16xi32>
        %swap3A_270 = arith.constant 0 : index
        %swap3A_271 = tpu.vector_load %arg10[%swap3A_270] {strides = array<i32>} : memref<80xi32, #tpu.memory_space<vmem>>, vector<16xi32>,
        %swap3A_272 = vector.shape_cast %swap3A_271 : vector<16xi32> to vector<16xi32>
        %swap3A_273 = vector.shape_cast %shift_right_logical3A_269 : vector<16xi32> to vector<16xi32>
        tpu.vector_store %arg10[%swap3A_270], %swap3A_273 {strides = array<i32>} : memref<80xi32, #tpu.memory_space<vmem>>, vector<16xi32>,
        %get3A_274 = arith.index_cast %add3A_137 : i32 to index
        %get3A_275 = arith.constant 16 : index
        %get3A_276 = tpu.vector_load %arg5[%get3A_274, %get3A_275] {strides = array<i32>} : memref<128x80xi32, #tpu.memory_space<vmem>>, vector<1x16xi32>,
        %get3A_277 = vector.shape_cast %get3A_276 : vector<1x16xi32> to vector<16xi32>
        %and3A_278 = arith.constant 16383 : i32
        %and3A_279 = vector.broadcast %and3A_278 : i32 to vector<16xi32>
        %and3A_280 = arith.andi %get3A_277, %and3A_279 : vector<16xi32>
        %swap3A_281 = arith.constant 16 : index
        %swap3A_282 = tpu.vector_load %arg9[%swap3A_281] {strides = array<i32>} : memref<80xi32, #tpu.memory_space<vmem>>, vector<16xi32>,
        %swap3A_283 = vector.shape_cast %swap3A_282 : vector<16xi32> to vector<16xi32>
        %swap3A_284 = vector.shape_cast %and3A_280 : vector<16xi32> to vector<16xi32>
        tpu.vector_store %arg9[%swap3A_281], %swap3A_284 {strides = array<i32>} : memref<80xi32, #tpu.memory_space<vmem>>, vector<16xi32>,
        %shift_right_logical3A_285 = arith.constant 14 : i32
        %shift_right_logical3A_286 = vector.broadcast %shift_right_logical3A_285 : i32 to vector<16xi32>
        %shift_right_logical3A_287 = arith.shrui %get3A_277, %shift_right_logical3A_286 : vector<16xi32>
        %swap3A_288 = arith.constant 16 : index
        %swap3A_289 = tpu.vector_load %arg10[%swap3A_288] {strides = array<i32>} : memref<80xi32, #tpu.memory_space<vmem>>, vector<16xi32>,
        %swap3A_290 = vector.shape_cast %swap3A_289 : vector<16xi32> to vector<16xi32>
        %swap3A_291 = vector.shape_cast %shift_right_logical3A_287 : vector<16xi32> to vector<16xi32>
        tpu.vector_store %arg10[%swap3A_288], %swap3A_291 {strides = array<i32>} : memref<80xi32, #tpu.memory_space<vmem>>, vector<16xi32>,
        %get3A_292 = arith.index_cast %add3A_137 : i32 to index
        %get3A_293 = arith.constant 32 : index
        %get3A_294 = tpu.vector_load %arg5[%get3A_292, %get3A_293] {strides = array<i32>} : memref<128x80xi32, #tpu.memory_space<vmem>>, vector<1x16xi32>,
        %get3A_295 = vector.shape_cast %get3A_294 : vector<1x16xi32> to vector<16xi32>
        %and3A_296 = arith.constant 16383 : i32
        %and3A_297 = vector.broadcast %and3A_296 : i32 to vector<16xi32>
        %and3A_298 = arith.andi %get3A_295, %and3A_297 : vector<16xi32>
        %swap3A_299 = arith.constant 32 : index
        %swap3A_300 = tpu.vector_load %arg9[%swap3A_299] {strides = array<i32>} : memref<80xi32, #tpu.memory_space<vmem>>, vector<16xi32>,
        %swap3A_301 = vector.shape_cast %swap3A_300 : vector<16xi32> to vector<16xi32>
        %swap3A_302 = vector.shape_cast %and3A_298 : vector<16xi32> to vector<16xi32>
        tpu.vector_store %arg9[%swap3A_299], %swap3A_302 {strides = array<i32>} : memref<80xi32, #tpu.memory_space<vmem>>, vector<16xi32>,
        %shift_right_logical3A_303 = arith.constant 14 : i32
        %shift_right_logical3A_304 = vector.broadcast %shift_right_logical3A_303 : i32 to vector<16xi32>
        %shift_right_logical3A_305 = arith.shrui %get3A_295, %shift_right_logical3A_304 : vector<16xi32>
        %swap3A_306 = arith.constant 32 : index
        %swap3A_307 = tpu.vector_load %arg10[%swap3A_306] {strides = array<i32>} : memref<80xi32, #tpu.memory_space<vmem>>, vector<16xi32>,
        %swap3A_308 = vector.shape_cast %swap3A_307 : vector<16xi32> to vector<16xi32>
        %swap3A_309 = vector.shape_cast %shift_right_logical3A_305 : vector<16xi32> to vector<16xi32>
        tpu.vector_store %arg10[%swap3A_306], %swap3A_309 {strides = array<i32>} : memref<80xi32, #tpu.memory_space<vmem>>, vector<16xi32>,
        %get3A_310 = arith.index_cast %add3A_137 : i32 to index
        %get3A_311 = arith.constant 48 : index
        %get3A_312 = tpu.vector_load %arg5[%get3A_310, %get3A_311] {strides = array<i32>} : memref<128x80xi32, #tpu.memory_space<vmem>>, vector<1x16xi32>,
        %get3A_313 = vector.shape_cast %get3A_312 : vector<1x16xi32> to vector<16xi32>
        %and3A_314 = arith.constant 16383 : i32
        %and3A_315 = vector.broadcast %and3A_314 : i32 to vector<16xi32>
        %and3A_316 = arith.andi %get3A_313, %and3A_315 : vector<16xi32>
        %swap3A_317 = arith.constant 48 : index
        %swap3A_318 = tpu.vector_load %arg9[%swap3A_317] {strides = array<i32>} : memref<80xi32, #tpu.memory_space<vmem>>, vector<16xi32>,
        %swap3A_319 = vector.shape_cast %swap3A_318 : vector<16xi32> to vector<16xi32>
        %swap3A_320 = vector.shape_cast %and3A_316 : vector<16xi32> to vector<16xi32>
        tpu.vector_store %arg9[%swap3A_317], %swap3A_320 {strides = array<i32>} : memref<80xi32, #tpu.memory_space<vmem>>, vector<16xi32>,
        %shift_right_logical3A_321 = arith.constant 14 : i32
        %shift_right_logical3A_322 = vector.broadcast %shift_right_logical3A_321 : i32 to vector<16xi32>
        %shift_right_logical3A_323 = arith.shrui %get3A_313, %shift_right_logical3A_322 : vector<16xi32>
        %swap3A_324 = arith.constant 48 : index
        %swap3A_325 = tpu.vector_load %arg10[%swap3A_324] {strides = array<i32>} : memref<80xi32, #tpu.memory_space<vmem>>, vector<16xi32>,
        %swap3A_326 = vector.shape_cast %swap3A_325 : vector<16xi32> to vector<16xi32>
        %swap3A_327 = vector.shape_cast %shift_right_logical3A_323 : vector<16xi32> to vector<16xi32>
        tpu.vector_store %arg10[%swap3A_324], %swap3A_327 {strides = array<i32>} : memref<80xi32, #tpu.memory_space<vmem>>, vector<16xi32>,
        %get3A_328 = arith.index_cast %add3A_137 : i32 to index
        %get3A_329 = arith.constant 64 : index
        %get3A_330 = tpu.vector_load %arg5[%get3A_328, %get3A_329] {strides = array<i32>} : memref<128x80xi32, #tpu.memory_space<vmem>>, vector<1x16xi32>,
        %get3A_331 = vector.shape_cast %get3A_330 : vector<1x16xi32> to vector<16xi32>
        %and3A_332 = arith.constant 16383 : i32
        %and3A_333 = vector.broadcast %and3A_332 : i32 to vector<16xi32>
        %and3A_334 = arith.andi %get3A_331, %and3A_333 : vector<16xi32>
        %swap3A_335 = arith.constant 64 : index
        %swap3A_336 = tpu.vector_load %arg9[%swap3A_335] {strides = array<i32>} : memref<80xi32, #tpu.memory_space<vmem>>, vector<16xi32>,
        %swap3A_337 = vector.shape_cast %swap3A_336 : vector<16xi32> to vector<16xi32>
        %swap3A_338 = vector.shape_cast %and3A_334 : vector<16xi32> to vector<16xi32>
        tpu.vector_store %arg9[%swap3A_335], %swap3A_338 {strides = array<i32>} : memref<80xi32, #tpu.memory_space<vmem>>, vector<16xi32>,
        %shift_right_logical3A_339 = arith.constant 14 : i32
        %shift_right_logical3A_340 = vector.broadcast %shift_right_logical3A_339 : i32 to vector<16xi32>
        %shift_right_logical3A_341 = arith.shrui %get3A_331, %shift_right_logical3A_340 : vector<16xi32>
        %swap3A_342 = arith.constant 64 : index
        %swap3A_343 = tpu.vector_load %arg10[%swap3A_342] {strides = array<i32>} : memref<80xi32, #tpu.memory_space<vmem>>, vector<16xi32>,
        %swap3A_344 = vector.shape_cast %swap3A_343 : vector<16xi32> to vector<16xi32>
        %swap3A_345 = vector.shape_cast %shift_right_logical3A_341 : vector<16xi32> to vector<16xi32>
        tpu.vector_store %arg10[%swap3A_342], %swap3A_345 {strides = array<i32>} : memref<80xi32, #tpu.memory_space<vmem>>, vector<16xi32>,
      } else {
      }
      %lt3A_150 = arith.constant 125 : i32
      %lt3A_151 = arith.cmpi slt, %add3A_137, %lt3A_150 : i32
      %convert_element_type3A_152 = arith.extui %lt3A_151 : i1 to i32
      %cond3A_153 = arith.constant 0 : i32
      %cond3A_154 = arith.cmpi ne, %convert_element_type3A_152, %cond3A_153 : i32
      scf.if %cond3A_154 {
        %dma_start3A_259 = arith.constant 0 : i32
        %dma_start3A_260 = arith.constant 0 : i32
        %dma_start3A_261 = tpu.memref_slice %arg2[%dma_start3A_259, %dma_start3A_260] : memref<10000x128xf32, #tpu.memory_space<hbm>> -> memref<10000x128xf32, #tpu.memory_space<hbm>>
        tpu.enqueue_indirect_dma source(%dma_start3A_261 : memref<10000x128xf32, #tpu.memory_space<hbm>>) target(%arg6 : memref<80x128xf32, #tpu.memory_space<vmem>>) offsets(%arg9 : memref<80xi32, #tpu.memory_space<vmem>>) semaphore(%arg16 : memref<!tpu.dma_semaphore, #tpu.memory_space<semaphore_mem>>)
      } else {
      }
      %sub3A_155 = arith.constant 1 : i32
      %sub3A_156 = arith.subi %add3A_137, %sub3A_155 : i32
      %ge3A_157 = arith.constant 0 : i32
      %ge3A_158 = arith.cmpi sge, %sub3A_156, %ge3A_157 : i32
      %lt3A_159 = arith.constant 125 : i32
      %lt3A_160 = arith.cmpi slt, %sub3A_156, %lt3A_159 : i32
      %and3A_161 = arith.andi %ge3A_158, %lt3A_160 : i1
      %convert_element_type3A_162 = arith.extui %and3A_161 : i1 to i32
      %cond3A_163 = arith.constant 0 : i32
      %cond3A_164 = arith.cmpi ne, %convert_element_type3A_162, %cond3A_163 : i32
      scf.if %cond3A_164 {
        %dma_wait3A_259 = arith.constant 0 : i32
        %dma_wait3A_260 = arith.constant 0 : i32
        %dma_wait3A_261 = tpu.memref_slice %arg2[%dma_wait3A_259, %dma_wait3A_260] : memref<10000x128xf32, #tpu.memory_space<hbm>> -> memref<10000x128xf32, #tpu.memory_space<hbm>>
        tpu.wait_indirect_dma semaphore(%arg18 : memref<!tpu.dma_semaphore, #tpu.memory_space<semaphore_mem>>) src(%dma_wait3A_261 : memref<10000x128xf32, #tpu.memory_space<hbm>>) dst(%arg8 : memref<80x128xf32, #tpu.memory_space<vmem>>)
      } else {
      }
      %sub3A_165 = arith.constant 1 : i32
      %sub3A_166 = arith.subi %add3A_137, %sub3A_165 : i32
      %ge3A_167 = arith.constant 0 : i32
      %ge3A_168 = arith.cmpi sge, %sub3A_166, %ge3A_167 : i32
      %lt3A_169 = arith.constant 125 : i32
      %lt3A_170 = arith.cmpi slt, %sub3A_166, %lt3A_169 : i32
      %and3A_171 = arith.andi %ge3A_168, %lt3A_170 : i1
      %convert_element_type3A_172 = arith.extui %and3A_171 : i1 to i32
      %cond3A_173 = arith.constant 0 : i32
      %cond3A_174 = arith.cmpi ne, %convert_element_type3A_172, %cond3A_173 : i32
      scf.if %cond3A_174 {
        %dma_start3A_259 = arith.constant 0 : i32
        %dma_start3A_260 = arith.constant 0 : i32
        %dma_start3A_261 = tpu.memref_slice %arg15[%dma_start3A_259, %dma_start3A_260] : memref<10240x128xf32, #tpu.memory_space<vmem_shared>> -> memref<10240x128xf32, #tpu.memory_space<vmem_shared>>
        tpu.enqueue_indirect_dma source(%arg8 : memref<80x128xf32, #tpu.memory_space<vmem>>) target(%dma_start3A_261 : memref<10240x128xf32, #tpu.memory_space<vmem_shared>>) offsets(%arg14 : memref<80xi32, #tpu.memory_space<vmem>>) semaphore(%arg21 : memref<!tpu.dma_semaphore, #tpu.memory_space<semaphore_mem>>) {add = true}
      } else {
      }
      %add3A_175 = arith.constant 1 : i32
      %add3A_176 = arith.addi %mul3A_135, %add3A_175 : i32
      %sub3A_177 = arith.constant 3 : i32
      %sub3A_178 = arith.subi %add3A_176, %sub3A_177 : i32
      %ge3A_179 = arith.constant 0 : i32
      %ge3A_180 = arith.cmpi sge, %sub3A_178, %ge3A_179 : i32
      %lt3A_181 = arith.constant 125 : i32
      %lt3A_182 = arith.cmpi slt, %sub3A_178, %lt3A_181 : i32
      %and3A_183 = arith.andi %ge3A_180, %lt3A_182 : i1
      %convert_element_type3A_184 = arith.extui %and3A_183 : i1 to i32
      %cond3A_185 = arith.constant 0 : i32
      %cond3A_186 = arith.cmpi ne, %convert_element_type3A_184, %cond3A_185 : i32
      scf.if %cond3A_186 {
        %dma_wait3A_259 = arith.constant 0 : i32
        %dma_wait3A_260 = arith.constant 0 : i32
        %dma_wait3A_261 = tpu.memref_slice %arg15[%dma_wait3A_259, %dma_wait3A_260] : memref<10240x128xf32, #tpu.memory_space<vmem_shared>> -> memref<10240x128xf32, #tpu.memory_space<vmem_shared>>
        tpu.wait_indirect_dma semaphore(%arg20 : memref<!tpu.dma_semaphore, #tpu.memory_space<semaphore_mem>>) src(%arg7 : memref<80x128xf32, #tpu.memory_space<vmem>>) dst(%dma_wait3A_261 : memref<10240x128xf32, #tpu.memory_space<vmem_shared>>)
      } else {
      }
      %lt3A_187 = arith.constant 125 : i32
      %lt3A_188 = arith.cmpi slt, %add3A_176, %lt3A_187 : i32
      %convert_element_type3A_189 = arith.extui %lt3A_188 : i1 to i32
      %cond3A_190 = arith.constant 0 : i32
      %cond3A_191 = arith.cmpi ne, %convert_element_type3A_189, %cond3A_190 : i32
      scf.if %cond3A_191 {
        %get3A = arith.index_cast %add3A_176 : i32 to index
        %get3A_259 = arith.constant 0 : index
        %get3A_260 = tpu.vector_load %arg5[%get3A, %get3A_259] {strides = array<i32>} : memref<128x80xi32, #tpu.memory_space<vmem>>, vector<1x16xi32>,
        %get3A_261 = vector.shape_cast %get3A_260 : vector<1x16xi32> to vector<16xi32>
        %and3A_262 = arith.constant 16383 : i32
        %and3A_263 = vector.broadcast %and3A_262 : i32 to vector<16xi32>
        %and3A_264 = arith.andi %get3A_261, %and3A_263 : vector<16xi32>
        %swap3A = arith.constant 0 : index
        %swap3A_265 = tpu.vector_load %arg11[%swap3A] {strides = array<i32>} : memref<80xi32, #tpu.memory_space<vmem>>, vector<16xi32>,
        %swap3A_266 = vector.shape_cast %swap3A_265 : vector<16xi32> to vector<16xi32>
        %swap3A_267 = vector.shape_cast %and3A_264 : vector<16xi32> to vector<16xi32>
        tpu.vector_store %arg11[%swap3A], %swap3A_267 {strides = array<i32>} : memref<80xi32, #tpu.memory_space<vmem>>, vector<16xi32>,
        %shift_right_logical3A = arith.constant 14 : i32
        %shift_right_logical3A_268 = vector.broadcast %shift_right_logical3A : i32 to vector<16xi32>
        %shift_right_logical3A_269 = arith.shrui %get3A_261, %shift_right_logical3A_268 : vector<16xi32>
        %swap3A_270 = arith.constant 0 : index
        %swap3A_271 = tpu.vector_load %arg12[%swap3A_270] {strides = array<i32>} : memref<80xi32, #tpu.memory_space<vmem>>, vector<16xi32>,
        %swap3A_272 = vector.shape_cast %swap3A_271 : vector<16xi32> to vector<16xi32>
        %swap3A_273 = vector.shape_cast %shift_right_logical3A_269 : vector<16xi32> to vector<16xi32>
        tpu.vector_store %arg12[%swap3A_270], %swap3A_273 {strides = array<i32>} : memref<80xi32, #tpu.memory_space<vmem>>, vector<16xi32>,
        %get3A_274 = arith.index_cast %add3A_176 : i32 to index
        %get3A_275 = arith.constant 16 : index
        %get3A_276 = tpu.vector_load %arg5[%get3A_274, %get3A_275] {strides = array<i32>} : memref<128x80xi32, #tpu.memory_space<vmem>>, vector<1x16xi32>,
        %get3A_277 = vector.shape_cast %get3A_276 : vector<1x16xi32> to vector<16xi32>
        %and3A_278 = arith.constant 16383 : i32
        %and3A_279 = vector.broadcast %and3A_278 : i32 to vector<16xi32>
        %and3A_280 = arith.andi %get3A_277, %and3A_279 : vector<16xi32>
        %swap3A_281 = arith.constant 16 : index
        %swap3A_282 = tpu.vector_load %arg11[%swap3A_281] {strides = array<i32>} : memref<80xi32, #tpu.memory_space<vmem>>, vector<16xi32>,
        %swap3A_283 = vector.shape_cast %swap3A_282 : vector<16xi32> to vector<16xi32>
        %swap3A_284 = vector.shape_cast %and3A_280 : vector<16xi32> to vector<16xi32>
        tpu.vector_store %arg11[%swap3A_281], %swap3A_284 {strides = array<i32>} : memref<80xi32, #tpu.memory_space<vmem>>, vector<16xi32>,
        %shift_right_logical3A_285 = arith.constant 14 : i32
        %shift_right_logical3A_286 = vector.broadcast %shift_right_logical3A_285 : i32 to vector<16xi32>
        %shift_right_logical3A_287 = arith.shrui %get3A_277, %shift_right_logical3A_286 : vector<16xi32>
        %swap3A_288 = arith.constant 16 : index
        %swap3A_289 = tpu.vector_load %arg12[%swap3A_288] {strides = array<i32>} : memref<80xi32, #tpu.memory_space<vmem>>, vector<16xi32>,
        %swap3A_290 = vector.shape_cast %swap3A_289 : vector<16xi32> to vector<16xi32>
        %swap3A_291 = vector.shape_cast %shift_right_logical3A_287 : vector<16xi32> to vector<16xi32>
        tpu.vector_store %arg12[%swap3A_288], %swap3A_291 {strides = array<i32>} : memref<80xi32, #tpu.memory_space<vmem>>, vector<16xi32>,
        %get3A_292 = arith.index_cast %add3A_176 : i32 to index
        %get3A_293 = arith.constant 32 : index
        %get3A_294 = tpu.vector_load %arg5[%get3A_292, %get3A_293] {strides = array<i32>} : memref<128x80xi32, #tpu.memory_space<vmem>>, vector<1x16xi32>,
        %get3A_295 = vector.shape_cast %get3A_294 : vector<1x16xi32> to vector<16xi32>
        %and3A_296 = arith.constant 16383 : i32
        %and3A_297 = vector.broadcast %and3A_296 : i32 to vector<16xi32>
        %and3A_298 = arith.andi %get3A_295, %and3A_297 : vector<16xi32>
        %swap3A_299 = arith.constant 32 : index
        %swap3A_300 = tpu.vector_load %arg11[%swap3A_299] {strides = array<i32>} : memref<80xi32, #tpu.memory_space<vmem>>, vector<16xi32>,
        %swap3A_301 = vector.shape_cast %swap3A_300 : vector<16xi32> to vector<16xi32>
        %swap3A_302 = vector.shape_cast %and3A_298 : vector<16xi32> to vector<16xi32>
        tpu.vector_store %arg11[%swap3A_299], %swap3A_302 {strides = array<i32>} : memref<80xi32, #tpu.memory_space<vmem>>, vector<16xi32>,
        %shift_right_logical3A_303 = arith.constant 14 : i32
        %shift_right_logical3A_304 = vector.broadcast %shift_right_logical3A_303 : i32 to vector<16xi32>
        %shift_right_logical3A_305 = arith.shrui %get3A_295, %shift_right_logical3A_304 : vector<16xi32>
        %swap3A_306 = arith.constant 32 : index
        %swap3A_307 = tpu.vector_load %arg12[%swap3A_306] {strides = array<i32>} : memref<80xi32, #tpu.memory_space<vmem>>, vector<16xi32>,
        %swap3A_308 = vector.shape_cast %swap3A_307 : vector<16xi32> to vector<16xi32>
        %swap3A_309 = vector.shape_cast %shift_right_logical3A_305 : vector<16xi32> to vector<16xi32>
        tpu.vector_store %arg12[%swap3A_306], %swap3A_309 {strides = array<i32>} : memref<80xi32, #tpu.memory_space<vmem>>, vector<16xi32>,
        %get3A_310 = arith.index_cast %add3A_176 : i32 to index
        %get3A_311 = arith.constant 48 : index
        %get3A_312 = tpu.vector_load %arg5[%get3A_310, %get3A_311] {strides = array<i32>} : memref<128x80xi32, #tpu.memory_space<vmem>>, vector<1x16xi32>,
        %get3A_313 = vector.shape_cast %get3A_312 : vector<1x16xi32> to vector<16xi32>
        %and3A_314 = arith.constant 16383 : i32
        %and3A_315 = vector.broadcast %and3A_314 : i32 to vector<16xi32>
        %and3A_316 = arith.andi %get3A_313, %and3A_315 : vector<16xi32>
        %swap3A_317 = arith.constant 48 : index
        %swap3A_318 = tpu.vector_load %arg11[%swap3A_317] {strides = array<i32>} : memref<80xi32, #tpu.memory_space<vmem>>, vector<16xi32>,
        %swap3A_319 = vector.shape_cast %swap3A_318 : vector<16xi32> to vector<16xi32>
        %swap3A_320 = vector.shape_cast %and3A_316 : vector<16xi32> to vector<16xi32>
        tpu.vector_store %arg11[%swap3A_317], %swap3A_320 {strides = array<i32>} : memref<80xi32, #tpu.memory_space<vmem>>, vector<16xi32>,
        %shift_right_logical3A_321 = arith.constant 14 : i32
        %shift_right_logical3A_322 = vector.broadcast %shift_right_logical3A_321 : i32 to vector<16xi32>
        %shift_right_logical3A_323 = arith.shrui %get3A_313, %shift_right_logical3A_322 : vector<16xi32>
        %swap3A_324 = arith.constant 48 : index
        %swap3A_325 = tpu.vector_load %arg12[%swap3A_324] {strides = array<i32>} : memref<80xi32, #tpu.memory_space<vmem>>, vector<16xi32>,
        %swap3A_326 = vector.shape_cast %swap3A_325 : vector<16xi32> to vector<16xi32>
        %swap3A_327 = vector.shape_cast %shift_right_logical3A_323 : vector<16xi32> to vector<16xi32>
        tpu.vector_store %arg12[%swap3A_324], %swap3A_327 {strides = array<i32>} : memref<80xi32, #tpu.memory_space<vmem>>, vector<16xi32>,
        %get3A_328 = arith.index_cast %add3A_176 : i32 to index
        %get3A_329 = arith.constant 64 : index
        %get3A_330 = tpu.vector_load %arg5[%get3A_328, %get3A_329] {strides = array<i32>} : memref<128x80xi32, #tpu.memory_space<vmem>>, vector<1x16xi32>,
        %get3A_331 = vector.shape_cast %get3A_330 : vector<1x16xi32> to vector<16xi32>
        %and3A_332 = arith.constant 16383 : i32
        %and3A_333 = vector.broadcast %and3A_332 : i32 to vector<16xi32>
        %and3A_334 = arith.andi %get3A_331, %and3A_333 : vector<16xi32>
        %swap3A_335 = arith.constant 64 : index
        %swap3A_336 = tpu.vector_load %arg11[%swap3A_335] {strides = array<i32>} : memref<80xi32, #tpu.memory_space<vmem>>, vector<16xi32>,
        %swap3A_337 = vector.shape_cast %swap3A_336 : vector<16xi32> to vector<16xi32>
        %swap3A_338 = vector.shape_cast %and3A_334 : vector<16xi32> to vector<16xi32>
        tpu.vector_store %arg11[%swap3A_335], %swap3A_338 {strides = array<i32>} : memref<80xi32, #tpu.memory_space<vmem>>, vector<16xi32>,
        %shift_right_logical3A_339 = arith.constant 14 : i32
        %shift_right_logical3A_340 = vector.broadcast %shift_right_logical3A_339 : i32 to vector<16xi32>
        %shift_right_logical3A_341 = arith.shrui %get3A_331, %shift_right_logical3A_340 : vector<16xi32>
        %swap3A_342 = arith.constant 64 : index
        %swap3A_343 = tpu.vector_load %arg12[%swap3A_342] {strides = array<i32>} : memref<80xi32, #tpu.memory_space<vmem>>, vector<16xi32>,
        %swap3A_344 = vector.shape_cast %swap3A_343 : vector<16xi32> to vector<16xi32>
        %swap3A_345 = vector.shape_cast %shift_right_logical3A_341 : vector<16xi32> to vector<16xi32>
        tpu.vector_store %arg12[%swap3A_342], %swap3A_345 {strides = array<i32>} : memref<80xi32, #tpu.memory_space<vmem>>, vector<16xi32>,
      } else {
      }
      %lt3A_192 = arith.constant 125 : i32
      %lt3A_193 = arith.cmpi slt, %add3A_176, %lt3A_192 : i32
      %convert_element_type3A_194 = arith.extui %lt3A_193 : i1 to i32
      %cond3A_195 = arith.constant 0 : i32
      %cond3A_196 = arith.cmpi ne, %convert_element_type3A_194, %cond3A_195 : i32
      scf.if %cond3A_196 {
        %dma_start3A_259 = arith.constant 0 : i32
        %dma_start3A_260 = arith.constant 0 : i32
        %dma_start3A_261 = tpu.memref_slice %arg2[%dma_start3A_259, %dma_start3A_260] : memref<10000x128xf32, #tpu.memory_space<hbm>> -> memref<10000x128xf32, #tpu.memory_space<hbm>>
        tpu.enqueue_indirect_dma source(%dma_start3A_261 : memref<10000x128xf32, #tpu.memory_space<hbm>>) target(%arg7 : memref<80x128xf32, #tpu.memory_space<vmem>>) offsets(%arg11 : memref<80xi32, #tpu.memory_space<vmem>>) semaphore(%arg17 : memref<!tpu.dma_semaphore, #tpu.memory_space<semaphore_mem>>)
      } else {
      }
      %sub3A_197 = arith.constant 1 : i32
      %sub3A_198 = arith.subi %add3A_176, %sub3A_197 : i32
      %ge3A_199 = arith.constant 0 : i32
      %ge3A_200 = arith.cmpi sge, %sub3A_198, %ge3A_199 : i32
      %lt3A_201 = arith.constant 125 : i32
      %lt3A_202 = arith.cmpi slt, %sub3A_198, %lt3A_201 : i32
      %and3A_203 = arith.andi %ge3A_200, %lt3A_202 : i1
      %convert_element_type3A_204 = arith.extui %and3A_203 : i1 to i32
      %cond3A_205 = arith.constant 0 : i32
      %cond3A_206 = arith.cmpi ne, %convert_element_type3A_204, %cond3A_205 : i32
      scf.if %cond3A_206 {
        %dma_wait3A_259 = arith.constant 0 : i32
        %dma_wait3A_260 = arith.constant 0 : i32
        %dma_wait3A_261 = tpu.memref_slice %arg2[%dma_wait3A_259, %dma_wait3A_260] : memref<10000x128xf32, #tpu.memory_space<hbm>> -> memref<10000x128xf32, #tpu.memory_space<hbm>>
        tpu.wait_indirect_dma semaphore(%arg16 : memref<!tpu.dma_semaphore, #tpu.memory_space<semaphore_mem>>) src(%dma_wait3A_261 : memref<10000x128xf32, #tpu.memory_space<hbm>>) dst(%arg6 : memref<80x128xf32, #tpu.memory_space<vmem>>)
      } else {
      }
      %sub3A_207 = arith.constant 1 : i32
      %sub3A_208 = arith.subi %add3A_176, %sub3A_207 : i32
      %ge3A_209 = arith.constant 0 : i32
      %ge3A_210 = arith.cmpi sge, %sub3A_208, %ge3A_209 : i32
      %lt3A_211 = arith.constant 125 : i32
      %lt3A_212 = arith.cmpi slt, %sub3A_208, %lt3A_211 : i32
      %and3A_213 = arith.andi %ge3A_210, %lt3A_212 : i1
      %convert_element_type3A_214 = arith.extui %and3A_213 : i1 to i32
      %cond3A_215 = arith.constant 0 : i32
      %cond3A_216 = arith.cmpi ne, %convert_element_type3A_214, %cond3A_215 : i32
      scf.if %cond3A_216 {
        %dma_start3A_259 = arith.constant 0 : i32
        %dma_start3A_260 = arith.constant 0 : i32
        %dma_start3A_261 = tpu.memref_slice %arg15[%dma_start3A_259, %dma_start3A_260] : memref<10240x128xf32, #tpu.memory_space<vmem_shared>> -> memref<10240x128xf32, #tpu.memory_space<vmem_shared>>
        tpu.enqueue_indirect_dma source(%arg6 : memref<80x128xf32, #tpu.memory_space<vmem>>) target(%dma_start3A_261 : memref<10240x128xf32, #tpu.memory_space<vmem_shared>>) offsets(%arg10 : memref<80xi32, #tpu.memory_space<vmem>>) semaphore(%arg19 : memref<!tpu.dma_semaphore, #tpu.memory_space<semaphore_mem>>) {add = true}
      } else {
      }
      %add3A_217 = arith.constant 2 : i32
      %add3A_218 = arith.addi %mul3A_135, %add3A_217 : i32
      %sub3A_219 = arith.constant 3 : i32
      %sub3A_220 = arith.subi %add3A_218, %sub3A_219 : i32
      %ge3A_221 = arith.constant 0 : i32
      %ge3A_222 = arith.cmpi sge, %sub3A_220, %ge3A_221 : i32
      %lt3A_223 = arith.constant 125 : i32
      %lt3A_224 = arith.cmpi slt, %sub3A_220, %lt3A_223 : i32
      %and3A_225 = arith.andi %ge3A_222, %lt3A_224 : i1
      %convert_element_type3A_226 = arith.extui %and3A_225 : i1 to i32
      %cond3A_227 = arith.constant 0 : i32
      %cond3A_228 = arith.cmpi ne, %convert_element_type3A_226, %cond3A_227 : i32
      scf.if %cond3A_228 {
        %dma_wait3A_259 = arith.constant 0 : i32
        %dma_wait3A_260 = arith.constant 0 : i32
        %dma_wait3A_261 = tpu.memref_slice %arg15[%dma_wait3A_259, %dma_wait3A_260] : memref<10240x128xf32, #tpu.memory_space<vmem_shared>> -> memref<10240x128xf32, #tpu.memory_space<vmem_shared>>
        tpu.wait_indirect_dma semaphore(%arg21 : memref<!tpu.dma_semaphore, #tpu.memory_space<semaphore_mem>>) src(%arg8 : memref<80x128xf32, #tpu.memory_space<vmem>>) dst(%dma_wait3A_261 : memref<10240x128xf32, #tpu.memory_space<vmem_shared>>)
      } else {
      }
      %lt3A_229 = arith.constant 125 : i32
      %lt3A_230 = arith.cmpi slt, %add3A_218, %lt3A_229 : i32
      %convert_element_type3A_231 = arith.extui %lt3A_230 : i1 to i32
      %cond3A_232 = arith.constant 0 : i32
      %cond3A_233 = arith.cmpi ne, %convert_element_type3A_231, %cond3A_232 : i32
      scf.if %cond3A_233 {
        %get3A = arith.index_cast %add3A_218 : i32 to index
        %get3A_259 = arith.constant 0 : index
        %get3A_260 = tpu.vector_load %arg5[%get3A, %get3A_259] {strides = array<i32>} : memref<128x80xi32, #tpu.memory_space<vmem>>, vector<1x16xi32>,
        %get3A_261 = vector.shape_cast %get3A_260 : vector<1x16xi32> to vector<16xi32>
        %and3A_262 = arith.constant 16383 : i32
        %and3A_263 = vector.broadcast %and3A_262 : i32 to vector<16xi32>
        %and3A_264 = arith.andi %get3A_261, %and3A_263 : vector<16xi32>
        %swap3A = arith.constant 0 : index
        %swap3A_265 = tpu.vector_load %arg13[%swap3A] {strides = array<i32>} : memref<80xi32, #tpu.memory_space<vmem>>, vector<16xi32>,
        %swap3A_266 = vector.shape_cast %swap3A_265 : vector<16xi32> to vector<16xi32>
        %swap3A_267 = vector.shape_cast %and3A_264 : vector<16xi32> to vector<16xi32>
        tpu.vector_store %arg13[%swap3A], %swap3A_267 {strides = array<i32>} : memref<80xi32, #tpu.memory_space<vmem>>, vector<16xi32>,
        %shift_right_logical3A = arith.constant 14 : i32
        %shift_right_logical3A_268 = vector.broadcast %shift_right_logical3A : i32 to vector<16xi32>
        %shift_right_logical3A_269 = arith.shrui %get3A_261, %shift_right_logical3A_268 : vector<16xi32>
        %swap3A_270 = arith.constant 0 : index
        %swap3A_271 = tpu.vector_load %arg14[%swap3A_270] {strides = array<i32>} : memref<80xi32, #tpu.memory_space<vmem>>, vector<16xi32>,
        %swap3A_272 = vector.shape_cast %swap3A_271 : vector<16xi32> to vector<16xi32>
        %swap3A_273 = vector.shape_cast %shift_right_logical3A_269 : vector<16xi32> to vector<16xi32>
        tpu.vector_store %arg14[%swap3A_270], %swap3A_273 {strides = array<i32>} : memref<80xi32, #tpu.memory_space<vmem>>, vector<16xi32>,
        %get3A_274 = arith.index_cast %add3A_218 : i32 to index
        %get3A_275 = arith.constant 16 : index
        %get3A_276 = tpu.vector_load %arg5[%get3A_274, %get3A_275] {strides = array<i32>} : memref<128x80xi32, #tpu.memory_space<vmem>>, vector<1x16xi32>,
        %get3A_277 = vector.shape_cast %get3A_276 : vector<1x16xi32> to vector<16xi32>
        %and3A_278 = arith.constant 16383 : i32
        %and3A_279 = vector.broadcast %and3A_278 : i32 to vector<16xi32>
        %and3A_280 = arith.andi %get3A_277, %and3A_279 : vector<16xi32>
        %swap3A_281 = arith.constant 16 : index
        %swap3A_282 = tpu.vector_load %arg13[%swap3A_281] {strides = array<i32>} : memref<80xi32, #tpu.memory_space<vmem>>, vector<16xi32>,
        %swap3A_283 = vector.shape_cast %swap3A_282 : vector<16xi32> to vector<16xi32>
        %swap3A_284 = vector.shape_cast %and3A_280 : vector<16xi32> to vector<16xi32>
        tpu.vector_store %arg13[%swap3A_281], %swap3A_284 {strides = array<i32>} : memref<80xi32, #tpu.memory_space<vmem>>, vector<16xi32>,
        %shift_right_logical3A_285 = arith.constant 14 : i32
        %shift_right_logical3A_286 = vector.broadcast %shift_right_logical3A_285 : i32 to vector<16xi32>
        %shift_right_logical3A_287 = arith.shrui %get3A_277, %shift_right_logical3A_286 : vector<16xi32>
        %swap3A_288 = arith.constant 16 : index
        %swap3A_289 = tpu.vector_load %arg14[%swap3A_288] {strides = array<i32>} : memref<80xi32, #tpu.memory_space<vmem>>, vector<16xi32>,
        %swap3A_290 = vector.shape_cast %swap3A_289 : vector<16xi32> to vector<16xi32>
        %swap3A_291 = vector.shape_cast %shift_right_logical3A_287 : vector<16xi32> to vector<16xi32>
        tpu.vector_store %arg14[%swap3A_288], %swap3A_291 {strides = array<i32>} : memref<80xi32, #tpu.memory_space<vmem>>, vector<16xi32>,
        %get3A_292 = arith.index_cast %add3A_218 : i32 to index
        %get3A_293 = arith.constant 32 : index
        %get3A_294 = tpu.vector_load %arg5[%get3A_292, %get3A_293] {strides = array<i32>} : memref<128x80xi32, #tpu.memory_space<vmem>>, vector<1x16xi32>,
        %get3A_295 = vector.shape_cast %get3A_294 : vector<1x16xi32> to vector<16xi32>
        %and3A_296 = arith.constant 16383 : i32
        %and3A_297 = vector.broadcast %and3A_296 : i32 to vector<16xi32>
        %and3A_298 = arith.andi %get3A_295, %and3A_297 : vector<16xi32>
        %swap3A_299 = arith.constant 32 : index
        %swap3A_300 = tpu.vector_load %arg13[%swap3A_299] {strides = array<i32>} : memref<80xi32, #tpu.memory_space<vmem>>, vector<16xi32>,
        %swap3A_301 = vector.shape_cast %swap3A_300 : vector<16xi32> to vector<16xi32>
        %swap3A_302 = vector.shape_cast %and3A_298 : vector<16xi32> to vector<16xi32>
        tpu.vector_store %arg13[%swap3A_299], %swap3A_302 {strides = array<i32>} : memref<80xi32, #tpu.memory_space<vmem>>, vector<16xi32>,
        %shift_right_logical3A_303 = arith.constant 14 : i32
        %shift_right_logical3A_304 = vector.broadcast %shift_right_logical3A_303 : i32 to vector<16xi32>
        %shift_right_logical3A_305 = arith.shrui %get3A_295, %shift_right_logical3A_304 : vector<16xi32>
        %swap3A_306 = arith.constant 32 : index
        %swap3A_307 = tpu.vector_load %arg14[%swap3A_306] {strides = array<i32>} : memref<80xi32, #tpu.memory_space<vmem>>, vector<16xi32>,
        %swap3A_308 = vector.shape_cast %swap3A_307 : vector<16xi32> to vector<16xi32>
        %swap3A_309 = vector.shape_cast %shift_right_logical3A_305 : vector<16xi32> to vector<16xi32>
        tpu.vector_store %arg14[%swap3A_306], %swap3A_309 {strides = array<i32>} : memref<80xi32, #tpu.memory_space<vmem>>, vector<16xi32>,
        %get3A_310 = arith.index_cast %add3A_218 : i32 to index
        %get3A_311 = arith.constant 48 : index
        %get3A_312 = tpu.vector_load %arg5[%get3A_310, %get3A_311] {strides = array<i32>} : memref<128x80xi32, #tpu.memory_space<vmem>>, vector<1x16xi32>,
        %get3A_313 = vector.shape_cast %get3A_312 : vector<1x16xi32> to vector<16xi32>
        %and3A_314 = arith.constant 16383 : i32
        %and3A_315 = vector.broadcast %and3A_314 : i32 to vector<16xi32>
        %and3A_316 = arith.andi %get3A_313, %and3A_315 : vector<16xi32>
        %swap3A_317 = arith.constant 48 : index
        %swap3A_318 = tpu.vector_load %arg13[%swap3A_317] {strides = array<i32>} : memref<80xi32, #tpu.memory_space<vmem>>, vector<16xi32>,
        %swap3A_319 = vector.shape_cast %swap3A_318 : vector<16xi32> to vector<16xi32>
        %swap3A_320 = vector.shape_cast %and3A_316 : vector<16xi32> to vector<16xi32>
        tpu.vector_store %arg13[%swap3A_317], %swap3A_320 {strides = array<i32>} : memref<80xi32, #tpu.memory_space<vmem>>, vector<16xi32>,
        %shift_right_logical3A_321 = arith.constant 14 : i32
        %shift_right_logical3A_322 = vector.broadcast %shift_right_logical3A_321 : i32 to vector<16xi32>
        %shift_right_logical3A_323 = arith.shrui %get3A_313, %shift_right_logical3A_322 : vector<16xi32>
        %swap3A_324 = arith.constant 48 : index
        %swap3A_325 = tpu.vector_load %arg14[%swap3A_324] {strides = array<i32>} : memref<80xi32, #tpu.memory_space<vmem>>, vector<16xi32>,
        %swap3A_326 = vector.shape_cast %swap3A_325 : vector<16xi32> to vector<16xi32>
        %swap3A_327 = vector.shape_cast %shift_right_logical3A_323 : vector<16xi32> to vector<16xi32>
        tpu.vector_store %arg14[%swap3A_324], %swap3A_327 {strides = array<i32>} : memref<80xi32, #tpu.memory_space<vmem>>, vector<16xi32>,
        %get3A_328 = arith.index_cast %add3A_218 : i32 to index
        %get3A_329 = arith.constant 64 : index
        %get3A_330 = tpu.vector_load %arg5[%get3A_328, %get3A_329] {strides = array<i32>} : memref<128x80xi32, #tpu.memory_space<vmem>>, vector<1x16xi32>,
        %get3A_331 = vector.shape_cast %get3A_330 : vector<1x16xi32> to vector<16xi32>
        %and3A_332 = arith.constant 16383 : i32
        %and3A_333 = vector.broadcast %and3A_332 : i32 to vector<16xi32>
        %and3A_334 = arith.andi %get3A_331, %and3A_333 : vector<16xi32>
        %swap3A_335 = arith.constant 64 : index
        %swap3A_336 = tpu.vector_load %arg13[%swap3A_335] {strides = array<i32>} : memref<80xi32, #tpu.memory_space<vmem>>, vector<16xi32>,
        %swap3A_337 = vector.shape_cast %swap3A_336 : vector<16xi32> to vector<16xi32>
        %swap3A_338 = vector.shape_cast %and3A_334 : vector<16xi32> to vector<16xi32>
        tpu.vector_store %arg13[%swap3A_335], %swap3A_338 {strides = array<i32>} : memref<80xi32, #tpu.memory_space<vmem>>, vector<16xi32>,
        %shift_right_logical3A_339 = arith.constant 14 : i32
        %shift_right_logical3A_340 = vector.broadcast %shift_right_logical3A_339 : i32 to vector<16xi32>
        %shift_right_logical3A_341 = arith.shrui %get3A_331, %shift_right_logical3A_340 : vector<16xi32>
        %swap3A_342 = arith.constant 64 : index
        %swap3A_343 = tpu.vector_load %arg14[%swap3A_342] {strides = array<i32>} : memref<80xi32, #tpu.memory_space<vmem>>, vector<16xi32>,
        %swap3A_344 = vector.shape_cast %swap3A_343 : vector<16xi32> to vector<16xi32>
        %swap3A_345 = vector.shape_cast %shift_right_logical3A_341 : vector<16xi32> to vector<16xi32>
        tpu.vector_store %arg14[%swap3A_342], %swap3A_345 {strides = array<i32>} : memref<80xi32, #tpu.memory_space<vmem>>, vector<16xi32>,
      } else {
      }
      %lt3A_234 = arith.constant 125 : i32
      %lt3A_235 = arith.cmpi slt, %add3A_218, %lt3A_234 : i32
      %convert_element_type3A_236 = arith.extui %lt3A_235 : i1 to i32
      %cond3A_237 = arith.constant 0 : i32
      %cond3A_238 = arith.cmpi ne, %convert_element_type3A_236, %cond3A_237 : i32
      scf.if %cond3A_238 {
        %dma_start3A_259 = arith.constant 0 : i32
        %dma_start3A_260 = arith.constant 0 : i32
        %dma_start3A_261 = tpu.memref_slice %arg2[%dma_start3A_259, %dma_start3A_260] : memref<10000x128xf32, #tpu.memory_space<hbm>> -> memref<10000x128xf32, #tpu.memory_space<hbm>>
        tpu.enqueue_indirect_dma source(%dma_start3A_261 : memref<10000x128xf32, #tpu.memory_space<hbm>>) target(%arg8 : memref<80x128xf32, #tpu.memory_space<vmem>>) offsets(%arg13 : memref<80xi32, #tpu.memory_space<vmem>>) semaphore(%arg18 : memref<!tpu.dma_semaphore, #tpu.memory_space<semaphore_mem>>)
      } else {
      }
      %sub3A_239 = arith.constant 1 : i32
      %sub3A_240 = arith.subi %add3A_218, %sub3A_239 : i32
      %ge3A_241 = arith.constant 0 : i32
      %ge3A_242 = arith.cmpi sge, %sub3A_240, %ge3A_241 : i32
      %lt3A_243 = arith.constant 125 : i32
      %lt3A_244 = arith.cmpi slt, %sub3A_240, %lt3A_243 : i32
      %and3A_245 = arith.andi %ge3A_242, %lt3A_244 : i1
      %convert_element_type3A_246 = arith.extui %and3A_245 : i1 to i32
      %cond3A_247 = arith.constant 0 : i32
      %cond3A_248 = arith.cmpi ne, %convert_element_type3A_246, %cond3A_247 : i32
      scf.if %cond3A_248 {
        %dma_wait3A_259 = arith.constant 0 : i32
        %dma_wait3A_260 = arith.constant 0 : i32
        %dma_wait3A_261 = tpu.memref_slice %arg2[%dma_wait3A_259, %dma_wait3A_260] : memref<10000x128xf32, #tpu.memory_space<hbm>> -> memref<10000x128xf32, #tpu.memory_space<hbm>>
        tpu.wait_indirect_dma semaphore(%arg17 : memref<!tpu.dma_semaphore, #tpu.memory_space<semaphore_mem>>) src(%dma_wait3A_261 : memref<10000x128xf32, #tpu.memory_space<hbm>>) dst(%arg7 : memref<80x128xf32, #tpu.memory_space<vmem>>)
      } else {
      }
      %sub3A_249 = arith.constant 1 : i32
      %sub3A_250 = arith.subi %add3A_218, %sub3A_249 : i32
      %ge3A_251 = arith.constant 0 : i32
      %ge3A_252 = arith.cmpi sge, %sub3A_250, %ge3A_251 : i32
      %lt3A_253 = arith.constant 125 : i32
      %lt3A_254 = arith.cmpi slt, %sub3A_250, %lt3A_253 : i32
      %and3A_255 = arith.andi %ge3A_252, %lt3A_254 : i1
      %convert_element_type3A_256 = arith.extui %and3A_255 : i1 to i32
      %cond3A_257 = arith.constant 0 : i32
      %cond3A_258 = arith.cmpi ne, %convert_element_type3A_256, %cond3A_257 : i32
      scf.if %cond3A_258 {
        %dma_start3A_259 = arith.constant 0 : i32
        %dma_start3A_260 = arith.constant 0 : i32
        %dma_start3A_261 = tpu.memref_slice %arg15[%dma_start3A_259, %dma_start3A_260] : memref<10240x128xf32, #tpu.memory_space<vmem_shared>> -> memref<10240x128xf32, #tpu.memory_space<vmem_shared>>
        tpu.enqueue_indirect_dma source(%arg7 : memref<80x128xf32, #tpu.memory_space<vmem>>) target(%dma_start3A_261 : memref<10240x128xf32, #tpu.memory_space<vmem_shared>>) offsets(%arg12 : memref<80xi32, #tpu.memory_space<vmem>>) semaphore(%arg20 : memref<!tpu.dma_semaphore, #tpu.memory_space<semaphore_mem>>) {add = true}
      } else {
      }
    }
    %scan3A_115 = arith.constant 42 : i32
    %and3A = arith.constant true
    %and3A_116 = arith.constant true
    %and3A_117 = arith.andi %and3A, %and3A_116 : i1
    %convert_element_type3A = arith.extui %and3A_117 : i1 to i32
    %cond3A = arith.constant 0 : i32
    %cond3A_118 = arith.cmpi ne, %convert_element_type3A, %cond3A : i32
    scf.if %cond3A_118 {
      %dma_wait3A_133 = arith.constant 0 : i32
      %dma_wait3A_134 = arith.constant 0 : i32
      %dma_wait3A_135 = tpu.memref_slice %arg15[%dma_wait3A_133, %dma_wait3A_134] : memref<10240x128xf32, #tpu.memory_space<vmem_shared>> -> memref<10240x128xf32, #tpu.memory_space<vmem_shared>>
      tpu.wait_indirect_dma semaphore(%arg19 : memref<!tpu.dma_semaphore, #tpu.memory_space<semaphore_mem>>) src(%arg6 : memref<80x128xf32, #tpu.memory_space<vmem>>) dst(%dma_wait3A_135 : memref<10240x128xf32, #tpu.memory_space<vmem_shared>>)
    } else {
    }
    %and3A_119 = arith.constant true
    %and3A_120 = arith.constant true
    %and3A_121 = arith.andi %and3A_119, %and3A_120 : i1
    %convert_element_type3A_122 = arith.extui %and3A_121 : i1 to i32
    %cond3A_123 = arith.constant 0 : i32
    %cond3A_124 = arith.cmpi ne, %convert_element_type3A_122, %cond3A_123 : i32
    scf.if %cond3A_124 {
      %dma_wait3A_133 = arith.constant 0 : i32
      %dma_wait3A_134 = arith.constant 0 : i32
      %dma_wait3A_135 = tpu.memref_slice %arg15[%dma_wait3A_133, %dma_wait3A_134] : memref<10240x128xf32, #tpu.memory_space<vmem_shared>> -> memref<10240x128xf32, #tpu.memory_space<vmem_shared>>
      tpu.wait_indirect_dma semaphore(%arg20 : memref<!tpu.dma_semaphore, #tpu.memory_space<semaphore_mem>>) src(%arg7 : memref<80x128xf32, #tpu.memory_space<vmem>>) dst(%dma_wait3A_135 : memref<10240x128xf32, #tpu.memory_space<vmem_shared>>)
    } else {
    }
    %barrier3A_125 = arith.constant 0 : index
    tpu.barrier barrier_id(%barrier3A_125)
    %mul3A_126 = arith.constant 640 : i32
    %mul3A_127 = arith.muli %arg1, %mul3A_126 : i32
    %mul3A_128 = arith.constant 10240 : i32
    %mul3A_129 = arith.muli %arg0, %mul3A_128 : i32
    %mul3A_130 = arith.constant 640 : i32
    %mul3A_131 = arith.muli %arg1, %mul3A_130 : i32
    %add3A_132 = arith.addi %mul3A_129, %mul3A_131 : i32
    "tpu.region"() ({
      %run_scoped3A = tpu.sem_alloc : memref<!tpu.dma_semaphore, #tpu.memory_space<semaphore_mem>>
      %dma_start3A_133 = arith.constant 0 : i32
      %dma_start3A_134 = tpu.memref_slice %arg4[%add3A_132, %dma_start3A_133] : memref<20480x128xf32, #tpu.memory_space<hbm>> -> memref<640x128xf32, #tpu.memory_space<hbm>>
      %dma_start3A_135 = arith.constant 0 : i32
      %dma_start3A_136 = tpu.memref_slice %arg15[%mul3A_127, %dma_start3A_135] : memref<10240x128xf32, #tpu.memory_space<vmem_shared>> -> memref<640x128xf32, #tpu.memory_space<vmem_shared>>
      tpu.enqueue_dma source(%dma_start3A_136 : memref<640x128xf32, #tpu.memory_space<vmem_shared>>) target(%dma_start3A_134 : memref<640x128xf32, #tpu.memory_space<hbm>>) target_semaphore(%run_scoped3A : memref<!tpu.dma_semaphore, #tpu.memory_space<semaphore_mem>>)
      %dma_wait3A_137 = arith.constant 0 : i32
      %dma_wait3A_138 = tpu.memref_slice %arg4[%add3A_132, %dma_wait3A_137] : memref<20480x128xf32, #tpu.memory_space<hbm>> -> memref<640x128xf32, #tpu.memory_space<hbm>>
      %dma_wait3A_139 = arith.constant 0 : i32
      %dma_wait3A_140 = tpu.memref_slice %arg15[%mul3A_127, %dma_wait3A_139] : memref<10240x128xf32, #tpu.memory_space<vmem_shared>> -> memref<640x128xf32, #tpu.memory_space<vmem_shared>>
      tpu.wait_dma2 semaphore(%run_scoped3A : memref<!tpu.dma_semaphore, #tpu.memory_space<semaphore_mem>>) src(%dma_wait3A_140 : memref<640x128xf32, #tpu.memory_space<vmem_shared>>) dst(%dma_wait3A_138 : memref<640x128xf32, #tpu.memory_space<hbm>>)
      tpu.yield
    }) : () -> ()
    return
  }
}

#map = affine_map<(d0, d1) -> (0, 0)>
module attributes {stable_mosaic.version = 14 : i64} {
  func.func @k(%arg0: i32, %arg1: i32, %arg2: memref<10000x128xf32, #tpu.memory_space<hbm>>, %arg3: memref<4096x80xi32, #tpu.memory_space<hbm>>, %arg4: memref<20480x128xf32, #tpu.memory_space<hbm>>, %arg5: memref<128x80xi32, #tpu.memory_space<vmem>>, %arg6: memref<80x128xf32, #tpu.memory_space<vmem>>, %arg7: memref<80x128xf32, #tpu.memory_space<vmem>>, %arg8: memref<80x128xf32, #tpu.memory_space<vmem>>, %arg9: memref<80xi32, #tpu.memory_space<vmem>>, %arg10: memref<80xi32, #tpu.memory_space<vmem>>, %arg11: memref<80xi32, #tpu.memory_space<vmem>>, %arg12: memref<80xi32, #tpu.memory_space<vmem>>, %arg13: memref<80xi32, #tpu.memory_space<vmem>>, %arg14: memref<80xi32, #tpu.memory_space<vmem>>, %arg15: memref<10240x128xf32, #tpu.memory_space<vmem_shared>>, %arg16: memref<!tpu.dma_semaphore, #tpu.memory_space<semaphore_mem>>, %arg17: memref<!tpu.dma_semaphore, #tpu.memory_space<semaphore_mem>>, %arg18: memref<!tpu.dma_semaphore, #tpu.memory_space<semaphore_mem>>, %arg19: memref<!tpu.dma_semaphore, #tpu.memory_space<semaphore_mem>>, %arg20: memref<!tpu.dma_semaphore, #tpu.memory_space<semaphore_mem>>, %arg21: memref<!tpu.dma_semaphore, #tpu.memory_space<semaphore_mem>>, %arg22: memref<!tpu.dma_semaphore, #tpu.memory_space<semaphore_mem>>) attributes {dimension_semantics = [#tpu.dimension_semantics<core_parallel>, #tpu.dimension_semantics<subcore_parallel>], iteration_bounds = array<i64: 2, 16>, scalar_prefetch = 0 : i64, scratch_operands = 18 : i64, tpu.core_type = #tpu.core_type<sc_vector_subcore>, window_params = [{transform_indices = #map}, {transform_indices = #map}, {transform_indices = #map}]} {
    %mul3A = arith.constant 2 : i32
    %mul3A_0 = arith.muli %arg1, %mul3A : i32
    %add3A = arith.addi %mul3A_0, %arg0 : i32
    %mul3A_1 = arith.constant 128 : i32
    %mul3A_2 = arith.muli %add3A, %mul3A_1 : i32
    %dma_start3A = arith.constant 0 : i32
    %dma_start3A_3 = tpu.memref_slice %arg3[%mul3A_2, %dma_start3A] : memref<4096x80xi32, #tpu.memory_space<hbm>> -> memref<128x80xi32, #tpu.memory_space<hbm>>
    %dma_start3A_4 = arith.constant 0 : i32
    %dma_start3A_5 = tpu.memref_slice %arg3[%mul3A_2, %dma_start3A_4] : memref<4096x80xi32, #tpu.memory_space<hbm>> -> memref<128x80xi32, #tpu.memory_space<hbm>>
    tpu.enqueue_dma source(%dma_start3A_5 : memref<128x80xi32, #tpu.memory_space<hbm>>) target(%arg5 : memref<128x80xi32, #tpu.memory_space<vmem>>) target_semaphore(%arg22 : memref<!tpu.dma_semaphore, #tpu.memory_space<semaphore_mem>>)
    %scan3A = arith.constant 0 : i32
    %scan3A_6 = arith.constant 0 : i32
    %scan3A_7 = arith.constant 80 : i32
    %scan3A_8 = arith.addi %scan3A_6, %scan3A_7 : i32
    %scan3A_9 = arith.constant 1 : i32
    scf.for %scan3A_133 = %scan3A_6 to %scan3A_8 step %scan3A_9  : i32 {
      %broadcast_in_dim3A = arith.constant 0.000000e+00 : f32
      %broadcast_in_dim3A_134 = vector.broadcast %broadcast_in_dim3A : f32 to vector<16xf32>
      %swap3A = arith.index_cast %scan3A_133 : i32 to index
      %swap3A_135 = arith.constant 0 : index
      %swap3A_136 = tpu.vector_load %arg6[%swap3A, %swap3A_135] {strides = array<i32>} : memref<80x128xf32, #tpu.memory_space<vmem>>, vector<1x16xf32>,
      %swap3A_137 = vector.shape_cast %swap3A_136 : vector<1x16xf32> to vector<16xf32>
      %swap3A_138 = vector.shape_cast %broadcast_in_dim3A_134 : vector<16xf32> to vector<1x16xf32>
      tpu.vector_store %arg6[%swap3A, %swap3A_135], %swap3A_138 {strides = array<i32>} : memref<80x128xf32, #tpu.memory_space<vmem>>, vector<1x16xf32>,
      %broadcast_in_dim3A_139 = arith.constant 0.000000e+00 : f32
      %broadcast_in_dim3A_140 = vector.broadcast %broadcast_in_dim3A_139 : f32 to vector<16xf32>
      %swap3A_141 = arith.index_cast %scan3A_133 : i32 to index
      %swap3A_142 = arith.constant 16 : index
      %swap3A_143 = tpu.vector_load %arg6[%swap3A_141, %swap3A_142] {strides = array<i32>} : memref<80x128xf32, #tpu.memory_space<vmem>>, vector<1x16xf32>,
      %swap3A_144 = vector.shape_cast %swap3A_143 : vector<1x16xf32> to vector<16xf32>
      %swap3A_145 = vector.shape_cast %broadcast_in_dim3A_140 : vector<16xf32> to vector<1x16xf32>
      tpu.vector_store %arg6[%swap3A_141, %swap3A_142], %swap3A_145 {strides = array<i32>} : memref<80x128xf32, #tpu.memory_space<vmem>>, vector<1x16xf32>,
      %broadcast_in_dim3A_146 = arith.constant 0.000000e+00 : f32
      %broadcast_in_dim3A_147 = vector.broadcast %broadcast_in_dim3A_146 : f32 to vector<16xf32>
      %swap3A_148 = arith.index_cast %scan3A_133 : i32 to index
      %swap3A_149 = arith.constant 32 : index
      %swap3A_150 = tpu.vector_load %arg6[%swap3A_148, %swap3A_149] {strides = array<i32>} : memref<80x128xf32, #tpu.memory_space<vmem>>, vector<1x16xf32>,
      %swap3A_151 = vector.shape_cast %swap3A_150 : vector<1x16xf32> to vector<16xf32>
      %swap3A_152 = vector.shape_cast %broadcast_in_dim3A_147 : vector<16xf32> to vector<1x16xf32>
      tpu.vector_store %arg6[%swap3A_148, %swap3A_149], %swap3A_152 {strides = array<i32>} : memref<80x128xf32, #tpu.memory_space<vmem>>, vector<1x16xf32>,
      %broadcast_in_dim3A_153 = arith.constant 0.000000e+00 : f32
      %broadcast_in_dim3A_154 = vector.broadcast %broadcast_in_dim3A_153 : f32 to vector<16xf32>
      %swap3A_155 = arith.index_cast %scan3A_133 : i32 to index
      %swap3A_156 = arith.constant 48 : index
      %swap3A_157 = tpu.vector_load %arg6[%swap3A_155, %swap3A_156] {strides = array<i32>} : memref<80x128xf32, #tpu.memory_space<vmem>>, vector<1x16xf32>,
      %swap3A_158 = vector.shape_cast %swap3A_157 : vector<1x16xf32> to vector<16xf32>
      %swap3A_159 = vector.shape_cast %broadcast_in_dim3A_154 : vector<16xf32> to vector<1x16xf32>
      tpu.vector_store %arg6[%swap3A_155, %swap3A_156], %swap3A_159 {strides = array<i32>} : memref<80x128xf32, #tpu.memory_space<vmem>>, vector<1x16xf32>,
      %broadcast_in_dim3A_160 = arith.constant 0.000000e+00 : f32
      %broadcast_in_dim3A_161 = vector.broadcast %broadcast_in_dim3A_160 : f32 to vector<16xf32>
      %swap3A_162 = arith.index_cast %scan3A_133 : i32 to index
      %swap3A_163 = arith.constant 64 : index
      %swap3A_164 = tpu.vector_load %arg6[%swap3A_162, %swap3A_163] {strides = array<i32>} : memref<80x128xf32, #tpu.memory_space<vmem>>, vector<1x16xf32>,
      %swap3A_165 = vector.shape_cast %swap3A_164 : vector<1x16xf32> to vector<16xf32>
      %swap3A_166 = vector.shape_cast %broadcast_in_dim3A_161 : vector<16xf32> to vector<1x16xf32>
      tpu.vector_store %arg6[%swap3A_162, %swap3A_163], %swap3A_166 {strides = array<i32>} : memref<80x128xf32, #tpu.memory_space<vmem>>, vector<1x16xf32>,
      %broadcast_in_dim3A_167 = arith.constant 0.000000e+00 : f32
      %broadcast_in_dim3A_168 = vector.broadcast %broadcast_in_dim3A_167 : f32 to vector<16xf32>
      %swap3A_169 = arith.index_cast %scan3A_133 : i32 to index
      %swap3A_170 = arith.constant 80 : index
      %swap3A_171 = tpu.vector_load %arg6[%swap3A_169, %swap3A_170] {strides = array<i32>} : memref<80x128xf32, #tpu.memory_space<vmem>>, vector<1x16xf32>,
      %swap3A_172 = vector.shape_cast %swap3A_171 : vector<1x16xf32> to vector<16xf32>
      %swap3A_173 = vector.shape_cast %broadcast_in_dim3A_168 : vector<16xf32> to vector<1x16xf32>
      tpu.vector_store %arg6[%swap3A_169, %swap3A_170], %swap3A_173 {strides = array<i32>} : memref<80x128xf32, #tpu.memory_space<vmem>>, vector<1x16xf32>,
      %broadcast_in_dim3A_174 = arith.constant 0.000000e+00 : f32
      %broadcast_in_dim3A_175 = vector.broadcast %broadcast_in_dim3A_174 : f32 to vector<16xf32>
      %swap3A_176 = arith.index_cast %scan3A_133 : i32 to index
      %swap3A_177 = arith.constant 96 : index
      %swap3A_178 = tpu.vector_load %arg6[%swap3A_176, %swap3A_177] {strides = array<i32>} : memref<80x128xf32, #tpu.memory_space<vmem>>, vector<1x16xf32>,
      %swap3A_179 = vector.shape_cast %swap3A_178 : vector<1x16xf32> to vector<16xf32>
      %swap3A_180 = vector.shape_cast %broadcast_in_dim3A_175 : vector<16xf32> to vector<1x16xf32>
      tpu.vector_store %arg6[%swap3A_176, %swap3A_177], %swap3A_180 {strides = array<i32>} : memref<80x128xf32, #tpu.memory_space<vmem>>, vector<1x16xf32>,
      %broadcast_in_dim3A_181 = arith.constant 0.000000e+00 : f32
      %broadcast_in_dim3A_182 = vector.broadcast %broadcast_in_dim3A_181 : f32 to vector<16xf32>
      %swap3A_183 = arith.index_cast %scan3A_133 : i32 to index
      %swap3A_184 = arith.constant 112 : index
      %swap3A_185 = tpu.vector_load %arg6[%swap3A_183, %swap3A_184] {strides = array<i32>} : memref<80x128xf32, #tpu.memory_space<vmem>>, vector<1x16xf32>,
      %swap3A_186 = vector.shape_cast %swap3A_185 : vector<1x16xf32> to vector<16xf32>
      %swap3A_187 = vector.shape_cast %broadcast_in_dim3A_182 : vector<16xf32> to vector<1x16xf32>
      tpu.vector_store %arg6[%swap3A_183, %swap3A_184], %swap3A_187 {strides = array<i32>} : memref<80x128xf32, #tpu.memory_space<vmem>>, vector<1x16xf32>,
    }
    %scan3A_10 = arith.constant 80 : i32
    %mul3A_11 = arith.constant 640 : i32
    %mul3A_12 = arith.muli %arg1, %mul3A_11 : i32
    %add3A_13 = arith.constant 0 : i32
    %add3A_14 = arith.addi %mul3A_12, %add3A_13 : i32
    %dma_start3A_15 = arith.constant 0 : i32
    %dma_start3A_16 = tpu.memref_slice %arg15[%add3A_14, %dma_start3A_15] : memref<10240x128xf32, #tpu.memory_space<vmem_shared>> -> memref<80x128xf32, #tpu.memory_space<vmem_shared>>
    %dma_start3A_17 = arith.constant 0 : i32
    %dma_start3A_18 = tpu.memref_slice %arg15[%add3A_14, %dma_start3A_17] : memref<10240x128xf32, #tpu.memory_space<vmem_shared>> -> memref<80x128xf32, #tpu.memory_space<vmem_shared>>
    tpu.enqueue_dma source(%arg6 : memref<80x128xf32, #tpu.memory_space<vmem>>) target(%dma_start3A_18 : memref<80x128xf32, #tpu.memory_space<vmem_shared>>) target_semaphore(%arg17 : memref<!tpu.dma_semaphore, #tpu.memory_space<semaphore_mem>>)
    %mul3A_19 = arith.constant 640 : i32
    %mul3A_20 = arith.muli %arg1, %mul3A_19 : i32
    %add3A_21 = arith.constant 80 : i32
    %add3A_22 = arith.addi %mul3A_20, %add3A_21 : i32
    %dma_start3A_23 = arith.constant 0 : i32
    %dma_start3A_24 = tpu.memref_slice %arg15[%add3A_22, %dma_start3A_23] : memref<10240x128xf32, #tpu.memory_space<vmem_shared>> -> memref<80x128xf32, #tpu.memory_space<vmem_shared>>
    %dma_start3A_25 = arith.constant 0 : i32
    %dma_start3A_26 = tpu.memref_slice %arg15[%add3A_22, %dma_start3A_25] : memref<10240x128xf32, #tpu.memory_space<vmem_shared>> -> memref<80x128xf32, #tpu.memory_space<vmem_shared>>
    tpu.enqueue_dma source(%arg6 : memref<80x128xf32, #tpu.memory_space<vmem>>) target(%dma_start3A_26 : memref<80x128xf32, #tpu.memory_space<vmem_shared>>) target_semaphore(%arg17 : memref<!tpu.dma_semaphore, #tpu.memory_space<semaphore_mem>>)
    %mul3A_27 = arith.constant 640 : i32
    %mul3A_28 = arith.muli %arg1, %mul3A_27 : i32
    %add3A_29 = arith.constant 160 : i32
    %add3A_30 = arith.addi %mul3A_28, %add3A_29 : i32
    %dma_start3A_31 = arith.constant 0 : i32
    %dma_start3A_32 = tpu.memref_slice %arg15[%add3A_30, %dma_start3A_31] : memref<10240x128xf32, #tpu.memory_space<vmem_shared>> -> memref<80x128xf32, #tpu.memory_space<vmem_shared>>
    %dma_start3A_33 = arith.constant 0 : i32
    %dma_start3A_34 = tpu.memref_slice %arg15[%add3A_30, %dma_start3A_33] : memref<10240x128xf32, #tpu.memory_space<vmem_shared>> -> memref<80x128xf32, #tpu.memory_space<vmem_shared>>
    tpu.enqueue_dma source(%arg6 : memref<80x128xf32, #tpu.memory_space<vmem>>) target(%dma_start3A_34 : memref<80x128xf32, #tpu.memory_space<vmem_shared>>) target_semaphore(%arg17 : memref<!tpu.dma_semaphore, #tpu.memory_space<semaphore_mem>>)
    %mul3A_35 = arith.constant 640 : i32
    %mul3A_36 = arith.muli %arg1, %mul3A_35 : i32
    %add3A_37 = arith.constant 240 : i32
    %add3A_38 = arith.addi %mul3A_36, %add3A_37 : i32
    %dma_start3A_39 = arith.constant 0 : i32
    %dma_start3A_40 = tpu.memref_slice %arg15[%add3A_38, %dma_start3A_39] : memref<10240x128xf32, #tpu.memory_space<vmem_shared>> -> memref<80x128xf32, #tpu.memory_space<vmem_shared>>
    %dma_start3A_41 = arith.constant 0 : i32
    %dma_start3A_42 = tpu.memref_slice %arg15[%add3A_38, %dma_start3A_41] : memref<10240x128xf32, #tpu.memory_space<vmem_shared>> -> memref<80x128xf32, #tpu.memory_space<vmem_shared>>
    tpu.enqueue_dma source(%arg6 : memref<80x128xf32, #tpu.memory_space<vmem>>) target(%dma_start3A_42 : memref<80x128xf32, #tpu.memory_space<vmem_shared>>) target_semaphore(%arg17 : memref<!tpu.dma_semaphore, #tpu.memory_space<semaphore_mem>>)
    %mul3A_43 = arith.constant 640 : i32
    %mul3A_44 = arith.muli %arg1, %mul3A_43 : i32
    %add3A_45 = arith.constant 320 : i32
    %add3A_46 = arith.addi %mul3A_44, %add3A_45 : i32
    %dma_start3A_47 = arith.constant 0 : i32
    %dma_start3A_48 = tpu.memref_slice %arg15[%add3A_46, %dma_start3A_47] : memref<10240x128xf32, #tpu.memory_space<vmem_shared>> -> memref<80x128xf32, #tpu.memory_space<vmem_shared>>
    %dma_start3A_49 = arith.constant 0 : i32
    %dma_start3A_50 = tpu.memref_slice %arg15[%add3A_46, %dma_start3A_49] : memref<10240x128xf32, #tpu.memory_space<vmem_shared>> -> memref<80x128xf32, #tpu.memory_space<vmem_shared>>
    tpu.enqueue_dma source(%arg6 : memref<80x128xf32, #tpu.memory_space<vmem>>) target(%dma_start3A_50 : memref<80x128xf32, #tpu.memory_space<vmem_shared>>) target_semaphore(%arg17 : memref<!tpu.dma_semaphore, #tpu.memory_space<semaphore_mem>>)
    %mul3A_51 = arith.constant 640 : i32
    %mul3A_52 = arith.muli %arg1, %mul3A_51 : i32
    %add3A_53 = arith.constant 400 : i32
    %add3A_54 = arith.addi %mul3A_52, %add3A_53 : i32
    %dma_start3A_55 = arith.constant 0 : i32
    %dma_start3A_56 = tpu.memref_slice %arg15[%add3A_54, %dma_start3A_55] : memref<10240x128xf32, #tpu.memory_space<vmem_shared>> -> memref<80x128xf32, #tpu.memory_space<vmem_shared>>
    %dma_start3A_57 = arith.constant 0 : i32
    %dma_start3A_58 = tpu.memref_slice %arg15[%add3A_54, %dma_start3A_57] : memref<10240x128xf32, #tpu.memory_space<vmem_shared>> -> memref<80x128xf32, #tpu.memory_space<vmem_shared>>
    tpu.enqueue_dma source(%arg6 : memref<80x128xf32, #tpu.memory_space<vmem>>) target(%dma_start3A_58 : memref<80x128xf32, #tpu.memory_space<vmem_shared>>) target_semaphore(%arg17 : memref<!tpu.dma_semaphore, #tpu.memory_space<semaphore_mem>>)
    %mul3A_59 = arith.constant 640 : i32
    %mul3A_60 = arith.muli %arg1, %mul3A_59 : i32
    %add3A_61 = arith.constant 480 : i32
    %add3A_62 = arith.addi %mul3A_60, %add3A_61 : i32
    %dma_start3A_63 = arith.constant 0 : i32
    %dma_start3A_64 = tpu.memref_slice %arg15[%add3A_62, %dma_start3A_63] : memref<10240x128xf32, #tpu.memory_space<vmem_shared>> -> memref<80x128xf32, #tpu.memory_space<vmem_shared>>
    %dma_start3A_65 = arith.constant 0 : i32
    %dma_start3A_66 = tpu.memref_slice %arg15[%add3A_62, %dma_start3A_65] : memref<10240x128xf32, #tpu.memory_space<vmem_shared>> -> memref<80x128xf32, #tpu.memory_space<vmem_shared>>
    tpu.enqueue_dma source(%arg6 : memref<80x128xf32, #tpu.memory_space<vmem>>) target(%dma_start3A_66 : memref<80x128xf32, #tpu.memory_space<vmem_shared>>) target_semaphore(%arg17 : memref<!tpu.dma_semaphore, #tpu.memory_space<semaphore_mem>>)
    %mul3A_67 = arith.constant 640 : i32
    %mul3A_68 = arith.muli %arg1, %mul3A_67 : i32
    %add3A_69 = arith.constant 560 : i32
    %add3A_70 = arith.addi %mul3A_68, %add3A_69 : i32
    %dma_start3A_71 = arith.constant 0 : i32
    %dma_start3A_72 = tpu.memref_slice %arg15[%add3A_70, %dma_start3A_71] : memref<10240x128xf32, #tpu.memory_space<vmem_shared>> -> memref<80x128xf32, #tpu.memory_space<vmem_shared>>
    %dma_start3A_73 = arith.constant 0 : i32
    %dma_start3A_74 = tpu.memref_slice %arg15[%add3A_70, %dma_start3A_73] : memref<10240x128xf32, #tpu.memory_space<vmem_shared>> -> memref<80x128xf32, #tpu.memory_space<vmem_shared>>
    tpu.enqueue_dma source(%arg6 : memref<80x128xf32, #tpu.memory_space<vmem>>) target(%dma_start3A_74 : memref<80x128xf32, #tpu.memory_space<vmem_shared>>) target_semaphore(%arg17 : memref<!tpu.dma_semaphore, #tpu.memory_space<semaphore_mem>>)
    %dma_wait3A = arith.constant 0 : i32
    %dma_wait3A_75 = tpu.memref_slice %arg15[%add3A_14, %dma_wait3A] : memref<10240x128xf32, #tpu.memory_space<vmem_shared>> -> memref<80x128xf32, #tpu.memory_space<vmem_shared>>
    %dma_wait3A_76 = arith.constant 0 : i32
    %dma_wait3A_77 = tpu.memref_slice %arg15[%add3A_14, %dma_wait3A_76] : memref<10240x128xf32, #tpu.memory_space<vmem_shared>> -> memref<80x128xf32, #tpu.memory_space<vmem_shared>>
    tpu.wait_dma2 semaphore(%arg17 : memref<!tpu.dma_semaphore, #tpu.memory_space<semaphore_mem>>) src(%arg6 : memref<80x128xf32, #tpu.memory_space<vmem>>) dst(%dma_wait3A_77 : memref<80x128xf32, #tpu.memory_space<vmem_shared>>)
    %dma_wait3A_78 = arith.constant 0 : i32
    %dma_wait3A_79 = tpu.memref_slice %arg15[%add3A_22, %dma_wait3A_78] : memref<10240x128xf32, #tpu.memory_space<vmem_shared>> -> memref<80x128xf32, #tpu.memory_space<vmem_shared>>
    %dma_wait3A_80 = arith.constant 0 : i32
    %dma_wait3A_81 = tpu.memref_slice %arg15[%add3A_22, %dma_wait3A_80] : memref<10240x128xf32, #tpu.memory_space<vmem_shared>> -> memref<80x128xf32, #tpu.memory_space<vmem_shared>>
    tpu.wait_dma2 semaphore(%arg17 : memref<!tpu.dma_semaphore, #tpu.memory_space<semaphore_mem>>) src(%arg6 : memref<80x128xf32, #tpu.memory_space<vmem>>) dst(%dma_wait3A_81 : memref<80x128xf32, #tpu.memory_space<vmem_shared>>)
    %dma_wait3A_82 = arith.constant 0 : i32
    %dma_wait3A_83 = tpu.memref_slice %arg15[%add3A_30, %dma_wait3A_82] : memref<10240x128xf32, #tpu.memory_space<vmem_shared>> -> memref<80x128xf32, #tpu.memory_space<vmem_shared>>
    %dma_wait3A_84 = arith.constant 0 : i32
    %dma_wait3A_85 = tpu.memref_slice %arg15[%add3A_30, %dma_wait3A_84] : memref<10240x128xf32, #tpu.memory_space<vmem_shared>> -> memref<80x128xf32, #tpu.memory_space<vmem_shared>>
    tpu.wait_dma2 semaphore(%arg17 : memref<!tpu.dma_semaphore, #tpu.memory_space<semaphore_mem>>) src(%arg6 : memref<80x128xf32, #tpu.memory_space<vmem>>) dst(%dma_wait3A_85 : memref<80x128xf32, #tpu.memory_space<vmem_shared>>)
    %dma_wait3A_86 = arith.constant 0 : i32
    %dma_wait3A_87 = tpu.memref_slice %arg15[%add3A_38, %dma_wait3A_86] : memref<10240x128xf32, #tpu.memory_space<vmem_shared>> -> memref<80x128xf32, #tpu.memory_space<vmem_shared>>
    %dma_wait3A_88 = arith.constant 0 : i32
    %dma_wait3A_89 = tpu.memref_slice %arg15[%add3A_38, %dma_wait3A_88] : memref<10240x128xf32, #tpu.memory_space<vmem_shared>> -> memref<80x128xf32, #tpu.memory_space<vmem_shared>>
    tpu.wait_dma2 semaphore(%arg17 : memref<!tpu.dma_semaphore, #tpu.memory_space<semaphore_mem>>) src(%arg6 : memref<80x128xf32, #tpu.memory_space<vmem>>) dst(%dma_wait3A_89 : memref<80x128xf32, #tpu.memory_space<vmem_shared>>)
    %dma_wait3A_90 = arith.constant 0 : i32
    %dma_wait3A_91 = tpu.memref_slice %arg15[%add3A_46, %dma_wait3A_90] : memref<10240x128xf32, #tpu.memory_space<vmem_shared>> -> memref<80x128xf32, #tpu.memory_space<vmem_shared>>
    %dma_wait3A_92 = arith.constant 0 : i32
    %dma_wait3A_93 = tpu.memref_slice %arg15[%add3A_46, %dma_wait3A_92] : memref<10240x128xf32, #tpu.memory_space<vmem_shared>> -> memref<80x128xf32, #tpu.memory_space<vmem_shared>>
    tpu.wait_dma2 semaphore(%arg17 : memref<!tpu.dma_semaphore, #tpu.memory_space<semaphore_mem>>) src(%arg6 : memref<80x128xf32, #tpu.memory_space<vmem>>) dst(%dma_wait3A_93 : memref<80x128xf32, #tpu.memory_space<vmem_shared>>)
    %dma_wait3A_94 = arith.constant 0 : i32
    %dma_wait3A_95 = tpu.memref_slice %arg15[%add3A_54, %dma_wait3A_94] : memref<10240x128xf32, #tpu.memory_space<vmem_shared>> -> memref<80x128xf32, #tpu.memory_space<vmem_shared>>
    %dma_wait3A_96 = arith.constant 0 : i32
    %dma_wait3A_97 = tpu.memref_slice %arg15[%add3A_54, %dma_wait3A_96] : memref<10240x128xf32, #tpu.memory_space<vmem_shared>> -> memref<80x128xf32, #tpu.memory_space<vmem_shared>>
    tpu.wait_dma2 semaphore(%arg17 : memref<!tpu.dma_semaphore, #tpu.memory_space<semaphore_mem>>) src(%arg6 : memref<80x128xf32, #tpu.memory_space<vmem>>) dst(%dma_wait3A_97 : memref<80x128xf32, #tpu.memory_space<vmem_shared>>)
    %dma_wait3A_98 = arith.constant 0 : i32
    %dma_wait3A_99 = tpu.memref_slice %arg15[%add3A_62, %dma_wait3A_98] : memref<10240x128xf32, #tpu.memory_space<vmem_shared>> -> memref<80x128xf32, #tpu.memory_space<vmem_shared>>
    %dma_wait3A_100 = arith.constant 0 : i32
    %dma_wait3A_101 = tpu.memref_slice %arg15[%add3A_62, %dma_wait3A_100] : memref<10240x128xf32, #tpu.memory_space<vmem_shared>> -> memref<80x128xf32, #tpu.memory_space<vmem_shared>>
    tpu.wait_dma2 semaphore(%arg17 : memref<!tpu.dma_semaphore, #tpu.memory_space<semaphore_mem>>) src(%arg6 : memref<80x128xf32, #tpu.memory_space<vmem>>) dst(%dma_wait3A_101 : memref<80x128xf32, #tpu.memory_space<vmem_shared>>)
    %dma_wait3A_102 = arith.constant 0 : i32
    %dma_wait3A_103 = tpu.memref_slice %arg15[%add3A_70, %dma_wait3A_102] : memref<10240x128xf32, #tpu.memory_space<vmem_shared>> -> memref<80x128xf32, #tpu.memory_space<vmem_shared>>
    %dma_wait3A_104 = arith.constant 0 : i32
    %dma_wait3A_105 = tpu.memref_slice %arg15[%add3A_70, %dma_wait3A_104] : memref<10240x128xf32, #tpu.memory_space<vmem_shared>> -> memref<80x128xf32, #tpu.memory_space<vmem_shared>>
    tpu.wait_dma2 semaphore(%arg17 : memref<!tpu.dma_semaphore, #tpu.memory_space<semaphore_mem>>) src(%arg6 : memref<80x128xf32, #tpu.memory_space<vmem>>) dst(%dma_wait3A_105 : memref<80x128xf32, #tpu.memory_space<vmem_shared>>)
    %dma_wait3A_106 = arith.constant 0 : i32
    %dma_wait3A_107 = tpu.memref_slice %arg3[%mul3A_2, %dma_wait3A_106] : memref<4096x80xi32, #tpu.memory_space<hbm>> -> memref<128x80xi32, #tpu.memory_space<hbm>>
    %dma_wait3A_108 = arith.constant 0 : i32
    %dma_wait3A_109 = tpu.memref_slice %arg3[%mul3A_2, %dma_wait3A_108] : memref<4096x80xi32, #tpu.memory_space<hbm>> -> memref<128x80xi32, #tpu.memory_space<hbm>>
    tpu.wait_dma2 semaphore(%arg22 : memref<!tpu.dma_semaphore, #tpu.memory_space<semaphore_mem>>) src(%dma_wait3A_109 : memref<128x80xi32, #tpu.memory_space<hbm>>) dst(%arg5 : memref<128x80xi32, #tpu.memory_space<vmem>>)
    %barrier3A = arith.constant 0 : index
    tpu.barrier barrier_id(%barrier3A)
    %scan3A_110 = arith.constant 0 : i32
    %scan3A_111 = arith.constant 0 : i32
    %scan3A_112 = arith.constant 42 : i32
    %scan3A_113 = arith.addi %scan3A_111, %scan3A_112 : i32
    %scan3A_114 = arith.constant 1 : i32
    scf.for %scan3A_133 = %scan3A_111 to %scan3A_113 step %scan3A_114  : i32 {
      %mul3A_134 = arith.constant 3 : i32
      %mul3A_135 = arith.muli %scan3A_133, %mul3A_134 : i32
      %add3A_136 = arith.constant 0 : i32
      %add3A_137 = arith.addi %mul3A_135, %add3A_136 : i32
      %sub3A = arith.constant 3 : i32
      %sub3A_138 = arith.subi %add3A_137, %sub3A : i32
      %ge3A = arith.constant 0 : i32
      %ge3A_139 = arith.cmpi sge, %sub3A_138, %ge3A : i32
      %lt3A = arith.constant 125 : i32
      %lt3A_140 = arith.cmpi slt, %sub3A_138, %lt3A : i32
      %and3A_141 = arith.andi %ge3A_139, %lt3A_140 : i1
      %convert_element_type3A_142 = arith.extui %and3A_141 : i1 to i32
      %cond3A_143 = arith.constant 0 : i32
      %cond3A_144 = arith.cmpi ne, %convert_element_type3A_142, %cond3A_143 : i32
      scf.if %cond3A_144 {
        %dma_wait3A_259 = arith.constant 0 : i32
        %dma_wait3A_260 = arith.constant 0 : i32
        %dma_wait3A_261 = tpu.memref_slice %arg15[%dma_wait3A_259, %dma_wait3A_260] : memref<10240x128xf32, #tpu.memory_space<vmem_shared>> -> memref<10240x128xf32, #tpu.memory_space<vmem_shared>>
        tpu.wait_indirect_dma semaphore(%arg19 : memref<!tpu.dma_semaphore, #tpu.memory_space<semaphore_mem>>) src(%arg6 : memref<80x128xf32, #tpu.memory_space<vmem>>) dst(%dma_wait3A_261 : memref<10240x128xf32, #tpu.memory_space<vmem_shared>>)
      } else {
      }
      %lt3A_145 = arith.constant 125 : i32
      %lt3A_146 = arith.cmpi slt, %add3A_137, %lt3A_145 : i32
      %convert_element_type3A_147 = arith.extui %lt3A_146 : i1 to i32
      %cond3A_148 = arith.constant 0 : i32
      %cond3A_149 = arith.cmpi ne, %convert_element_type3A_147, %cond3A_148 : i32
      scf.if %cond3A_149 {
        %get3A = arith.index_cast %add3A_137 : i32 to index
        %get3A_259 = arith.constant 0 : index
        %get3A_260 = tpu.vector_load %arg5[%get3A, %get3A_259] {strides = array<i32>} : memref<128x80xi32, #tpu.memory_space<vmem>>, vector<1x16xi32>,
        %get3A_261 = vector.shape_cast %get3A_260 : vector<1x16xi32> to vector<16xi32>
        %and3A_262 = arith.constant 16383 : i32
        %and3A_263 = vector.broadcast %and3A_262 : i32 to vector<16xi32>
        %and3A_264 = arith.andi %get3A_261, %and3A_263 : vector<16xi32>
        %swap3A = arith.constant 0 : index
        %swap3A_265 = tpu.vector_load %arg9[%swap3A] {strides = array<i32>} : memref<80xi32, #tpu.memory_space<vmem>>, vector<16xi32>,
        %swap3A_266 = vector.shape_cast %swap3A_265 : vector<16xi32> to vector<16xi32>
        %swap3A_267 = vector.shape_cast %and3A_264 : vector<16xi32> to vector<16xi32>
        tpu.vector_store %arg9[%swap3A], %swap3A_267 {strides = array<i32>} : memref<80xi32, #tpu.memory_space<vmem>>, vector<16xi32>,
        %shift_right_logical3A = arith.constant 14 : i32
        %shift_right_logical3A_268 = vector.broadcast %shift_right_logical3A : i32 to vector<16xi32>
        %shift_right_logical3A_269 = arith.shrui %get3A_261, %shift_right_logical3A_268 : vector<16xi32>
        %swap3A_270 = arith.constant 0 : index
        %swap3A_271 = tpu.vector_load %arg10[%swap3A_270] {strides = array<i32>} : memref<80xi32, #tpu.memory_space<vmem>>, vector<16xi32>,
        %swap3A_272 = vector.shape_cast %swap3A_271 : vector<16xi32> to vector<16xi32>
        %swap3A_273 = vector.shape_cast %shift_right_logical3A_269 : vector<16xi32> to vector<16xi32>
        tpu.vector_store %arg10[%swap3A_270], %swap3A_273 {strides = array<i32>} : memref<80xi32, #tpu.memory_space<vmem>>, vector<16xi32>,
        %get3A_274 = arith.index_cast %add3A_137 : i32 to index
        %get3A_275 = arith.constant 16 : index
        %get3A_276 = tpu.vector_load %arg5[%get3A_274, %get3A_275] {strides = array<i32>} : memref<128x80xi32, #tpu.memory_space<vmem>>, vector<1x16xi32>,
        %get3A_277 = vector.shape_cast %get3A_276 : vector<1x16xi32> to vector<16xi32>
        %and3A_278 = arith.constant 16383 : i32
        %and3A_279 = vector.broadcast %and3A_278 : i32 to vector<16xi32>
        %and3A_280 = arith.andi %get3A_277, %and3A_279 : vector<16xi32>
        %swap3A_281 = arith.constant 16 : index
        %swap3A_282 = tpu.vector_load %arg9[%swap3A_281] {strides = array<i32>} : memref<80xi32, #tpu.memory_space<vmem>>, vector<16xi32>,
        %swap3A_283 = vector.shape_cast %swap3A_282 : vector<16xi32> to vector<16xi32>
        %swap3A_284 = vector.shape_cast %and3A_280 : vector<16xi32> to vector<16xi32>
        tpu.vector_store %arg9[%swap3A_281], %swap3A_284 {strides = array<i32>} : memref<80xi32, #tpu.memory_space<vmem>>, vector<16xi32>,
        %shift_right_logical3A_285 = arith.constant 14 : i32
        %shift_right_logical3A_286 = vector.broadcast %shift_right_logical3A_285 : i32 to vector<16xi32>
        %shift_right_logical3A_287 = arith.shrui %get3A_277, %shift_right_logical3A_286 : vector<16xi32>
        %swap3A_288 = arith.constant 16 : index
        %swap3A_289 = tpu.vector_load %arg10[%swap3A_288] {strides = array<i32>} : memref<80xi32, #tpu.memory_space<vmem>>, vector<16xi32>,
        %swap3A_290 = vector.shape_cast %swap3A_289 : vector<16xi32> to vector<16xi32>
        %swap3A_291 = vector.shape_cast %shift_right_logical3A_287 : vector<16xi32> to vector<16xi32>
        tpu.vector_store %arg10[%swap3A_288], %swap3A_291 {strides = array<i32>} : memref<80xi32, #tpu.memory_space<vmem>>, vector<16xi32>,
        %get3A_292 = arith.index_cast %add3A_137 : i32 to index
        %get3A_293 = arith.constant 32 : index
        %get3A_294 = tpu.vector_load %arg5[%get3A_292, %get3A_293] {strides = array<i32>} : memref<128x80xi32, #tpu.memory_space<vmem>>, vector<1x16xi32>,
        %get3A_295 = vector.shape_cast %get3A_294 : vector<1x16xi32> to vector<16xi32>
        %and3A_296 = arith.constant 16383 : i32
        %and3A_297 = vector.broadcast %and3A_296 : i32 to vector<16xi32>
        %and3A_298 = arith.andi %get3A_295, %and3A_297 : vector<16xi32>
        %swap3A_299 = arith.constant 32 : index
        %swap3A_300 = tpu.vector_load %arg9[%swap3A_299] {strides = array<i32>} : memref<80xi32, #tpu.memory_space<vmem>>, vector<16xi32>,
        %swap3A_301 = vector.shape_cast %swap3A_300 : vector<16xi32> to vector<16xi32>
        %swap3A_302 = vector.shape_cast %and3A_298 : vector<16xi32> to vector<16xi32>
        tpu.vector_store %arg9[%swap3A_299], %swap3A_302 {strides = array<i32>} : memref<80xi32, #tpu.memory_space<vmem>>, vector<16xi32>,
        %shift_right_logical3A_303 = arith.constant 14 : i32
        %shift_right_logical3A_304 = vector.broadcast %shift_right_logical3A_303 : i32 to vector<16xi32>
        %shift_right_logical3A_305 = arith.shrui %get3A_295, %shift_right_logical3A_304 : vector<16xi32>
        %swap3A_306 = arith.constant 32 : index
        %swap3A_307 = tpu.vector_load %arg10[%swap3A_306] {strides = array<i32>} : memref<80xi32, #tpu.memory_space<vmem>>, vector<16xi32>,
        %swap3A_308 = vector.shape_cast %swap3A_307 : vector<16xi32> to vector<16xi32>
        %swap3A_309 = vector.shape_cast %shift_right_logical3A_305 : vector<16xi32> to vector<16xi32>
        tpu.vector_store %arg10[%swap3A_306], %swap3A_309 {strides = array<i32>} : memref<80xi32, #tpu.memory_space<vmem>>, vector<16xi32>,
        %get3A_310 = arith.index_cast %add3A_137 : i32 to index
        %get3A_311 = arith.constant 48 : index
        %get3A_312 = tpu.vector_load %arg5[%get3A_310, %get3A_311] {strides = array<i32>} : memref<128x80xi32, #tpu.memory_space<vmem>>, vector<1x16xi32>,
        %get3A_313 = vector.shape_cast %get3A_312 : vector<1x16xi32> to vector<16xi32>
        %and3A_314 = arith.constant 16383 : i32
        %and3A_315 = vector.broadcast %and3A_314 : i32 to vector<16xi32>
        %and3A_316 = arith.andi %get3A_313, %and3A_315 : vector<16xi32>
        %swap3A_317 = arith.constant 48 : index
        %swap3A_318 = tpu.vector_load %arg9[%swap3A_317] {strides = array<i32>} : memref<80xi32, #tpu.memory_space<vmem>>, vector<16xi32>,
        %swap3A_319 = vector.shape_cast %swap3A_318 : vector<16xi32> to vector<16xi32>
        %swap3A_320 = vector.shape_cast %and3A_316 : vector<16xi32> to vector<16xi32>
        tpu.vector_store %arg9[%swap3A_317], %swap3A_320 {strides = array<i32>} : memref<80xi32, #tpu.memory_space<vmem>>, vector<16xi32>,
        %shift_right_logical3A_321 = arith.constant 14 : i32
        %shift_right_logical3A_322 = vector.broadcast %shift_right_logical3A_321 : i32 to vector<16xi32>
        %shift_right_logical3A_323 = arith.shrui %get3A_313, %shift_right_logical3A_322 : vector<16xi32>
        %swap3A_324 = arith.constant 48 : index
        %swap3A_325 = tpu.vector_load %arg10[%swap3A_324] {strides = array<i32>} : memref<80xi32, #tpu.memory_space<vmem>>, vector<16xi32>,
        %swap3A_326 = vector.shape_cast %swap3A_325 : vector<16xi32> to vector<16xi32>
        %swap3A_327 = vector.shape_cast %shift_right_logical3A_323 : vector<16xi32> to vector<16xi32>
        tpu.vector_store %arg10[%swap3A_324], %swap3A_327 {strides = array<i32>} : memref<80xi32, #tpu.memory_space<vmem>>, vector<16xi32>,
        %get3A_328 = arith.index_cast %add3A_137 : i32 to index
        %get3A_329 = arith.constant 64 : index
        %get3A_330 = tpu.vector_load %arg5[%get3A_328, %get3A_329] {strides = array<i32>} : memref<128x80xi32, #tpu.memory_space<vmem>>, vector<1x16xi32>,
        %get3A_331 = vector.shape_cast %get3A_330 : vector<1x16xi32> to vector<16xi32>
        %and3A_332 = arith.constant 16383 : i32
        %and3A_333 = vector.broadcast %and3A_332 : i32 to vector<16xi32>
        %and3A_334 = arith.andi %get3A_331, %and3A_333 : vector<16xi32>
        %swap3A_335 = arith.constant 64 : index
        %swap3A_336 = tpu.vector_load %arg9[%swap3A_335] {strides = array<i32>} : memref<80xi32, #tpu.memory_space<vmem>>, vector<16xi32>,
        %swap3A_337 = vector.shape_cast %swap3A_336 : vector<16xi32> to vector<16xi32>
        %swap3A_338 = vector.shape_cast %and3A_334 : vector<16xi32> to vector<16xi32>
        tpu.vector_store %arg9[%swap3A_335], %swap3A_338 {strides = array<i32>} : memref<80xi32, #tpu.memory_space<vmem>>, vector<16xi32>,
        %shift_right_logical3A_339 = arith.constant 14 : i32
        %shift_right_logical3A_340 = vector.broadcast %shift_right_logical3A_339 : i32 to vector<16xi32>
        %shift_right_logical3A_341 = arith.shrui %get3A_331, %shift_right_logical3A_340 : vector<16xi32>
        %swap3A_342 = arith.constant 64 : index
        %swap3A_343 = tpu.vector_load %arg10[%swap3A_342] {strides = array<i32>} : memref<80xi32, #tpu.memory_space<vmem>>, vector<16xi32>,
        %swap3A_344 = vector.shape_cast %swap3A_343 : vector<16xi32> to vector<16xi32>
        %swap3A_345 = vector.shape_cast %shift_right_logical3A_341 : vector<16xi32> to vector<16xi32>
        tpu.vector_store %arg10[%swap3A_342], %swap3A_345 {strides = array<i32>} : memref<80xi32, #tpu.memory_space<vmem>>, vector<16xi32>,
      } else {
      }
      %lt3A_150 = arith.constant 125 : i32
      %lt3A_151 = arith.cmpi slt, %add3A_137, %lt3A_150 : i32
      %convert_element_type3A_152 = arith.extui %lt3A_151 : i1 to i32
      %cond3A_153 = arith.constant 0 : i32
      %cond3A_154 = arith.cmpi ne, %convert_element_type3A_152, %cond3A_153 : i32
      scf.if %cond3A_154 {
        %dma_start3A_259 = arith.constant 0 : i32
        %dma_start3A_260 = arith.constant 0 : i32
        %dma_start3A_261 = tpu.memref_slice %arg2[%dma_start3A_259, %dma_start3A_260] : memref<10000x128xf32, #tpu.memory_space<hbm>> -> memref<10000x128xf32, #tpu.memory_space<hbm>>
        tpu.enqueue_indirect_dma source(%dma_start3A_261 : memref<10000x128xf32, #tpu.memory_space<hbm>>) target(%arg6 : memref<80x128xf32, #tpu.memory_space<vmem>>) offsets(%arg9 : memref<80xi32, #tpu.memory_space<vmem>>) semaphore(%arg16 : memref<!tpu.dma_semaphore, #tpu.memory_space<semaphore_mem>>)
      } else {
      }
      %sub3A_155 = arith.constant 1 : i32
      %sub3A_156 = arith.subi %add3A_137, %sub3A_155 : i32
      %ge3A_157 = arith.constant 0 : i32
      %ge3A_158 = arith.cmpi sge, %sub3A_156, %ge3A_157 : i32
      %lt3A_159 = arith.constant 125 : i32
      %lt3A_160 = arith.cmpi slt, %sub3A_156, %lt3A_159 : i32
      %and3A_161 = arith.andi %ge3A_158, %lt3A_160 : i1
      %convert_element_type3A_162 = arith.extui %and3A_161 : i1 to i32
      %cond3A_163 = arith.constant 0 : i32
      %cond3A_164 = arith.cmpi ne, %convert_element_type3A_162, %cond3A_163 : i32
      scf.if %cond3A_164 {
        %dma_wait3A_259 = arith.constant 0 : i32
        %dma_wait3A_260 = arith.constant 0 : i32
        %dma_wait3A_261 = tpu.memref_slice %arg2[%dma_wait3A_259, %dma_wait3A_260] : memref<10000x128xf32, #tpu.memory_space<hbm>> -> memref<10000x128xf32, #tpu.memory_space<hbm>>
        tpu.wait_indirect_dma semaphore(%arg18 : memref<!tpu.dma_semaphore, #tpu.memory_space<semaphore_mem>>) src(%dma_wait3A_261 : memref<10000x128xf32, #tpu.memory_space<hbm>>) dst(%arg8 : memref<80x128xf32, #tpu.memory_space<vmem>>)
      } else {
      }
      %sub3A_165 = arith.constant 1 : i32
      %sub3A_166 = arith.subi %add3A_137, %sub3A_165 : i32
      %ge3A_167 = arith.constant 0 : i32
      %ge3A_168 = arith.cmpi sge, %sub3A_166, %ge3A_167 : i32
      %lt3A_169 = arith.constant 125 : i32
      %lt3A_170 = arith.cmpi slt, %sub3A_166, %lt3A_169 : i32
      %and3A_171 = arith.andi %ge3A_168, %lt3A_170 : i1
      %convert_element_type3A_172 = arith.extui %and3A_171 : i1 to i32
      %cond3A_173 = arith.constant 0 : i32
      %cond3A_174 = arith.cmpi ne, %convert_element_type3A_172, %cond3A_173 : i32
      scf.if %cond3A_174 {
        %dma_start3A_259 = arith.constant 0 : i32
        %dma_start3A_260 = arith.constant 0 : i32
        %dma_start3A_261 = tpu.memref_slice %arg15[%dma_start3A_259, %dma_start3A_260] : memref<10240x128xf32, #tpu.memory_space<vmem_shared>> -> memref<10240x128xf32, #tpu.memory_space<vmem_shared>>
        tpu.enqueue_indirect_dma source(%arg8 : memref<80x128xf32, #tpu.memory_space<vmem>>) target(%dma_start3A_261 : memref<10240x128xf32, #tpu.memory_space<vmem_shared>>) offsets(%arg14 : memref<80xi32, #tpu.memory_space<vmem>>) semaphore(%arg21 : memref<!tpu.dma_semaphore, #tpu.memory_space<semaphore_mem>>) {add = true}
      } else {
      }
      %add3A_175 = arith.constant 1 : i32
      %add3A_176 = arith.addi %mul3A_135, %add3A_175 : i32
      %sub3A_177 = arith.constant 3 : i32
      %sub3A_178 = arith.subi %add3A_176, %sub3A_177 : i32
      %ge3A_179 = arith.constant 0 : i32
      %ge3A_180 = arith.cmpi sge, %sub3A_178, %ge3A_179 : i32
      %lt3A_181 = arith.constant 125 : i32
      %lt3A_182 = arith.cmpi slt, %sub3A_178, %lt3A_181 : i32
      %and3A_183 = arith.andi %ge3A_180, %lt3A_182 : i1
      %convert_element_type3A_184 = arith.extui %and3A_183 : i1 to i32
      %cond3A_185 = arith.constant 0 : i32
      %cond3A_186 = arith.cmpi ne, %convert_element_type3A_184, %cond3A_185 : i32
      scf.if %cond3A_186 {
        %dma_wait3A_259 = arith.constant 0 : i32
        %dma_wait3A_260 = arith.constant 0 : i32
        %dma_wait3A_261 = tpu.memref_slice %arg15[%dma_wait3A_259, %dma_wait3A_260] : memref<10240x128xf32, #tpu.memory_space<vmem_shared>> -> memref<10240x128xf32, #tpu.memory_space<vmem_shared>>
        tpu.wait_indirect_dma semaphore(%arg20 : memref<!tpu.dma_semaphore, #tpu.memory_space<semaphore_mem>>) src(%arg7 : memref<80x128xf32, #tpu.memory_space<vmem>>) dst(%dma_wait3A_261 : memref<10240x128xf32, #tpu.memory_space<vmem_shared>>)
      } else {
      }
      %lt3A_187 = arith.constant 125 : i32
      %lt3A_188 = arith.cmpi slt, %add3A_176, %lt3A_187 : i32
      %convert_element_type3A_189 = arith.extui %lt3A_188 : i1 to i32
      %cond3A_190 = arith.constant 0 : i32
      %cond3A_191 = arith.cmpi ne, %convert_element_type3A_189, %cond3A_190 : i32
      scf.if %cond3A_191 {
        %get3A = arith.index_cast %add3A_176 : i32 to index
        %get3A_259 = arith.constant 0 : index
        %get3A_260 = tpu.vector_load %arg5[%get3A, %get3A_259] {strides = array<i32>} : memref<128x80xi32, #tpu.memory_space<vmem>>, vector<1x16xi32>,
        %get3A_261 = vector.shape_cast %get3A_260 : vector<1x16xi32> to vector<16xi32>
        %and3A_262 = arith.constant 16383 : i32
        %and3A_263 = vector.broadcast %and3A_262 : i32 to vector<16xi32>
        %and3A_264 = arith.andi %get3A_261, %and3A_263 : vector<16xi32>
        %swap3A = arith.constant 0 : index
        %swap3A_265 = tpu.vector_load %arg11[%swap3A] {strides = array<i32>} : memref<80xi32, #tpu.memory_space<vmem>>, vector<16xi32>,
        %swap3A_266 = vector.shape_cast %swap3A_265 : vector<16xi32> to vector<16xi32>
        %swap3A_267 = vector.shape_cast %and3A_264 : vector<16xi32> to vector<16xi32>
        tpu.vector_store %arg11[%swap3A], %swap3A_267 {strides = array<i32>} : memref<80xi32, #tpu.memory_space<vmem>>, vector<16xi32>,
        %shift_right_logical3A = arith.constant 14 : i32
        %shift_right_logical3A_268 = vector.broadcast %shift_right_logical3A : i32 to vector<16xi32>
        %shift_right_logical3A_269 = arith.shrui %get3A_261, %shift_right_logical3A_268 : vector<16xi32>
        %swap3A_270 = arith.constant 0 : index
        %swap3A_271 = tpu.vector_load %arg12[%swap3A_270] {strides = array<i32>} : memref<80xi32, #tpu.memory_space<vmem>>, vector<16xi32>,
        %swap3A_272 = vector.shape_cast %swap3A_271 : vector<16xi32> to vector<16xi32>
        %swap3A_273 = vector.shape_cast %shift_right_logical3A_269 : vector<16xi32> to vector<16xi32>
        tpu.vector_store %arg12[%swap3A_270], %swap3A_273 {strides = array<i32>} : memref<80xi32, #tpu.memory_space<vmem>>, vector<16xi32>,
        %get3A_274 = arith.index_cast %add3A_176 : i32 to index
        %get3A_275 = arith.constant 16 : index
        %get3A_276 = tpu.vector_load %arg5[%get3A_274, %get3A_275] {strides = array<i32>} : memref<128x80xi32, #tpu.memory_space<vmem>>, vector<1x16xi32>,
        %get3A_277 = vector.shape_cast %get3A_276 : vector<1x16xi32> to vector<16xi32>
        %and3A_278 = arith.constant 16383 : i32
        %and3A_279 = vector.broadcast %and3A_278 : i32 to vector<16xi32>
        %and3A_280 = arith.andi %get3A_277, %and3A_279 : vector<16xi32>
        %swap3A_281 = arith.constant 16 : index
        %swap3A_282 = tpu.vector_load %arg11[%swap3A_281] {strides = array<i32>} : memref<80xi32, #tpu.memory_space<vmem>>, vector<16xi32>,
        %swap3A_283 = vector.shape_cast %swap3A_282 : vector<16xi32> to vector<16xi32>
        %swap3A_284 = vector.shape_cast %and3A_280 : vector<16xi32> to vector<16xi32>
        tpu.vector_store %arg11[%swap3A_281], %swap3A_284 {strides = array<i32>} : memref<80xi32, #tpu.memory_space<vmem>>, vector<16xi32>,
        %shift_right_logical3A_285 = arith.constant 14 : i32
        %shift_right_logical3A_286 = vector.broadcast %shift_right_logical3A_285 : i32 to vector<16xi32>
        %shift_right_logical3A_287 = arith.shrui %get3A_277, %shift_right_logical3A_286 : vector<16xi32>
        %swap3A_288 = arith.constant 16 : index
        %swap3A_289 = tpu.vector_load %arg12[%swap3A_288] {strides = array<i32>} : memref<80xi32, #tpu.memory_space<vmem>>, vector<16xi32>,
        %swap3A_290 = vector.shape_cast %swap3A_289 : vector<16xi32> to vector<16xi32>
        %swap3A_291 = vector.shape_cast %shift_right_logical3A_287 : vector<16xi32> to vector<16xi32>
        tpu.vector_store %arg12[%swap3A_288], %swap3A_291 {strides = array<i32>} : memref<80xi32, #tpu.memory_space<vmem>>, vector<16xi32>,
        %get3A_292 = arith.index_cast %add3A_176 : i32 to index
        %get3A_293 = arith.constant 32 : index
        %get3A_294 = tpu.vector_load %arg5[%get3A_292, %get3A_293] {strides = array<i32>} : memref<128x80xi32, #tpu.memory_space<vmem>>, vector<1x16xi32>,
        %get3A_295 = vector.shape_cast %get3A_294 : vector<1x16xi32> to vector<16xi32>
        %and3A_296 = arith.constant 16383 : i32
        %and3A_297 = vector.broadcast %and3A_296 : i32 to vector<16xi32>
        %and3A_298 = arith.andi %get3A_295, %and3A_297 : vector<16xi32>
        %swap3A_299 = arith.constant 32 : index
        %swap3A_300 = tpu.vector_load %arg11[%swap3A_299] {strides = array<i32>} : memref<80xi32, #tpu.memory_space<vmem>>, vector<16xi32>,
        %swap3A_301 = vector.shape_cast %swap3A_300 : vector<16xi32> to vector<16xi32>
        %swap3A_302 = vector.shape_cast %and3A_298 : vector<16xi32> to vector<16xi32>
        tpu.vector_store %arg11[%swap3A_299], %swap3A_302 {strides = array<i32>} : memref<80xi32, #tpu.memory_space<vmem>>, vector<16xi32>,
        %shift_right_logical3A_303 = arith.constant 14 : i32
        %shift_right_logical3A_304 = vector.broadcast %shift_right_logical3A_303 : i32 to vector<16xi32>
        %shift_right_logical3A_305 = arith.shrui %get3A_295, %shift_right_logical3A_304 : vector<16xi32>
        %swap3A_306 = arith.constant 32 : index
        %swap3A_307 = tpu.vector_load %arg12[%swap3A_306] {strides = array<i32>} : memref<80xi32, #tpu.memory_space<vmem>>, vector<16xi32>,
        %swap3A_308 = vector.shape_cast %swap3A_307 : vector<16xi32> to vector<16xi32>
        %swap3A_309 = vector.shape_cast %shift_right_logical3A_305 : vector<16xi32> to vector<16xi32>
        tpu.vector_store %arg12[%swap3A_306], %swap3A_309 {strides = array<i32>} : memref<80xi32, #tpu.memory_space<vmem>>, vector<16xi32>,
        %get3A_310 = arith.index_cast %add3A_176 : i32 to index
        %get3A_311 = arith.constant 48 : index
        %get3A_312 = tpu.vector_load %arg5[%get3A_310, %get3A_311] {strides = array<i32>} : memref<128x80xi32, #tpu.memory_space<vmem>>, vector<1x16xi32>,
        %get3A_313 = vector.shape_cast %get3A_312 : vector<1x16xi32> to vector<16xi32>
        %and3A_314 = arith.constant 16383 : i32
        %and3A_315 = vector.broadcast %and3A_314 : i32 to vector<16xi32>
        %and3A_316 = arith.andi %get3A_313, %and3A_315 : vector<16xi32>
        %swap3A_317 = arith.constant 48 : index
        %swap3A_318 = tpu.vector_load %arg11[%swap3A_317] {strides = array<i32>} : memref<80xi32, #tpu.memory_space<vmem>>, vector<16xi32>,
        %swap3A_319 = vector.shape_cast %swap3A_318 : vector<16xi32> to vector<16xi32>
        %swap3A_320 = vector.shape_cast %and3A_316 : vector<16xi32> to vector<16xi32>
        tpu.vector_store %arg11[%swap3A_317], %swap3A_320 {strides = array<i32>} : memref<80xi32, #tpu.memory_space<vmem>>, vector<16xi32>,
        %shift_right_logical3A_321 = arith.constant 14 : i32
        %shift_right_logical3A_322 = vector.broadcast %shift_right_logical3A_321 : i32 to vector<16xi32>
        %shift_right_logical3A_323 = arith.shrui %get3A_313, %shift_right_logical3A_322 : vector<16xi32>
        %swap3A_324 = arith.constant 48 : index
        %swap3A_325 = tpu.vector_load %arg12[%swap3A_324] {strides = array<i32>} : memref<80xi32, #tpu.memory_space<vmem>>, vector<16xi32>,
        %swap3A_326 = vector.shape_cast %swap3A_325 : vector<16xi32> to vector<16xi32>
        %swap3A_327 = vector.shape_cast %shift_right_logical3A_323 : vector<16xi32> to vector<16xi32>
        tpu.vector_store %arg12[%swap3A_324], %swap3A_327 {strides = array<i32>} : memref<80xi32, #tpu.memory_space<vmem>>, vector<16xi32>,
        %get3A_328 = arith.index_cast %add3A_176 : i32 to index
        %get3A_329 = arith.constant 64 : index
        %get3A_330 = tpu.vector_load %arg5[%get3A_328, %get3A_329] {strides = array<i32>} : memref<128x80xi32, #tpu.memory_space<vmem>>, vector<1x16xi32>,
        %get3A_331 = vector.shape_cast %get3A_330 : vector<1x16xi32> to vector<16xi32>
        %and3A_332 = arith.constant 16383 : i32
        %and3A_333 = vector.broadcast %and3A_332 : i32 to vector<16xi32>
        %and3A_334 = arith.andi %get3A_331, %and3A_333 : vector<16xi32>
        %swap3A_335 = arith.constant 64 : index
        %swap3A_336 = tpu.vector_load %arg11[%swap3A_335] {strides = array<i32>} : memref<80xi32, #tpu.memory_space<vmem>>, vector<16xi32>,
        %swap3A_337 = vector.shape_cast %swap3A_336 : vector<16xi32> to vector<16xi32>
        %swap3A_338 = vector.shape_cast %and3A_334 : vector<16xi32> to vector<16xi32>
        tpu.vector_store %arg11[%swap3A_335], %swap3A_338 {strides = array<i32>} : memref<80xi32, #tpu.memory_space<vmem>>, vector<16xi32>,
        %shift_right_logical3A_339 = arith.constant 14 : i32
        %shift_right_logical3A_340 = vector.broadcast %shift_right_logical3A_339 : i32 to vector<16xi32>
        %shift_right_logical3A_341 = arith.shrui %get3A_331, %shift_right_logical3A_340 : vector<16xi32>
        %swap3A_342 = arith.constant 64 : index
        %swap3A_343 = tpu.vector_load %arg12[%swap3A_342] {strides = array<i32>} : memref<80xi32, #tpu.memory_space<vmem>>, vector<16xi32>,
        %swap3A_344 = vector.shape_cast %swap3A_343 : vector<16xi32> to vector<16xi32>
        %swap3A_345 = vector.shape_cast %shift_right_logical3A_341 : vector<16xi32> to vector<16xi32>
        tpu.vector_store %arg12[%swap3A_342], %swap3A_345 {strides = array<i32>} : memref<80xi32, #tpu.memory_space<vmem>>, vector<16xi32>,
      } else {
      }
      %lt3A_192 = arith.constant 125 : i32
      %lt3A_193 = arith.cmpi slt, %add3A_176, %lt3A_192 : i32
      %convert_element_type3A_194 = arith.extui %lt3A_193 : i1 to i32
      %cond3A_195 = arith.constant 0 : i32
      %cond3A_196 = arith.cmpi ne, %convert_element_type3A_194, %cond3A_195 : i32
      scf.if %cond3A_196 {
        %dma_start3A_259 = arith.constant 0 : i32
        %dma_start3A_260 = arith.constant 0 : i32
        %dma_start3A_261 = tpu.memref_slice %arg2[%dma_start3A_259, %dma_start3A_260] : memref<10000x128xf32, #tpu.memory_space<hbm>> -> memref<10000x128xf32, #tpu.memory_space<hbm>>
        tpu.enqueue_indirect_dma source(%dma_start3A_261 : memref<10000x128xf32, #tpu.memory_space<hbm>>) target(%arg7 : memref<80x128xf32, #tpu.memory_space<vmem>>) offsets(%arg11 : memref<80xi32, #tpu.memory_space<vmem>>) semaphore(%arg17 : memref<!tpu.dma_semaphore, #tpu.memory_space<semaphore_mem>>)
      } else {
      }
      %sub3A_197 = arith.constant 1 : i32
      %sub3A_198 = arith.subi %add3A_176, %sub3A_197 : i32
      %ge3A_199 = arith.constant 0 : i32
      %ge3A_200 = arith.cmpi sge, %sub3A_198, %ge3A_199 : i32
      %lt3A_201 = arith.constant 125 : i32
      %lt3A_202 = arith.cmpi slt, %sub3A_198, %lt3A_201 : i32
      %and3A_203 = arith.andi %ge3A_200, %lt3A_202 : i1
      %convert_element_type3A_204 = arith.extui %and3A_203 : i1 to i32
      %cond3A_205 = arith.constant 0 : i32
      %cond3A_206 = arith.cmpi ne, %convert_element_type3A_204, %cond3A_205 : i32
      scf.if %cond3A_206 {
        %dma_wait3A_259 = arith.constant 0 : i32
        %dma_wait3A_260 = arith.constant 0 : i32
        %dma_wait3A_261 = tpu.memref_slice %arg2[%dma_wait3A_259, %dma_wait3A_260] : memref<10000x128xf32, #tpu.memory_space<hbm>> -> memref<10000x128xf32, #tpu.memory_space<hbm>>
        tpu.wait_indirect_dma semaphore(%arg16 : memref<!tpu.dma_semaphore, #tpu.memory_space<semaphore_mem>>) src(%dma_wait3A_261 : memref<10000x128xf32, #tpu.memory_space<hbm>>) dst(%arg6 : memref<80x128xf32, #tpu.memory_space<vmem>>)
      } else {
      }
      %sub3A_207 = arith.constant 1 : i32
      %sub3A_208 = arith.subi %add3A_176, %sub3A_207 : i32
      %ge3A_209 = arith.constant 0 : i32
      %ge3A_210 = arith.cmpi sge, %sub3A_208, %ge3A_209 : i32
      %lt3A_211 = arith.constant 125 : i32
      %lt3A_212 = arith.cmpi slt, %sub3A_208, %lt3A_211 : i32
      %and3A_213 = arith.andi %ge3A_210, %lt3A_212 : i1
      %convert_element_type3A_214 = arith.extui %and3A_213 : i1 to i32
      %cond3A_215 = arith.constant 0 : i32
      %cond3A_216 = arith.cmpi ne, %convert_element_type3A_214, %cond3A_215 : i32
      scf.if %cond3A_216 {
        %dma_start3A_259 = arith.constant 0 : i32
        %dma_start3A_260 = arith.constant 0 : i32
        %dma_start3A_261 = tpu.memref_slice %arg15[%dma_start3A_259, %dma_start3A_260] : memref<10240x128xf32, #tpu.memory_space<vmem_shared>> -> memref<10240x128xf32, #tpu.memory_space<vmem_shared>>
        tpu.enqueue_indirect_dma source(%arg6 : memref<80x128xf32, #tpu.memory_space<vmem>>) target(%dma_start3A_261 : memref<10240x128xf32, #tpu.memory_space<vmem_shared>>) offsets(%arg10 : memref<80xi32, #tpu.memory_space<vmem>>) semaphore(%arg19 : memref<!tpu.dma_semaphore, #tpu.memory_space<semaphore_mem>>) {add = true}
      } else {
      }
      %add3A_217 = arith.constant 2 : i32
      %add3A_218 = arith.addi %mul3A_135, %add3A_217 : i32
      %sub3A_219 = arith.constant 3 : i32
      %sub3A_220 = arith.subi %add3A_218, %sub3A_219 : i32
      %ge3A_221 = arith.constant 0 : i32
      %ge3A_222 = arith.cmpi sge, %sub3A_220, %ge3A_221 : i32
      %lt3A_223 = arith.constant 125 : i32
      %lt3A_224 = arith.cmpi slt, %sub3A_220, %lt3A_223 : i32
      %and3A_225 = arith.andi %ge3A_222, %lt3A_224 : i1
      %convert_element_type3A_226 = arith.extui %and3A_225 : i1 to i32
      %cond3A_227 = arith.constant 0 : i32
      %cond3A_228 = arith.cmpi ne, %convert_element_type3A_226, %cond3A_227 : i32
      scf.if %cond3A_228 {
        %dma_wait3A_259 = arith.constant 0 : i32
        %dma_wait3A_260 = arith.constant 0 : i32
        %dma_wait3A_261 = tpu.memref_slice %arg15[%dma_wait3A_259, %dma_wait3A_260] : memref<10240x128xf32, #tpu.memory_space<vmem_shared>> -> memref<10240x128xf32, #tpu.memory_space<vmem_shared>>
        tpu.wait_indirect_dma semaphore(%arg21 : memref<!tpu.dma_semaphore, #tpu.memory_space<semaphore_mem>>) src(%arg8 : memref<80x128xf32, #tpu.memory_space<vmem>>) dst(%dma_wait3A_261 : memref<10240x128xf32, #tpu.memory_space<vmem_shared>>)
      } else {
      }
      %lt3A_229 = arith.constant 125 : i32
      %lt3A_230 = arith.cmpi slt, %add3A_218, %lt3A_229 : i32
      %convert_element_type3A_231 = arith.extui %lt3A_230 : i1 to i32
      %cond3A_232 = arith.constant 0 : i32
      %cond3A_233 = arith.cmpi ne, %convert_element_type3A_231, %cond3A_232 : i32
      scf.if %cond3A_233 {
        %get3A = arith.index_cast %add3A_218 : i32 to index
        %get3A_259 = arith.constant 0 : index
        %get3A_260 = tpu.vector_load %arg5[%get3A, %get3A_259] {strides = array<i32>} : memref<128x80xi32, #tpu.memory_space<vmem>>, vector<1x16xi32>,
        %get3A_261 = vector.shape_cast %get3A_260 : vector<1x16xi32> to vector<16xi32>
        %and3A_262 = arith.constant 16383 : i32
        %and3A_263 = vector.broadcast %and3A_262 : i32 to vector<16xi32>
        %and3A_264 = arith.andi %get3A_261, %and3A_263 : vector<16xi32>
        %swap3A = arith.constant 0 : index
        %swap3A_265 = tpu.vector_load %arg13[%swap3A] {strides = array<i32>} : memref<80xi32, #tpu.memory_space<vmem>>, vector<16xi32>,
        %swap3A_266 = vector.shape_cast %swap3A_265 : vector<16xi32> to vector<16xi32>
        %swap3A_267 = vector.shape_cast %and3A_264 : vector<16xi32> to vector<16xi32>
        tpu.vector_store %arg13[%swap3A], %swap3A_267 {strides = array<i32>} : memref<80xi32, #tpu.memory_space<vmem>>, vector<16xi32>,
        %shift_right_logical3A = arith.constant 14 : i32
        %shift_right_logical3A_268 = vector.broadcast %shift_right_logical3A : i32 to vector<16xi32>
        %shift_right_logical3A_269 = arith.shrui %get3A_261, %shift_right_logical3A_268 : vector<16xi32>
        %swap3A_270 = arith.constant 0 : index
        %swap3A_271 = tpu.vector_load %arg14[%swap3A_270] {strides = array<i32>} : memref<80xi32, #tpu.memory_space<vmem>>, vector<16xi32>,
        %swap3A_272 = vector.shape_cast %swap3A_271 : vector<16xi32> to vector<16xi32>
        %swap3A_273 = vector.shape_cast %shift_right_logical3A_269 : vector<16xi32> to vector<16xi32>
        tpu.vector_store %arg14[%swap3A_270], %swap3A_273 {strides = array<i32>} : memref<80xi32, #tpu.memory_space<vmem>>, vector<16xi32>,
        %get3A_274 = arith.index_cast %add3A_218 : i32 to index
        %get3A_275 = arith.constant 16 : index
        %get3A_276 = tpu.vector_load %arg5[%get3A_274, %get3A_275] {strides = array<i32>} : memref<128x80xi32, #tpu.memory_space<vmem>>, vector<1x16xi32>,
        %get3A_277 = vector.shape_cast %get3A_276 : vector<1x16xi32> to vector<16xi32>
        %and3A_278 = arith.constant 16383 : i32
        %and3A_279 = vector.broadcast %and3A_278 : i32 to vector<16xi32>
        %and3A_280 = arith.andi %get3A_277, %and3A_279 : vector<16xi32>
        %swap3A_281 = arith.constant 16 : index
        %swap3A_282 = tpu.vector_load %arg13[%swap3A_281] {strides = array<i32>} : memref<80xi32, #tpu.memory_space<vmem>>, vector<16xi32>,
        %swap3A_283 = vector.shape_cast %swap3A_282 : vector<16xi32> to vector<16xi32>
        %swap3A_284 = vector.shape_cast %and3A_280 : vector<16xi32> to vector<16xi32>
        tpu.vector_store %arg13[%swap3A_281], %swap3A_284 {strides = array<i32>} : memref<80xi32, #tpu.memory_space<vmem>>, vector<16xi32>,
        %shift_right_logical3A_285 = arith.constant 14 : i32
        %shift_right_logical3A_286 = vector.broadcast %shift_right_logical3A_285 : i32 to vector<16xi32>
        %shift_right_logical3A_287 = arith.shrui %get3A_277, %shift_right_logical3A_286 : vector<16xi32>
        %swap3A_288 = arith.constant 16 : index
        %swap3A_289 = tpu.vector_load %arg14[%swap3A_288] {strides = array<i32>} : memref<80xi32, #tpu.memory_space<vmem>>, vector<16xi32>,
        %swap3A_290 = vector.shape_cast %swap3A_289 : vector<16xi32> to vector<16xi32>
        %swap3A_291 = vector.shape_cast %shift_right_logical3A_287 : vector<16xi32> to vector<16xi32>
        tpu.vector_store %arg14[%swap3A_288], %swap3A_291 {strides = array<i32>} : memref<80xi32, #tpu.memory_space<vmem>>, vector<16xi32>,
        %get3A_292 = arith.index_cast %add3A_218 : i32 to index
        %get3A_293 = arith.constant 32 : index
        %get3A_294 = tpu.vector_load %arg5[%get3A_292, %get3A_293] {strides = array<i32>} : memref<128x80xi32, #tpu.memory_space<vmem>>, vector<1x16xi32>,
        %get3A_295 = vector.shape_cast %get3A_294 : vector<1x16xi32> to vector<16xi32>
        %and3A_296 = arith.constant 16383 : i32
        %and3A_297 = vector.broadcast %and3A_296 : i32 to vector<16xi32>
        %and3A_298 = arith.andi %get3A_295, %and3A_297 : vector<16xi32>
        %swap3A_299 = arith.constant 32 : index
        %swap3A_300 = tpu.vector_load %arg13[%swap3A_299] {strides = array<i32>} : memref<80xi32, #tpu.memory_space<vmem>>, vector<16xi32>,
        %swap3A_301 = vector.shape_cast %swap3A_300 : vector<16xi32> to vector<16xi32>
        %swap3A_302 = vector.shape_cast %and3A_298 : vector<16xi32> to vector<16xi32>
        tpu.vector_store %arg13[%swap3A_299], %swap3A_302 {strides = array<i32>} : memref<80xi32, #tpu.memory_space<vmem>>, vector<16xi32>,
        %shift_right_logical3A_303 = arith.constant 14 : i32
        %shift_right_logical3A_304 = vector.broadcast %shift_right_logical3A_303 : i32 to vector<16xi32>
        %shift_right_logical3A_305 = arith.shrui %get3A_295, %shift_right_logical3A_304 : vector<16xi32>
        %swap3A_306 = arith.constant 32 : index
        %swap3A_307 = tpu.vector_load %arg14[%swap3A_306] {strides = array<i32>} : memref<80xi32, #tpu.memory_space<vmem>>, vector<16xi32>,
        %swap3A_308 = vector.shape_cast %swap3A_307 : vector<16xi32> to vector<16xi32>
        %swap3A_309 = vector.shape_cast %shift_right_logical3A_305 : vector<16xi32> to vector<16xi32>
        tpu.vector_store %arg14[%swap3A_306], %swap3A_309 {strides = array<i32>} : memref<80xi32, #tpu.memory_space<vmem>>, vector<16xi32>,
        %get3A_310 = arith.index_cast %add3A_218 : i32 to index
        %get3A_311 = arith.constant 48 : index
        %get3A_312 = tpu.vector_load %arg5[%get3A_310, %get3A_311] {strides = array<i32>} : memref<128x80xi32, #tpu.memory_space<vmem>>, vector<1x16xi32>,
        %get3A_313 = vector.shape_cast %get3A_312 : vector<1x16xi32> to vector<16xi32>
        %and3A_314 = arith.constant 16383 : i32
        %and3A_315 = vector.broadcast %and3A_314 : i32 to vector<16xi32>
        %and3A_316 = arith.andi %get3A_313, %and3A_315 : vector<16xi32>
        %swap3A_317 = arith.constant 48 : index
        %swap3A_318 = tpu.vector_load %arg13[%swap3A_317] {strides = array<i32>} : memref<80xi32, #tpu.memory_space<vmem>>, vector<16xi32>,
        %swap3A_319 = vector.shape_cast %swap3A_318 : vector<16xi32> to vector<16xi32>
        %swap3A_320 = vector.shape_cast %and3A_316 : vector<16xi32> to vector<16xi32>
        tpu.vector_store %arg13[%swap3A_317], %swap3A_320 {strides = array<i32>} : memref<80xi32, #tpu.memory_space<vmem>>, vector<16xi32>,
        %shift_right_logical3A_321 = arith.constant 14 : i32
        %shift_right_logical3A_322 = vector.broadcast %shift_right_logical3A_321 : i32 to vector<16xi32>
        %shift_right_logical3A_323 = arith.shrui %get3A_313, %shift_right_logical3A_322 : vector<16xi32>
        %swap3A_324 = arith.constant 48 : index
        %swap3A_325 = tpu.vector_load %arg14[%swap3A_324] {strides = array<i32>} : memref<80xi32, #tpu.memory_space<vmem>>, vector<16xi32>,
        %swap3A_326 = vector.shape_cast %swap3A_325 : vector<16xi32> to vector<16xi32>
        %swap3A_327 = vector.shape_cast %shift_right_logical3A_323 : vector<16xi32> to vector<16xi32>
        tpu.vector_store %arg14[%swap3A_324], %swap3A_327 {strides = array<i32>} : memref<80xi32, #tpu.memory_space<vmem>>, vector<16xi32>,
        %get3A_328 = arith.index_cast %add3A_218 : i32 to index
        %get3A_329 = arith.constant 64 : index
        %get3A_330 = tpu.vector_load %arg5[%get3A_328, %get3A_329] {strides = array<i32>} : memref<128x80xi32, #tpu.memory_space<vmem>>, vector<1x16xi32>,
        %get3A_331 = vector.shape_cast %get3A_330 : vector<1x16xi32> to vector<16xi32>
        %and3A_332 = arith.constant 16383 : i32
        %and3A_333 = vector.broadcast %and3A_332 : i32 to vector<16xi32>
        %and3A_334 = arith.andi %get3A_331, %and3A_333 : vector<16xi32>
        %swap3A_335 = arith.constant 64 : index
        %swap3A_336 = tpu.vector_load %arg13[%swap3A_335] {strides = array<i32>} : memref<80xi32, #tpu.memory_space<vmem>>, vector<16xi32>,
        %swap3A_337 = vector.shape_cast %swap3A_336 : vector<16xi32> to vector<16xi32>
        %swap3A_338 = vector.shape_cast %and3A_334 : vector<16xi32> to vector<16xi32>
        tpu.vector_store %arg13[%swap3A_335], %swap3A_338 {strides = array<i32>} : memref<80xi32, #tpu.memory_space<vmem>>, vector<16xi32>,
        %shift_right_logical3A_339 = arith.constant 14 : i32
        %shift_right_logical3A_340 = vector.broadcast %shift_right_logical3A_339 : i32 to vector<16xi32>
        %shift_right_logical3A_341 = arith.shrui %get3A_331, %shift_right_logical3A_340 : vector<16xi32>
        %swap3A_342 = arith.constant 64 : index
        %swap3A_343 = tpu.vector_load %arg14[%swap3A_342] {strides = array<i32>} : memref<80xi32, #tpu.memory_space<vmem>>, vector<16xi32>,
        %swap3A_344 = vector.shape_cast %swap3A_343 : vector<16xi32> to vector<16xi32>
        %swap3A_345 = vector.shape_cast %shift_right_logical3A_341 : vector<16xi32> to vector<16xi32>
        tpu.vector_store %arg14[%swap3A_342], %swap3A_345 {strides = array<i32>} : memref<80xi32, #tpu.memory_space<vmem>>, vector<16xi32>,
      } else {
      }
      %lt3A_234 = arith.constant 125 : i32
      %lt3A_235 = arith.cmpi slt, %add3A_218, %lt3A_234 : i32
      %convert_element_type3A_236 = arith.extui %lt3A_235 : i1 to i32
      %cond3A_237 = arith.constant 0 : i32
      %cond3A_238 = arith.cmpi ne, %convert_element_type3A_236, %cond3A_237 : i32
      scf.if %cond3A_238 {
        %dma_start3A_259 = arith.constant 0 : i32
        %dma_start3A_260 = arith.constant 0 : i32
        %dma_start3A_261 = tpu.memref_slice %arg2[%dma_start3A_259, %dma_start3A_260] : memref<10000x128xf32, #tpu.memory_space<hbm>> -> memref<10000x128xf32, #tpu.memory_space<hbm>>
        tpu.enqueue_indirect_dma source(%dma_start3A_261 : memref<10000x128xf32, #tpu.memory_space<hbm>>) target(%arg8 : memref<80x128xf32, #tpu.memory_space<vmem>>) offsets(%arg13 : memref<80xi32, #tpu.memory_space<vmem>>) semaphore(%arg18 : memref<!tpu.dma_semaphore, #tpu.memory_space<semaphore_mem>>)
      } else {
      }
      %sub3A_239 = arith.constant 1 : i32
      %sub3A_240 = arith.subi %add3A_218, %sub3A_239 : i32
      %ge3A_241 = arith.constant 0 : i32
      %ge3A_242 = arith.cmpi sge, %sub3A_240, %ge3A_241 : i32
      %lt3A_243 = arith.constant 125 : i32
      %lt3A_244 = arith.cmpi slt, %sub3A_240, %lt3A_243 : i32
      %and3A_245 = arith.andi %ge3A_242, %lt3A_244 : i1
      %convert_element_type3A_246 = arith.extui %and3A_245 : i1 to i32
      %cond3A_247 = arith.constant 0 : i32
      %cond3A_248 = arith.cmpi ne, %convert_element_type3A_246, %cond3A_247 : i32
      scf.if %cond3A_248 {
        %dma_wait3A_259 = arith.constant 0 : i32
        %dma_wait3A_260 = arith.constant 0 : i32
        %dma_wait3A_261 = tpu.memref_slice %arg2[%dma_wait3A_259, %dma_wait3A_260] : memref<10000x128xf32, #tpu.memory_space<hbm>> -> memref<10000x128xf32, #tpu.memory_space<hbm>>
        tpu.wait_indirect_dma semaphore(%arg17 : memref<!tpu.dma_semaphore, #tpu.memory_space<semaphore_mem>>) src(%dma_wait3A_261 : memref<10000x128xf32, #tpu.memory_space<hbm>>) dst(%arg7 : memref<80x128xf32, #tpu.memory_space<vmem>>)
      } else {
      }
      %sub3A_249 = arith.constant 1 : i32
      %sub3A_250 = arith.subi %add3A_218, %sub3A_249 : i32
      %ge3A_251 = arith.constant 0 : i32
      %ge3A_252 = arith.cmpi sge, %sub3A_250, %ge3A_251 : i32
      %lt3A_253 = arith.constant 125 : i32
      %lt3A_254 = arith.cmpi slt, %sub3A_250, %lt3A_253 : i32
      %and3A_255 = arith.andi %ge3A_252, %lt3A_254 : i1
      %convert_element_type3A_256 = arith.extui %and3A_255 : i1 to i32
      %cond3A_257 = arith.constant 0 : i32
      %cond3A_258 = arith.cmpi ne, %convert_element_type3A_256, %cond3A_257 : i32
      scf.if %cond3A_258 {
        %dma_start3A_259 = arith.constant 0 : i32
        %dma_start3A_260 = arith.constant 0 : i32
        %dma_start3A_261 = tpu.memref_slice %arg15[%dma_start3A_259, %dma_start3A_260] : memref<10240x128xf32, #tpu.memory_space<vmem_shared>> -> memref<10240x128xf32, #tpu.memory_space<vmem_shared>>
        tpu.enqueue_indirect_dma source(%arg7 : memref<80x128xf32, #tpu.memory_space<vmem>>) target(%dma_start3A_261 : memref<10240x128xf32, #tpu.memory_space<vmem_shared>>) offsets(%arg12 : memref<80xi32, #tpu.memory_space<vmem>>) semaphore(%arg20 : memref<!tpu.dma_semaphore, #tpu.memory_space<semaphore_mem>>) {add = true}
      } else {
      }
    }
    %scan3A_115 = arith.constant 42 : i32
    %and3A = arith.constant true
    %and3A_116 = arith.constant true
    %and3A_117 = arith.andi %and3A, %and3A_116 : i1
    %convert_element_type3A = arith.extui %and3A_117 : i1 to i32
    %cond3A = arith.constant 0 : i32
    %cond3A_118 = arith.cmpi ne, %convert_element_type3A, %cond3A : i32
    scf.if %cond3A_118 {
      %dma_wait3A_133 = arith.constant 0 : i32
      %dma_wait3A_134 = arith.constant 0 : i32
      %dma_wait3A_135 = tpu.memref_slice %arg15[%dma_wait3A_133, %dma_wait3A_134] : memref<10240x128xf32, #tpu.memory_space<vmem_shared>> -> memref<10240x128xf32, #tpu.memory_space<vmem_shared>>
      tpu.wait_indirect_dma semaphore(%arg19 : memref<!tpu.dma_semaphore, #tpu.memory_space<semaphore_mem>>) src(%arg6 : memref<80x128xf32, #tpu.memory_space<vmem>>) dst(%dma_wait3A_135 : memref<10240x128xf32, #tpu.memory_space<vmem_shared>>)
    } else {
    }
    %and3A_119 = arith.constant true
    %and3A_120 = arith.constant true
    %and3A_121 = arith.andi %and3A_119, %and3A_120 : i1
    %convert_element_type3A_122 = arith.extui %and3A_121 : i1 to i32
    %cond3A_123 = arith.constant 0 : i32
    %cond3A_124 = arith.cmpi ne, %convert_element_type3A_122, %cond3A_123 : i32
    scf.if %cond3A_124 {
      %dma_wait3A_133 = arith.constant 0 : i32
      %dma_wait3A_134 = arith.constant 0 : i32
      %dma_wait3A_135 = tpu.memref_slice %arg15[%dma_wait3A_133, %dma_wait3A_134] : memref<10240x128xf32, #tpu.memory_space<vmem_shared>> -> memref<10240x128xf32, #tpu.memory_space<vmem_shared>>
      tpu.wait_indirect_dma semaphore(%arg20 : memref<!tpu.dma_semaphore, #tpu.memory_space<semaphore_mem>>) src(%arg7 : memref<80x128xf32, #tpu.memory_space<vmem>>) dst(%dma_wait3A_135 : memref<10240x128xf32, #tpu.memory_space<vmem_shared>>)
    } else {
    }
    %barrier3A_125 = arith.constant 0 : index
    tpu.barrier barrier_id(%barrier3A_125)
    %mul3A_126 = arith.constant 640 : i32
    %mul3A_127 = arith.muli %arg1, %mul3A_126 : i32
    %mul3A_128 = arith.constant 10240 : i32
    %mul3A_129 = arith.muli %arg0, %mul3A_128 : i32
    %mul3A_130 = arith.constant 640 : i32
    %mul3A_131 = arith.muli %arg1, %mul3A_130 : i32
    %add3A_132 = arith.addi %mul3A_129, %mul3A_131 : i32
    "tpu.region"() ({
      %run_scoped3A = tpu.sem_alloc : memref<!tpu.dma_semaphore, #tpu.memory_space<semaphore_mem>>
      %dma_start3A_133 = arith.constant 0 : i32
      %dma_start3A_134 = tpu.memref_slice %arg4[%add3A_132, %dma_start3A_133] : memref<20480x128xf32, #tpu.memory_space<hbm>> -> memref<640x128xf32, #tpu.memory_space<hbm>>
      %dma_start3A_135 = arith.constant 0 : i32
      %dma_start3A_136 = tpu.memref_slice %arg15[%mul3A_127, %dma_start3A_135] : memref<10240x128xf32, #tpu.memory_space<vmem_shared>> -> memref<640x128xf32, #tpu.memory_space<vmem_shared>>
      tpu.enqueue_dma source(%dma_start3A_136 : memref<640x128xf32, #tpu.memory_space<vmem_shared>>) target(%dma_start3A_134 : memref<640x128xf32, #tpu.memory_space<hbm>>) target_semaphore(%run_scoped3A : memref<!tpu.dma_semaphore, #tpu.memory_space<semaphore_mem>>)
      %dma_wait3A_137 = arith.constant 0 : i32
      %dma_wait3A_138 = tpu.memref_slice %arg4[%add3A_132, %dma_wait3A_137] : memref<20480x128xf32, #tpu.memory_space<hbm>> -> memref<640x128xf32, #tpu.memory_space<hbm>>
      %dma_wait3A_139 = arith.constant 0 : i32
      %dma_wait3A_140 = tpu.memref_slice %arg15[%mul3A_127, %dma_wait3A_139] : memref<10240x128xf32, #tpu.memory_space<vmem_shared>> -> memref<640x128xf32, #tpu.memory_space<vmem_shared>>
      tpu.wait_dma2 semaphore(%run_scoped3A : memref<!tpu.dma_semaphore, #tpu.memory_space<semaphore_mem>>) src(%dma_wait3A_140 : memref<640x128xf32, #tpu.memory_space<vmem_shared>>) dst(%dma_wait3A_138 : memref<640x128xf32, #tpu.memory_space<hbm>>)
      tpu.yield
    }) : () -> ()
    return
  }
}

#map = affine_map<(d0, d1) -> (0, 0)>
module attributes {stable_mosaic.version = 14 : i64} {
  func.func @k(%arg0: i32, %arg1: i32, %arg2: memref<4096x80xi32, #tpu.memory_space<hbm>>, %arg3: memref<20480x128xf32, #tpu.memory_space<hbm>>, %arg4: memref<80x128xf32, #tpu.memory_space<vmem>>, %arg5: memref<128x80xi32, #tpu.memory_space<vmem>>, %arg6: memref<10240x128xf32, #tpu.memory_space<vmem_shared>>, %arg7: memref<!tpu.dma_semaphore, #tpu.memory_space<semaphore_mem>>, %arg8: memref<!tpu.dma_semaphore, #tpu.memory_space<semaphore_mem>>) attributes {dimension_semantics = [#tpu.dimension_semantics<core_parallel>, #tpu.dimension_semantics<subcore_parallel>], iteration_bounds = array<i64: 2, 16>, scalar_prefetch = 0 : i64, scratch_operands = 5 : i64, tpu.core_type = #tpu.core_type<sc_vector_subcore>, window_params = [{transform_indices = #map}, {transform_indices = #map}]} {
    %mul3A = arith.constant 2 : i32
    %mul3A_0 = arith.muli %arg1, %mul3A : i32
    %add3A = arith.addi %mul3A_0, %arg0 : i32
    %mul3A_1 = arith.constant 128 : i32
    %mul3A_2 = arith.muli %add3A, %mul3A_1 : i32
    %dma_start3A = arith.constant 0 : i32
    %dma_start3A_3 = tpu.memref_slice %arg2[%mul3A_2, %dma_start3A] : memref<4096x80xi32, #tpu.memory_space<hbm>> -> memref<128x80xi32, #tpu.memory_space<hbm>>
    %dma_start3A_4 = arith.constant 0 : i32
    %dma_start3A_5 = tpu.memref_slice %arg2[%mul3A_2, %dma_start3A_4] : memref<4096x80xi32, #tpu.memory_space<hbm>> -> memref<128x80xi32, #tpu.memory_space<hbm>>
    tpu.enqueue_dma source(%dma_start3A_5 : memref<128x80xi32, #tpu.memory_space<hbm>>) target(%arg5 : memref<128x80xi32, #tpu.memory_space<vmem>>) target_semaphore(%arg8 : memref<!tpu.dma_semaphore, #tpu.memory_space<semaphore_mem>>)
    %scan3A = arith.constant 0 : i32
    %scan3A_6 = arith.constant 0 : i32
    %scan3A_7 = arith.constant 80 : i32
    %scan3A_8 = arith.addi %scan3A_6, %scan3A_7 : i32
    %scan3A_9 = arith.constant 1 : i32
    scf.for %scan3A_158 = %scan3A_6 to %scan3A_8 step %scan3A_9  : i32 {
      %broadcast_in_dim3A = arith.constant 0.000000e+00 : f32
      %broadcast_in_dim3A_159 = vector.broadcast %broadcast_in_dim3A : f32 to vector<16xf32>
      %swap3A = arith.index_cast %scan3A_158 : i32 to index
      %swap3A_160 = arith.constant 0 : index
      %swap3A_161 = tpu.vector_load %arg4[%swap3A, %swap3A_160] {strides = array<i32>} : memref<80x128xf32, #tpu.memory_space<vmem>>, vector<1x16xf32>,
      %swap3A_162 = vector.shape_cast %swap3A_161 : vector<1x16xf32> to vector<16xf32>
      %swap3A_163 = vector.shape_cast %broadcast_in_dim3A_159 : vector<16xf32> to vector<1x16xf32>
      tpu.vector_store %arg4[%swap3A, %swap3A_160], %swap3A_163 {strides = array<i32>} : memref<80x128xf32, #tpu.memory_space<vmem>>, vector<1x16xf32>,
      %broadcast_in_dim3A_164 = arith.constant 0.000000e+00 : f32
      %broadcast_in_dim3A_165 = vector.broadcast %broadcast_in_dim3A_164 : f32 to vector<16xf32>
      %swap3A_166 = arith.index_cast %scan3A_158 : i32 to index
      %swap3A_167 = arith.constant 16 : index
      %swap3A_168 = tpu.vector_load %arg4[%swap3A_166, %swap3A_167] {strides = array<i32>} : memref<80x128xf32, #tpu.memory_space<vmem>>, vector<1x16xf32>,
      %swap3A_169 = vector.shape_cast %swap3A_168 : vector<1x16xf32> to vector<16xf32>
      %swap3A_170 = vector.shape_cast %broadcast_in_dim3A_165 : vector<16xf32> to vector<1x16xf32>
      tpu.vector_store %arg4[%swap3A_166, %swap3A_167], %swap3A_170 {strides = array<i32>} : memref<80x128xf32, #tpu.memory_space<vmem>>, vector<1x16xf32>,
      %broadcast_in_dim3A_171 = arith.constant 0.000000e+00 : f32
      %broadcast_in_dim3A_172 = vector.broadcast %broadcast_in_dim3A_171 : f32 to vector<16xf32>
      %swap3A_173 = arith.index_cast %scan3A_158 : i32 to index
      %swap3A_174 = arith.constant 32 : index
      %swap3A_175 = tpu.vector_load %arg4[%swap3A_173, %swap3A_174] {strides = array<i32>} : memref<80x128xf32, #tpu.memory_space<vmem>>, vector<1x16xf32>,
      %swap3A_176 = vector.shape_cast %swap3A_175 : vector<1x16xf32> to vector<16xf32>
      %swap3A_177 = vector.shape_cast %broadcast_in_dim3A_172 : vector<16xf32> to vector<1x16xf32>
      tpu.vector_store %arg4[%swap3A_173, %swap3A_174], %swap3A_177 {strides = array<i32>} : memref<80x128xf32, #tpu.memory_space<vmem>>, vector<1x16xf32>,
      %broadcast_in_dim3A_178 = arith.constant 0.000000e+00 : f32
      %broadcast_in_dim3A_179 = vector.broadcast %broadcast_in_dim3A_178 : f32 to vector<16xf32>
      %swap3A_180 = arith.index_cast %scan3A_158 : i32 to index
      %swap3A_181 = arith.constant 48 : index
      %swap3A_182 = tpu.vector_load %arg4[%swap3A_180, %swap3A_181] {strides = array<i32>} : memref<80x128xf32, #tpu.memory_space<vmem>>, vector<1x16xf32>,
      %swap3A_183 = vector.shape_cast %swap3A_182 : vector<1x16xf32> to vector<16xf32>
      %swap3A_184 = vector.shape_cast %broadcast_in_dim3A_179 : vector<16xf32> to vector<1x16xf32>
      tpu.vector_store %arg4[%swap3A_180, %swap3A_181], %swap3A_184 {strides = array<i32>} : memref<80x128xf32, #tpu.memory_space<vmem>>, vector<1x16xf32>,
      %broadcast_in_dim3A_185 = arith.constant 0.000000e+00 : f32
      %broadcast_in_dim3A_186 = vector.broadcast %broadcast_in_dim3A_185 : f32 to vector<16xf32>
      %swap3A_187 = arith.index_cast %scan3A_158 : i32 to index
      %swap3A_188 = arith.constant 64 : index
      %swap3A_189 = tpu.vector_load %arg4[%swap3A_187, %swap3A_188] {strides = array<i32>} : memref<80x128xf32, #tpu.memory_space<vmem>>, vector<1x16xf32>,
      %swap3A_190 = vector.shape_cast %swap3A_189 : vector<1x16xf32> to vector<16xf32>
      %swap3A_191 = vector.shape_cast %broadcast_in_dim3A_186 : vector<16xf32> to vector<1x16xf32>
      tpu.vector_store %arg4[%swap3A_187, %swap3A_188], %swap3A_191 {strides = array<i32>} : memref<80x128xf32, #tpu.memory_space<vmem>>, vector<1x16xf32>,
      %broadcast_in_dim3A_192 = arith.constant 0.000000e+00 : f32
      %broadcast_in_dim3A_193 = vector.broadcast %broadcast_in_dim3A_192 : f32 to vector<16xf32>
      %swap3A_194 = arith.index_cast %scan3A_158 : i32 to index
      %swap3A_195 = arith.constant 80 : index
      %swap3A_196 = tpu.vector_load %arg4[%swap3A_194, %swap3A_195] {strides = array<i32>} : memref<80x128xf32, #tpu.memory_space<vmem>>, vector<1x16xf32>,
      %swap3A_197 = vector.shape_cast %swap3A_196 : vector<1x16xf32> to vector<16xf32>
      %swap3A_198 = vector.shape_cast %broadcast_in_dim3A_193 : vector<16xf32> to vector<1x16xf32>
      tpu.vector_store %arg4[%swap3A_194, %swap3A_195], %swap3A_198 {strides = array<i32>} : memref<80x128xf32, #tpu.memory_space<vmem>>, vector<1x16xf32>,
      %broadcast_in_dim3A_199 = arith.constant 0.000000e+00 : f32
      %broadcast_in_dim3A_200 = vector.broadcast %broadcast_in_dim3A_199 : f32 to vector<16xf32>
      %swap3A_201 = arith.index_cast %scan3A_158 : i32 to index
      %swap3A_202 = arith.constant 96 : index
      %swap3A_203 = tpu.vector_load %arg4[%swap3A_201, %swap3A_202] {strides = array<i32>} : memref<80x128xf32, #tpu.memory_space<vmem>>, vector<1x16xf32>,
      %swap3A_204 = vector.shape_cast %swap3A_203 : vector<1x16xf32> to vector<16xf32>
      %swap3A_205 = vector.shape_cast %broadcast_in_dim3A_200 : vector<16xf32> to vector<1x16xf32>
      tpu.vector_store %arg4[%swap3A_201, %swap3A_202], %swap3A_205 {strides = array<i32>} : memref<80x128xf32, #tpu.memory_space<vmem>>, vector<1x16xf32>,
      %broadcast_in_dim3A_206 = arith.constant 0.000000e+00 : f32
      %broadcast_in_dim3A_207 = vector.broadcast %broadcast_in_dim3A_206 : f32 to vector<16xf32>
      %swap3A_208 = arith.index_cast %scan3A_158 : i32 to index
      %swap3A_209 = arith.constant 112 : index
      %swap3A_210 = tpu.vector_load %arg4[%swap3A_208, %swap3A_209] {strides = array<i32>} : memref<80x128xf32, #tpu.memory_space<vmem>>, vector<1x16xf32>,
      %swap3A_211 = vector.shape_cast %swap3A_210 : vector<1x16xf32> to vector<16xf32>
      %swap3A_212 = vector.shape_cast %broadcast_in_dim3A_207 : vector<16xf32> to vector<1x16xf32>
      tpu.vector_store %arg4[%swap3A_208, %swap3A_209], %swap3A_212 {strides = array<i32>} : memref<80x128xf32, #tpu.memory_space<vmem>>, vector<1x16xf32>,
    }
    %scan3A_10 = arith.constant 80 : i32
    %mul3A_11 = arith.constant 640 : i32
    %mul3A_12 = arith.muli %arg1, %mul3A_11 : i32
    %add3A_13 = arith.constant 0 : i32
    %add3A_14 = arith.addi %mul3A_12, %add3A_13 : i32
    %dma_start3A_15 = arith.constant 0 : i32
    %dma_start3A_16 = tpu.memref_slice %arg6[%add3A_14, %dma_start3A_15] : memref<10240x128xf32, #tpu.memory_space<vmem_shared>> -> memref<80x128xf32, #tpu.memory_space<vmem_shared>>
    %dma_start3A_17 = arith.constant 0 : i32
    %dma_start3A_18 = tpu.memref_slice %arg6[%add3A_14, %dma_start3A_17] : memref<10240x128xf32, #tpu.memory_space<vmem_shared>> -> memref<80x128xf32, #tpu.memory_space<vmem_shared>>
    tpu.enqueue_dma source(%arg4 : memref<80x128xf32, #tpu.memory_space<vmem>>) target(%dma_start3A_18 : memref<80x128xf32, #tpu.memory_space<vmem_shared>>) target_semaphore(%arg7 : memref<!tpu.dma_semaphore, #tpu.memory_space<semaphore_mem>>)
    %mul3A_19 = arith.constant 640 : i32
    %mul3A_20 = arith.muli %arg1, %mul3A_19 : i32
    %add3A_21 = arith.constant 80 : i32
    %add3A_22 = arith.addi %mul3A_20, %add3A_21 : i32
    %dma_start3A_23 = arith.constant 0 : i32
    %dma_start3A_24 = tpu.memref_slice %arg6[%add3A_22, %dma_start3A_23] : memref<10240x128xf32, #tpu.memory_space<vmem_shared>> -> memref<80x128xf32, #tpu.memory_space<vmem_shared>>
    %dma_start3A_25 = arith.constant 0 : i32
    %dma_start3A_26 = tpu.memref_slice %arg6[%add3A_22, %dma_start3A_25] : memref<10240x128xf32, #tpu.memory_space<vmem_shared>> -> memref<80x128xf32, #tpu.memory_space<vmem_shared>>
    tpu.enqueue_dma source(%arg4 : memref<80x128xf32, #tpu.memory_space<vmem>>) target(%dma_start3A_26 : memref<80x128xf32, #tpu.memory_space<vmem_shared>>) target_semaphore(%arg7 : memref<!tpu.dma_semaphore, #tpu.memory_space<semaphore_mem>>)
    %mul3A_27 = arith.constant 640 : i32
    %mul3A_28 = arith.muli %arg1, %mul3A_27 : i32
    %add3A_29 = arith.constant 160 : i32
    %add3A_30 = arith.addi %mul3A_28, %add3A_29 : i32
    %dma_start3A_31 = arith.constant 0 : i32
    %dma_start3A_32 = tpu.memref_slice %arg6[%add3A_30, %dma_start3A_31] : memref<10240x128xf32, #tpu.memory_space<vmem_shared>> -> memref<80x128xf32, #tpu.memory_space<vmem_shared>>
    %dma_start3A_33 = arith.constant 0 : i32
    %dma_start3A_34 = tpu.memref_slice %arg6[%add3A_30, %dma_start3A_33] : memref<10240x128xf32, #tpu.memory_space<vmem_shared>> -> memref<80x128xf32, #tpu.memory_space<vmem_shared>>
    tpu.enqueue_dma source(%arg4 : memref<80x128xf32, #tpu.memory_space<vmem>>) target(%dma_start3A_34 : memref<80x128xf32, #tpu.memory_space<vmem_shared>>) target_semaphore(%arg7 : memref<!tpu.dma_semaphore, #tpu.memory_space<semaphore_mem>>)
    %mul3A_35 = arith.constant 640 : i32
    %mul3A_36 = arith.muli %arg1, %mul3A_35 : i32
    %add3A_37 = arith.constant 240 : i32
    %add3A_38 = arith.addi %mul3A_36, %add3A_37 : i32
    %dma_start3A_39 = arith.constant 0 : i32
    %dma_start3A_40 = tpu.memref_slice %arg6[%add3A_38, %dma_start3A_39] : memref<10240x128xf32, #tpu.memory_space<vmem_shared>> -> memref<80x128xf32, #tpu.memory_space<vmem_shared>>
    %dma_start3A_41 = arith.constant 0 : i32
    %dma_start3A_42 = tpu.memref_slice %arg6[%add3A_38, %dma_start3A_41] : memref<10240x128xf32, #tpu.memory_space<vmem_shared>> -> memref<80x128xf32, #tpu.memory_space<vmem_shared>>
    tpu.enqueue_dma source(%arg4 : memref<80x128xf32, #tpu.memory_space<vmem>>) target(%dma_start3A_42 : memref<80x128xf32, #tpu.memory_space<vmem_shared>>) target_semaphore(%arg7 : memref<!tpu.dma_semaphore, #tpu.memory_space<semaphore_mem>>)
    %mul3A_43 = arith.constant 640 : i32
    %mul3A_44 = arith.muli %arg1, %mul3A_43 : i32
    %add3A_45 = arith.constant 320 : i32
    %add3A_46 = arith.addi %mul3A_44, %add3A_45 : i32
    %dma_start3A_47 = arith.constant 0 : i32
    %dma_start3A_48 = tpu.memref_slice %arg6[%add3A_46, %dma_start3A_47] : memref<10240x128xf32, #tpu.memory_space<vmem_shared>> -> memref<80x128xf32, #tpu.memory_space<vmem_shared>>
    %dma_start3A_49 = arith.constant 0 : i32
    %dma_start3A_50 = tpu.memref_slice %arg6[%add3A_46, %dma_start3A_49] : memref<10240x128xf32, #tpu.memory_space<vmem_shared>> -> memref<80x128xf32, #tpu.memory_space<vmem_shared>>
    tpu.enqueue_dma source(%arg4 : memref<80x128xf32, #tpu.memory_space<vmem>>) target(%dma_start3A_50 : memref<80x128xf32, #tpu.memory_space<vmem_shared>>) target_semaphore(%arg7 : memref<!tpu.dma_semaphore, #tpu.memory_space<semaphore_mem>>)
    %mul3A_51 = arith.constant 640 : i32
    %mul3A_52 = arith.muli %arg1, %mul3A_51 : i32
    %add3A_53 = arith.constant 400 : i32
    %add3A_54 = arith.addi %mul3A_52, %add3A_53 : i32
    %dma_start3A_55 = arith.constant 0 : i32
    %dma_start3A_56 = tpu.memref_slice %arg6[%add3A_54, %dma_start3A_55] : memref<10240x128xf32, #tpu.memory_space<vmem_shared>> -> memref<80x128xf32, #tpu.memory_space<vmem_shared>>
    %dma_start3A_57 = arith.constant 0 : i32
    %dma_start3A_58 = tpu.memref_slice %arg6[%add3A_54, %dma_start3A_57] : memref<10240x128xf32, #tpu.memory_space<vmem_shared>> -> memref<80x128xf32, #tpu.memory_space<vmem_shared>>
    tpu.enqueue_dma source(%arg4 : memref<80x128xf32, #tpu.memory_space<vmem>>) target(%dma_start3A_58 : memref<80x128xf32, #tpu.memory_space<vmem_shared>>) target_semaphore(%arg7 : memref<!tpu.dma_semaphore, #tpu.memory_space<semaphore_mem>>)
    %mul3A_59 = arith.constant 640 : i32
    %mul3A_60 = arith.muli %arg1, %mul3A_59 : i32
    %add3A_61 = arith.constant 480 : i32
    %add3A_62 = arith.addi %mul3A_60, %add3A_61 : i32
    %dma_start3A_63 = arith.constant 0 : i32
    %dma_start3A_64 = tpu.memref_slice %arg6[%add3A_62, %dma_start3A_63] : memref<10240x128xf32, #tpu.memory_space<vmem_shared>> -> memref<80x128xf32, #tpu.memory_space<vmem_shared>>
    %dma_start3A_65 = arith.constant 0 : i32
    %dma_start3A_66 = tpu.memref_slice %arg6[%add3A_62, %dma_start3A_65] : memref<10240x128xf32, #tpu.memory_space<vmem_shared>> -> memref<80x128xf32, #tpu.memory_space<vmem_shared>>
    tpu.enqueue_dma source(%arg4 : memref<80x128xf32, #tpu.memory_space<vmem>>) target(%dma_start3A_66 : memref<80x128xf32, #tpu.memory_space<vmem_shared>>) target_semaphore(%arg7 : memref<!tpu.dma_semaphore, #tpu.memory_space<semaphore_mem>>)
    %mul3A_67 = arith.constant 640 : i32
    %mul3A_68 = arith.muli %arg1, %mul3A_67 : i32
    %add3A_69 = arith.constant 560 : i32
    %add3A_70 = arith.addi %mul3A_68, %add3A_69 : i32
    %dma_start3A_71 = arith.constant 0 : i32
    %dma_start3A_72 = tpu.memref_slice %arg6[%add3A_70, %dma_start3A_71] : memref<10240x128xf32, #tpu.memory_space<vmem_shared>> -> memref<80x128xf32, #tpu.memory_space<vmem_shared>>
    %dma_start3A_73 = arith.constant 0 : i32
    %dma_start3A_74 = tpu.memref_slice %arg6[%add3A_70, %dma_start3A_73] : memref<10240x128xf32, #tpu.memory_space<vmem_shared>> -> memref<80x128xf32, #tpu.memory_space<vmem_shared>>
    tpu.enqueue_dma source(%arg4 : memref<80x128xf32, #tpu.memory_space<vmem>>) target(%dma_start3A_74 : memref<80x128xf32, #tpu.memory_space<vmem_shared>>) target_semaphore(%arg7 : memref<!tpu.dma_semaphore, #tpu.memory_space<semaphore_mem>>)
    %dma_wait3A = arith.constant 0 : i32
    %dma_wait3A_75 = tpu.memref_slice %arg6[%add3A_14, %dma_wait3A] : memref<10240x128xf32, #tpu.memory_space<vmem_shared>> -> memref<80x128xf32, #tpu.memory_space<vmem_shared>>
    %dma_wait3A_76 = arith.constant 0 : i32
    %dma_wait3A_77 = tpu.memref_slice %arg6[%add3A_14, %dma_wait3A_76] : memref<10240x128xf32, #tpu.memory_space<vmem_shared>> -> memref<80x128xf32, #tpu.memory_space<vmem_shared>>
    tpu.wait_dma2 semaphore(%arg7 : memref<!tpu.dma_semaphore, #tpu.memory_space<semaphore_mem>>) src(%arg4 : memref<80x128xf32, #tpu.memory_space<vmem>>) dst(%dma_wait3A_77 : memref<80x128xf32, #tpu.memory_space<vmem_shared>>)
    %dma_wait3A_78 = arith.constant 0 : i32
    %dma_wait3A_79 = tpu.memref_slice %arg6[%add3A_22, %dma_wait3A_78] : memref<10240x128xf32, #tpu.memory_space<vmem_shared>> -> memref<80x128xf32, #tpu.memory_space<vmem_shared>>
    %dma_wait3A_80 = arith.constant 0 : i32
    %dma_wait3A_81 = tpu.memref_slice %arg6[%add3A_22, %dma_wait3A_80] : memref<10240x128xf32, #tpu.memory_space<vmem_shared>> -> memref<80x128xf32, #tpu.memory_space<vmem_shared>>
    tpu.wait_dma2 semaphore(%arg7 : memref<!tpu.dma_semaphore, #tpu.memory_space<semaphore_mem>>) src(%arg4 : memref<80x128xf32, #tpu.memory_space<vmem>>) dst(%dma_wait3A_81 : memref<80x128xf32, #tpu.memory_space<vmem_shared>>)
    %dma_wait3A_82 = arith.constant 0 : i32
    %dma_wait3A_83 = tpu.memref_slice %arg6[%add3A_30, %dma_wait3A_82] : memref<10240x128xf32, #tpu.memory_space<vmem_shared>> -> memref<80x128xf32, #tpu.memory_space<vmem_shared>>
    %dma_wait3A_84 = arith.constant 0 : i32
    %dma_wait3A_85 = tpu.memref_slice %arg6[%add3A_30, %dma_wait3A_84] : memref<10240x128xf32, #tpu.memory_space<vmem_shared>> -> memref<80x128xf32, #tpu.memory_space<vmem_shared>>
    tpu.wait_dma2 semaphore(%arg7 : memref<!tpu.dma_semaphore, #tpu.memory_space<semaphore_mem>>) src(%arg4 : memref<80x128xf32, #tpu.memory_space<vmem>>) dst(%dma_wait3A_85 : memref<80x128xf32, #tpu.memory_space<vmem_shared>>)
    %dma_wait3A_86 = arith.constant 0 : i32
    %dma_wait3A_87 = tpu.memref_slice %arg6[%add3A_38, %dma_wait3A_86] : memref<10240x128xf32, #tpu.memory_space<vmem_shared>> -> memref<80x128xf32, #tpu.memory_space<vmem_shared>>
    %dma_wait3A_88 = arith.constant 0 : i32
    %dma_wait3A_89 = tpu.memref_slice %arg6[%add3A_38, %dma_wait3A_88] : memref<10240x128xf32, #tpu.memory_space<vmem_shared>> -> memref<80x128xf32, #tpu.memory_space<vmem_shared>>
    tpu.wait_dma2 semaphore(%arg7 : memref<!tpu.dma_semaphore, #tpu.memory_space<semaphore_mem>>) src(%arg4 : memref<80x128xf32, #tpu.memory_space<vmem>>) dst(%dma_wait3A_89 : memref<80x128xf32, #tpu.memory_space<vmem_shared>>)
    %dma_wait3A_90 = arith.constant 0 : i32
    %dma_wait3A_91 = tpu.memref_slice %arg6[%add3A_46, %dma_wait3A_90] : memref<10240x128xf32, #tpu.memory_space<vmem_shared>> -> memref<80x128xf32, #tpu.memory_space<vmem_shared>>
    %dma_wait3A_92 = arith.constant 0 : i32
    %dma_wait3A_93 = tpu.memref_slice %arg6[%add3A_46, %dma_wait3A_92] : memref<10240x128xf32, #tpu.memory_space<vmem_shared>> -> memref<80x128xf32, #tpu.memory_space<vmem_shared>>
    tpu.wait_dma2 semaphore(%arg7 : memref<!tpu.dma_semaphore, #tpu.memory_space<semaphore_mem>>) src(%arg4 : memref<80x128xf32, #tpu.memory_space<vmem>>) dst(%dma_wait3A_93 : memref<80x128xf32, #tpu.memory_space<vmem_shared>>)
    %dma_wait3A_94 = arith.constant 0 : i32
    %dma_wait3A_95 = tpu.memref_slice %arg6[%add3A_54, %dma_wait3A_94] : memref<10240x128xf32, #tpu.memory_space<vmem_shared>> -> memref<80x128xf32, #tpu.memory_space<vmem_shared>>
    %dma_wait3A_96 = arith.constant 0 : i32
    %dma_wait3A_97 = tpu.memref_slice %arg6[%add3A_54, %dma_wait3A_96] : memref<10240x128xf32, #tpu.memory_space<vmem_shared>> -> memref<80x128xf32, #tpu.memory_space<vmem_shared>>
    tpu.wait_dma2 semaphore(%arg7 : memref<!tpu.dma_semaphore, #tpu.memory_space<semaphore_mem>>) src(%arg4 : memref<80x128xf32, #tpu.memory_space<vmem>>) dst(%dma_wait3A_97 : memref<80x128xf32, #tpu.memory_space<vmem_shared>>)
    %dma_wait3A_98 = arith.constant 0 : i32
    %dma_wait3A_99 = tpu.memref_slice %arg6[%add3A_62, %dma_wait3A_98] : memref<10240x128xf32, #tpu.memory_space<vmem_shared>> -> memref<80x128xf32, #tpu.memory_space<vmem_shared>>
    %dma_wait3A_100 = arith.constant 0 : i32
    %dma_wait3A_101 = tpu.memref_slice %arg6[%add3A_62, %dma_wait3A_100] : memref<10240x128xf32, #tpu.memory_space<vmem_shared>> -> memref<80x128xf32, #tpu.memory_space<vmem_shared>>
    tpu.wait_dma2 semaphore(%arg7 : memref<!tpu.dma_semaphore, #tpu.memory_space<semaphore_mem>>) src(%arg4 : memref<80x128xf32, #tpu.memory_space<vmem>>) dst(%dma_wait3A_101 : memref<80x128xf32, #tpu.memory_space<vmem_shared>>)
    %dma_wait3A_102 = arith.constant 0 : i32
    %dma_wait3A_103 = tpu.memref_slice %arg6[%add3A_70, %dma_wait3A_102] : memref<10240x128xf32, #tpu.memory_space<vmem_shared>> -> memref<80x128xf32, #tpu.memory_space<vmem_shared>>
    %dma_wait3A_104 = arith.constant 0 : i32
    %dma_wait3A_105 = tpu.memref_slice %arg6[%add3A_70, %dma_wait3A_104] : memref<10240x128xf32, #tpu.memory_space<vmem_shared>> -> memref<80x128xf32, #tpu.memory_space<vmem_shared>>
    tpu.wait_dma2 semaphore(%arg7 : memref<!tpu.dma_semaphore, #tpu.memory_space<semaphore_mem>>) src(%arg4 : memref<80x128xf32, #tpu.memory_space<vmem>>) dst(%dma_wait3A_105 : memref<80x128xf32, #tpu.memory_space<vmem_shared>>)
    %scan3A_106 = arith.constant 0 : i32
    %scan3A_107 = arith.constant 0 : i32
    %scan3A_108 = arith.constant 80 : i32
    %scan3A_109 = arith.addi %scan3A_107, %scan3A_108 : i32
    %scan3A_110 = arith.constant 1 : i32
    scf.for %scan3A_158 = %scan3A_107 to %scan3A_109 step %scan3A_110  : i32 {
      %broadcast_in_dim3A = arith.constant 1.000000e+00 : f32
      %broadcast_in_dim3A_159 = vector.broadcast %broadcast_in_dim3A : f32 to vector<16xf32>
      %swap3A = arith.index_cast %scan3A_158 : i32 to index
      %swap3A_160 = arith.constant 0 : index
      %swap3A_161 = tpu.vector_load %arg4[%swap3A, %swap3A_160] {strides = array<i32>} : memref<80x128xf32, #tpu.memory_space<vmem>>, vector<1x16xf32>,
      %swap3A_162 = vector.shape_cast %swap3A_161 : vector<1x16xf32> to vector<16xf32>
      %swap3A_163 = vector.shape_cast %broadcast_in_dim3A_159 : vector<16xf32> to vector<1x16xf32>
      tpu.vector_store %arg4[%swap3A, %swap3A_160], %swap3A_163 {strides = array<i32>} : memref<80x128xf32, #tpu.memory_space<vmem>>, vector<1x16xf32>,
      %broadcast_in_dim3A_164 = arith.constant 1.000000e+00 : f32
      %broadcast_in_dim3A_165 = vector.broadcast %broadcast_in_dim3A_164 : f32 to vector<16xf32>
      %swap3A_166 = arith.index_cast %scan3A_158 : i32 to index
      %swap3A_167 = arith.constant 16 : index
      %swap3A_168 = tpu.vector_load %arg4[%swap3A_166, %swap3A_167] {strides = array<i32>} : memref<80x128xf32, #tpu.memory_space<vmem>>, vector<1x16xf32>,
      %swap3A_169 = vector.shape_cast %swap3A_168 : vector<1x16xf32> to vector<16xf32>
      %swap3A_170 = vector.shape_cast %broadcast_in_dim3A_165 : vector<16xf32> to vector<1x16xf32>
      tpu.vector_store %arg4[%swap3A_166, %swap3A_167], %swap3A_170 {strides = array<i32>} : memref<80x128xf32, #tpu.memory_space<vmem>>, vector<1x16xf32>,
      %broadcast_in_dim3A_171 = arith.constant 1.000000e+00 : f32
      %broadcast_in_dim3A_172 = vector.broadcast %broadcast_in_dim3A_171 : f32 to vector<16xf32>
      %swap3A_173 = arith.index_cast %scan3A_158 : i32 to index
      %swap3A_174 = arith.constant 32 : index
      %swap3A_175 = tpu.vector_load %arg4[%swap3A_173, %swap3A_174] {strides = array<i32>} : memref<80x128xf32, #tpu.memory_space<vmem>>, vector<1x16xf32>,
      %swap3A_176 = vector.shape_cast %swap3A_175 : vector<1x16xf32> to vector<16xf32>
      %swap3A_177 = vector.shape_cast %broadcast_in_dim3A_172 : vector<16xf32> to vector<1x16xf32>
      tpu.vector_store %arg4[%swap3A_173, %swap3A_174], %swap3A_177 {strides = array<i32>} : memref<80x128xf32, #tpu.memory_space<vmem>>, vector<1x16xf32>,
      %broadcast_in_dim3A_178 = arith.constant 1.000000e+00 : f32
      %broadcast_in_dim3A_179 = vector.broadcast %broadcast_in_dim3A_178 : f32 to vector<16xf32>
      %swap3A_180 = arith.index_cast %scan3A_158 : i32 to index
      %swap3A_181 = arith.constant 48 : index
      %swap3A_182 = tpu.vector_load %arg4[%swap3A_180, %swap3A_181] {strides = array<i32>} : memref<80x128xf32, #tpu.memory_space<vmem>>, vector<1x16xf32>,
      %swap3A_183 = vector.shape_cast %swap3A_182 : vector<1x16xf32> to vector<16xf32>
      %swap3A_184 = vector.shape_cast %broadcast_in_dim3A_179 : vector<16xf32> to vector<1x16xf32>
      tpu.vector_store %arg4[%swap3A_180, %swap3A_181], %swap3A_184 {strides = array<i32>} : memref<80x128xf32, #tpu.memory_space<vmem>>, vector<1x16xf32>,
      %broadcast_in_dim3A_185 = arith.constant 1.000000e+00 : f32
      %broadcast_in_dim3A_186 = vector.broadcast %broadcast_in_dim3A_185 : f32 to vector<16xf32>
      %swap3A_187 = arith.index_cast %scan3A_158 : i32 to index
      %swap3A_188 = arith.constant 64 : index
      %swap3A_189 = tpu.vector_load %arg4[%swap3A_187, %swap3A_188] {strides = array<i32>} : memref<80x128xf32, #tpu.memory_space<vmem>>, vector<1x16xf32>,
      %swap3A_190 = vector.shape_cast %swap3A_189 : vector<1x16xf32> to vector<16xf32>
      %swap3A_191 = vector.shape_cast %broadcast_in_dim3A_186 : vector<16xf32> to vector<1x16xf32>
      tpu.vector_store %arg4[%swap3A_187, %swap3A_188], %swap3A_191 {strides = array<i32>} : memref<80x128xf32, #tpu.memory_space<vmem>>, vector<1x16xf32>,
      %broadcast_in_dim3A_192 = arith.constant 1.000000e+00 : f32
      %broadcast_in_dim3A_193 = vector.broadcast %broadcast_in_dim3A_192 : f32 to vector<16xf32>
      %swap3A_194 = arith.index_cast %scan3A_158 : i32 to index
      %swap3A_195 = arith.constant 80 : index
      %swap3A_196 = tpu.vector_load %arg4[%swap3A_194, %swap3A_195] {strides = array<i32>} : memref<80x128xf32, #tpu.memory_space<vmem>>, vector<1x16xf32>,
      %swap3A_197 = vector.shape_cast %swap3A_196 : vector<1x16xf32> to vector<16xf32>
      %swap3A_198 = vector.shape_cast %broadcast_in_dim3A_193 : vector<16xf32> to vector<1x16xf32>
      tpu.vector_store %arg4[%swap3A_194, %swap3A_195], %swap3A_198 {strides = array<i32>} : memref<80x128xf32, #tpu.memory_space<vmem>>, vector<1x16xf32>,
      %broadcast_in_dim3A_199 = arith.constant 1.000000e+00 : f32
      %broadcast_in_dim3A_200 = vector.broadcast %broadcast_in_dim3A_199 : f32 to vector<16xf32>
      %swap3A_201 = arith.index_cast %scan3A_158 : i32 to index
      %swap3A_202 = arith.constant 96 : index
      %swap3A_203 = tpu.vector_load %arg4[%swap3A_201, %swap3A_202] {strides = array<i32>} : memref<80x128xf32, #tpu.memory_space<vmem>>, vector<1x16xf32>,
      %swap3A_204 = vector.shape_cast %swap3A_203 : vector<1x16xf32> to vector<16xf32>
      %swap3A_205 = vector.shape_cast %broadcast_in_dim3A_200 : vector<16xf32> to vector<1x16xf32>
      tpu.vector_store %arg4[%swap3A_201, %swap3A_202], %swap3A_205 {strides = array<i32>} : memref<80x128xf32, #tpu.memory_space<vmem>>, vector<1x16xf32>,
      %broadcast_in_dim3A_206 = arith.constant 1.000000e+00 : f32
      %broadcast_in_dim3A_207 = vector.broadcast %broadcast_in_dim3A_206 : f32 to vector<16xf32>
      %swap3A_208 = arith.index_cast %scan3A_158 : i32 to index
      %swap3A_209 = arith.constant 112 : index
      %swap3A_210 = tpu.vector_load %arg4[%swap3A_208, %swap3A_209] {strides = array<i32>} : memref<80x128xf32, #tpu.memory_space<vmem>>, vector<1x16xf32>,
      %swap3A_211 = vector.shape_cast %swap3A_210 : vector<1x16xf32> to vector<16xf32>
      %swap3A_212 = vector.shape_cast %broadcast_in_dim3A_207 : vector<16xf32> to vector<1x16xf32>
      tpu.vector_store %arg4[%swap3A_208, %swap3A_209], %swap3A_212 {strides = array<i32>} : memref<80x128xf32, #tpu.memory_space<vmem>>, vector<1x16xf32>,
    }
    %scan3A_111 = arith.constant 80 : i32
    %dma_wait3A_112 = arith.constant 0 : i32
    %dma_wait3A_113 = tpu.memref_slice %arg2[%mul3A_2, %dma_wait3A_112] : memref<4096x80xi32, #tpu.memory_space<hbm>> -> memref<128x80xi32, #tpu.memory_space<hbm>>
    %dma_wait3A_114 = arith.constant 0 : i32
    %dma_wait3A_115 = tpu.memref_slice %arg2[%mul3A_2, %dma_wait3A_114] : memref<4096x80xi32, #tpu.memory_space<hbm>> -> memref<128x80xi32, #tpu.memory_space<hbm>>
    tpu.wait_dma2 semaphore(%arg8 : memref<!tpu.dma_semaphore, #tpu.memory_space<semaphore_mem>>) src(%dma_wait3A_115 : memref<128x80xi32, #tpu.memory_space<hbm>>) dst(%arg5 : memref<128x80xi32, #tpu.memory_space<vmem>>)
    %barrier3A = arith.constant 0 : index
    tpu.barrier barrier_id(%barrier3A)
    %dma_start3A_116 = arith.constant 0 : i32
    %dma_start3A_117 = arith.constant 0 : i32
    %dma_start3A_118 = tpu.memref_slice %arg5[%dma_start3A_116, %dma_start3A_117] : memref<128x80xi32, #tpu.memory_space<vmem>> -> memref<1x80xi32, #tpu.memory_space<vmem>>
    %dma_start3A_119 = tpu.memref_squeeze %dma_start3A_118 : memref<1x80xi32, #tpu.memory_space<vmem>> -> memref<80xi32, #tpu.memory_space<vmem>>
    %dma_start3A_120 = arith.constant 0 : i32
    %dma_start3A_121 = arith.constant 0 : i32
    %dma_start3A_122 = tpu.memref_slice %arg6[%dma_start3A_120, %dma_start3A_121] : memref<10240x128xf32, #tpu.memory_space<vmem_shared>> -> memref<10240x128xf32, #tpu.memory_space<vmem_shared>>
    tpu.enqueue_indirect_dma source(%arg4 : memref<80x128xf32, #tpu.memory_space<vmem>>) target(%dma_start3A_122 : memref<10240x128xf32, #tpu.memory_space<vmem_shared>>) offsets(%dma_start3A_119 : memref<80xi32, #tpu.memory_space<vmem>>) semaphore(%arg7 : memref<!tpu.dma_semaphore, #tpu.memory_space<semaphore_mem>>) {add = true}
    %dma_start3A_123 = arith.constant 1 : i32
    %dma_start3A_124 = arith.constant 0 : i32
    %dma_start3A_125 = tpu.memref_slice %arg5[%dma_start3A_123, %dma_start3A_124] : memref<128x80xi32, #tpu.memory_space<vmem>> -> memref<1x80xi32, #tpu.memory_space<vmem>>
    %dma_start3A_126 = tpu.memref_squeeze %dma_start3A_125 : memref<1x80xi32, #tpu.memory_space<vmem>> -> memref<80xi32, #tpu.memory_space<vmem>>
    %dma_start3A_127 = arith.constant 0 : i32
    %dma_start3A_128 = arith.constant 0 : i32
    %dma_start3A_129 = tpu.memref_slice %arg6[%dma_start3A_127, %dma_start3A_128] : memref<10240x128xf32, #tpu.memory_space<vmem_shared>> -> memref<10240x128xf32, #tpu.memory_space<vmem_shared>>
    tpu.enqueue_indirect_dma source(%arg4 : memref<80x128xf32, #tpu.memory_space<vmem>>) target(%dma_start3A_129 : memref<10240x128xf32, #tpu.memory_space<vmem_shared>>) offsets(%dma_start3A_126 : memref<80xi32, #tpu.memory_space<vmem>>) semaphore(%arg7 : memref<!tpu.dma_semaphore, #tpu.memory_space<semaphore_mem>>) {add = true}
    %dma_start3A_130 = arith.constant 2 : i32
    %dma_start3A_131 = arith.constant 0 : i32
    %dma_start3A_132 = tpu.memref_slice %arg5[%dma_start3A_130, %dma_start3A_131] : memref<128x80xi32, #tpu.memory_space<vmem>> -> memref<1x80xi32, #tpu.memory_space<vmem>>
    %dma_start3A_133 = tpu.memref_squeeze %dma_start3A_132 : memref<1x80xi32, #tpu.memory_space<vmem>> -> memref<80xi32, #tpu.memory_space<vmem>>
    %dma_start3A_134 = arith.constant 0 : i32
    %dma_start3A_135 = arith.constant 0 : i32
    %dma_start3A_136 = tpu.memref_slice %arg6[%dma_start3A_134, %dma_start3A_135] : memref<10240x128xf32, #tpu.memory_space<vmem_shared>> -> memref<10240x128xf32, #tpu.memory_space<vmem_shared>>
    tpu.enqueue_indirect_dma source(%arg4 : memref<80x128xf32, #tpu.memory_space<vmem>>) target(%dma_start3A_136 : memref<10240x128xf32, #tpu.memory_space<vmem_shared>>) offsets(%dma_start3A_133 : memref<80xi32, #tpu.memory_space<vmem>>) semaphore(%arg7 : memref<!tpu.dma_semaphore, #tpu.memory_space<semaphore_mem>>) {add = true}
    %dma_start3A_137 = arith.constant 3 : i32
    %dma_start3A_138 = arith.constant 0 : i32
    %dma_start3A_139 = tpu.memref_slice %arg5[%dma_start3A_137, %dma_start3A_138] : memref<128x80xi32, #tpu.memory_space<vmem>> -> memref<1x80xi32, #tpu.memory_space<vmem>>
    %dma_start3A_140 = tpu.memref_squeeze %dma_start3A_139 : memref<1x80xi32, #tpu.memory_space<vmem>> -> memref<80xi32, #tpu.memory_space<vmem>>
    %dma_start3A_141 = arith.constant 0 : i32
    %dma_start3A_142 = arith.constant 0 : i32
    %dma_start3A_143 = tpu.memref_slice %arg6[%dma_start3A_141, %dma_start3A_142] : memref<10240x128xf32, #tpu.memory_space<vmem_shared>> -> memref<10240x128xf32, #tpu.memory_space<vmem_shared>>
    tpu.enqueue_indirect_dma source(%arg4 : memref<80x128xf32, #tpu.memory_space<vmem>>) target(%dma_start3A_143 : memref<10240x128xf32, #tpu.memory_space<vmem_shared>>) offsets(%dma_start3A_140 : memref<80xi32, #tpu.memory_space<vmem>>) semaphore(%arg7 : memref<!tpu.dma_semaphore, #tpu.memory_space<semaphore_mem>>) {add = true}
    %scan3A_144 = arith.constant 0 : i32
    %scan3A_145 = arith.constant 0 : i32
    %scan3A_146 = arith.constant 125 : i32
    %scan3A_147 = arith.addi %scan3A_145, %scan3A_146 : i32
    %scan3A_148 = arith.constant 1 : i32
    scf.for %scan3A_158 = %scan3A_145 to %scan3A_147 step %scan3A_148  : i32 {
      %lt3A = arith.constant 125 : i32
      %lt3A_159 = arith.cmpi slt, %scan3A_158, %lt3A : i32
      %convert_element_type3A = arith.extui %lt3A_159 : i1 to i32
      %cond3A = arith.constant 0 : i32
      %cond3A_160 = arith.cmpi ne, %convert_element_type3A, %cond3A : i32
      scf.if %cond3A_160 {
        %dma_wait3A_168 = arith.constant 0 : i32
        %dma_wait3A_169 = tpu.memref_slice %arg5[%scan3A_158, %dma_wait3A_168] : memref<128x80xi32, #tpu.memory_space<vmem>> -> memref<1x80xi32, #tpu.memory_space<vmem>>
        %dma_wait3A_170 = tpu.memref_squeeze %dma_wait3A_169 : memref<1x80xi32, #tpu.memory_space<vmem>> -> memref<80xi32, #tpu.memory_space<vmem>>
        %dma_wait3A_171 = arith.constant 0 : i32
        %dma_wait3A_172 = arith.constant 0 : i32
        %dma_wait3A_173 = tpu.memref_slice %arg6[%dma_wait3A_171, %dma_wait3A_172] : memref<10240x128xf32, #tpu.memory_space<vmem_shared>> -> memref<10240x128xf32, #tpu.memory_space<vmem_shared>>
        tpu.wait_indirect_dma semaphore(%arg7 : memref<!tpu.dma_semaphore, #tpu.memory_space<semaphore_mem>>) src(%arg4 : memref<80x128xf32, #tpu.memory_space<vmem>>) dst(%dma_wait3A_173 : memref<10240x128xf32, #tpu.memory_space<vmem_shared>>)
      } else {
      }
      %add3A_161 = arith.constant 4 : i32
      %add3A_162 = arith.addi %scan3A_158, %add3A_161 : i32
      %lt3A_163 = arith.constant 125 : i32
      %lt3A_164 = arith.cmpi slt, %add3A_162, %lt3A_163 : i32
      %convert_element_type3A_165 = arith.extui %lt3A_164 : i1 to i32
      %cond3A_166 = arith.constant 0 : i32
      %cond3A_167 = arith.cmpi ne, %convert_element_type3A_165, %cond3A_166 : i32
      scf.if %cond3A_167 {
        %dma_start3A_168 = arith.constant 0 : i32
        %dma_start3A_169 = tpu.memref_slice %arg5[%add3A_162, %dma_start3A_168] : memref<128x80xi32, #tpu.memory_space<vmem>> -> memref<1x80xi32, #tpu.memory_space<vmem>>
        %dma_start3A_170 = tpu.memref_squeeze %dma_start3A_169 : memref<1x80xi32, #tpu.memory_space<vmem>> -> memref<80xi32, #tpu.memory_space<vmem>>
        %dma_start3A_171 = arith.constant 0 : i32
        %dma_start3A_172 = arith.constant 0 : i32
        %dma_start3A_173 = tpu.memref_slice %arg6[%dma_start3A_171, %dma_start3A_172] : memref<10240x128xf32, #tpu.memory_space<vmem_shared>> -> memref<10240x128xf32, #tpu.memory_space<vmem_shared>>
        tpu.enqueue_indirect_dma source(%arg4 : memref<80x128xf32, #tpu.memory_space<vmem>>) target(%dma_start3A_173 : memref<10240x128xf32, #tpu.memory_space<vmem_shared>>) offsets(%dma_start3A_170 : memref<80xi32, #tpu.memory_space<vmem>>) semaphore(%arg7 : memref<!tpu.dma_semaphore, #tpu.memory_space<semaphore_mem>>) {add = true}
      } else {
      }
    }
    %scan3A_149 = arith.constant 125 : i32
    %barrier3A_150 = arith.constant 0 : index
    tpu.barrier barrier_id(%barrier3A_150)
    %mul3A_151 = arith.constant 640 : i32
    %mul3A_152 = arith.muli %arg1, %mul3A_151 : i32
    %mul3A_153 = arith.constant 10240 : i32
    %mul3A_154 = arith.muli %arg0, %mul3A_153 : i32
    %mul3A_155 = arith.constant 640 : i32
    %mul3A_156 = arith.muli %arg1, %mul3A_155 : i32
    %add3A_157 = arith.addi %mul3A_154, %mul3A_156 : i32
    "tpu.region"() ({
      %run_scoped3A = tpu.sem_alloc : memref<!tpu.dma_semaphore, #tpu.memory_space<semaphore_mem>>
      %dma_start3A_158 = arith.constant 0 : i32
      %dma_start3A_159 = tpu.memref_slice %arg3[%add3A_157, %dma_start3A_158] : memref<20480x128xf32, #tpu.memory_space<hbm>> -> memref<640x128xf32, #tpu.memory_space<hbm>>
      %dma_start3A_160 = arith.constant 0 : i32
      %dma_start3A_161 = tpu.memref_slice %arg6[%mul3A_152, %dma_start3A_160] : memref<10240x128xf32, #tpu.memory_space<vmem_shared>> -> memref<640x128xf32, #tpu.memory_space<vmem_shared>>
      tpu.enqueue_dma source(%dma_start3A_161 : memref<640x128xf32, #tpu.memory_space<vmem_shared>>) target(%dma_start3A_159 : memref<640x128xf32, #tpu.memory_space<hbm>>) target_semaphore(%run_scoped3A : memref<!tpu.dma_semaphore, #tpu.memory_space<semaphore_mem>>)
      %dma_wait3A_162 = arith.constant 0 : i32
      %dma_wait3A_163 = tpu.memref_slice %arg3[%add3A_157, %dma_wait3A_162] : memref<20480x128xf32, #tpu.memory_space<hbm>> -> memref<640x128xf32, #tpu.memory_space<hbm>>
      %dma_wait3A_164 = arith.constant 0 : i32
      %dma_wait3A_165 = tpu.memref_slice %arg6[%mul3A_152, %dma_wait3A_164] : memref<10240x128xf32, #tpu.memory_space<vmem_shared>> -> memref<640x128xf32, #tpu.memory_space<vmem_shared>>
      tpu.wait_dma2 semaphore(%run_scoped3A : memref<!tpu.dma_semaphore, #tpu.memory_space<semaphore_mem>>) src(%dma_wait3A_165 : memref<640x128xf32, #tpu.memory_space<vmem_shared>>) dst(%dma_wait3A_163 : memref<640x128xf32, #tpu.memory_space<hbm>>)
      tpu.yield
    }) : () -> ()
    return
  }
}

#map = affine_map<(d0, d1) -> (0, 0)>
module attributes {stable_mosaic.version = 14 : i64} {
  func.func @k(%arg0: i32, %arg1: i32, %arg2: memref<10000x128xf32, #tpu.memory_space<hbm>>, %arg3: memref<4096x80xi32, #tpu.memory_space<hbm>>, %arg4: memref<20480x128xf32, #tpu.memory_space<hbm>>, %arg5: memref<128x80xi32, #tpu.memory_space<vmem>>, %arg6: memref<80x128xf32, #tpu.memory_space<vmem>>, %arg7: memref<80x128xf32, #tpu.memory_space<vmem>>, %arg8: memref<80x128xf32, #tpu.memory_space<vmem>>, %arg9: memref<80xi32, #tpu.memory_space<vmem>>, %arg10: memref<80xi32, #tpu.memory_space<vmem>>, %arg11: memref<80xi32, #tpu.memory_space<vmem>>, %arg12: memref<80xi32, #tpu.memory_space<vmem>>, %arg13: memref<80xi32, #tpu.memory_space<vmem>>, %arg14: memref<80xi32, #tpu.memory_space<vmem>>, %arg15: memref<10240x128xf32, #tpu.memory_space<vmem_shared>>, %arg16: memref<!tpu.dma_semaphore, #tpu.memory_space<semaphore_mem>>, %arg17: memref<!tpu.dma_semaphore, #tpu.memory_space<semaphore_mem>>, %arg18: memref<!tpu.dma_semaphore, #tpu.memory_space<semaphore_mem>>, %arg19: memref<!tpu.dma_semaphore, #tpu.memory_space<semaphore_mem>>, %arg20: memref<!tpu.dma_semaphore, #tpu.memory_space<semaphore_mem>>, %arg21: memref<!tpu.dma_semaphore, #tpu.memory_space<semaphore_mem>>, %arg22: memref<!tpu.dma_semaphore, #tpu.memory_space<semaphore_mem>>) attributes {dimension_semantics = [#tpu.dimension_semantics<core_parallel>, #tpu.dimension_semantics<subcore_parallel>], iteration_bounds = array<i64: 2, 16>, scalar_prefetch = 0 : i64, scratch_operands = 18 : i64, tpu.core_type = #tpu.core_type<sc_vector_subcore>, window_params = [{transform_indices = #map}, {transform_indices = #map}, {transform_indices = #map}]} {
    %mul3A = arith.constant 2 : i32
    %mul3A_0 = arith.muli %arg1, %mul3A : i32
    %add3A = arith.addi %mul3A_0, %arg0 : i32
    %mul3A_1 = arith.constant 128 : i32
    %mul3A_2 = arith.muli %add3A, %mul3A_1 : i32
    %dma_start3A = arith.constant 0 : i32
    %dma_start3A_3 = tpu.memref_slice %arg3[%mul3A_2, %dma_start3A] : memref<4096x80xi32, #tpu.memory_space<hbm>> -> memref<128x80xi32, #tpu.memory_space<hbm>>
    %dma_start3A_4 = arith.constant 0 : i32
    %dma_start3A_5 = tpu.memref_slice %arg3[%mul3A_2, %dma_start3A_4] : memref<4096x80xi32, #tpu.memory_space<hbm>> -> memref<128x80xi32, #tpu.memory_space<hbm>>
    tpu.enqueue_dma source(%dma_start3A_5 : memref<128x80xi32, #tpu.memory_space<hbm>>) target(%arg5 : memref<128x80xi32, #tpu.memory_space<vmem>>) target_semaphore(%arg22 : memref<!tpu.dma_semaphore, #tpu.memory_space<semaphore_mem>>)
    %scan3A = arith.constant 0 : i32
    %scan3A_6 = arith.constant 0 : i32
    %scan3A_7 = arith.constant 80 : i32
    %scan3A_8 = arith.addi %scan3A_6, %scan3A_7 : i32
    %scan3A_9 = arith.constant 1 : i32
    scf.for %scan3A_133 = %scan3A_6 to %scan3A_8 step %scan3A_9  : i32 {
      %broadcast_in_dim3A = arith.constant 0.000000e+00 : f32
      %broadcast_in_dim3A_134 = vector.broadcast %broadcast_in_dim3A : f32 to vector<16xf32>
      %swap3A = arith.index_cast %scan3A_133 : i32 to index
      %swap3A_135 = arith.constant 0 : index
      %swap3A_136 = tpu.vector_load %arg6[%swap3A, %swap3A_135] {strides = array<i32>} : memref<80x128xf32, #tpu.memory_space<vmem>>, vector<1x16xf32>,
      %swap3A_137 = vector.shape_cast %swap3A_136 : vector<1x16xf32> to vector<16xf32>
      %swap3A_138 = vector.shape_cast %broadcast_in_dim3A_134 : vector<16xf32> to vector<1x16xf32>
      tpu.vector_store %arg6[%swap3A, %swap3A_135], %swap3A_138 {strides = array<i32>} : memref<80x128xf32, #tpu.memory_space<vmem>>, vector<1x16xf32>,
      %broadcast_in_dim3A_139 = arith.constant 0.000000e+00 : f32
      %broadcast_in_dim3A_140 = vector.broadcast %broadcast_in_dim3A_139 : f32 to vector<16xf32>
      %swap3A_141 = arith.index_cast %scan3A_133 : i32 to index
      %swap3A_142 = arith.constant 16 : index
      %swap3A_143 = tpu.vector_load %arg6[%swap3A_141, %swap3A_142] {strides = array<i32>} : memref<80x128xf32, #tpu.memory_space<vmem>>, vector<1x16xf32>,
      %swap3A_144 = vector.shape_cast %swap3A_143 : vector<1x16xf32> to vector<16xf32>
      %swap3A_145 = vector.shape_cast %broadcast_in_dim3A_140 : vector<16xf32> to vector<1x16xf32>
      tpu.vector_store %arg6[%swap3A_141, %swap3A_142], %swap3A_145 {strides = array<i32>} : memref<80x128xf32, #tpu.memory_space<vmem>>, vector<1x16xf32>,
      %broadcast_in_dim3A_146 = arith.constant 0.000000e+00 : f32
      %broadcast_in_dim3A_147 = vector.broadcast %broadcast_in_dim3A_146 : f32 to vector<16xf32>
      %swap3A_148 = arith.index_cast %scan3A_133 : i32 to index
      %swap3A_149 = arith.constant 32 : index
      %swap3A_150 = tpu.vector_load %arg6[%swap3A_148, %swap3A_149] {strides = array<i32>} : memref<80x128xf32, #tpu.memory_space<vmem>>, vector<1x16xf32>,
      %swap3A_151 = vector.shape_cast %swap3A_150 : vector<1x16xf32> to vector<16xf32>
      %swap3A_152 = vector.shape_cast %broadcast_in_dim3A_147 : vector<16xf32> to vector<1x16xf32>
      tpu.vector_store %arg6[%swap3A_148, %swap3A_149], %swap3A_152 {strides = array<i32>} : memref<80x128xf32, #tpu.memory_space<vmem>>, vector<1x16xf32>,
      %broadcast_in_dim3A_153 = arith.constant 0.000000e+00 : f32
      %broadcast_in_dim3A_154 = vector.broadcast %broadcast_in_dim3A_153 : f32 to vector<16xf32>
      %swap3A_155 = arith.index_cast %scan3A_133 : i32 to index
      %swap3A_156 = arith.constant 48 : index
      %swap3A_157 = tpu.vector_load %arg6[%swap3A_155, %swap3A_156] {strides = array<i32>} : memref<80x128xf32, #tpu.memory_space<vmem>>, vector<1x16xf32>,
      %swap3A_158 = vector.shape_cast %swap3A_157 : vector<1x16xf32> to vector<16xf32>
      %swap3A_159 = vector.shape_cast %broadcast_in_dim3A_154 : vector<16xf32> to vector<1x16xf32>
      tpu.vector_store %arg6[%swap3A_155, %swap3A_156], %swap3A_159 {strides = array<i32>} : memref<80x128xf32, #tpu.memory_space<vmem>>, vector<1x16xf32>,
      %broadcast_in_dim3A_160 = arith.constant 0.000000e+00 : f32
      %broadcast_in_dim3A_161 = vector.broadcast %broadcast_in_dim3A_160 : f32 to vector<16xf32>
      %swap3A_162 = arith.index_cast %scan3A_133 : i32 to index
      %swap3A_163 = arith.constant 64 : index
      %swap3A_164 = tpu.vector_load %arg6[%swap3A_162, %swap3A_163] {strides = array<i32>} : memref<80x128xf32, #tpu.memory_space<vmem>>, vector<1x16xf32>,
      %swap3A_165 = vector.shape_cast %swap3A_164 : vector<1x16xf32> to vector<16xf32>
      %swap3A_166 = vector.shape_cast %broadcast_in_dim3A_161 : vector<16xf32> to vector<1x16xf32>
      tpu.vector_store %arg6[%swap3A_162, %swap3A_163], %swap3A_166 {strides = array<i32>} : memref<80x128xf32, #tpu.memory_space<vmem>>, vector<1x16xf32>,
      %broadcast_in_dim3A_167 = arith.constant 0.000000e+00 : f32
      %broadcast_in_dim3A_168 = vector.broadcast %broadcast_in_dim3A_167 : f32 to vector<16xf32>
      %swap3A_169 = arith.index_cast %scan3A_133 : i32 to index
      %swap3A_170 = arith.constant 80 : index
      %swap3A_171 = tpu.vector_load %arg6[%swap3A_169, %swap3A_170] {strides = array<i32>} : memref<80x128xf32, #tpu.memory_space<vmem>>, vector<1x16xf32>,
      %swap3A_172 = vector.shape_cast %swap3A_171 : vector<1x16xf32> to vector<16xf32>
      %swap3A_173 = vector.shape_cast %broadcast_in_dim3A_168 : vector<16xf32> to vector<1x16xf32>
      tpu.vector_store %arg6[%swap3A_169, %swap3A_170], %swap3A_173 {strides = array<i32>} : memref<80x128xf32, #tpu.memory_space<vmem>>, vector<1x16xf32>,
      %broadcast_in_dim3A_174 = arith.constant 0.000000e+00 : f32
      %broadcast_in_dim3A_175 = vector.broadcast %broadcast_in_dim3A_174 : f32 to vector<16xf32>
      %swap3A_176 = arith.index_cast %scan3A_133 : i32 to index
      %swap3A_177 = arith.constant 96 : index
      %swap3A_178 = tpu.vector_load %arg6[%swap3A_176, %swap3A_177] {strides = array<i32>} : memref<80x128xf32, #tpu.memory_space<vmem>>, vector<1x16xf32>,
      %swap3A_179 = vector.shape_cast %swap3A_178 : vector<1x16xf32> to vector<16xf32>
      %swap3A_180 = vector.shape_cast %broadcast_in_dim3A_175 : vector<16xf32> to vector<1x16xf32>
      tpu.vector_store %arg6[%swap3A_176, %swap3A_177], %swap3A_180 {strides = array<i32>} : memref<80x128xf32, #tpu.memory_space<vmem>>, vector<1x16xf32>,
      %broadcast_in_dim3A_181 = arith.constant 0.000000e+00 : f32
      %broadcast_in_dim3A_182 = vector.broadcast %broadcast_in_dim3A_181 : f32 to vector<16xf32>
      %swap3A_183 = arith.index_cast %scan3A_133 : i32 to index
      %swap3A_184 = arith.constant 112 : index
      %swap3A_185 = tpu.vector_load %arg6[%swap3A_183, %swap3A_184] {strides = array<i32>} : memref<80x128xf32, #tpu.memory_space<vmem>>, vector<1x16xf32>,
      %swap3A_186 = vector.shape_cast %swap3A_185 : vector<1x16xf32> to vector<16xf32>
      %swap3A_187 = vector.shape_cast %broadcast_in_dim3A_182 : vector<16xf32> to vector<1x16xf32>
      tpu.vector_store %arg6[%swap3A_183, %swap3A_184], %swap3A_187 {strides = array<i32>} : memref<80x128xf32, #tpu.memory_space<vmem>>, vector<1x16xf32>,
    }
    %scan3A_10 = arith.constant 80 : i32
    %mul3A_11 = arith.constant 640 : i32
    %mul3A_12 = arith.muli %arg1, %mul3A_11 : i32
    %add3A_13 = arith.constant 0 : i32
    %add3A_14 = arith.addi %mul3A_12, %add3A_13 : i32
    %dma_start3A_15 = arith.constant 0 : i32
    %dma_start3A_16 = tpu.memref_slice %arg15[%add3A_14, %dma_start3A_15] : memref<10240x128xf32, #tpu.memory_space<vmem_shared>> -> memref<80x128xf32, #tpu.memory_space<vmem_shared>>
    %dma_start3A_17 = arith.constant 0 : i32
    %dma_start3A_18 = tpu.memref_slice %arg15[%add3A_14, %dma_start3A_17] : memref<10240x128xf32, #tpu.memory_space<vmem_shared>> -> memref<80x128xf32, #tpu.memory_space<vmem_shared>>
    tpu.enqueue_dma source(%arg6 : memref<80x128xf32, #tpu.memory_space<vmem>>) target(%dma_start3A_18 : memref<80x128xf32, #tpu.memory_space<vmem_shared>>) target_semaphore(%arg17 : memref<!tpu.dma_semaphore, #tpu.memory_space<semaphore_mem>>)
    %mul3A_19 = arith.constant 640 : i32
    %mul3A_20 = arith.muli %arg1, %mul3A_19 : i32
    %add3A_21 = arith.constant 80 : i32
    %add3A_22 = arith.addi %mul3A_20, %add3A_21 : i32
    %dma_start3A_23 = arith.constant 0 : i32
    %dma_start3A_24 = tpu.memref_slice %arg15[%add3A_22, %dma_start3A_23] : memref<10240x128xf32, #tpu.memory_space<vmem_shared>> -> memref<80x128xf32, #tpu.memory_space<vmem_shared>>
    %dma_start3A_25 = arith.constant 0 : i32
    %dma_start3A_26 = tpu.memref_slice %arg15[%add3A_22, %dma_start3A_25] : memref<10240x128xf32, #tpu.memory_space<vmem_shared>> -> memref<80x128xf32, #tpu.memory_space<vmem_shared>>
    tpu.enqueue_dma source(%arg6 : memref<80x128xf32, #tpu.memory_space<vmem>>) target(%dma_start3A_26 : memref<80x128xf32, #tpu.memory_space<vmem_shared>>) target_semaphore(%arg17 : memref<!tpu.dma_semaphore, #tpu.memory_space<semaphore_mem>>)
    %mul3A_27 = arith.constant 640 : i32
    %mul3A_28 = arith.muli %arg1, %mul3A_27 : i32
    %add3A_29 = arith.constant 160 : i32
    %add3A_30 = arith.addi %mul3A_28, %add3A_29 : i32
    %dma_start3A_31 = arith.constant 0 : i32
    %dma_start3A_32 = tpu.memref_slice %arg15[%add3A_30, %dma_start3A_31] : memref<10240x128xf32, #tpu.memory_space<vmem_shared>> -> memref<80x128xf32, #tpu.memory_space<vmem_shared>>
    %dma_start3A_33 = arith.constant 0 : i32
    %dma_start3A_34 = tpu.memref_slice %arg15[%add3A_30, %dma_start3A_33] : memref<10240x128xf32, #tpu.memory_space<vmem_shared>> -> memref<80x128xf32, #tpu.memory_space<vmem_shared>>
    tpu.enqueue_dma source(%arg6 : memref<80x128xf32, #tpu.memory_space<vmem>>) target(%dma_start3A_34 : memref<80x128xf32, #tpu.memory_space<vmem_shared>>) target_semaphore(%arg17 : memref<!tpu.dma_semaphore, #tpu.memory_space<semaphore_mem>>)
    %mul3A_35 = arith.constant 640 : i32
    %mul3A_36 = arith.muli %arg1, %mul3A_35 : i32
    %add3A_37 = arith.constant 240 : i32
    %add3A_38 = arith.addi %mul3A_36, %add3A_37 : i32
    %dma_start3A_39 = arith.constant 0 : i32
    %dma_start3A_40 = tpu.memref_slice %arg15[%add3A_38, %dma_start3A_39] : memref<10240x128xf32, #tpu.memory_space<vmem_shared>> -> memref<80x128xf32, #tpu.memory_space<vmem_shared>>
    %dma_start3A_41 = arith.constant 0 : i32
    %dma_start3A_42 = tpu.memref_slice %arg15[%add3A_38, %dma_start3A_41] : memref<10240x128xf32, #tpu.memory_space<vmem_shared>> -> memref<80x128xf32, #tpu.memory_space<vmem_shared>>
    tpu.enqueue_dma source(%arg6 : memref<80x128xf32, #tpu.memory_space<vmem>>) target(%dma_start3A_42 : memref<80x128xf32, #tpu.memory_space<vmem_shared>>) target_semaphore(%arg17 : memref<!tpu.dma_semaphore, #tpu.memory_space<semaphore_mem>>)
    %mul3A_43 = arith.constant 640 : i32
    %mul3A_44 = arith.muli %arg1, %mul3A_43 : i32
    %add3A_45 = arith.constant 320 : i32
    %add3A_46 = arith.addi %mul3A_44, %add3A_45 : i32
    %dma_start3A_47 = arith.constant 0 : i32
    %dma_start3A_48 = tpu.memref_slice %arg15[%add3A_46, %dma_start3A_47] : memref<10240x128xf32, #tpu.memory_space<vmem_shared>> -> memref<80x128xf32, #tpu.memory_space<vmem_shared>>
    %dma_start3A_49 = arith.constant 0 : i32
    %dma_start3A_50 = tpu.memref_slice %arg15[%add3A_46, %dma_start3A_49] : memref<10240x128xf32, #tpu.memory_space<vmem_shared>> -> memref<80x128xf32, #tpu.memory_space<vmem_shared>>
    tpu.enqueue_dma source(%arg6 : memref<80x128xf32, #tpu.memory_space<vmem>>) target(%dma_start3A_50 : memref<80x128xf32, #tpu.memory_space<vmem_shared>>) target_semaphore(%arg17 : memref<!tpu.dma_semaphore, #tpu.memory_space<semaphore_mem>>)
    %mul3A_51 = arith.constant 640 : i32
    %mul3A_52 = arith.muli %arg1, %mul3A_51 : i32
    %add3A_53 = arith.constant 400 : i32
    %add3A_54 = arith.addi %mul3A_52, %add3A_53 : i32
    %dma_start3A_55 = arith.constant 0 : i32
    %dma_start3A_56 = tpu.memref_slice %arg15[%add3A_54, %dma_start3A_55] : memref<10240x128xf32, #tpu.memory_space<vmem_shared>> -> memref<80x128xf32, #tpu.memory_space<vmem_shared>>
    %dma_start3A_57 = arith.constant 0 : i32
    %dma_start3A_58 = tpu.memref_slice %arg15[%add3A_54, %dma_start3A_57] : memref<10240x128xf32, #tpu.memory_space<vmem_shared>> -> memref<80x128xf32, #tpu.memory_space<vmem_shared>>
    tpu.enqueue_dma source(%arg6 : memref<80x128xf32, #tpu.memory_space<vmem>>) target(%dma_start3A_58 : memref<80x128xf32, #tpu.memory_space<vmem_shared>>) target_semaphore(%arg17 : memref<!tpu.dma_semaphore, #tpu.memory_space<semaphore_mem>>)
    %mul3A_59 = arith.constant 640 : i32
    %mul3A_60 = arith.muli %arg1, %mul3A_59 : i32
    %add3A_61 = arith.constant 480 : i32
    %add3A_62 = arith.addi %mul3A_60, %add3A_61 : i32
    %dma_start3A_63 = arith.constant 0 : i32
    %dma_start3A_64 = tpu.memref_slice %arg15[%add3A_62, %dma_start3A_63] : memref<10240x128xf32, #tpu.memory_space<vmem_shared>> -> memref<80x128xf32, #tpu.memory_space<vmem_shared>>
    %dma_start3A_65 = arith.constant 0 : i32
    %dma_start3A_66 = tpu.memref_slice %arg15[%add3A_62, %dma_start3A_65] : memref<10240x128xf32, #tpu.memory_space<vmem_shared>> -> memref<80x128xf32, #tpu.memory_space<vmem_shared>>
    tpu.enqueue_dma source(%arg6 : memref<80x128xf32, #tpu.memory_space<vmem>>) target(%dma_start3A_66 : memref<80x128xf32, #tpu.memory_space<vmem_shared>>) target_semaphore(%arg17 : memref<!tpu.dma_semaphore, #tpu.memory_space<semaphore_mem>>)
    %mul3A_67 = arith.constant 640 : i32
    %mul3A_68 = arith.muli %arg1, %mul3A_67 : i32
    %add3A_69 = arith.constant 560 : i32
    %add3A_70 = arith.addi %mul3A_68, %add3A_69 : i32
    %dma_start3A_71 = arith.constant 0 : i32
    %dma_start3A_72 = tpu.memref_slice %arg15[%add3A_70, %dma_start3A_71] : memref<10240x128xf32, #tpu.memory_space<vmem_shared>> -> memref<80x128xf32, #tpu.memory_space<vmem_shared>>
    %dma_start3A_73 = arith.constant 0 : i32
    %dma_start3A_74 = tpu.memref_slice %arg15[%add3A_70, %dma_start3A_73] : memref<10240x128xf32, #tpu.memory_space<vmem_shared>> -> memref<80x128xf32, #tpu.memory_space<vmem_shared>>
    tpu.enqueue_dma source(%arg6 : memref<80x128xf32, #tpu.memory_space<vmem>>) target(%dma_start3A_74 : memref<80x128xf32, #tpu.memory_space<vmem_shared>>) target_semaphore(%arg17 : memref<!tpu.dma_semaphore, #tpu.memory_space<semaphore_mem>>)
    %dma_wait3A = arith.constant 0 : i32
    %dma_wait3A_75 = tpu.memref_slice %arg15[%add3A_14, %dma_wait3A] : memref<10240x128xf32, #tpu.memory_space<vmem_shared>> -> memref<80x128xf32, #tpu.memory_space<vmem_shared>>
    %dma_wait3A_76 = arith.constant 0 : i32
    %dma_wait3A_77 = tpu.memref_slice %arg15[%add3A_14, %dma_wait3A_76] : memref<10240x128xf32, #tpu.memory_space<vmem_shared>> -> memref<80x128xf32, #tpu.memory_space<vmem_shared>>
    tpu.wait_dma2 semaphore(%arg17 : memref<!tpu.dma_semaphore, #tpu.memory_space<semaphore_mem>>) src(%arg6 : memref<80x128xf32, #tpu.memory_space<vmem>>) dst(%dma_wait3A_77 : memref<80x128xf32, #tpu.memory_space<vmem_shared>>)
    %dma_wait3A_78 = arith.constant 0 : i32
    %dma_wait3A_79 = tpu.memref_slice %arg15[%add3A_22, %dma_wait3A_78] : memref<10240x128xf32, #tpu.memory_space<vmem_shared>> -> memref<80x128xf32, #tpu.memory_space<vmem_shared>>
    %dma_wait3A_80 = arith.constant 0 : i32
    %dma_wait3A_81 = tpu.memref_slice %arg15[%add3A_22, %dma_wait3A_80] : memref<10240x128xf32, #tpu.memory_space<vmem_shared>> -> memref<80x128xf32, #tpu.memory_space<vmem_shared>>
    tpu.wait_dma2 semaphore(%arg17 : memref<!tpu.dma_semaphore, #tpu.memory_space<semaphore_mem>>) src(%arg6 : memref<80x128xf32, #tpu.memory_space<vmem>>) dst(%dma_wait3A_81 : memref<80x128xf32, #tpu.memory_space<vmem_shared>>)
    %dma_wait3A_82 = arith.constant 0 : i32
    %dma_wait3A_83 = tpu.memref_slice %arg15[%add3A_30, %dma_wait3A_82] : memref<10240x128xf32, #tpu.memory_space<vmem_shared>> -> memref<80x128xf32, #tpu.memory_space<vmem_shared>>
    %dma_wait3A_84 = arith.constant 0 : i32
    %dma_wait3A_85 = tpu.memref_slice %arg15[%add3A_30, %dma_wait3A_84] : memref<10240x128xf32, #tpu.memory_space<vmem_shared>> -> memref<80x128xf32, #tpu.memory_space<vmem_shared>>
    tpu.wait_dma2 semaphore(%arg17 : memref<!tpu.dma_semaphore, #tpu.memory_space<semaphore_mem>>) src(%arg6 : memref<80x128xf32, #tpu.memory_space<vmem>>) dst(%dma_wait3A_85 : memref<80x128xf32, #tpu.memory_space<vmem_shared>>)
    %dma_wait3A_86 = arith.constant 0 : i32
    %dma_wait3A_87 = tpu.memref_slice %arg15[%add3A_38, %dma_wait3A_86] : memref<10240x128xf32, #tpu.memory_space<vmem_shared>> -> memref<80x128xf32, #tpu.memory_space<vmem_shared>>
    %dma_wait3A_88 = arith.constant 0 : i32
    %dma_wait3A_89 = tpu.memref_slice %arg15[%add3A_38, %dma_wait3A_88] : memref<10240x128xf32, #tpu.memory_space<vmem_shared>> -> memref<80x128xf32, #tpu.memory_space<vmem_shared>>
    tpu.wait_dma2 semaphore(%arg17 : memref<!tpu.dma_semaphore, #tpu.memory_space<semaphore_mem>>) src(%arg6 : memref<80x128xf32, #tpu.memory_space<vmem>>) dst(%dma_wait3A_89 : memref<80x128xf32, #tpu.memory_space<vmem_shared>>)
    %dma_wait3A_90 = arith.constant 0 : i32
    %dma_wait3A_91 = tpu.memref_slice %arg15[%add3A_46, %dma_wait3A_90] : memref<10240x128xf32, #tpu.memory_space<vmem_shared>> -> memref<80x128xf32, #tpu.memory_space<vmem_shared>>
    %dma_wait3A_92 = arith.constant 0 : i32
    %dma_wait3A_93 = tpu.memref_slice %arg15[%add3A_46, %dma_wait3A_92] : memref<10240x128xf32, #tpu.memory_space<vmem_shared>> -> memref<80x128xf32, #tpu.memory_space<vmem_shared>>
    tpu.wait_dma2 semaphore(%arg17 : memref<!tpu.dma_semaphore, #tpu.memory_space<semaphore_mem>>) src(%arg6 : memref<80x128xf32, #tpu.memory_space<vmem>>) dst(%dma_wait3A_93 : memref<80x128xf32, #tpu.memory_space<vmem_shared>>)
    %dma_wait3A_94 = arith.constant 0 : i32
    %dma_wait3A_95 = tpu.memref_slice %arg15[%add3A_54, %dma_wait3A_94] : memref<10240x128xf32, #tpu.memory_space<vmem_shared>> -> memref<80x128xf32, #tpu.memory_space<vmem_shared>>
    %dma_wait3A_96 = arith.constant 0 : i32
    %dma_wait3A_97 = tpu.memref_slice %arg15[%add3A_54, %dma_wait3A_96] : memref<10240x128xf32, #tpu.memory_space<vmem_shared>> -> memref<80x128xf32, #tpu.memory_space<vmem_shared>>
    tpu.wait_dma2 semaphore(%arg17 : memref<!tpu.dma_semaphore, #tpu.memory_space<semaphore_mem>>) src(%arg6 : memref<80x128xf32, #tpu.memory_space<vmem>>) dst(%dma_wait3A_97 : memref<80x128xf32, #tpu.memory_space<vmem_shared>>)
    %dma_wait3A_98 = arith.constant 0 : i32
    %dma_wait3A_99 = tpu.memref_slice %arg15[%add3A_62, %dma_wait3A_98] : memref<10240x128xf32, #tpu.memory_space<vmem_shared>> -> memref<80x128xf32, #tpu.memory_space<vmem_shared>>
    %dma_wait3A_100 = arith.constant 0 : i32
    %dma_wait3A_101 = tpu.memref_slice %arg15[%add3A_62, %dma_wait3A_100] : memref<10240x128xf32, #tpu.memory_space<vmem_shared>> -> memref<80x128xf32, #tpu.memory_space<vmem_shared>>
    tpu.wait_dma2 semaphore(%arg17 : memref<!tpu.dma_semaphore, #tpu.memory_space<semaphore_mem>>) src(%arg6 : memref<80x128xf32, #tpu.memory_space<vmem>>) dst(%dma_wait3A_101 : memref<80x128xf32, #tpu.memory_space<vmem_shared>>)
    %dma_wait3A_102 = arith.constant 0 : i32
    %dma_wait3A_103 = tpu.memref_slice %arg15[%add3A_70, %dma_wait3A_102] : memref<10240x128xf32, #tpu.memory_space<vmem_shared>> -> memref<80x128xf32, #tpu.memory_space<vmem_shared>>
    %dma_wait3A_104 = arith.constant 0 : i32
    %dma_wait3A_105 = tpu.memref_slice %arg15[%add3A_70, %dma_wait3A_104] : memref<10240x128xf32, #tpu.memory_space<vmem_shared>> -> memref<80x128xf32, #tpu.memory_space<vmem_shared>>
    tpu.wait_dma2 semaphore(%arg17 : memref<!tpu.dma_semaphore, #tpu.memory_space<semaphore_mem>>) src(%arg6 : memref<80x128xf32, #tpu.memory_space<vmem>>) dst(%dma_wait3A_105 : memref<80x128xf32, #tpu.memory_space<vmem_shared>>)
    %dma_wait3A_106 = arith.constant 0 : i32
    %dma_wait3A_107 = tpu.memref_slice %arg3[%mul3A_2, %dma_wait3A_106] : memref<4096x80xi32, #tpu.memory_space<hbm>> -> memref<128x80xi32, #tpu.memory_space<hbm>>
    %dma_wait3A_108 = arith.constant 0 : i32
    %dma_wait3A_109 = tpu.memref_slice %arg3[%mul3A_2, %dma_wait3A_108] : memref<4096x80xi32, #tpu.memory_space<hbm>> -> memref<128x80xi32, #tpu.memory_space<hbm>>
    tpu.wait_dma2 semaphore(%arg22 : memref<!tpu.dma_semaphore, #tpu.memory_space<semaphore_mem>>) src(%dma_wait3A_109 : memref<128x80xi32, #tpu.memory_space<hbm>>) dst(%arg5 : memref<128x80xi32, #tpu.memory_space<vmem>>)
    %barrier3A = arith.constant 0 : index
    tpu.barrier barrier_id(%barrier3A)
    %scan3A_110 = arith.constant 0 : i32
    %scan3A_111 = arith.constant 0 : i32
    %scan3A_112 = arith.constant 42 : i32
    %scan3A_113 = arith.addi %scan3A_111, %scan3A_112 : i32
    %scan3A_114 = arith.constant 1 : i32
    scf.for %scan3A_133 = %scan3A_111 to %scan3A_113 step %scan3A_114  : i32 {
      %mul3A_134 = arith.constant 3 : i32
      %mul3A_135 = arith.muli %scan3A_133, %mul3A_134 : i32
      %add3A_136 = arith.constant 0 : i32
      %add3A_137 = arith.addi %mul3A_135, %add3A_136 : i32
      %sub3A = arith.constant 3 : i32
      %sub3A_138 = arith.subi %add3A_137, %sub3A : i32
      %ge3A = arith.constant 0 : i32
      %ge3A_139 = arith.cmpi sge, %sub3A_138, %ge3A : i32
      %lt3A = arith.constant 125 : i32
      %lt3A_140 = arith.cmpi slt, %sub3A_138, %lt3A : i32
      %and3A_141 = arith.andi %ge3A_139, %lt3A_140 : i1
      %convert_element_type3A_142 = arith.extui %and3A_141 : i1 to i32
      %cond3A_143 = arith.constant 0 : i32
      %cond3A_144 = arith.cmpi ne, %convert_element_type3A_142, %cond3A_143 : i32
      scf.if %cond3A_144 {
        %dma_wait3A_259 = arith.constant 0 : i32
        %dma_wait3A_260 = arith.constant 0 : i32
        %dma_wait3A_261 = tpu.memref_slice %arg15[%dma_wait3A_259, %dma_wait3A_260] : memref<10240x128xf32, #tpu.memory_space<vmem_shared>> -> memref<10240x128xf32, #tpu.memory_space<vmem_shared>>
        tpu.wait_indirect_dma semaphore(%arg19 : memref<!tpu.dma_semaphore, #tpu.memory_space<semaphore_mem>>) src(%arg6 : memref<80x128xf32, #tpu.memory_space<vmem>>) dst(%dma_wait3A_261 : memref<10240x128xf32, #tpu.memory_space<vmem_shared>>)
      } else {
      }
      %lt3A_145 = arith.constant 125 : i32
      %lt3A_146 = arith.cmpi slt, %add3A_137, %lt3A_145 : i32
      %convert_element_type3A_147 = arith.extui %lt3A_146 : i1 to i32
      %cond3A_148 = arith.constant 0 : i32
      %cond3A_149 = arith.cmpi ne, %convert_element_type3A_147, %cond3A_148 : i32
      scf.if %cond3A_149 {
        %get3A = arith.index_cast %add3A_137 : i32 to index
        %get3A_259 = arith.constant 0 : index
        %get3A_260 = tpu.vector_load %arg5[%get3A, %get3A_259] {strides = array<i32>} : memref<128x80xi32, #tpu.memory_space<vmem>>, vector<1x16xi32>,
        %get3A_261 = vector.shape_cast %get3A_260 : vector<1x16xi32> to vector<16xi32>
        %and3A_262 = arith.constant 16383 : i32
        %and3A_263 = vector.broadcast %and3A_262 : i32 to vector<16xi32>
        %and3A_264 = arith.andi %get3A_261, %and3A_263 : vector<16xi32>
        %swap3A = arith.constant 0 : index
        %swap3A_265 = tpu.vector_load %arg9[%swap3A] {strides = array<i32>} : memref<80xi32, #tpu.memory_space<vmem>>, vector<16xi32>,
        %swap3A_266 = vector.shape_cast %swap3A_265 : vector<16xi32> to vector<16xi32>
        %swap3A_267 = vector.shape_cast %and3A_264 : vector<16xi32> to vector<16xi32>
        tpu.vector_store %arg9[%swap3A], %swap3A_267 {strides = array<i32>} : memref<80xi32, #tpu.memory_space<vmem>>, vector<16xi32>,
        %shift_right_logical3A = arith.constant 14 : i32
        %shift_right_logical3A_268 = vector.broadcast %shift_right_logical3A : i32 to vector<16xi32>
        %shift_right_logical3A_269 = arith.shrui %get3A_261, %shift_right_logical3A_268 : vector<16xi32>
        %swap3A_270 = arith.constant 0 : index
        %swap3A_271 = tpu.vector_load %arg10[%swap3A_270] {strides = array<i32>} : memref<80xi32, #tpu.memory_space<vmem>>, vector<16xi32>,
        %swap3A_272 = vector.shape_cast %swap3A_271 : vector<16xi32> to vector<16xi32>
        %swap3A_273 = vector.shape_cast %shift_right_logical3A_269 : vector<16xi32> to vector<16xi32>
        tpu.vector_store %arg10[%swap3A_270], %swap3A_273 {strides = array<i32>} : memref<80xi32, #tpu.memory_space<vmem>>, vector<16xi32>,
        %get3A_274 = arith.index_cast %add3A_137 : i32 to index
        %get3A_275 = arith.constant 16 : index
        %get3A_276 = tpu.vector_load %arg5[%get3A_274, %get3A_275] {strides = array<i32>} : memref<128x80xi32, #tpu.memory_space<vmem>>, vector<1x16xi32>,
        %get3A_277 = vector.shape_cast %get3A_276 : vector<1x16xi32> to vector<16xi32>
        %and3A_278 = arith.constant 16383 : i32
        %and3A_279 = vector.broadcast %and3A_278 : i32 to vector<16xi32>
        %and3A_280 = arith.andi %get3A_277, %and3A_279 : vector<16xi32>
        %swap3A_281 = arith.constant 16 : index
        %swap3A_282 = tpu.vector_load %arg9[%swap3A_281] {strides = array<i32>} : memref<80xi32, #tpu.memory_space<vmem>>, vector<16xi32>,
        %swap3A_283 = vector.shape_cast %swap3A_282 : vector<16xi32> to vector<16xi32>
        %swap3A_284 = vector.shape_cast %and3A_280 : vector<16xi32> to vector<16xi32>
        tpu.vector_store %arg9[%swap3A_281], %swap3A_284 {strides = array<i32>} : memref<80xi32, #tpu.memory_space<vmem>>, vector<16xi32>,
        %shift_right_logical3A_285 = arith.constant 14 : i32
        %shift_right_logical3A_286 = vector.broadcast %shift_right_logical3A_285 : i32 to vector<16xi32>
        %shift_right_logical3A_287 = arith.shrui %get3A_277, %shift_right_logical3A_286 : vector<16xi32>
        %swap3A_288 = arith.constant 16 : index
        %swap3A_289 = tpu.vector_load %arg10[%swap3A_288] {strides = array<i32>} : memref<80xi32, #tpu.memory_space<vmem>>, vector<16xi32>,
        %swap3A_290 = vector.shape_cast %swap3A_289 : vector<16xi32> to vector<16xi32>
        %swap3A_291 = vector.shape_cast %shift_right_logical3A_287 : vector<16xi32> to vector<16xi32>
        tpu.vector_store %arg10[%swap3A_288], %swap3A_291 {strides = array<i32>} : memref<80xi32, #tpu.memory_space<vmem>>, vector<16xi32>,
        %get3A_292 = arith.index_cast %add3A_137 : i32 to index
        %get3A_293 = arith.constant 32 : index
        %get3A_294 = tpu.vector_load %arg5[%get3A_292, %get3A_293] {strides = array<i32>} : memref<128x80xi32, #tpu.memory_space<vmem>>, vector<1x16xi32>,
        %get3A_295 = vector.shape_cast %get3A_294 : vector<1x16xi32> to vector<16xi32>
        %and3A_296 = arith.constant 16383 : i32
        %and3A_297 = vector.broadcast %and3A_296 : i32 to vector<16xi32>
        %and3A_298 = arith.andi %get3A_295, %and3A_297 : vector<16xi32>
        %swap3A_299 = arith.constant 32 : index
        %swap3A_300 = tpu.vector_load %arg9[%swap3A_299] {strides = array<i32>} : memref<80xi32, #tpu.memory_space<vmem>>, vector<16xi32>,
        %swap3A_301 = vector.shape_cast %swap3A_300 : vector<16xi32> to vector<16xi32>
        %swap3A_302 = vector.shape_cast %and3A_298 : vector<16xi32> to vector<16xi32>
        tpu.vector_store %arg9[%swap3A_299], %swap3A_302 {strides = array<i32>} : memref<80xi32, #tpu.memory_space<vmem>>, vector<16xi32>,
        %shift_right_logical3A_303 = arith.constant 14 : i32
        %shift_right_logical3A_304 = vector.broadcast %shift_right_logical3A_303 : i32 to vector<16xi32>
        %shift_right_logical3A_305 = arith.shrui %get3A_295, %shift_right_logical3A_304 : vector<16xi32>
        %swap3A_306 = arith.constant 32 : index
        %swap3A_307 = tpu.vector_load %arg10[%swap3A_306] {strides = array<i32>} : memref<80xi32, #tpu.memory_space<vmem>>, vector<16xi32>,
        %swap3A_308 = vector.shape_cast %swap3A_307 : vector<16xi32> to vector<16xi32>
        %swap3A_309 = vector.shape_cast %shift_right_logical3A_305 : vector<16xi32> to vector<16xi32>
        tpu.vector_store %arg10[%swap3A_306], %swap3A_309 {strides = array<i32>} : memref<80xi32, #tpu.memory_space<vmem>>, vector<16xi32>,
        %get3A_310 = arith.index_cast %add3A_137 : i32 to index
        %get3A_311 = arith.constant 48 : index
        %get3A_312 = tpu.vector_load %arg5[%get3A_310, %get3A_311] {strides = array<i32>} : memref<128x80xi32, #tpu.memory_space<vmem>>, vector<1x16xi32>,
        %get3A_313 = vector.shape_cast %get3A_312 : vector<1x16xi32> to vector<16xi32>
        %and3A_314 = arith.constant 16383 : i32
        %and3A_315 = vector.broadcast %and3A_314 : i32 to vector<16xi32>
        %and3A_316 = arith.andi %get3A_313, %and3A_315 : vector<16xi32>
        %swap3A_317 = arith.constant 48 : index
        %swap3A_318 = tpu.vector_load %arg9[%swap3A_317] {strides = array<i32>} : memref<80xi32, #tpu.memory_space<vmem>>, vector<16xi32>,
        %swap3A_319 = vector.shape_cast %swap3A_318 : vector<16xi32> to vector<16xi32>
        %swap3A_320 = vector.shape_cast %and3A_316 : vector<16xi32> to vector<16xi32>
        tpu.vector_store %arg9[%swap3A_317], %swap3A_320 {strides = array<i32>} : memref<80xi32, #tpu.memory_space<vmem>>, vector<16xi32>,
        %shift_right_logical3A_321 = arith.constant 14 : i32
        %shift_right_logical3A_322 = vector.broadcast %shift_right_logical3A_321 : i32 to vector<16xi32>
        %shift_right_logical3A_323 = arith.shrui %get3A_313, %shift_right_logical3A_322 : vector<16xi32>
        %swap3A_324 = arith.constant 48 : index
        %swap3A_325 = tpu.vector_load %arg10[%swap3A_324] {strides = array<i32>} : memref<80xi32, #tpu.memory_space<vmem>>, vector<16xi32>,
        %swap3A_326 = vector.shape_cast %swap3A_325 : vector<16xi32> to vector<16xi32>
        %swap3A_327 = vector.shape_cast %shift_right_logical3A_323 : vector<16xi32> to vector<16xi32>
        tpu.vector_store %arg10[%swap3A_324], %swap3A_327 {strides = array<i32>} : memref<80xi32, #tpu.memory_space<vmem>>, vector<16xi32>,
        %get3A_328 = arith.index_cast %add3A_137 : i32 to index
        %get3A_329 = arith.constant 64 : index
        %get3A_330 = tpu.vector_load %arg5[%get3A_328, %get3A_329] {strides = array<i32>} : memref<128x80xi32, #tpu.memory_space<vmem>>, vector<1x16xi32>,
        %get3A_331 = vector.shape_cast %get3A_330 : vector<1x16xi32> to vector<16xi32>
        %and3A_332 = arith.constant 16383 : i32
        %and3A_333 = vector.broadcast %and3A_332 : i32 to vector<16xi32>
        %and3A_334 = arith.andi %get3A_331, %and3A_333 : vector<16xi32>
        %swap3A_335 = arith.constant 64 : index
        %swap3A_336 = tpu.vector_load %arg9[%swap3A_335] {strides = array<i32>} : memref<80xi32, #tpu.memory_space<vmem>>, vector<16xi32>,
        %swap3A_337 = vector.shape_cast %swap3A_336 : vector<16xi32> to vector<16xi32>
        %swap3A_338 = vector.shape_cast %and3A_334 : vector<16xi32> to vector<16xi32>
        tpu.vector_store %arg9[%swap3A_335], %swap3A_338 {strides = array<i32>} : memref<80xi32, #tpu.memory_space<vmem>>, vector<16xi32>,
        %shift_right_logical3A_339 = arith.constant 14 : i32
        %shift_right_logical3A_340 = vector.broadcast %shift_right_logical3A_339 : i32 to vector<16xi32>
        %shift_right_logical3A_341 = arith.shrui %get3A_331, %shift_right_logical3A_340 : vector<16xi32>
        %swap3A_342 = arith.constant 64 : index
        %swap3A_343 = tpu.vector_load %arg10[%swap3A_342] {strides = array<i32>} : memref<80xi32, #tpu.memory_space<vmem>>, vector<16xi32>,
        %swap3A_344 = vector.shape_cast %swap3A_343 : vector<16xi32> to vector<16xi32>
        %swap3A_345 = vector.shape_cast %shift_right_logical3A_341 : vector<16xi32> to vector<16xi32>
        tpu.vector_store %arg10[%swap3A_342], %swap3A_345 {strides = array<i32>} : memref<80xi32, #tpu.memory_space<vmem>>, vector<16xi32>,
      } else {
      }
      %lt3A_150 = arith.constant 125 : i32
      %lt3A_151 = arith.cmpi slt, %add3A_137, %lt3A_150 : i32
      %convert_element_type3A_152 = arith.extui %lt3A_151 : i1 to i32
      %cond3A_153 = arith.constant 0 : i32
      %cond3A_154 = arith.cmpi ne, %convert_element_type3A_152, %cond3A_153 : i32
      scf.if %cond3A_154 {
        %dma_start3A_259 = arith.constant 0 : i32
        %dma_start3A_260 = arith.constant 0 : i32
        %dma_start3A_261 = tpu.memref_slice %arg2[%dma_start3A_259, %dma_start3A_260] : memref<10000x128xf32, #tpu.memory_space<hbm>> -> memref<10000x128xf32, #tpu.memory_space<hbm>>
        tpu.enqueue_indirect_dma source(%dma_start3A_261 : memref<10000x128xf32, #tpu.memory_space<hbm>>) target(%arg6 : memref<80x128xf32, #tpu.memory_space<vmem>>) offsets(%arg9 : memref<80xi32, #tpu.memory_space<vmem>>) semaphore(%arg16 : memref<!tpu.dma_semaphore, #tpu.memory_space<semaphore_mem>>)
      } else {
      }
      %sub3A_155 = arith.constant 1 : i32
      %sub3A_156 = arith.subi %add3A_137, %sub3A_155 : i32
      %ge3A_157 = arith.constant 0 : i32
      %ge3A_158 = arith.cmpi sge, %sub3A_156, %ge3A_157 : i32
      %lt3A_159 = arith.constant 125 : i32
      %lt3A_160 = arith.cmpi slt, %sub3A_156, %lt3A_159 : i32
      %and3A_161 = arith.andi %ge3A_158, %lt3A_160 : i1
      %convert_element_type3A_162 = arith.extui %and3A_161 : i1 to i32
      %cond3A_163 = arith.constant 0 : i32
      %cond3A_164 = arith.cmpi ne, %convert_element_type3A_162, %cond3A_163 : i32
      scf.if %cond3A_164 {
        %dma_wait3A_259 = arith.constant 0 : i32
        %dma_wait3A_260 = arith.constant 0 : i32
        %dma_wait3A_261 = tpu.memref_slice %arg2[%dma_wait3A_259, %dma_wait3A_260] : memref<10000x128xf32, #tpu.memory_space<hbm>> -> memref<10000x128xf32, #tpu.memory_space<hbm>>
        tpu.wait_indirect_dma semaphore(%arg18 : memref<!tpu.dma_semaphore, #tpu.memory_space<semaphore_mem>>) src(%dma_wait3A_261 : memref<10000x128xf32, #tpu.memory_space<hbm>>) dst(%arg8 : memref<80x128xf32, #tpu.memory_space<vmem>>)
      } else {
      }
      %sub3A_165 = arith.constant 1 : i32
      %sub3A_166 = arith.subi %add3A_137, %sub3A_165 : i32
      %ge3A_167 = arith.constant 0 : i32
      %ge3A_168 = arith.cmpi sge, %sub3A_166, %ge3A_167 : i32
      %lt3A_169 = arith.constant 125 : i32
      %lt3A_170 = arith.cmpi slt, %sub3A_166, %lt3A_169 : i32
      %and3A_171 = arith.andi %ge3A_168, %lt3A_170 : i1
      %convert_element_type3A_172 = arith.extui %and3A_171 : i1 to i32
      %cond3A_173 = arith.constant 0 : i32
      %cond3A_174 = arith.cmpi ne, %convert_element_type3A_172, %cond3A_173 : i32
      scf.if %cond3A_174 {
        %dma_start3A_259 = arith.constant 0 : i32
        %dma_start3A_260 = arith.constant 0 : i32
        %dma_start3A_261 = tpu.memref_slice %arg15[%dma_start3A_259, %dma_start3A_260] : memref<10240x128xf32, #tpu.memory_space<vmem_shared>> -> memref<10240x128xf32, #tpu.memory_space<vmem_shared>>
        tpu.enqueue_indirect_dma source(%arg8 : memref<80x128xf32, #tpu.memory_space<vmem>>) target(%dma_start3A_261 : memref<10240x128xf32, #tpu.memory_space<vmem_shared>>) offsets(%arg14 : memref<80xi32, #tpu.memory_space<vmem>>) semaphore(%arg21 : memref<!tpu.dma_semaphore, #tpu.memory_space<semaphore_mem>>) {add = true}
      } else {
      }
      %add3A_175 = arith.constant 1 : i32
      %add3A_176 = arith.addi %mul3A_135, %add3A_175 : i32
      %sub3A_177 = arith.constant 3 : i32
      %sub3A_178 = arith.subi %add3A_176, %sub3A_177 : i32
      %ge3A_179 = arith.constant 0 : i32
      %ge3A_180 = arith.cmpi sge, %sub3A_178, %ge3A_179 : i32
      %lt3A_181 = arith.constant 125 : i32
      %lt3A_182 = arith.cmpi slt, %sub3A_178, %lt3A_181 : i32
      %and3A_183 = arith.andi %ge3A_180, %lt3A_182 : i1
      %convert_element_type3A_184 = arith.extui %and3A_183 : i1 to i32
      %cond3A_185 = arith.constant 0 : i32
      %cond3A_186 = arith.cmpi ne, %convert_element_type3A_184, %cond3A_185 : i32
      scf.if %cond3A_186 {
        %dma_wait3A_259 = arith.constant 0 : i32
        %dma_wait3A_260 = arith.constant 0 : i32
        %dma_wait3A_261 = tpu.memref_slice %arg15[%dma_wait3A_259, %dma_wait3A_260] : memref<10240x128xf32, #tpu.memory_space<vmem_shared>> -> memref<10240x128xf32, #tpu.memory_space<vmem_shared>>
        tpu.wait_indirect_dma semaphore(%arg20 : memref<!tpu.dma_semaphore, #tpu.memory_space<semaphore_mem>>) src(%arg7 : memref<80x128xf32, #tpu.memory_space<vmem>>) dst(%dma_wait3A_261 : memref<10240x128xf32, #tpu.memory_space<vmem_shared>>)
      } else {
      }
      %lt3A_187 = arith.constant 125 : i32
      %lt3A_188 = arith.cmpi slt, %add3A_176, %lt3A_187 : i32
      %convert_element_type3A_189 = arith.extui %lt3A_188 : i1 to i32
      %cond3A_190 = arith.constant 0 : i32
      %cond3A_191 = arith.cmpi ne, %convert_element_type3A_189, %cond3A_190 : i32
      scf.if %cond3A_191 {
        %get3A = arith.index_cast %add3A_176 : i32 to index
        %get3A_259 = arith.constant 0 : index
        %get3A_260 = tpu.vector_load %arg5[%get3A, %get3A_259] {strides = array<i32>} : memref<128x80xi32, #tpu.memory_space<vmem>>, vector<1x16xi32>,
        %get3A_261 = vector.shape_cast %get3A_260 : vector<1x16xi32> to vector<16xi32>
        %and3A_262 = arith.constant 16383 : i32
        %and3A_263 = vector.broadcast %and3A_262 : i32 to vector<16xi32>
        %and3A_264 = arith.andi %get3A_261, %and3A_263 : vector<16xi32>
        %swap3A = arith.constant 0 : index
        %swap3A_265 = tpu.vector_load %arg11[%swap3A] {strides = array<i32>} : memref<80xi32, #tpu.memory_space<vmem>>, vector<16xi32>,
        %swap3A_266 = vector.shape_cast %swap3A_265 : vector<16xi32> to vector<16xi32>
        %swap3A_267 = vector.shape_cast %and3A_264 : vector<16xi32> to vector<16xi32>
        tpu.vector_store %arg11[%swap3A], %swap3A_267 {strides = array<i32>} : memref<80xi32, #tpu.memory_space<vmem>>, vector<16xi32>,
        %shift_right_logical3A = arith.constant 14 : i32
        %shift_right_logical3A_268 = vector.broadcast %shift_right_logical3A : i32 to vector<16xi32>
        %shift_right_logical3A_269 = arith.shrui %get3A_261, %shift_right_logical3A_268 : vector<16xi32>
        %swap3A_270 = arith.constant 0 : index
        %swap3A_271 = tpu.vector_load %arg12[%swap3A_270] {strides = array<i32>} : memref<80xi32, #tpu.memory_space<vmem>>, vector<16xi32>,
        %swap3A_272 = vector.shape_cast %swap3A_271 : vector<16xi32> to vector<16xi32>
        %swap3A_273 = vector.shape_cast %shift_right_logical3A_269 : vector<16xi32> to vector<16xi32>
        tpu.vector_store %arg12[%swap3A_270], %swap3A_273 {strides = array<i32>} : memref<80xi32, #tpu.memory_space<vmem>>, vector<16xi32>,
        %get3A_274 = arith.index_cast %add3A_176 : i32 to index
        %get3A_275 = arith.constant 16 : index
        %get3A_276 = tpu.vector_load %arg5[%get3A_274, %get3A_275] {strides = array<i32>} : memref<128x80xi32, #tpu.memory_space<vmem>>, vector<1x16xi32>,
        %get3A_277 = vector.shape_cast %get3A_276 : vector<1x16xi32> to vector<16xi32>
        %and3A_278 = arith.constant 16383 : i32
        %and3A_279 = vector.broadcast %and3A_278 : i32 to vector<16xi32>
        %and3A_280 = arith.andi %get3A_277, %and3A_279 : vector<16xi32>
        %swap3A_281 = arith.constant 16 : index
        %swap3A_282 = tpu.vector_load %arg11[%swap3A_281] {strides = array<i32>} : memref<80xi32, #tpu.memory_space<vmem>>, vector<16xi32>,
        %swap3A_283 = vector.shape_cast %swap3A_282 : vector<16xi32> to vector<16xi32>
        %swap3A_284 = vector.shape_cast %and3A_280 : vector<16xi32> to vector<16xi32>
        tpu.vector_store %arg11[%swap3A_281], %swap3A_284 {strides = array<i32>} : memref<80xi32, #tpu.memory_space<vmem>>, vector<16xi32>,
        %shift_right_logical3A_285 = arith.constant 14 : i32
        %shift_right_logical3A_286 = vector.broadcast %shift_right_logical3A_285 : i32 to vector<16xi32>
        %shift_right_logical3A_287 = arith.shrui %get3A_277, %shift_right_logical3A_286 : vector<16xi32>
        %swap3A_288 = arith.constant 16 : index
        %swap3A_289 = tpu.vector_load %arg12[%swap3A_288] {strides = array<i32>} : memref<80xi32, #tpu.memory_space<vmem>>, vector<16xi32>,
        %swap3A_290 = vector.shape_cast %swap3A_289 : vector<16xi32> to vector<16xi32>
        %swap3A_291 = vector.shape_cast %shift_right_logical3A_287 : vector<16xi32> to vector<16xi32>
        tpu.vector_store %arg12[%swap3A_288], %swap3A_291 {strides = array<i32>} : memref<80xi32, #tpu.memory_space<vmem>>, vector<16xi32>,
        %get3A_292 = arith.index_cast %add3A_176 : i32 to index
        %get3A_293 = arith.constant 32 : index
        %get3A_294 = tpu.vector_load %arg5[%get3A_292, %get3A_293] {strides = array<i32>} : memref<128x80xi32, #tpu.memory_space<vmem>>, vector<1x16xi32>,
        %get3A_295 = vector.shape_cast %get3A_294 : vector<1x16xi32> to vector<16xi32>
        %and3A_296 = arith.constant 16383 : i32
        %and3A_297 = vector.broadcast %and3A_296 : i32 to vector<16xi32>
        %and3A_298 = arith.andi %get3A_295, %and3A_297 : vector<16xi32>
        %swap3A_299 = arith.constant 32 : index
        %swap3A_300 = tpu.vector_load %arg11[%swap3A_299] {strides = array<i32>} : memref<80xi32, #tpu.memory_space<vmem>>, vector<16xi32>,
        %swap3A_301 = vector.shape_cast %swap3A_300 : vector<16xi32> to vector<16xi32>
        %swap3A_302 = vector.shape_cast %and3A_298 : vector<16xi32> to vector<16xi32>
        tpu.vector_store %arg11[%swap3A_299], %swap3A_302 {strides = array<i32>} : memref<80xi32, #tpu.memory_space<vmem>>, vector<16xi32>,
        %shift_right_logical3A_303 = arith.constant 14 : i32
        %shift_right_logical3A_304 = vector.broadcast %shift_right_logical3A_303 : i32 to vector<16xi32>
        %shift_right_logical3A_305 = arith.shrui %get3A_295, %shift_right_logical3A_304 : vector<16xi32>
        %swap3A_306 = arith.constant 32 : index
        %swap3A_307 = tpu.vector_load %arg12[%swap3A_306] {strides = array<i32>} : memref<80xi32, #tpu.memory_space<vmem>>, vector<16xi32>,
        %swap3A_308 = vector.shape_cast %swap3A_307 : vector<16xi32> to vector<16xi32>
        %swap3A_309 = vector.shape_cast %shift_right_logical3A_305 : vector<16xi32> to vector<16xi32>
        tpu.vector_store %arg12[%swap3A_306], %swap3A_309 {strides = array<i32>} : memref<80xi32, #tpu.memory_space<vmem>>, vector<16xi32>,
        %get3A_310 = arith.index_cast %add3A_176 : i32 to index
        %get3A_311 = arith.constant 48 : index
        %get3A_312 = tpu.vector_load %arg5[%get3A_310, %get3A_311] {strides = array<i32>} : memref<128x80xi32, #tpu.memory_space<vmem>>, vector<1x16xi32>,
        %get3A_313 = vector.shape_cast %get3A_312 : vector<1x16xi32> to vector<16xi32>
        %and3A_314 = arith.constant 16383 : i32
        %and3A_315 = vector.broadcast %and3A_314 : i32 to vector<16xi32>
        %and3A_316 = arith.andi %get3A_313, %and3A_315 : vector<16xi32>
        %swap3A_317 = arith.constant 48 : index
        %swap3A_318 = tpu.vector_load %arg11[%swap3A_317] {strides = array<i32>} : memref<80xi32, #tpu.memory_space<vmem>>, vector<16xi32>,
        %swap3A_319 = vector.shape_cast %swap3A_318 : vector<16xi32> to vector<16xi32>
        %swap3A_320 = vector.shape_cast %and3A_316 : vector<16xi32> to vector<16xi32>
        tpu.vector_store %arg11[%swap3A_317], %swap3A_320 {strides = array<i32>} : memref<80xi32, #tpu.memory_space<vmem>>, vector<16xi32>,
        %shift_right_logical3A_321 = arith.constant 14 : i32
        %shift_right_logical3A_322 = vector.broadcast %shift_right_logical3A_321 : i32 to vector<16xi32>
        %shift_right_logical3A_323 = arith.shrui %get3A_313, %shift_right_logical3A_322 : vector<16xi32>
        %swap3A_324 = arith.constant 48 : index
        %swap3A_325 = tpu.vector_load %arg12[%swap3A_324] {strides = array<i32>} : memref<80xi32, #tpu.memory_space<vmem>>, vector<16xi32>,
        %swap3A_326 = vector.shape_cast %swap3A_325 : vector<16xi32> to vector<16xi32>
        %swap3A_327 = vector.shape_cast %shift_right_logical3A_323 : vector<16xi32> to vector<16xi32>
        tpu.vector_store %arg12[%swap3A_324], %swap3A_327 {strides = array<i32>} : memref<80xi32, #tpu.memory_space<vmem>>, vector<16xi32>,
        %get3A_328 = arith.index_cast %add3A_176 : i32 to index
        %get3A_329 = arith.constant 64 : index
        %get3A_330 = tpu.vector_load %arg5[%get3A_328, %get3A_329] {strides = array<i32>} : memref<128x80xi32, #tpu.memory_space<vmem>>, vector<1x16xi32>,
        %get3A_331 = vector.shape_cast %get3A_330 : vector<1x16xi32> to vector<16xi32>
        %and3A_332 = arith.constant 16383 : i32
        %and3A_333 = vector.broadcast %and3A_332 : i32 to vector<16xi32>
        %and3A_334 = arith.andi %get3A_331, %and3A_333 : vector<16xi32>
        %swap3A_335 = arith.constant 64 : index
        %swap3A_336 = tpu.vector_load %arg11[%swap3A_335] {strides = array<i32>} : memref<80xi32, #tpu.memory_space<vmem>>, vector<16xi32>,
        %swap3A_337 = vector.shape_cast %swap3A_336 : vector<16xi32> to vector<16xi32>
        %swap3A_338 = vector.shape_cast %and3A_334 : vector<16xi32> to vector<16xi32>
        tpu.vector_store %arg11[%swap3A_335], %swap3A_338 {strides = array<i32>} : memref<80xi32, #tpu.memory_space<vmem>>, vector<16xi32>,
        %shift_right_logical3A_339 = arith.constant 14 : i32
        %shift_right_logical3A_340 = vector.broadcast %shift_right_logical3A_339 : i32 to vector<16xi32>
        %shift_right_logical3A_341 = arith.shrui %get3A_331, %shift_right_logical3A_340 : vector<16xi32>
        %swap3A_342 = arith.constant 64 : index
        %swap3A_343 = tpu.vector_load %arg12[%swap3A_342] {strides = array<i32>} : memref<80xi32, #tpu.memory_space<vmem>>, vector<16xi32>,
        %swap3A_344 = vector.shape_cast %swap3A_343 : vector<16xi32> to vector<16xi32>
        %swap3A_345 = vector.shape_cast %shift_right_logical3A_341 : vector<16xi32> to vector<16xi32>
        tpu.vector_store %arg12[%swap3A_342], %swap3A_345 {strides = array<i32>} : memref<80xi32, #tpu.memory_space<vmem>>, vector<16xi32>,
      } else {
      }
      %lt3A_192 = arith.constant 125 : i32
      %lt3A_193 = arith.cmpi slt, %add3A_176, %lt3A_192 : i32
      %convert_element_type3A_194 = arith.extui %lt3A_193 : i1 to i32
      %cond3A_195 = arith.constant 0 : i32
      %cond3A_196 = arith.cmpi ne, %convert_element_type3A_194, %cond3A_195 : i32
      scf.if %cond3A_196 {
        %dma_start3A_259 = arith.constant 0 : i32
        %dma_start3A_260 = arith.constant 0 : i32
        %dma_start3A_261 = tpu.memref_slice %arg2[%dma_start3A_259, %dma_start3A_260] : memref<10000x128xf32, #tpu.memory_space<hbm>> -> memref<10000x128xf32, #tpu.memory_space<hbm>>
        tpu.enqueue_indirect_dma source(%dma_start3A_261 : memref<10000x128xf32, #tpu.memory_space<hbm>>) target(%arg7 : memref<80x128xf32, #tpu.memory_space<vmem>>) offsets(%arg11 : memref<80xi32, #tpu.memory_space<vmem>>) semaphore(%arg17 : memref<!tpu.dma_semaphore, #tpu.memory_space<semaphore_mem>>)
      } else {
      }
      %sub3A_197 = arith.constant 1 : i32
      %sub3A_198 = arith.subi %add3A_176, %sub3A_197 : i32
      %ge3A_199 = arith.constant 0 : i32
      %ge3A_200 = arith.cmpi sge, %sub3A_198, %ge3A_199 : i32
      %lt3A_201 = arith.constant 125 : i32
      %lt3A_202 = arith.cmpi slt, %sub3A_198, %lt3A_201 : i32
      %and3A_203 = arith.andi %ge3A_200, %lt3A_202 : i1
      %convert_element_type3A_204 = arith.extui %and3A_203 : i1 to i32
      %cond3A_205 = arith.constant 0 : i32
      %cond3A_206 = arith.cmpi ne, %convert_element_type3A_204, %cond3A_205 : i32
      scf.if %cond3A_206 {
        %dma_wait3A_259 = arith.constant 0 : i32
        %dma_wait3A_260 = arith.constant 0 : i32
        %dma_wait3A_261 = tpu.memref_slice %arg2[%dma_wait3A_259, %dma_wait3A_260] : memref<10000x128xf32, #tpu.memory_space<hbm>> -> memref<10000x128xf32, #tpu.memory_space<hbm>>
        tpu.wait_indirect_dma semaphore(%arg16 : memref<!tpu.dma_semaphore, #tpu.memory_space<semaphore_mem>>) src(%dma_wait3A_261 : memref<10000x128xf32, #tpu.memory_space<hbm>>) dst(%arg6 : memref<80x128xf32, #tpu.memory_space<vmem>>)
      } else {
      }
      %sub3A_207 = arith.constant 1 : i32
      %sub3A_208 = arith.subi %add3A_176, %sub3A_207 : i32
      %ge3A_209 = arith.constant 0 : i32
      %ge3A_210 = arith.cmpi sge, %sub3A_208, %ge3A_209 : i32
      %lt3A_211 = arith.constant 125 : i32
      %lt3A_212 = arith.cmpi slt, %sub3A_208, %lt3A_211 : i32
      %and3A_213 = arith.andi %ge3A_210, %lt3A_212 : i1
      %convert_element_type3A_214 = arith.extui %and3A_213 : i1 to i32
      %cond3A_215 = arith.constant 0 : i32
      %cond3A_216 = arith.cmpi ne, %convert_element_type3A_214, %cond3A_215 : i32
      scf.if %cond3A_216 {
        %dma_start3A_259 = arith.constant 0 : i32
        %dma_start3A_260 = arith.constant 0 : i32
        %dma_start3A_261 = tpu.memref_slice %arg15[%dma_start3A_259, %dma_start3A_260] : memref<10240x128xf32, #tpu.memory_space<vmem_shared>> -> memref<10240x128xf32, #tpu.memory_space<vmem_shared>>
        tpu.enqueue_indirect_dma source(%arg6 : memref<80x128xf32, #tpu.memory_space<vmem>>) target(%dma_start3A_261 : memref<10240x128xf32, #tpu.memory_space<vmem_shared>>) offsets(%arg10 : memref<80xi32, #tpu.memory_space<vmem>>) semaphore(%arg19 : memref<!tpu.dma_semaphore, #tpu.memory_space<semaphore_mem>>) {add = true}
      } else {
      }
      %add3A_217 = arith.constant 2 : i32
      %add3A_218 = arith.addi %mul3A_135, %add3A_217 : i32
      %sub3A_219 = arith.constant 3 : i32
      %sub3A_220 = arith.subi %add3A_218, %sub3A_219 : i32
      %ge3A_221 = arith.constant 0 : i32
      %ge3A_222 = arith.cmpi sge, %sub3A_220, %ge3A_221 : i32
      %lt3A_223 = arith.constant 125 : i32
      %lt3A_224 = arith.cmpi slt, %sub3A_220, %lt3A_223 : i32
      %and3A_225 = arith.andi %ge3A_222, %lt3A_224 : i1
      %convert_element_type3A_226 = arith.extui %and3A_225 : i1 to i32
      %cond3A_227 = arith.constant 0 : i32
      %cond3A_228 = arith.cmpi ne, %convert_element_type3A_226, %cond3A_227 : i32
      scf.if %cond3A_228 {
        %dma_wait3A_259 = arith.constant 0 : i32
        %dma_wait3A_260 = arith.constant 0 : i32
        %dma_wait3A_261 = tpu.memref_slice %arg15[%dma_wait3A_259, %dma_wait3A_260] : memref<10240x128xf32, #tpu.memory_space<vmem_shared>> -> memref<10240x128xf32, #tpu.memory_space<vmem_shared>>
        tpu.wait_indirect_dma semaphore(%arg21 : memref<!tpu.dma_semaphore, #tpu.memory_space<semaphore_mem>>) src(%arg8 : memref<80x128xf32, #tpu.memory_space<vmem>>) dst(%dma_wait3A_261 : memref<10240x128xf32, #tpu.memory_space<vmem_shared>>)
      } else {
      }
      %lt3A_229 = arith.constant 125 : i32
      %lt3A_230 = arith.cmpi slt, %add3A_218, %lt3A_229 : i32
      %convert_element_type3A_231 = arith.extui %lt3A_230 : i1 to i32
      %cond3A_232 = arith.constant 0 : i32
      %cond3A_233 = arith.cmpi ne, %convert_element_type3A_231, %cond3A_232 : i32
      scf.if %cond3A_233 {
        %get3A = arith.index_cast %add3A_218 : i32 to index
        %get3A_259 = arith.constant 0 : index
        %get3A_260 = tpu.vector_load %arg5[%get3A, %get3A_259] {strides = array<i32>} : memref<128x80xi32, #tpu.memory_space<vmem>>, vector<1x16xi32>,
        %get3A_261 = vector.shape_cast %get3A_260 : vector<1x16xi32> to vector<16xi32>
        %and3A_262 = arith.constant 16383 : i32
        %and3A_263 = vector.broadcast %and3A_262 : i32 to vector<16xi32>
        %and3A_264 = arith.andi %get3A_261, %and3A_263 : vector<16xi32>
        %swap3A = arith.constant 0 : index
        %swap3A_265 = tpu.vector_load %arg13[%swap3A] {strides = array<i32>} : memref<80xi32, #tpu.memory_space<vmem>>, vector<16xi32>,
        %swap3A_266 = vector.shape_cast %swap3A_265 : vector<16xi32> to vector<16xi32>
        %swap3A_267 = vector.shape_cast %and3A_264 : vector<16xi32> to vector<16xi32>
        tpu.vector_store %arg13[%swap3A], %swap3A_267 {strides = array<i32>} : memref<80xi32, #tpu.memory_space<vmem>>, vector<16xi32>,
        %shift_right_logical3A = arith.constant 14 : i32
        %shift_right_logical3A_268 = vector.broadcast %shift_right_logical3A : i32 to vector<16xi32>
        %shift_right_logical3A_269 = arith.shrui %get3A_261, %shift_right_logical3A_268 : vector<16xi32>
        %swap3A_270 = arith.constant 0 : index
        %swap3A_271 = tpu.vector_load %arg14[%swap3A_270] {strides = array<i32>} : memref<80xi32, #tpu.memory_space<vmem>>, vector<16xi32>,
        %swap3A_272 = vector.shape_cast %swap3A_271 : vector<16xi32> to vector<16xi32>
        %swap3A_273 = vector.shape_cast %shift_right_logical3A_269 : vector<16xi32> to vector<16xi32>
        tpu.vector_store %arg14[%swap3A_270], %swap3A_273 {strides = array<i32>} : memref<80xi32, #tpu.memory_space<vmem>>, vector<16xi32>,
        %get3A_274 = arith.index_cast %add3A_218 : i32 to index
        %get3A_275 = arith.constant 16 : index
        %get3A_276 = tpu.vector_load %arg5[%get3A_274, %get3A_275] {strides = array<i32>} : memref<128x80xi32, #tpu.memory_space<vmem>>, vector<1x16xi32>,
        %get3A_277 = vector.shape_cast %get3A_276 : vector<1x16xi32> to vector<16xi32>
        %and3A_278 = arith.constant 16383 : i32
        %and3A_279 = vector.broadcast %and3A_278 : i32 to vector<16xi32>
        %and3A_280 = arith.andi %get3A_277, %and3A_279 : vector<16xi32>
        %swap3A_281 = arith.constant 16 : index
        %swap3A_282 = tpu.vector_load %arg13[%swap3A_281] {strides = array<i32>} : memref<80xi32, #tpu.memory_space<vmem>>, vector<16xi32>,
        %swap3A_283 = vector.shape_cast %swap3A_282 : vector<16xi32> to vector<16xi32>
        %swap3A_284 = vector.shape_cast %and3A_280 : vector<16xi32> to vector<16xi32>
        tpu.vector_store %arg13[%swap3A_281], %swap3A_284 {strides = array<i32>} : memref<80xi32, #tpu.memory_space<vmem>>, vector<16xi32>,
        %shift_right_logical3A_285 = arith.constant 14 : i32
        %shift_right_logical3A_286 = vector.broadcast %shift_right_logical3A_285 : i32 to vector<16xi32>
        %shift_right_logical3A_287 = arith.shrui %get3A_277, %shift_right_logical3A_286 : vector<16xi32>
        %swap3A_288 = arith.constant 16 : index
        %swap3A_289 = tpu.vector_load %arg14[%swap3A_288] {strides = array<i32>} : memref<80xi32, #tpu.memory_space<vmem>>, vector<16xi32>,
        %swap3A_290 = vector.shape_cast %swap3A_289 : vector<16xi32> to vector<16xi32>
        %swap3A_291 = vector.shape_cast %shift_right_logical3A_287 : vector<16xi32> to vector<16xi32>
        tpu.vector_store %arg14[%swap3A_288], %swap3A_291 {strides = array<i32>} : memref<80xi32, #tpu.memory_space<vmem>>, vector<16xi32>,
        %get3A_292 = arith.index_cast %add3A_218 : i32 to index
        %get3A_293 = arith.constant 32 : index
        %get3A_294 = tpu.vector_load %arg5[%get3A_292, %get3A_293] {strides = array<i32>} : memref<128x80xi32, #tpu.memory_space<vmem>>, vector<1x16xi32>,
        %get3A_295 = vector.shape_cast %get3A_294 : vector<1x16xi32> to vector<16xi32>
        %and3A_296 = arith.constant 16383 : i32
        %and3A_297 = vector.broadcast %and3A_296 : i32 to vector<16xi32>
        %and3A_298 = arith.andi %get3A_295, %and3A_297 : vector<16xi32>
        %swap3A_299 = arith.constant 32 : index
        %swap3A_300 = tpu.vector_load %arg13[%swap3A_299] {strides = array<i32>} : memref<80xi32, #tpu.memory_space<vmem>>, vector<16xi32>,
        %swap3A_301 = vector.shape_cast %swap3A_300 : vector<16xi32> to vector<16xi32>
        %swap3A_302 = vector.shape_cast %and3A_298 : vector<16xi32> to vector<16xi32>
        tpu.vector_store %arg13[%swap3A_299], %swap3A_302 {strides = array<i32>} : memref<80xi32, #tpu.memory_space<vmem>>, vector<16xi32>,
        %shift_right_logical3A_303 = arith.constant 14 : i32
        %shift_right_logical3A_304 = vector.broadcast %shift_right_logical3A_303 : i32 to vector<16xi32>
        %shift_right_logical3A_305 = arith.shrui %get3A_295, %shift_right_logical3A_304 : vector<16xi32>
        %swap3A_306 = arith.constant 32 : index
        %swap3A_307 = tpu.vector_load %arg14[%swap3A_306] {strides = array<i32>} : memref<80xi32, #tpu.memory_space<vmem>>, vector<16xi32>,
        %swap3A_308 = vector.shape_cast %swap3A_307 : vector<16xi32> to vector<16xi32>
        %swap3A_309 = vector.shape_cast %shift_right_logical3A_305 : vector<16xi32> to vector<16xi32>
        tpu.vector_store %arg14[%swap3A_306], %swap3A_309 {strides = array<i32>} : memref<80xi32, #tpu.memory_space<vmem>>, vector<16xi32>,
        %get3A_310 = arith.index_cast %add3A_218 : i32 to index
        %get3A_311 = arith.constant 48 : index
        %get3A_312 = tpu.vector_load %arg5[%get3A_310, %get3A_311] {strides = array<i32>} : memref<128x80xi32, #tpu.memory_space<vmem>>, vector<1x16xi32>,
        %get3A_313 = vector.shape_cast %get3A_312 : vector<1x16xi32> to vector<16xi32>
        %and3A_314 = arith.constant 16383 : i32
        %and3A_315 = vector.broadcast %and3A_314 : i32 to vector<16xi32>
        %and3A_316 = arith.andi %get3A_313, %and3A_315 : vector<16xi32>
        %swap3A_317 = arith.constant 48 : index
        %swap3A_318 = tpu.vector_load %arg13[%swap3A_317] {strides = array<i32>} : memref<80xi32, #tpu.memory_space<vmem>>, vector<16xi32>,
        %swap3A_319 = vector.shape_cast %swap3A_318 : vector<16xi32> to vector<16xi32>
        %swap3A_320 = vector.shape_cast %and3A_316 : vector<16xi32> to vector<16xi32>
        tpu.vector_store %arg13[%swap3A_317], %swap3A_320 {strides = array<i32>} : memref<80xi32, #tpu.memory_space<vmem>>, vector<16xi32>,
        %shift_right_logical3A_321 = arith.constant 14 : i32
        %shift_right_logical3A_322 = vector.broadcast %shift_right_logical3A_321 : i32 to vector<16xi32>
        %shift_right_logical3A_323 = arith.shrui %get3A_313, %shift_right_logical3A_322 : vector<16xi32>
        %swap3A_324 = arith.constant 48 : index
        %swap3A_325 = tpu.vector_load %arg14[%swap3A_324] {strides = array<i32>} : memref<80xi32, #tpu.memory_space<vmem>>, vector<16xi32>,
        %swap3A_326 = vector.shape_cast %swap3A_325 : vector<16xi32> to vector<16xi32>
        %swap3A_327 = vector.shape_cast %shift_right_logical3A_323 : vector<16xi32> to vector<16xi32>
        tpu.vector_store %arg14[%swap3A_324], %swap3A_327 {strides = array<i32>} : memref<80xi32, #tpu.memory_space<vmem>>, vector<16xi32>,
        %get3A_328 = arith.index_cast %add3A_218 : i32 to index
        %get3A_329 = arith.constant 64 : index
        %get3A_330 = tpu.vector_load %arg5[%get3A_328, %get3A_329] {strides = array<i32>} : memref<128x80xi32, #tpu.memory_space<vmem>>, vector<1x16xi32>,
        %get3A_331 = vector.shape_cast %get3A_330 : vector<1x16xi32> to vector<16xi32>
        %and3A_332 = arith.constant 16383 : i32
        %and3A_333 = vector.broadcast %and3A_332 : i32 to vector<16xi32>
        %and3A_334 = arith.andi %get3A_331, %and3A_333 : vector<16xi32>
        %swap3A_335 = arith.constant 64 : index
        %swap3A_336 = tpu.vector_load %arg13[%swap3A_335] {strides = array<i32>} : memref<80xi32, #tpu.memory_space<vmem>>, vector<16xi32>,
        %swap3A_337 = vector.shape_cast %swap3A_336 : vector<16xi32> to vector<16xi32>
        %swap3A_338 = vector.shape_cast %and3A_334 : vector<16xi32> to vector<16xi32>
        tpu.vector_store %arg13[%swap3A_335], %swap3A_338 {strides = array<i32>} : memref<80xi32, #tpu.memory_space<vmem>>, vector<16xi32>,
        %shift_right_logical3A_339 = arith.constant 14 : i32
        %shift_right_logical3A_340 = vector.broadcast %shift_right_logical3A_339 : i32 to vector<16xi32>
        %shift_right_logical3A_341 = arith.shrui %get3A_331, %shift_right_logical3A_340 : vector<16xi32>
        %swap3A_342 = arith.constant 64 : index
        %swap3A_343 = tpu.vector_load %arg14[%swap3A_342] {strides = array<i32>} : memref<80xi32, #tpu.memory_space<vmem>>, vector<16xi32>,
        %swap3A_344 = vector.shape_cast %swap3A_343 : vector<16xi32> to vector<16xi32>
        %swap3A_345 = vector.shape_cast %shift_right_logical3A_341 : vector<16xi32> to vector<16xi32>
        tpu.vector_store %arg14[%swap3A_342], %swap3A_345 {strides = array<i32>} : memref<80xi32, #tpu.memory_space<vmem>>, vector<16xi32>,
      } else {
      }
      %lt3A_234 = arith.constant 125 : i32
      %lt3A_235 = arith.cmpi slt, %add3A_218, %lt3A_234 : i32
      %convert_element_type3A_236 = arith.extui %lt3A_235 : i1 to i32
      %cond3A_237 = arith.constant 0 : i32
      %cond3A_238 = arith.cmpi ne, %convert_element_type3A_236, %cond3A_237 : i32
      scf.if %cond3A_238 {
        %dma_start3A_259 = arith.constant 0 : i32
        %dma_start3A_260 = arith.constant 0 : i32
        %dma_start3A_261 = tpu.memref_slice %arg2[%dma_start3A_259, %dma_start3A_260] : memref<10000x128xf32, #tpu.memory_space<hbm>> -> memref<10000x128xf32, #tpu.memory_space<hbm>>
        tpu.enqueue_indirect_dma source(%dma_start3A_261 : memref<10000x128xf32, #tpu.memory_space<hbm>>) target(%arg8 : memref<80x128xf32, #tpu.memory_space<vmem>>) offsets(%arg13 : memref<80xi32, #tpu.memory_space<vmem>>) semaphore(%arg18 : memref<!tpu.dma_semaphore, #tpu.memory_space<semaphore_mem>>)
      } else {
      }
      %sub3A_239 = arith.constant 1 : i32
      %sub3A_240 = arith.subi %add3A_218, %sub3A_239 : i32
      %ge3A_241 = arith.constant 0 : i32
      %ge3A_242 = arith.cmpi sge, %sub3A_240, %ge3A_241 : i32
      %lt3A_243 = arith.constant 125 : i32
      %lt3A_244 = arith.cmpi slt, %sub3A_240, %lt3A_243 : i32
      %and3A_245 = arith.andi %ge3A_242, %lt3A_244 : i1
      %convert_element_type3A_246 = arith.extui %and3A_245 : i1 to i32
      %cond3A_247 = arith.constant 0 : i32
      %cond3A_248 = arith.cmpi ne, %convert_element_type3A_246, %cond3A_247 : i32
      scf.if %cond3A_248 {
        %dma_wait3A_259 = arith.constant 0 : i32
        %dma_wait3A_260 = arith.constant 0 : i32
        %dma_wait3A_261 = tpu.memref_slice %arg2[%dma_wait3A_259, %dma_wait3A_260] : memref<10000x128xf32, #tpu.memory_space<hbm>> -> memref<10000x128xf32, #tpu.memory_space<hbm>>
        tpu.wait_indirect_dma semaphore(%arg17 : memref<!tpu.dma_semaphore, #tpu.memory_space<semaphore_mem>>) src(%dma_wait3A_261 : memref<10000x128xf32, #tpu.memory_space<hbm>>) dst(%arg7 : memref<80x128xf32, #tpu.memory_space<vmem>>)
      } else {
      }
      %sub3A_249 = arith.constant 1 : i32
      %sub3A_250 = arith.subi %add3A_218, %sub3A_249 : i32
      %ge3A_251 = arith.constant 0 : i32
      %ge3A_252 = arith.cmpi sge, %sub3A_250, %ge3A_251 : i32
      %lt3A_253 = arith.constant 125 : i32
      %lt3A_254 = arith.cmpi slt, %sub3A_250, %lt3A_253 : i32
      %and3A_255 = arith.andi %ge3A_252, %lt3A_254 : i1
      %convert_element_type3A_256 = arith.extui %and3A_255 : i1 to i32
      %cond3A_257 = arith.constant 0 : i32
      %cond3A_258 = arith.cmpi ne, %convert_element_type3A_256, %cond3A_257 : i32
      scf.if %cond3A_258 {
        %dma_start3A_259 = arith.constant 0 : i32
        %dma_start3A_260 = arith.constant 0 : i32
        %dma_start3A_261 = tpu.memref_slice %arg15[%dma_start3A_259, %dma_start3A_260] : memref<10240x128xf32, #tpu.memory_space<vmem_shared>> -> memref<10240x128xf32, #tpu.memory_space<vmem_shared>>
        tpu.enqueue_indirect_dma source(%arg7 : memref<80x128xf32, #tpu.memory_space<vmem>>) target(%dma_start3A_261 : memref<10240x128xf32, #tpu.memory_space<vmem_shared>>) offsets(%arg12 : memref<80xi32, #tpu.memory_space<vmem>>) semaphore(%arg20 : memref<!tpu.dma_semaphore, #tpu.memory_space<semaphore_mem>>) {add = true}
      } else {
      }
    }
    %scan3A_115 = arith.constant 42 : i32
    %and3A = arith.constant true
    %and3A_116 = arith.constant true
    %and3A_117 = arith.andi %and3A, %and3A_116 : i1
    %convert_element_type3A = arith.extui %and3A_117 : i1 to i32
    %cond3A = arith.constant 0 : i32
    %cond3A_118 = arith.cmpi ne, %convert_element_type3A, %cond3A : i32
    scf.if %cond3A_118 {
      %dma_wait3A_133 = arith.constant 0 : i32
      %dma_wait3A_134 = arith.constant 0 : i32
      %dma_wait3A_135 = tpu.memref_slice %arg15[%dma_wait3A_133, %dma_wait3A_134] : memref<10240x128xf32, #tpu.memory_space<vmem_shared>> -> memref<10240x128xf32, #tpu.memory_space<vmem_shared>>
      tpu.wait_indirect_dma semaphore(%arg19 : memref<!tpu.dma_semaphore, #tpu.memory_space<semaphore_mem>>) src(%arg6 : memref<80x128xf32, #tpu.memory_space<vmem>>) dst(%dma_wait3A_135 : memref<10240x128xf32, #tpu.memory_space<vmem_shared>>)
    } else {
    }
    %and3A_119 = arith.constant true
    %and3A_120 = arith.constant true
    %and3A_121 = arith.andi %and3A_119, %and3A_120 : i1
    %convert_element_type3A_122 = arith.extui %and3A_121 : i1 to i32
    %cond3A_123 = arith.constant 0 : i32
    %cond3A_124 = arith.cmpi ne, %convert_element_type3A_122, %cond3A_123 : i32
    scf.if %cond3A_124 {
      %dma_wait3A_133 = arith.constant 0 : i32
      %dma_wait3A_134 = arith.constant 0 : i32
      %dma_wait3A_135 = tpu.memref_slice %arg15[%dma_wait3A_133, %dma_wait3A_134] : memref<10240x128xf32, #tpu.memory_space<vmem_shared>> -> memref<10240x128xf32, #tpu.memory_space<vmem_shared>>
      tpu.wait_indirect_dma semaphore(%arg20 : memref<!tpu.dma_semaphore, #tpu.memory_space<semaphore_mem>>) src(%arg7 : memref<80x128xf32, #tpu.memory_space<vmem>>) dst(%dma_wait3A_135 : memref<10240x128xf32, #tpu.memory_space<vmem_shared>>)
    } else {
    }
    %barrier3A_125 = arith.constant 0 : index
    tpu.barrier barrier_id(%barrier3A_125)
    %mul3A_126 = arith.constant 640 : i32
    %mul3A_127 = arith.muli %arg1, %mul3A_126 : i32
    %mul3A_128 = arith.constant 10240 : i32
    %mul3A_129 = arith.muli %arg0, %mul3A_128 : i32
    %mul3A_130 = arith.constant 640 : i32
    %mul3A_131 = arith.muli %arg1, %mul3A_130 : i32
    %add3A_132 = arith.addi %mul3A_129, %mul3A_131 : i32
    "tpu.region"() ({
      %run_scoped3A = tpu.sem_alloc : memref<!tpu.dma_semaphore, #tpu.memory_space<semaphore_mem>>
      %dma_start3A_133 = arith.constant 0 : i32
      %dma_start3A_134 = tpu.memref_slice %arg4[%add3A_132, %dma_start3A_133] : memref<20480x128xf32, #tpu.memory_space<hbm>> -> memref<640x128xf32, #tpu.memory_space<hbm>>
      %dma_start3A_135 = arith.constant 0 : i32
      %dma_start3A_136 = tpu.memref_slice %arg15[%mul3A_127, %dma_start3A_135] : memref<10240x128xf32, #tpu.memory_space<vmem_shared>> -> memref<640x128xf32, #tpu.memory_space<vmem_shared>>
      tpu.enqueue_dma source(%dma_start3A_136 : memref<640x128xf32, #tpu.memory_space<vmem_shared>>) target(%dma_start3A_134 : memref<640x128xf32, #tpu.memory_space<hbm>>) target_semaphore(%run_scoped3A : memref<!tpu.dma_semaphore, #tpu.memory_space<semaphore_mem>>)
      %dma_wait3A_137 = arith.constant 0 : i32
      %dma_wait3A_138 = tpu.memref_slice %arg4[%add3A_132, %dma_wait3A_137] : memref<20480x128xf32, #tpu.memory_space<hbm>> -> memref<640x128xf32, #tpu.memory_space<hbm>>
      %dma_wait3A_139 = arith.constant 0 : i32
      %dma_wait3A_140 = tpu.memref_slice %arg15[%mul3A_127, %dma_wait3A_139] : memref<10240x128xf32, #tpu.memory_space<vmem_shared>> -> memref<640x128xf32, #tpu.memory_space<vmem_shared>>
      tpu.wait_dma2 semaphore(%run_scoped3A : memref<!tpu.dma_semaphore, #tpu.memory_space<semaphore_mem>>) src(%dma_wait3A_140 : memref<640x128xf32, #tpu.memory_space<vmem_shared>>) dst(%dma_wait3A_138 : memref<640x128xf32, #tpu.memory_space<hbm>>)
      tpu.yield
    }) : () -> ()
    return
  }
}

module attributes {stable_mosaic.version = 14 : i64} {
  func.func @body(%arg0: i32, %arg1: memref<2000x128xf32, #tpu.memory_space<vmem>>, %arg2: memref<2000x128xf32, #tpu.memory_space<vmem>>, %arg3: memref<2000x1xf32, #tpu.memory_space<vmem>>, %arg4: memref<2000x1xf32, #tpu.memory_space<vmem>>, %arg5: memref<2000x128xf32, #tpu.memory_space<vmem>>, %arg6: memref<128x128xf32, #tpu.memory_space<vmem>>, %arg7: memref<128x128xf32, #tpu.memory_space<vmem>>, %arg8: memref<1x128xf32, #tpu.memory_space<vmem>>, %arg9: memref<2000x128xf32, #tpu.memory_space<vmem>>) attributes {dimension_semantics = [#tpu.dimension_semantics<arbitrary>], iteration_bounds = array<i64: 5>, scalar_prefetch = 0 : i64, scratch_operands = 0 : i64, tpu.core_type = #tpu.core_type<tc>, window_params = [{transform_indices = @transform_0, window_bounds = array<i64: 2000, 128>}, {transform_indices = @transform_1, window_bounds = array<i64: 2000, 128>}, {transform_indices = @transform_2, window_bounds = array<i64: 2000, 1>}, {transform_indices = @transform_3, window_bounds = array<i64: 2000, 1>}, {transform_indices = @transform_4, window_bounds = array<i64: 2000, 128>}, {pipeline_mode = #tpu.pipeline_mode<synchronous>, transform_indices = @transform_5, window_bounds = array<i64: 128, 128>}, {pipeline_mode = #tpu.pipeline_mode<synchronous>, transform_indices = @transform_6, window_bounds = array<i64: 128, 128>}, {pipeline_mode = #tpu.pipeline_mode<synchronous>, transform_indices = @transform_7, window_bounds = array<i64: 1, 128>}, {transform_indices = @transform_8, window_bounds = array<i64: 2000, 128>}]} {
    %get3A = arith.constant 0 : index
    %get3A_0 = arith.constant 0 : index
    %get3A_1 = vector.load %arg3[%get3A, %get3A_0] : memref<2000x1xf32, #tpu.memory_space<vmem>>, vector<2000x1xf32>
    %get3A_2 = arith.constant 0 : index
    %get3A_3 = arith.constant 0 : index
    %get3A_4 = vector.load %arg4[%get3A_2, %get3A_3] : memref<2000x1xf32, #tpu.memory_space<vmem>>, vector<2000x1xf32>
    %add3A = arith.addf %get3A_1, %get3A_4 : vector<2000x1xf32>
    %max3A = arith.constant 1.000000e+00 : f32
    %max3A_5 = vector.broadcast %max3A : f32 to vector<2000x1xf32>
    %max3A_6 = arith.maximumf %add3A, %max3A_5 : vector<2000x1xf32>
    %div3A = arith.constant 1.000000e+00 : f32
    %div3A_7 = vector.broadcast %div3A : f32 to vector<2000x1xf32>
    %div3A_8 = arith.divf %div3A_7, %max3A_6 : vector<2000x1xf32>
    %get3A_9 = arith.constant 0 : index
    %get3A_10 = arith.constant 0 : index
    %get3A_11 = vector.load %arg1[%get3A_9, %get3A_10] : memref<2000x128xf32, #tpu.memory_space<vmem>>, vector<2000x128xf32>
    %get3A_12 = arith.constant 0 : index
    %get3A_13 = arith.constant 0 : index
    %get3A_14 = vector.load %arg2[%get3A_12, %get3A_13] : memref<2000x128xf32, #tpu.memory_space<vmem>>, vector<2000x128xf32>
    %add3A_15 = arith.addf %get3A_11, %get3A_14 : vector<2000x128xf32>
    %mul3A = vector.broadcast %div3A_8 : vector<2000x1xf32> to vector<2000x128xf32>
    %mul3A_16 = arith.mulf %add3A_15, %mul3A : vector<2000x128xf32>
    %get3A_17 = arith.constant 0 : index
    %get3A_18 = arith.constant 0 : index
    %get3A_19 = vector.load %arg6[%get3A_17, %get3A_18] : memref<128x128xf32, #tpu.memory_space<vmem>>, vector<128x128xf32>
    %dot_general3A = arith.constant dense<0.000000e+00> : vector<2000x128xf32>
    %dot_general3A_20 = tpu.matmul %mul3A_16, %get3A_19, %dot_general3A {dimension_numbers = #tpu.dot_dimension_numbers<[1], [0], [0], [1], [0, 0, 1, 1], [], []>, transpose_lhs_hint = false} : vector<2000x128xf32>, vector<128x128xf32>, vector<2000x128xf32> -> vector<2000x128xf32>
    %get3A_21 = arith.constant 0 : index
    %get3A_22 = arith.constant 0 : index
    %get3A_23 = vector.load %arg5[%get3A_21, %get3A_22] : memref<2000x128xf32, #tpu.memory_space<vmem>>, vector<2000x128xf32>
    %get3A_24 = arith.constant 0 : index
    %get3A_25 = arith.constant 0 : index
    %get3A_26 = vector.load %arg7[%get3A_24, %get3A_25] : memref<128x128xf32, #tpu.memory_space<vmem>>, vector<128x128xf32>
    %dot_general3A_27 = arith.constant dense<0.000000e+00> : vector<2000x128xf32>
    %dot_general3A_28 = tpu.matmul %get3A_23, %get3A_26, %dot_general3A_27 {dimension_numbers = #tpu.dot_dimension_numbers<[1], [0], [0], [1], [0, 0, 1, 1], [], []>, transpose_lhs_hint = false} : vector<2000x128xf32>, vector<128x128xf32>, vector<2000x128xf32> -> vector<2000x128xf32>
    %add3A_29 = arith.addf %dot_general3A_20, %dot_general3A_28 : vector<2000x128xf32>
    %get3A_30 = arith.constant 0 : index
    %get3A_31 = arith.constant 0 : index
    %get3A_32 = vector.load %arg8[%get3A_30, %get3A_31] : memref<1x128xf32, #tpu.memory_space<vmem>>, vector<1x128xf32>
    %add3A_33 = vector.broadcast %get3A_32 : vector<1x128xf32> to vector<2000x128xf32>
    %add3A_34 = arith.addf %add3A_29, %add3A_33 : vector<2000x128xf32>
    %max3A_35 = arith.constant 0.000000e+00 : f32
    %max3A_36 = vector.broadcast %max3A_35 : f32 to vector<2000x128xf32>
    %max3A_37 = arith.maximumf %add3A_34, %max3A_36 : vector<2000x128xf32>
    %swap3A = arith.constant 0 : index
    %swap3A_38 = arith.constant 0 : index
    %swap3A_39 = vector.load %arg9[%swap3A, %swap3A_38] : memref<2000x128xf32, #tpu.memory_space<vmem>>, vector<2000x128xf32>
    tpu.vector_store %arg9[%swap3A, %swap3A_38], %max3A_37 {strides = array<i32>} : memref<2000x128xf32, #tpu.memory_space<vmem>>, vector<2000x128xf32>,
    return
  }
  func.func @transform_0(%arg0: i32) -> (i32, i32) {
    %c0_i32 = arith.constant 0 : i32
    %c0_i32_0 = arith.constant 0 : i32
    return %arg0, %c0_i32 : i32, i32
  }
  func.func @transform_1(%arg0: i32) -> (i32, i32) {
    %c0_i32 = arith.constant 0 : i32
    %c0_i32_0 = arith.constant 0 : i32
    return %arg0, %c0_i32 : i32, i32
  }
  func.func @transform_2(%arg0: i32) -> (i32, i32) {
    %c0_i32 = arith.constant 0 : i32
    %c0_i32_0 = arith.constant 0 : i32
    return %arg0, %c0_i32 : i32, i32
  }
  func.func @transform_3(%arg0: i32) -> (i32, i32) {
    %c0_i32 = arith.constant 0 : i32
    %c0_i32_0 = arith.constant 0 : i32
    return %arg0, %c0_i32 : i32, i32
  }
  func.func @transform_4(%arg0: i32) -> (i32, i32) {
    %c0_i32 = arith.constant 0 : i32
    %c0_i32_0 = arith.constant 0 : i32
    return %arg0, %c0_i32 : i32, i32
  }
  func.func @transform_5(%arg0: i32) -> (i32, i32) {
    %c0_i32 = arith.constant 0 : i32
    %c0_i32_0 = arith.constant 0 : i32
    %c0_i32_1 = arith.constant 0 : i32
    return %c0_i32, %c0_i32_0 : i32, i32
  }
  func.func @transform_6(%arg0: i32) -> (i32, i32) {
    %c0_i32 = arith.constant 0 : i32
    %c0_i32_0 = arith.constant 0 : i32
    %c0_i32_1 = arith.constant 0 : i32
    return %c0_i32, %c0_i32_0 : i32, i32
  }
  func.func @transform_7(%arg0: i32) -> (i32, i32) {
    %c0_i32 = arith.constant 0 : i32
    %c0_i32_0 = arith.constant 0 : i32
    %c0_i32_1 = arith.constant 0 : i32
    return %c0_i32, %c0_i32_0 : i32, i32
  }
  func.func @transform_8(%arg0: i32) -> (i32, i32) {
    %c0_i32 = arith.constant 0 : i32
    %c0_i32_0 = arith.constant 0 : i32
    return %arg0, %c0_i32 : i32, i32
  }
}

module attributes {stable_mosaic.version = 14 : i64} {
  func.func @body(%arg0: i32, %arg1: memref<2000x128xf32, #tpu.memory_space<vmem>>, %arg2: memref<2000x128xf32, #tpu.memory_space<vmem>>, %arg3: memref<2000x1xf32, #tpu.memory_space<vmem>>, %arg4: memref<2000x1xf32, #tpu.memory_space<vmem>>, %arg5: memref<2000x128xf32, #tpu.memory_space<vmem>>, %arg6: memref<128x128xf32, #tpu.memory_space<vmem>>, %arg7: memref<128x128xf32, #tpu.memory_space<vmem>>, %arg8: memref<1x128xf32, #tpu.memory_space<vmem>>, %arg9: memref<2000x128xf32, #tpu.memory_space<vmem>>) attributes {dimension_semantics = [#tpu.dimension_semantics<arbitrary>], iteration_bounds = array<i64: 5>, scalar_prefetch = 0 : i64, scratch_operands = 0 : i64, tpu.core_type = #tpu.core_type<tc>, window_params = [{transform_indices = @transform_0, window_bounds = array<i64: 2000, 128>}, {transform_indices = @transform_1, window_bounds = array<i64: 2000, 128>}, {transform_indices = @transform_2, window_bounds = array<i64: 2000, 1>}, {transform_indices = @transform_3, window_bounds = array<i64: 2000, 1>}, {transform_indices = @transform_4, window_bounds = array<i64: 2000, 128>}, {pipeline_mode = #tpu.pipeline_mode<synchronous>, transform_indices = @transform_5, window_bounds = array<i64: 128, 128>}, {pipeline_mode = #tpu.pipeline_mode<synchronous>, transform_indices = @transform_6, window_bounds = array<i64: 128, 128>}, {pipeline_mode = #tpu.pipeline_mode<synchronous>, transform_indices = @transform_7, window_bounds = array<i64: 1, 128>}, {transform_indices = @transform_8, window_bounds = array<i64: 2000, 128>}]} {
    %get3A = arith.constant 0 : index
    %get3A_0 = arith.constant 0 : index
    %get3A_1 = vector.load %arg3[%get3A, %get3A_0] : memref<2000x1xf32, #tpu.memory_space<vmem>>, vector<2000x1xf32>
    %get3A_2 = arith.constant 0 : index
    %get3A_3 = arith.constant 0 : index
    %get3A_4 = vector.load %arg4[%get3A_2, %get3A_3] : memref<2000x1xf32, #tpu.memory_space<vmem>>, vector<2000x1xf32>
    %add3A = arith.addf %get3A_1, %get3A_4 : vector<2000x1xf32>
    %max3A = arith.constant 1.000000e+00 : f32
    %max3A_5 = vector.broadcast %max3A : f32 to vector<2000x1xf32>
    %max3A_6 = arith.maximumf %add3A, %max3A_5 : vector<2000x1xf32>
    %div3A = arith.constant 1.000000e+00 : f32
    %div3A_7 = vector.broadcast %div3A : f32 to vector<2000x1xf32>
    %div3A_8 = arith.divf %div3A_7, %max3A_6 : vector<2000x1xf32>
    %get3A_9 = arith.constant 0 : index
    %get3A_10 = arith.constant 0 : index
    %get3A_11 = vector.load %arg1[%get3A_9, %get3A_10] : memref<2000x128xf32, #tpu.memory_space<vmem>>, vector<2000x128xf32>
    %get3A_12 = arith.constant 0 : index
    %get3A_13 = arith.constant 0 : index
    %get3A_14 = vector.load %arg2[%get3A_12, %get3A_13] : memref<2000x128xf32, #tpu.memory_space<vmem>>, vector<2000x128xf32>
    %add3A_15 = arith.addf %get3A_11, %get3A_14 : vector<2000x128xf32>
    %mul3A = vector.broadcast %div3A_8 : vector<2000x1xf32> to vector<2000x128xf32>
    %mul3A_16 = arith.mulf %add3A_15, %mul3A : vector<2000x128xf32>
    %get3A_17 = arith.constant 0 : index
    %get3A_18 = arith.constant 0 : index
    %get3A_19 = vector.load %arg6[%get3A_17, %get3A_18] : memref<128x128xf32, #tpu.memory_space<vmem>>, vector<128x128xf32>
    %dot_general3A = arith.constant dense<0.000000e+00> : vector<2000x128xf32>
    %dot_general3A_20 = tpu.matmul %mul3A_16, %get3A_19, %dot_general3A {dimension_numbers = #tpu.dot_dimension_numbers<[1], [0], [0], [1], [0, 0, 1, 1], [], []>, transpose_lhs_hint = false} : vector<2000x128xf32>, vector<128x128xf32>, vector<2000x128xf32> -> vector<2000x128xf32>
    %get3A_21 = arith.constant 0 : index
    %get3A_22 = arith.constant 0 : index
    %get3A_23 = vector.load %arg5[%get3A_21, %get3A_22] : memref<2000x128xf32, #tpu.memory_space<vmem>>, vector<2000x128xf32>
    %get3A_24 = arith.constant 0 : index
    %get3A_25 = arith.constant 0 : index
    %get3A_26 = vector.load %arg7[%get3A_24, %get3A_25] : memref<128x128xf32, #tpu.memory_space<vmem>>, vector<128x128xf32>
    %dot_general3A_27 = arith.constant dense<0.000000e+00> : vector<2000x128xf32>
    %dot_general3A_28 = tpu.matmul %get3A_23, %get3A_26, %dot_general3A_27 {dimension_numbers = #tpu.dot_dimension_numbers<[1], [0], [0], [1], [0, 0, 1, 1], [], []>, transpose_lhs_hint = false} : vector<2000x128xf32>, vector<128x128xf32>, vector<2000x128xf32> -> vector<2000x128xf32>
    %add3A_29 = arith.addf %dot_general3A_20, %dot_general3A_28 : vector<2000x128xf32>
    %get3A_30 = arith.constant 0 : index
    %get3A_31 = arith.constant 0 : index
    %get3A_32 = vector.load %arg8[%get3A_30, %get3A_31] : memref<1x128xf32, #tpu.memory_space<vmem>>, vector<1x128xf32>
    %add3A_33 = vector.broadcast %get3A_32 : vector<1x128xf32> to vector<2000x128xf32>
    %add3A_34 = arith.addf %add3A_29, %add3A_33 : vector<2000x128xf32>
    %swap3A = arith.constant 0 : index
    %swap3A_35 = arith.constant 0 : index
    %swap3A_36 = vector.load %arg9[%swap3A, %swap3A_35] : memref<2000x128xf32, #tpu.memory_space<vmem>>, vector<2000x128xf32>
    tpu.vector_store %arg9[%swap3A, %swap3A_35], %add3A_34 {strides = array<i32>} : memref<2000x128xf32, #tpu.memory_space<vmem>>, vector<2000x128xf32>,
    return
  }
  func.func @transform_0(%arg0: i32) -> (i32, i32) {
    %c0_i32 = arith.constant 0 : i32
    %c0_i32_0 = arith.constant 0 : i32
    return %arg0, %c0_i32 : i32, i32
  }
  func.func @transform_1(%arg0: i32) -> (i32, i32) {
    %c0_i32 = arith.constant 0 : i32
    %c0_i32_0 = arith.constant 0 : i32
    return %arg0, %c0_i32 : i32, i32
  }
  func.func @transform_2(%arg0: i32) -> (i32, i32) {
    %c0_i32 = arith.constant 0 : i32
    %c0_i32_0 = arith.constant 0 : i32
    return %arg0, %c0_i32 : i32, i32
  }
  func.func @transform_3(%arg0: i32) -> (i32, i32) {
    %c0_i32 = arith.constant 0 : i32
    %c0_i32_0 = arith.constant 0 : i32
    return %arg0, %c0_i32 : i32, i32
  }
  func.func @transform_4(%arg0: i32) -> (i32, i32) {
    %c0_i32 = arith.constant 0 : i32
    %c0_i32_0 = arith.constant 0 : i32
    return %arg0, %c0_i32 : i32, i32
  }
  func.func @transform_5(%arg0: i32) -> (i32, i32) {
    %c0_i32 = arith.constant 0 : i32
    %c0_i32_0 = arith.constant 0 : i32
    %c0_i32_1 = arith.constant 0 : i32
    return %c0_i32, %c0_i32_0 : i32, i32
  }
  func.func @transform_6(%arg0: i32) -> (i32, i32) {
    %c0_i32 = arith.constant 0 : i32
    %c0_i32_0 = arith.constant 0 : i32
    %c0_i32_1 = arith.constant 0 : i32
    return %c0_i32, %c0_i32_0 : i32, i32
  }
  func.func @transform_7(%arg0: i32) -> (i32, i32) {
    %c0_i32 = arith.constant 0 : i32
    %c0_i32_0 = arith.constant 0 : i32
    %c0_i32_1 = arith.constant 0 : i32
    return %c0_i32, %c0_i32_0 : i32, i32
  }
  func.func @transform_8(%arg0: i32) -> (i32, i32) {
    %c0_i32 = arith.constant 0 : i32
    %c0_i32_0 = arith.constant 0 : i32
    return %arg0, %c0_i32 : i32, i32
  }
}

module attributes {stable_mosaic.version = 14 : i64} {
  func.func @body(%arg0: i32, %arg1: memref<2000x128xf32, #tpu.memory_space<vmem>>, %arg2: memref<2000x128xf32, #tpu.memory_space<vmem>>, %arg3: memref<2000x1xf32, #tpu.memory_space<vmem>>, %arg4: memref<2000x1xf32, #tpu.memory_space<vmem>>, %arg5: memref<2000x128xf32, #tpu.memory_space<vmem>>, %arg6: memref<128x128xf32, #tpu.memory_space<vmem>>, %arg7: memref<128x128xf32, #tpu.memory_space<vmem>>, %arg8: memref<1x128xf32, #tpu.memory_space<vmem>>, %arg9: memref<2000x128xf32, #tpu.memory_space<vmem>>) attributes {dimension_semantics = [#tpu.dimension_semantics<arbitrary>], iteration_bounds = array<i64: 5>, scalar_prefetch = 0 : i64, scratch_operands = 0 : i64, tpu.core_type = #tpu.core_type<tc>, window_params = [{transform_indices = @transform_0, window_bounds = array<i64: 2000, 128>}, {transform_indices = @transform_1, window_bounds = array<i64: 2000, 128>}, {transform_indices = @transform_2, window_bounds = array<i64: 2000, 1>}, {transform_indices = @transform_3, window_bounds = array<i64: 2000, 1>}, {transform_indices = @transform_4, window_bounds = array<i64: 2000, 128>}, {pipeline_mode = #tpu.pipeline_mode<synchronous>, transform_indices = @transform_5, window_bounds = array<i64: 128, 128>}, {pipeline_mode = #tpu.pipeline_mode<synchronous>, transform_indices = @transform_6, window_bounds = array<i64: 128, 128>}, {pipeline_mode = #tpu.pipeline_mode<synchronous>, transform_indices = @transform_7, window_bounds = array<i64: 1, 128>}, {transform_indices = @transform_8, window_bounds = array<i64: 2000, 128>}]} {
    %get3A = arith.constant 0 : index
    %get3A_0 = arith.constant 0 : index
    %get3A_1 = vector.load %arg3[%get3A, %get3A_0] : memref<2000x1xf32, #tpu.memory_space<vmem>>, vector<2000x1xf32>
    %get3A_2 = arith.constant 0 : index
    %get3A_3 = arith.constant 0 : index
    %get3A_4 = vector.load %arg4[%get3A_2, %get3A_3] : memref<2000x1xf32, #tpu.memory_space<vmem>>, vector<2000x1xf32>
    %add3A = arith.addf %get3A_1, %get3A_4 : vector<2000x1xf32>
    %max3A = arith.constant 1.000000e+00 : f32
    %max3A_5 = vector.broadcast %max3A : f32 to vector<2000x1xf32>
    %max3A_6 = arith.maximumf %add3A, %max3A_5 : vector<2000x1xf32>
    %div3A = arith.constant 1.000000e+00 : f32
    %div3A_7 = vector.broadcast %div3A : f32 to vector<2000x1xf32>
    %div3A_8 = arith.divf %div3A_7, %max3A_6 : vector<2000x1xf32>
    %get3A_9 = arith.constant 0 : index
    %get3A_10 = arith.constant 0 : index
    %get3A_11 = vector.load %arg1[%get3A_9, %get3A_10] : memref<2000x128xf32, #tpu.memory_space<vmem>>, vector<2000x128xf32>
    %get3A_12 = arith.constant 0 : index
    %get3A_13 = arith.constant 0 : index
    %get3A_14 = vector.load %arg2[%get3A_12, %get3A_13] : memref<2000x128xf32, #tpu.memory_space<vmem>>, vector<2000x128xf32>
    %add3A_15 = arith.addf %get3A_11, %get3A_14 : vector<2000x128xf32>
    %mul3A = vector.broadcast %div3A_8 : vector<2000x1xf32> to vector<2000x128xf32>
    %mul3A_16 = arith.mulf %add3A_15, %mul3A : vector<2000x128xf32>
    %get3A_17 = arith.constant 0 : index
    %get3A_18 = arith.constant 0 : index
    %get3A_19 = vector.load %arg6[%get3A_17, %get3A_18] : memref<128x128xf32, #tpu.memory_space<vmem>>, vector<128x128xf32>
    %dot_general3A = arith.constant dense<0.000000e+00> : vector<2000x128xf32>
    %dot_general3A_20 = tpu.matmul %mul3A_16, %get3A_19, %dot_general3A {dimension_numbers = #tpu.dot_dimension_numbers<[1], [0], [0], [1], [0, 0, 1, 1], [], []>, transpose_lhs_hint = false} : vector<2000x128xf32>, vector<128x128xf32>, vector<2000x128xf32> -> vector<2000x128xf32>
    %get3A_21 = arith.constant 0 : index
    %get3A_22 = arith.constant 0 : index
    %get3A_23 = vector.load %arg5[%get3A_21, %get3A_22] : memref<2000x128xf32, #tpu.memory_space<vmem>>, vector<2000x128xf32>
    %get3A_24 = arith.constant 0 : index
    %get3A_25 = arith.constant 0 : index
    %get3A_26 = vector.load %arg7[%get3A_24, %get3A_25] : memref<128x128xf32, #tpu.memory_space<vmem>>, vector<128x128xf32>
    %dot_general3A_27 = arith.constant dense<0.000000e+00> : vector<2000x128xf32>
    %dot_general3A_28 = tpu.matmul %get3A_23, %get3A_26, %dot_general3A_27 {dimension_numbers = #tpu.dot_dimension_numbers<[1], [0], [0], [1], [0, 0, 1, 1], [], []>, transpose_lhs_hint = false} : vector<2000x128xf32>, vector<128x128xf32>, vector<2000x128xf32> -> vector<2000x128xf32>
    %add3A_29 = arith.addf %dot_general3A_20, %dot_general3A_28 : vector<2000x128xf32>
    %get3A_30 = arith.constant 0 : index
    %get3A_31 = arith.constant 0 : index
    %get3A_32 = vector.load %arg8[%get3A_30, %get3A_31] : memref<1x128xf32, #tpu.memory_space<vmem>>, vector<1x128xf32>
    %add3A_33 = vector.broadcast %get3A_32 : vector<1x128xf32> to vector<2000x128xf32>
    %add3A_34 = arith.addf %add3A_29, %add3A_33 : vector<2000x128xf32>
    %swap3A = arith.constant 0 : index
    %swap3A_35 = arith.constant 0 : index
    %swap3A_36 = vector.load %arg9[%swap3A, %swap3A_35] : memref<2000x128xf32, #tpu.memory_space<vmem>>, vector<2000x128xf32>
    tpu.vector_store %arg9[%swap3A, %swap3A_35], %add3A_34 {strides = array<i32>} : memref<2000x128xf32, #tpu.memory_space<vmem>>, vector<2000x128xf32>,
    return
  }
  func.func @transform_0(%arg0: i32) -> (i32, i32) {
    %c0_i32 = arith.constant 0 : i32
    %c0_i32_0 = arith.constant 0 : i32
    return %arg0, %c0_i32 : i32, i32
  }
  func.func @transform_1(%arg0: i32) -> (i32, i32) {
    %c0_i32 = arith.constant 0 : i32
    %c0_i32_0 = arith.constant 0 : i32
    return %arg0, %c0_i32 : i32, i32
  }
  func.func @transform_2(%arg0: i32) -> (i32, i32) {
    %c0_i32 = arith.constant 0 : i32
    %c0_i32_0 = arith.constant 0 : i32
    return %arg0, %c0_i32 : i32, i32
  }
  func.func @transform_3(%arg0: i32) -> (i32, i32) {
    %c0_i32 = arith.constant 0 : i32
    %c0_i32_0 = arith.constant 0 : i32
    return %arg0, %c0_i32 : i32, i32
  }
  func.func @transform_4(%arg0: i32) -> (i32, i32) {
    %c0_i32 = arith.constant 0 : i32
    %c0_i32_0 = arith.constant 0 : i32
    return %arg0, %c0_i32 : i32, i32
  }
  func.func @transform_5(%arg0: i32) -> (i32, i32) {
    %c0_i32 = arith.constant 0 : i32
    %c0_i32_0 = arith.constant 0 : i32
    %c0_i32_1 = arith.constant 0 : i32
    return %c0_i32, %c0_i32_0 : i32, i32
  }
  func.func @transform_6(%arg0: i32) -> (i32, i32) {
    %c0_i32 = arith.constant 0 : i32
    %c0_i32_0 = arith.constant 0 : i32
    %c0_i32_1 = arith.constant 0 : i32
    return %c0_i32, %c0_i32_0 : i32, i32
  }
  func.func @transform_7(%arg0: i32) -> (i32, i32) {
    %c0_i32 = arith.constant 0 : i32
    %c0_i32_0 = arith.constant 0 : i32
    %c0_i32_1 = arith.constant 0 : i32
    return %c0_i32, %c0_i32_0 : i32, i32
  }
  func.func @transform_8(%arg0: i32) -> (i32, i32) {
    %c0_i32 = arith.constant 0 : i32
    %c0_i32_0 = arith.constant 0 : i32
    return %arg0, %c0_i32 : i32, i32
  }
}

</mosaic_0001>

<sc_bundles>
// kernel: kernel.11.cloned.1.call-start
scs
__scs_entry_jumppad:
0x0: {  	(pc) =	sbr.rel $0x88, $3  }
0x1: {  	(tag) =	ssettag $0x0;
	lr =	simm.s32 $0x1  }
0x2: {  	[smem:$0x3F93] =	sst lr;
	_ =	strace $0xD0000000  }
0x3: {  	_ = 	snop  }
0x4: {  	_ = 	snop  }
0x5: {  	_ = 	snop  }
0x6: {  	_ = 	snop  }
0x7: {  	_ = 	snop  }
__scs_overlays_trampoline_lowered:
0x8: {  	[smem:$0x3FA2] =	sst s0  }
0x9: {  	[smem:$0x3FA3] =	sst s1  }
0xa: {  	[smem:$0x3FA4] =	sst s2  }
0xb: {  	[smem:$0x3FA5] =	sst s3  }
0xc: {  	[smem:$0x3FA6] =	sst s4  }
0xd: {  	[smem:$0x3FA7] =	sst s5  }
0xe: {  	[smem:$0x3FA8] =	sst s6  }
0xf: {  	[smem:$0x3FA9] =	sst s7  }
0x10: {  	[smem:$0x3FAA] =	sst s8  }
0x11: {  	[smem:$0x3FAB] =	sst s9;
	s0 =	simm.s32 @!p0 $0x0  }
0x12: {  	s1 =	sld [smem:$0x3F91];
	s0 =	simm.s32 @p0 $0x1  }
0x13: {  	[smem:$0x3FAC] =	sst s0;
	s0 =	simm.s32 @!p1 $0x0  }
0x14: {  	s2 =	sld [smem:$0x3F90];
	s0 =	simm.s32 @p1 $0x1  }
0x15: {  	[smem:$0x3FAD] =	sst s0;
	s0 =	simm.s32 @!p2 $0x0  }
0x16: {  	s3 =	sld [smem:$0x3FDB];
	s0 =	simm.s32 @p2 $0x1  }
0x17: {  	s4 =	simm.s32 $0x1BF5;
	[smem:$0x3FAF] =	sst s0  }
0x18: {  	s0 =	sld [smem:$0x3F92];
	_ =	swait.ge [sflag:s4], $0x0  }
0x19: {  	s7 =	sld [smem:$0x3F93]  }
0x1a: {  	s8 =	sadd.s32 $0xFFFFE003, lr  }
0x1b: {  	s9 =	sadd.s32 $0xFFFFFEF7, lr;
	s5 =	simm.s32 $0xFFFFFFFF;
	p2 =	slt.u32 s8, $0xFFFFF086  }
0x1c: {  	p1 =	slt.u32 s9, $0xF7A;
	s5 =	simm.s32 @!p2 $0x0  }
0x1d: {  	s5 =	simm.s32 @p1 $0x1;
	p0 =	seq.s32 s7, s2  }
0x1e: {  	s7 =	smul.u32 @!p0 $0xF7A, s2;
	p2 =	seq.s32 @!p0 s5, $0x0  }
0x1f: {  	s9 =	smul.u32 $0xF7A, s1;
	s8 =	simm.s32 @!p0 $0x1BF5;
	p2 =	por !p2, p0  }
0x20: {  	[sflag:s8] =	ssyncset.s32 @!p0 $0xFFFFF086;
	s6 =	sadd.s32 @!p0 s3, s7;
	s7 =	simm.s32 @!p0 $0x108  }
0x21: {  	s3 =	sadd.s32 s3, s9;
	s6 =	sadd.s32 @!p0 $0x88, s6;
	s7 =	simm.s32 @p2 $0x1082  }
0x22: {  	[simem:s7], [sflag:s8] =	dma.local @!p0 [hbm:s6], $0xF7A  }
0x23: {  	s9 =	sor.u32 $0xD0000000, s2;
	s6 =	simm.s32 $0x108;
	_ =	swait.ge @!p0 [sflag:s8], $0x0  }
0x24: {  	s3 =	sadd.s32 $0x88, s3;
	s6 =	simm.s32 @!p1 $0x1082;
	[sflag:s4] =	ssyncset.s32 $0xFFFFF086  }
0x25: {  	[simem:s6], [sflag:s4] =	dma.local [hbm:s3], $0xF7A  }
0x26: {  	[smem:$0x3F93] =	sst s1;
	(tag) =	ssettag s2;
	_ =	strace s9  }
0x27: {  	s1 =	sld [smem:$0x3FA3]  }
0x28: {  	s2 =	sld [smem:$0x3FA4]  }
0x29: {  	s4 =	sld [smem:$0x3FA6]  }
0x2a: {  	p0 =	seq.s32 s5, $0x0;
	s5 =	sld [smem:$0x3FA7]  }
0x2b: {  	s6 =	sld [smem:$0x3FA8]  }
0x2c: {  	s7 =	sld [smem:$0x3FA9]  }
0x2d: {  	s3 =	simm.s32 $0x108;
	s8 =	sld [smem:$0x3FAA]  }
0x2e: {  	s3 =	simm.s32 @!p0 $0x1082;
	s9 =	sld [smem:$0x3FAB]  }
0x2f: {  	lr =	sadd.s32 s0, s3;
	s0 =	sld [smem:$0x3FA2]  }
0x30: {  	s3 =	sld [smem:$0x3FA5]  }
0x31: {  	[smem:$0x3FAE] =	sst s10  }
0x32: {  	s10 =	sld [smem:$0x3FAC];
	_ =	sdelay $0x3  }
0x33: {  	p0 =	seq.s32 s10, $0x1;
	s10 =	sld [smem:$0x3FAE];
	_ =	sdelay $0x3  }
0x34: {  	[smem:$0x3FAE] =	sst s10  }
0x35: {  	s10 =	sld [smem:$0x3FAD];
	_ =	sdelay $0x3  }
0x36: {  	p1 =	seq.s32 s10, $0x1;
	s10 =	sld [smem:$0x3FAE];
	_ =	sdelay $0x3  }
0x37: {  	[smem:$0x3FAE] =	sst s10  }
0x38: {  	s10 =	sld [smem:$0x3FAF]  }
0x39: {  	_ = 	snop;
	(pc) =	sbr.ind lr, $3  }
0x3a: {  	_ = 	snop  }
0x3b: {  	_ = 	snop  }
0x3c: {  	p2 =	seq.s32 s10, $0x1;
	s10 =	sld [smem:$0x3FAE]  }
0x3d: {  	_ =	shalt  }
0x3e: {  	_ =	shalt  }
0x3f: {  	_ =	shalt  }
0x40: {  	_ =	shalt  }
0x41: {  	_ =	shalt  }
0x42: {  	_ =	shalt  }
0x43: {  	_ =	shalt  }
0x44: {  	_ =	shalt  }
0x45: {  	_ =	shalt  }
0x46: {  	_ =	shalt  }
0x47: {  	_ =	shalt  }
0x48: {  	_ =	shalt  }
0x49: {  	_ =	shalt  }
0x4a: {  	_ =	shalt  }
0x4b: {  	_ =	shalt  }
0x4c: {  	_ =	shalt  }
0x4d: {  	_ =	shalt  }
0x4e: {  	_ =	shalt  }
0x4f: {  	_ =	shalt  }
0x50: {  	_ =	shalt  }
0x51: {  	_ =	shalt  }
0x52: {  	_ =	shalt  }
0x53: {  	_ =	shalt  }
0x54: {  	_ =	shalt  }
0x55: {  	_ =	shalt  }
0x56: {  	_ =	shalt  }
0x57: {  	_ =	shalt  }
0x58: {  	_ =	shalt  }
0x59: {  	_ =	shalt  }
0x5a: {  	_ =	shalt  }
0x5b: {  	_ =	shalt  }
0x5c: {  	_ =	shalt  }
0x5d: {  	_ =	shalt  }
0x5e: {  	_ =	shalt  }
0x5f: {  	_ =	shalt  }
0x60: {  	_ =	shalt  }
0x61: {  	_ =	shalt  }
0x62: {  	_ =	shalt  }
0x63: {  	_ =	shalt  }
0x64: {  	_ =	shalt  }
0x65: {  	_ =	shalt  }
0x66: {  	_ =	shalt  }
0x67: {  	_ =	shalt  }
0x68: {  	_ =	shalt  }
0x69: {  	_ =	shalt  }
0x6a: {  	_ =	shalt  }
0x6b: {  	_ =	shalt  }
0x6c: {  	_ =	shalt  }
0x6d: {  	_ =	shalt  }
0x6e: {  	_ =	shalt  }
0x6f: {  	_ =	shalt  }
0x70: {  	_ =	shalt  }
0x71: {  	_ =	shalt  }
0x72: {  	_ =	shalt  }
0x73: {  	_ =	shalt  }
0x74: {  	_ =	shalt  }
0x75: {  	_ =	shalt  }
0x76: {  	_ =	shalt  }
0x77: {  	_ =	shalt  }
0x78: {  	_ =	shalt  }
0x79: {  	_ =	shalt  }
0x7a: {  	_ =	shalt  }
0x7b: {  	_ =	shalt  }
0x7c: {  	_ =	shalt  }
0x7d: {  	_ =	shalt  }
0x7e: {  	_ =	shalt  }
0x7f: {  	_ =	shalt  }
0x80: {  	_ =	shalt  }
0x81: {  	_ =	shalt  }
0x82: {  	_ =	shalt  }
0x83: {  	_ =	shalt  }
0x84: {  	_ =	shalt  }
0x85: {  	_ =	shalt  }
0x86: {  	_ =	shalt  }
0x87: {  	_ =	shalt  }
.Lfunc_end0:
.L_simem_size_0:
called_computation_lowered:
.L_overlay_start_0:
0x88: {  	s2 =	sld [smem:$0x3FD9]  }
0x89: {  	s3 =	sld [smem:$0x3FFE];
	_ =	sdelay $0x1  }
0x8a: {  	s1 =	srdreg.scid  }
0x8b: {  	s0 =	sand.u32 $0x1, s1  }
0x8c: {  	s17 =	sshll.u32 s0, $0xA;
	s2 =	sadd.s32 s3, s2  }
0x8d: {  	s2 =	sadd.s32 s2, s17  }
0x8e: {  	[smem:$0x3FBA] =	sst s2  }
0x8f: {  	_ = 	snop  }
0x90: {  	s18 =	sld [smem:$0x3FD0];
	(tm) =	ssettm $0x1  }
0x91: {  	s19 =	sld [smem:$0x3FFB];
	_ =	sdelay $0x3  }
0x92: {  	_ =	strace s19  }
0x93: {  	s2 =	sld [smem:$0x3FFC];
	_ =	sdelay $0x3  }
0x94: {  	_ =	strace s2  }
0x95: {  	s2 =	sld [smem:$0x3FFD];
	_ =	sdelay $0x3  }
0x96: {  	_ =	strace s2  }
0x97: {  	_ =	strace $0x8FFFFFFF  }
0x98: {  	s20 =	sld [smem:$0x3FDB];
	_ =	sdelay $0x1  }
0x99: {  	s4 =	simm.s32 $_scs_section_size  }
0x9a: {  	s5 =	simm.s32 $_size__tile_overlayer_lowered;
	s6 =	simm.s32 $_tile_overlayer_lowered  }
0x9b: {  	s7 =	simm.s32 $0x1BFF;
	s21 =	sshll.u32 s6, $0x1;
	s4 =	sadd.s32 s4, s20  }
0x9c: {  	s22 =	simm.s32 $0x0;
	s5 =	sshll.u32 s5, $0x1;
	s6 =	sadd.s32 s21, s4  }
0x9d: {  	[timem:s22], [sflag:s7] =	dma.local [hbm:s6], s5  }
0x9e: {  	_ =	swait.ge [sflag:s7], s5  }
0x9f: {  	s5 =	ssub.s32 $0x0, s5;
	[sflag:s7] =	ssyncset.done $0x0  }
0xa0: {  	[sflag:s7] =	ssyncadd.s32 s5;
	_ =	sdelay $0x1  }
0xa1: {  	s23 =	simm.s32 $0x1B8B  }
0xa2: {  	_ =	swait.ge [sflag:s23], $0x1  }
0xa3: {  	[sflag:s23] =	ssyncset.done $0x0  }
0xa4: {  	[sflag:s23] =	ssyncadd.s32 $0xFFFFFFFF  }
0xa5: {  	s5 =	sld [smem:$0x0]  }
0xa6: {  	s6 =	sand.u32 $0xFFFFFFFE, s1  }
0xa7: {  	p0 =	sne.s32 s1, s6  }
0xa8: {  	s6 =	sshll.u32 @p0 s6, $0xE  }
0xa9: {  	s6 =	sadd.s32 @p0 $0x11B8D, s6;
	s7 =	sshll.u32 @p0 s5, $0x11  }
0xaa: {  	s6 =	sor.u32 @p0 s7, s6  }
0xab: {  	[sflag:s6] =	ssyncadd.remote.s32 @p0 $0x1;
	_ =	sdelay $0x1  }
0xac: {  	s6 =	simm.s32 @p0 $0x1B8D  }
0xad: {  	_ =	swait.eq @p0 [sflag:s6], $0x1  }
0xae: {  	[sflag:s6] =	ssyncadd.s32 @p0 $0xFFFFFFFF  }
0xaf: {  	s7 =	sshll.u32 @!p0 s1, $0xE  }
0xb0: {  	s7 =	sor.u32 @!p0 $0x4000, s7;
	s6 =	simm.s32 @!p0 $0x1B8D  }
0xb1: {  	s5 =	sshll.u32 @!p0 s5, $0x11;
	s7 =	sadd.s32 @!p0 $0x11B8D, s7;
	_ =	swait.eq @!p0 [sflag:s6], $0x1  }
0xb2: {  	s5 =	sor.u32 @!p0 s5, s7;
	[sflag:s6] =	ssyncadd.s32 @!p0 $0xFFFFFFFF  }
0xb3: {  	s25 =	simm.s32 $0x1B8E;
	s24 =	sld [smem:$0x3FFE];
	[sflag:s5] =	ssyncadd.remote.s32 @!p0 $0x1  }
0xb4: {  	s26 =	simm.s32 $execute0_lowered;
	[smem:$0x3FD2] =	sst s25  }
0xb5: {  	s6 =	sshll.u32 s26, $0x1;
	_ =	strace $0x80000049;
	[dreg:$0x1] =	wrdreg $0xFFFFFFFF  }
0xb6: {  	s28 =	simm.s32 $_size_execute0_lowered;
	s4 =	sadd.s32 s4, s6;
	[dreg:$0x0] =	wrdreg $0x0  }
0xb7: {  	s6 =	sshll.u32 s28, $0x1;
	[dreg:$0x2] =	wrdreg s4  }
0xb8: {  	[dreg:$0x3] =	wrdreg s6  }
0xb9: {  	[dreg:$0x4] =	wrdreg $0xC0  }
0xba: {  	_ =	task [dreg:s22], $0x5FFFF  }
0xbb: {  	[dreg:$0x1] =	wrdreg $0xFFFFFFFF  }
0xbc: {  	[dreg:$0x0] =	wrdreg $0x60  }
0xbd: {  	[dreg:$0x2] =	wrdreg s18  }
0xbe: {  	[dreg:$0x3] =	wrdreg s24  }
0xbf: {  	[dreg:$0x4] =	wrdreg $0x68000  }
0xc0: {  	[dreg:$0x5] =	wrdreg $0x9  }
0xc1: {  	_ =	task.clear_ibuf [dreg:s22], $0x6FFFF;
	_ =	strace $0x90000049  }
0xc2: {  	s29 =	simm.s32 $0x9;
	_ =	strace $0x8000004B  }
0xc3: {  	_ =	swait.ge [sflag:s29], $0x1  }
0xc4: {  	[sflag:s29] =	ssyncadd.s32 $0xFFFFFFFF  }
0xc5: {  	_ =	strace $0x9000004B  }
0xc6: {  	_ =	sfence  }
0xc7: {  	s30 =	sld [smem:$0x0];
	_ =	sdelay $0x2  }
0xc8: {  	s31 =	sshll.u32 s1, $0xD;
	s1 =	sshrl.u32 s1, $0x2  }
0xc9: {  	s4 =	sand.u32 $0x4000, s31;
	s1 =	sadd.s32 s1, s30  }
0xca: {  	s0 =	sor.u32 s4, s0;
	s1 =	sshll.u32 s1, $0x11  }
0xcb: {  	s0 =	sor.u32 s1, s0  }
0xcc: {  	s0 =	sadd.s32 $0x8F2B, s0  }
0xcd: {  	[sflag:s0] =	ssyncadd.remote.s32 $0x1  }
0xce: {  	_ =	sfence.sel $0xFFFF  }
0xcf: {  	[dreg:$0x0] =	wrdreg $0xFFFFFFFF;
	(pc) =	sbr.abs _section_cstart, $3  }
0xd0: {  	[dreg:$0x1] =	wrdreg $0xFFFFFFFF  }
0xd1: {  	_ =	task.clear_ibuf [dreg:s22], $0x2FFFF;
	_ =	strace $0x9FFFFFFF  }
0xd2: {  	(tm) =	ssettm $0x7FFFFFFF  }
0xd3: {  	_ =	shalt  }
tec
execute0_lowered:
.L_overlay_start_1:
0x0: {  	(tag) =	ssettag $0x1  }
0x1: {  	s4 =	rddreg [dreg:$0x0]  }
0x2: {  	s5 =	rddreg [dreg:$0x1]  }
0x3: {  	s2 =	rddreg [dreg:$0x2]  }
0x4: {  	s0 =	rddreg [dreg:$0x3]  }
0x5: {  	s6 =	srdreg.scid;
	s1 =	stileid.u32  }
0x6: {  	s3 =	simm.s32 $0x0;
	s15 =	simm.s32 $0x2800;
	s16 =	simm.s32 $0x1  }
0x7: {  	s17 =	simm.s32 $0x2;
	s18 =	simm.s32 $0x50;
	s19 =	simm.s32 $0x2880  }
0x8: {  	s20 =	simm.s32 $0x2900;
	s21 =	simm.s32 $0x2980;
	s24 =	simm.s32 $0x3  }
0x9: {  	s25 =	simm.s32 $0x0;
	s6 =	sand.u32 $0x1, s6;
	s7 =	smul.u32 $0x2800, s1  }
0xa: {  	[smem:$0x7FF] =	sst s3;
	s9 =	smul.u32 $0x50000, s1;
	s30 =	sshll.u32 s1, $0xC  }
0xb: {  	s22 =	sshll.u32 s1, $0x6;
	s8 =	smul.u32 $0x28000, s6;
	_ =	strace $0x8000004A  }
0xc: {  	s28 =	ssub.s32 $0x2, s6;
	s6 =	sshll.u32 s6, $0xB;
	s22 =	sor.u32 $0x1C03, s22  }
0xd: {  	s29 =	sshrl.u32 s28, $0x1;
	s4 =	sadd.s32 s4, s6;
	s31 =	sshrl.u32 s9, $0x2  }
0xe: {  	s7 =	sadd.s32 s7, s8;
	s14 =	ssub.s32 s28, s29;
	s4 =	sadd.s32 s30, s4  }
0xf: {  	s13 =	sadd.s32 s7, s5;
	s5 =	sadd.s32 s31, s2;
	s14 =	smax.u32 s14, $0x1  }
0x10: {  	s6 =	sadd.s32 $0x2800, s5;
	s7 =	sadd.s32 $0x5000, s5;
	s8 =	sadd.s32 $0x7800, s5  }
0x11: {  	s9 =	sadd.s32 $0xA000, s5;
	s10 =	sadd.s32 $0xC800, s5;
	s11 =	sadd.s32 $0xF000, s5  }
0x12: {  	v0 =	vimm.f32 $0.0e+00;
	v1 =	vimm.f32 $1.000000000e+00;
	s12 =	sadd.s32 $0x11800, s5;
	s13 =	sadd.s32 $0x63800, s13;
	s23 =	sshrl.u32 s5, $0x3  }
.LBB2_1:
0x13: {  	[tilespmem:s15], [sflag:$0x2] =	stream.linear.gather [hbm4b:s4+s3], $0x4000, $0x38;
	[tilespmem:$0x1A800] =	vst v63  }
0x14: {  	s26 =	simm.s32 $0x0;
	s28 =	simm.s32 $0x200  }
.LBB2_2:
0x15: {  	p0 =	sne.s32 s28, $0x9E00;
	[tilespmem:s26+$0x70] =	vst v0  }
0x16: {  	[tilespmem:s26+$0x0] =	vst v0  }
0x17: {  	[tilespmem:s26+$0x10] =	vst v0  }
.Ltmp0:
0x18: {  	[tilespmem:s26+$0x20] =	vst v0;
	(pc) =	sbr.rel @p0 .LBB2_2-.Ltmp0, $4  }
0x19: {  	[tilespmem:s26+$0x30] =	vst v0  }
0x1a: {  	[tilespmem:s26+$0x40] =	vst v0  }
0x1b: {  	[tilespmem:s26+$0x50] =	vst v0  }
0x1c: {  	[tilespmem:s26+$0x60] =	vst v0;
	s26 =	sshra.s32 s28, $0x2;
	s28 =	sadd.s32 $0x200, s28  }
0x1d: {  	[tilespmem:s26+$0x70] =	vst v0  }
0x1e: {  	[tilespmem:s26+$0x0] =	vst v0  }
0x1f: {  	[tilespmem:s26+$0x10] =	vst v0  }
0x20: {  	[tilespmem:s26+$0x20] =	vst v0  }
0x21: {  	[tilespmem:s26+$0x30] =	vst v0  }
0x22: {  	[tilespmem:s26+$0x40] =	vst v0  }
0x23: {  	[tilespmem:s26+$0x50] =	vst v0  }
0x24: {  	[tilespmem:s26+$0x60] =	vst v0;
	s31 =	simm.s32 $0x0  }
0x25: {  	[spmem:s5] =	stream.linear.scatter [tilespmem:s31], [sflag:$0x1], $0x2800, $0x38;
	[tilespmem:$0x1A800] =	vst v63  }
0x26: {  	_ = 	snop  }
0x27: {  	[spmem:s6] =	stream.linear.scatter [tilespmem:s31], [sflag:$0x1], $0x2800, $0x38;
	[tilespmem:$0x1A800] =	vst v63  }
0x28: {  	_ = 	snop  }
0x29: {  	[spmem:s7] =	stream.linear.scatter [tilespmem:s31], [sflag:$0x1], $0x2800, $0x38;
	[tilespmem:$0x1A800] =	vst v63  }
0x2a: {  	_ = 	snop  }
0x2b: {  	[spmem:s8] =	stream.linear.scatter [tilespmem:s31], [sflag:$0x1], $0x2800, $0x38;
	[tilespmem:$0x1A800] =	vst v63  }
0x2c: {  	_ = 	snop  }
0x2d: {  	[spmem:s9] =	stream.linear.scatter [tilespmem:s31], [sflag:$0x1], $0x2800, $0x38;
	[tilespmem:$0x1A800] =	vst v63  }
0x2e: {  	_ = 	snop  }
0x2f: {  	[spmem:s10] =	stream.linear.scatter [tilespmem:s31], [sflag:$0x1], $0x2800, $0x38;
	[tilespmem:$0x1A800] =	vst v63  }
0x30: {  	_ = 	snop  }
0x31: {  	[spmem:s11] =	stream.linear.scatter [tilespmem:s31], [sflag:$0x1], $0x2800, $0x38;
	[tilespmem:$0x1A800] =	vst v63  }
0x32: {  	_ = 	snop  }
0x33: {  	[spmem:s12] =	stream.linear.scatter [tilespmem:s31], [sflag:$0x1], $0x2800, $0x38;
	[tilespmem:$0x1A800] =	vst v63  }
0x34: {  	_ =	swait.ge [sflag:s16], $0x2800  }
0x35: {  	[sflag:s16] =	ssyncset.done $0x0  }
0x36: {  	[sflag:s16] =	ssyncadd.s32 $0xFFFFD800  }
0x37: {  	_ =	swait.ge [sflag:s16], $0x2800  }
0x38: {  	[sflag:s16] =	ssyncset.done $0x0  }
0x39: {  	[sflag:s16] =	ssyncadd.s32 $0xFFFFD800  }
0x3a: {  	_ =	swait.ge [sflag:s16], $0x2800  }
0x3b: {  	[sflag:s16] =	ssyncset.done $0x0  }
0x3c: {  	[sflag:s16] =	ssyncadd.s32 $0xFFFFD800  }
0x3d: {  	_ =	swait.ge [sflag:s16], $0x2800  }
0x3e: {  	[sflag:s16] =	ssyncset.done $0x0  }
0x3f: {  	[sflag:s16] =	ssyncadd.s32 $0xFFFFD800  }
0x40: {  	_ =	swait.ge [sflag:s16], $0x2800  }
0x41: {  	[sflag:s16] =	ssyncset.done $0x0  }
0x42: {  	[sflag:s16] =	ssyncadd.s32 $0xFFFFD800  }
0x43: {  	_ =	swait.ge [sflag:s16], $0x2800  }
0x44: {  	[sflag:s16] =	ssyncset.done $0x0  }
0x45: {  	[sflag:s16] =	ssyncadd.s32 $0xFFFFD800  }
0x46: {  	_ =	swait.ge [sflag:s16], $0x2800  }
0x47: {  	[sflag:s16] =	ssyncset.done $0x0  }
0x48: {  	[sflag:s16] =	ssyncadd.s32 $0xFFFFD800  }
0x49: {  	_ =	swait.ge [sflag:s16], $0x2800  }
0x4a: {  	[sflag:s16] =	ssyncset.done $0x0  }
0x4b: {  	s26 =	simm.s32 $0x0;
	s28 =	simm.s32 $0x200;
	[sflag:s16] =	ssyncadd.s32 $0xFFFFD800  }
.LBB2_4:
0x4c: {  	p0 =	sne.s32 s28, $0x9E00;
	[tilespmem:s26+$0x70] =	vst v1  }
0x4d: {  	[tilespmem:s26+$0x0] =	vst v1  }
0x4e: {  	[tilespmem:s26+$0x10] =	vst v1  }
.Ltmp1:
0x4f: {  	[tilespmem:s26+$0x20] =	vst v1;
	(pc) =	sbr.rel @p0 .LBB2_4-.Ltmp1, $4  }
0x50: {  	[tilespmem:s26+$0x30] =	vst v1  }
0x51: {  	[tilespmem:s26+$0x40] =	vst v1  }
0x52: {  	[tilespmem:s26+$0x50] =	vst v1  }
0x53: {  	[tilespmem:s26+$0x60] =	vst v1;
	s26 =	sshra.s32 s28, $0x2;
	s28 =	sadd.s32 $0x200, s28  }
0x54: {  	[tilespmem:s26+$0x70] =	vst v1  }
0x55: {  	[tilespmem:s26+$0x0] =	vst v1  }
0x56: {  	[tilespmem:s26+$0x10] =	vst v1  }
0x57: {  	[tilespmem:s26+$0x20] =	vst v1  }
0x58: {  	[tilespmem:s26+$0x30] =	vst v1  }
0x59: {  	[tilespmem:s26+$0x40] =	vst v1  }
0x5a: {  	[tilespmem:s26+$0x50] =	vst v1  }
0x5b: {  	[tilespmem:s26+$0x60] =	vst v1  }
0x5c: {  	_ =	swait.ge [sflag:s17], $0x4000  }
0x5d: {  	[sflag:s17] =	ssyncset.done $0x0  }
0x5e: {  	[sflag:s17] =	ssyncadd.s32 $0xFFFFC000  }
0x5f: {  	s26 =	simm.s32 $0x0;
	[bflag:$0x0] =	sbarrier.arrive $0xFFFF  }
0x60: {  	[spmem:s2] =	stream.indirect.scatter.add.f32 [tilespmem:s26], [sflag:$0x1], $0x80, s15, s18, $0xb8;
	[tilespmem:$0x1A800] =	vst v63  }
0x61: {  	_ = 	snop  }
0x62: {  	[spmem:s2] =	stream.indirect.scatter.add.f32 [tilespmem:s26], [sflag:$0x1], $0x80, s19, s18, $0xb8;
	[tilespmem:$0x1A800] =	vst v63  }
0x63: {  	_ = 	snop  }
0x64: {  	[spmem:s2] =	stream.indirect.scatter.add.f32 [tilespmem:s26], [sflag:$0x1], $0x80, s20, s18, $0xb8;
	[tilespmem:$0x1A800] =	vst v63  }
0x65: {  	_ = 	snop  }
0x66: {  	[spmem:s2] =	stream.indirect.scatter.add.f32 [tilespmem:s26], [sflag:$0x1], $0x80, s21, s18, $0xb8;
	[tilespmem:$0x1A800] =	vst v63  }
0x67: {  	s28 =	simm.s32 $0x2A00;
	p0 =	por $0x0, $0x0;
	_ =	swait.ge [sflag:s16], $0x2800  }
0x68: {  	s29 =	simm.s32 $0x2A80;
	s30 =	simm.s32 @!p0 $0x50;
	[sflag:s16] =	ssyncset.done $0x0  }
0x69: {  	s31 =	simm.s32 @!p0 $0x0;
	s26 =	simm.s32 $0x1;
	[sflag:s16] =	ssyncadd.s32 $0xFFFFD800  }
.LBB2_6:
0x6a: {  	[spmem:s2] =	stream.indirect.scatter.add.f32 @!p0 [tilespmem:s31], [sflag:$0x1], $0x80, s28, s30, $0xb8;
	[tilespmem:$0x1A800] =	vst v63  }
0x6b: {  	s30 =	smov.u32 s26;
	s26 =	sadd.s32 $0x1, s26  }
0x6c: {  	p1 =	sne.s32 s26, $0x7D  }
.Ltmp2:
0x6d: {  	(pc) =	sbr.rel @p1 .LBB2_6-.Ltmp2, $4  }
0x6e: {  	s28 =	smov.u32 s29  }
0x6f: {  	_ =	swait.ge [sflag:s16], $0x2800  }
0x70: {  	s29 =	sadd.s32 $0x80, s29;
	p0 =	sgt.u32 s30, $0x78;
	[sflag:s16] =	ssyncset.done $0x0  }
0x71: {  	s30 =	simm.s32 @!p0 $0x50;
	s31 =	simm.s32 @!p0 $0x0;
	[sflag:s16] =	ssyncadd.s32 $0xFFFFD800  }
0x72: {  	[spmem:s2] =	stream.indirect.scatter.add.f32 @!p0 [tilespmem:s31], [sflag:$0x1], $0x80, s28, s30, $0xb8;
	[tilespmem:$0x1A800] =	vst v63  }
0x73: {  	s25 =	sadd.s32 $0x1, s25  }
0x74: {  	p0 =	sne.s32 s25, s14  }
.Ltmp3:
0x75: {  	[bflag:$0x0] =	sbarrier.arrive $0xFFFF;
	(pc) =	sbr.rel @p0 .LBB2_1-.Ltmp3, $4  }
0x76: {  	[hbm:s13], [sflag:s22] =	dma.local [spmem:s23], $0x2800  }
0x77: {  	_ =	swait.ge [sflag:s24], $0x2800  }
0x78: {  	[sflag:s24] =	ssyncset.done $0x0  }
0x79: {  	[sflag:s24] =	ssyncadd.s32 $0xFFFFD800  }
0x7a: {  	_ =	sfence.sel $0x180000  }
0x7b: {  	[bflag:$0x0] =	sbarrier.arrive $0xFFFF  }
0x7c: {  	p0 =	sne.s32 s1, $0x0;
	_ =	strace $0x9000004A  }
0x7d: {  	s0 =	sadd.s32 @!p0 $0x100000, s0;
	[bflag:$0x2] =	sbarrier.arrive $0xFFFF  }
0x7e: {  	[sflag:s0] =	ssyncadd.tile.s32 @!p0 $0x1;
	_ =	shalt  }
.Lfunc_end2:
_tile_overlayer_lowered:
.L_overlay_start_2:
0x7f: {  	(tag) =	ssettag $0x2  }
0x80: {  	s0 =	rddreg [dreg:$0x0];
	s2 =	stileid.u32  }
0x81: {  	s1 =	rddreg [dreg:$0x1];
	p0 =	sne.s32 s2, $0x0  }
0x82: {  	s3 =	rddreg [dreg:$0x2];
	[bflag:$0x3] =	sbarrier.arrive $0xFFFF;
	s2 =	simm.s32 @!p0 $0x1C03  }
0x83: {  	[timem:s3], [sflag:s2] =	dma.local @!p0 [hbm:s0], s1  }
0x84: {  	s0 =	simm.s32 @!p0 $0x3  }
0x85: {  	_ =	swait.ge @!p0 [sflag:s0], s1  }
0x86: {  	s1 =	ssub.s32 @!p0 $0x0, s1;
	[sflag:s0] =	ssyncset.done @!p0 $0x0  }
0x87: {  	[sflag:s0] =	ssyncadd.s32 @!p0 s1  }
0x88: {  	[bflag:$0x3] =	sbarrier.arrive $0xFFFF  }
0x89: {  	_ =	shalt  }

// kernel: kernel.14.cloned.1.call-start
scs
__scs_entry_jumppad:
0x0: {  	(pc) =	sbr.rel $0x88, $3  }
0x1: {  	(tag) =	ssettag $0x0;
	lr =	simm.s32 $0x1  }
0x2: {  	[smem:$0x3F93] =	sst lr;
	_ =	strace $0xD0000000  }
0x3: {  	_ = 	snop  }
0x4: {  	_ = 	snop  }
0x5: {  	_ = 	snop  }
0x6: {  	_ = 	snop  }
0x7: {  	_ = 	snop  }
__scs_overlays_trampoline_lowered:
0x8: {  	[smem:$0x3FA2] =	sst s0  }
0x9: {  	[smem:$0x3FA3] =	sst s1  }
0xa: {  	[smem:$0x3FA4] =	sst s2  }
0xb: {  	[smem:$0x3FA5] =	sst s3  }
0xc: {  	[smem:$0x3FA6] =	sst s4  }
0xd: {  	[smem:$0x3FA7] =	sst s5  }
0xe: {  	[smem:$0x3FA8] =	sst s6  }
0xf: {  	[smem:$0x3FA9] =	sst s7  }
0x10: {  	[smem:$0x3FAA] =	sst s8  }
0x11: {  	[smem:$0x3FAB] =	sst s9;
	s0 =	simm.s32 @!p0 $0x0  }
0x12: {  	s1 =	sld [smem:$0x3F91];
	s0 =	simm.s32 @p0 $0x1  }
0x13: {  	[smem:$0x3FAC] =	sst s0;
	s0 =	simm.s32 @!p1 $0x0  }
0x14: {  	s2 =	sld [smem:$0x3F90];
	s0 =	simm.s32 @p1 $0x1  }
0x15: {  	[smem:$0x3FAD] =	sst s0;
	s0 =	simm.s32 @!p2 $0x0  }
0x16: {  	s3 =	sld [smem:$0x3FDB];
	s0 =	simm.s32 @p2 $0x1  }
0x17: {  	s4 =	simm.s32 $0x1BF5;
	[smem:$0x3FAF] =	sst s0  }
0x18: {  	s0 =	sld [smem:$0x3F92];
	_ =	swait.ge [sflag:s4], $0x0  }
0x19: {  	s7 =	sld [smem:$0x3F93]  }
0x1a: {  	s8 =	sadd.s32 $0xFFFFE003, lr  }
0x1b: {  	s9 =	sadd.s32 $0xFFFFFEF7, lr;
	s5 =	simm.s32 $0xFFFFFFFF;
	p2 =	slt.u32 s8, $0xFFFFF086  }
0x1c: {  	p1 =	slt.u32 s9, $0xF7A;
	s5 =	simm.s32 @!p2 $0x0  }
0x1d: {  	s5 =	simm.s32 @p1 $0x1;
	p0 =	seq.s32 s7, s2  }
0x1e: {  	s7 =	smul.u32 @!p0 $0xF7A, s2;
	p2 =	seq.s32 @!p0 s5, $0x0  }
0x1f: {  	s9 =	smul.u32 $0xF7A, s1;
	s8 =	simm.s32 @!p0 $0x1BF5;
	p2 =	por !p2, p0  }
0x20: {  	[sflag:s8] =	ssyncset.s32 @!p0 $0xFFFFF086;
	s6 =	sadd.s32 @!p0 s3, s7;
	s7 =	simm.s32 @!p0 $0x108  }
0x21: {  	s3 =	sadd.s32 s3, s9;
	s6 =	sadd.s32 @!p0 $0x88, s6;
	s7 =	simm.s32 @p2 $0x1082  }
0x22: {  	[simem:s7], [sflag:s8] =	dma.local @!p0 [hbm:s6], $0xF7A  }
0x23: {  	s9 =	sor.u32 $0xD0000000, s2;
	s6 =	simm.s32 $0x108;
	_ =	swait.ge @!p0 [sflag:s8], $0x0  }
0x24: {  	s3 =	sadd.s32 $0x88, s3;
	s6 =	simm.s32 @!p1 $0x1082;
	[sflag:s4] =	ssyncset.s32 $0xFFFFF086  }
0x25: {  	[simem:s6], [sflag:s4] =	dma.local [hbm:s3], $0xF7A  }
0x26: {  	[smem:$0x3F93] =	sst s1;
	(tag) =	ssettag s2;
	_ =	strace s9  }
0x27: {  	s1 =	sld [smem:$0x3FA3]  }
0x28: {  	s2 =	sld [smem:$0x3FA4]  }
0x29: {  	s4 =	sld [smem:$0x3FA6]  }
0x2a: {  	p0 =	seq.s32 s5, $0x0;
	s5 =	sld [smem:$0x3FA7]  }
0x2b: {  	s6 =	sld [smem:$0x3FA8]  }
0x2c: {  	s7 =	sld [smem:$0x3FA9]  }
0x2d: {  	s3 =	simm.s32 $0x108;
	s8 =	sld [smem:$0x3FAA]  }
0x2e: {  	s3 =	simm.s32 @!p0 $0x1082;
	s9 =	sld [smem:$0x3FAB]  }
0x2f: {  	lr =	sadd.s32 s0, s3;
	s0 =	sld [smem:$0x3FA2]  }
0x30: {  	s3 =	sld [smem:$0x3FA5]  }
0x31: {  	[smem:$0x3FAE] =	sst s10  }
0x32: {  	s10 =	sld [smem:$0x3FAC];
	_ =	sdelay $0x3  }
0x33: {  	p0 =	seq.s32 s10, $0x1;
	s10 =	sld [smem:$0x3FAE];
	_ =	sdelay $0x3  }
0x34: {  	[smem:$0x3FAE] =	sst s10  }
0x35: {  	s10 =	sld [smem:$0x3FAD];
	_ =	sdelay $0x3  }
0x36: {  	p1 =	seq.s32 s10, $0x1;
	s10 =	sld [smem:$0x3FAE];
	_ =	sdelay $0x3  }
0x37: {  	[smem:$0x3FAE] =	sst s10  }
0x38: {  	s10 =	sld [smem:$0x3FAF]  }
0x39: {  	_ = 	snop;
	(pc) =	sbr.ind lr, $3  }
0x3a: {  	_ = 	snop  }
0x3b: {  	_ = 	snop  }
0x3c: {  	p2 =	seq.s32 s10, $0x1;
	s10 =	sld [smem:$0x3FAE]  }
0x3d: {  	_ =	shalt  }
0x3e: {  	_ =	shalt  }
0x3f: {  	_ =	shalt  }
0x40: {  	_ =	shalt  }
0x41: {  	_ =	shalt  }
0x42: {  	_ =	shalt  }
0x43: {  	_ =	shalt  }
0x44: {  	_ =	shalt  }
0x45: {  	_ =	shalt  }
0x46: {  	_ =	shalt  }
0x47: {  	_ =	shalt  }
0x48: {  	_ =	shalt  }
0x49: {  	_ =	shalt  }
0x4a: {  	_ =	shalt  }
0x4b: {  	_ =	shalt  }
0x4c: {  	_ =	shalt  }
0x4d: {  	_ =	shalt  }
0x4e: {  	_ =	shalt  }
0x4f: {  	_ =	shalt  }
0x50: {  	_ =	shalt  }
0x51: {  	_ =	shalt  }
0x52: {  	_ =	shalt  }
0x53: {  	_ =	shalt  }
0x54: {  	_ =	shalt  }
0x55: {  	_ =	shalt  }
0x56: {  	_ =	shalt  }
0x57: {  	_ =	shalt  }
0x58: {  	_ =	shalt  }
0x59: {  	_ =	shalt  }
0x5a: {  	_ =	shalt  }
0x5b: {  	_ =	shalt  }
0x5c: {  	_ =	shalt  }
0x5d: {  	_ =	shalt  }
0x5e: {  	_ =	shalt  }
0x5f: {  	_ =	shalt  }
0x60: {  	_ =	shalt  }
0x61: {  	_ =	shalt  }
0x62: {  	_ =	shalt  }
0x63: {  	_ =	shalt  }
0x64: {  	_ =	shalt  }
0x65: {  	_ =	shalt  }
0x66: {  	_ =	shalt  }
0x67: {  	_ =	shalt  }
0x68: {  	_ =	shalt  }
0x69: {  	_ =	shalt  }
0x6a: {  	_ =	shalt  }
0x6b: {  	_ =	shalt  }
0x6c: {  	_ =	shalt  }
0x6d: {  	_ =	shalt  }
0x6e: {  	_ =	shalt  }
0x6f: {  	_ =	shalt  }
0x70: {  	_ =	shalt  }
0x71: {  	_ =	shalt  }
0x72: {  	_ =	shalt  }
0x73: {  	_ =	shalt  }
0x74: {  	_ =	shalt  }
0x75: {  	_ =	shalt  }
0x76: {  	_ =	shalt  }
0x77: {  	_ =	shalt  }
0x78: {  	_ =	shalt  }
0x79: {  	_ =	shalt  }
0x7a: {  	_ =	shalt  }
0x7b: {  	_ =	shalt  }
0x7c: {  	_ =	shalt  }
0x7d: {  	_ =	shalt  }
0x7e: {  	_ =	shalt  }
0x7f: {  	_ =	shalt  }
0x80: {  	_ =	shalt  }
0x81: {  	_ =	shalt  }
0x82: {  	_ =	shalt  }
0x83: {  	_ =	shalt  }
0x84: {  	_ =	shalt  }
0x85: {  	_ =	shalt  }
0x86: {  	_ =	shalt  }
0x87: {  	_ =	shalt  }
.Lfunc_end0:
.L_simem_size_0:
called_computation.1_lowered:
.L_overlay_start_0:
0x88: {  	s2 =	sld [smem:$0x3FD9]  }
0x89: {  	s3 =	sld [smem:$0x3FFE];
	_ =	sdelay $0x1  }
0x8a: {  	s1 =	srdreg.scid  }
0x8b: {  	s0 =	sand.u32 $0x1, s1  }
0x8c: {  	s17 =	sshll.u32 s0, $0xA;
	s2 =	sadd.s32 s3, s2  }
0x8d: {  	s2 =	sadd.s32 s2, s17  }
0x8e: {  	[smem:$0x3FBA] =	sst s2  }
0x8f: {  	_ = 	snop  }
0x90: {  	s2 =	sld [smem:$0x3FC9];
	(tm) =	ssettm $0x1  }
0x91: {  	s18 =	sld [smem:$0x3FFB];
	_ =	sdelay $0x3  }
0x92: {  	_ =	strace s18  }
0x93: {  	s3 =	sld [smem:$0x3FFC];
	_ =	sdelay $0x3  }
0x94: {  	_ =	strace s3  }
0x95: {  	s3 =	sld [smem:$0x3FFD];
	_ =	sdelay $0x3  }
0x96: {  	_ =	strace s3  }
0x97: {  	_ =	strace $0x8FFFFFFF  }
0x98: {  	s19 =	sld [smem:$0x3FDB];
	_ =	sdelay $0x1  }
0x99: {  	s4 =	simm.s32 $_scs_section_size  }
0x9a: {  	s5 =	simm.s32 $_size__tile_overlayer_lowered;
	s6 =	simm.s32 $_tile_overlayer_lowered  }
0x9b: {  	s22 =	simm.s32 $0x1BFF;
	s21 =	sshll.u32 s6, $0x1;
	s3 =	sadd.s32 s4, s19  }
0x9c: {  	s7 =	simm.s32 $0x0;
	s20 =	sshll.u32 s5, $0x1;
	s5 =	sadd.s32 s21, s3  }
0x9d: {  	[timem:s7], [sflag:s22] =	dma.local [hbm:s5], s20  }
0x9e: {  	_ =	swait.ge [sflag:s22], s20  }
0x9f: {  	s4 =	ssub.s32 $0x0, s20;
	[sflag:s22] =	ssyncset.done $0x0  }
0xa0: {  	[sflag:s22] =	ssyncadd.s32 s4;
	_ =	sdelay $0x1  }
0xa1: {  	s23 =	simm.s32 $0x1B8B  }
0xa2: {  	_ =	swait.ge [sflag:s23], $0x1  }
0xa3: {  	[sflag:s23] =	ssyncset.done $0x0  }
0xa4: {  	s25 =	simm.s32 $0x1B8E;
	s24 =	sld [smem:$0x3FFE];
	[sflag:s23] =	ssyncadd.s32 $0xFFFFFFFF  }
0xa5: {  	s26 =	simm.s32 $execute0_lowered;
	[smem:$0x3FD2] =	sst s25  }
0xa6: {  	s5 =	sshll.u32 s26, $0x1;
	_ =	strace $0x80000046;
	[dreg:$0x1] =	wrdreg $0xFFFFFFFF  }
0xa7: {  	s28 =	simm.s32 $_size_execute0_lowered;
	s3 =	sadd.s32 s3, s5;
	[dreg:$0x0] =	wrdreg $0x0  }
0xa8: {  	s5 =	sshll.u32 s28, $0x1;
	[dreg:$0x2] =	wrdreg s3  }
0xa9: {  	[dreg:$0x3] =	wrdreg s5  }
0xaa: {  	[dreg:$0x4] =	wrdreg $0xC0  }
0xab: {  	_ =	task [dreg:s7], $0x5FFFF  }
0xac: {  	[dreg:$0x1] =	wrdreg $0xFFFFFFFF  }
0xad: {  	[dreg:$0x0] =	wrdreg $0x60  }
0xae: {  	[dreg:$0x2] =	wrdreg s2  }
0xaf: {  	[dreg:$0x3] =	wrdreg s24  }
0xb0: {  	[dreg:$0x4] =	wrdreg $0xBB000  }
0xb1: {  	[dreg:$0x5] =	wrdreg $0xA  }
0xb2: {  	_ =	task.clear_ibuf [dreg:s7], $0x6FFFF;
	_ =	strace $0x90000046  }
0xb3: {  	s29 =	simm.s32 $0xA;
	_ =	strace $0x80000048  }
0xb4: {  	_ =	swait.ge [sflag:s29], $0x1  }
0xb5: {  	[sflag:s29] =	ssyncadd.s32 $0xFFFFFFFF  }
0xb6: {  	_ =	strace $0x90000048  }
0xb7: {  	_ =	sfence  }
0xb8: {  	s30 =	sld [smem:$0x0];
	_ =	sdelay $0x2  }
0xb9: {  	s31 =	sshll.u32 s1, $0xD;
	s1 =	sshrl.u32 s1, $0x2  }
0xba: {  	s3 =	sand.u32 $0x4000, s31;
	s1 =	sadd.s32 s1, s30  }
0xbb: {  	s0 =	sor.u32 s3, s0;
	s1 =	sshll.u32 s1, $0x11  }
0xbc: {  	s0 =	sor.u32 s1, s0  }
0xbd: {  	s0 =	sadd.s32 $0x8F2B, s0  }
0xbe: {  	[sflag:s0] =	ssyncadd.remote.s32 $0x1  }
0xbf: {  	_ =	sfence.sel $0xFFFF  }
0xc0: {  	[dreg:$0x0] =	wrdreg $0xFFFFFFFF;
	(pc) =	sbr.abs _section_cstart, $3  }
0xc1: {  	[dreg:$0x1] =	wrdreg $0xFFFFFFFF  }
0xc2: {  	_ =	task.clear_ibuf [dreg:s7], $0x2FFFF;
	_ =	strace $0x9FFFFFFF  }
0xc3: {  	(tm) =	ssettm $0x7FFFFFFF  }
tec
execute0_lowered:
.L_overlay_start_1:
0x0: {  	(tag) =	ssettag $0x1  }
0x1: {  	s1 =	rddreg [dreg:$0x0]  }
0x2: {  	s0 =	rddreg [dreg:$0x1]  }
0x3: {  	s3 =	rddreg [dreg:$0x2];
	s2 =	srdreg.scid  }
0x4: {  	s7 =	stileid.u32;
	s5 =	simm.s32 $0x0;
	s16 =	simm.s32 $0x4000  }
0x5: {  	s17 =	simm.s32 $0x2;
	s18 =	simm.s32 $0x7;
	s19 =	simm.s32 $0x50  }
0x6: {  	s28 =	simm.s32 $0x5;
	s29 =	simm.s32 $0x8;
	s4 =	smul.u32 $0x2800, s7  }
0x7: {  	s30 =	simm.s32 $0x0;
	s2 =	sand.u32 $0x1, s2;
	s21 =	smul.u32 $0x50000, s7  }
0x8: {  	[smem:$0x7FF] =	sst s5;
	s7 =	sshll.u32 s7, $0xC;
	s20 =	smul.u32 $0x28000, s2  }
0x9: {  	_ =	strace $0x80000047;
	s6 =	sshll.u32 s2, $0xB;
	s2 =	ssub.s32 $0x2, s2  }
0xa: {  	s6 =	sadd.s32 s6, s0;
	s22 =	sshrl.u32 s2, $0x1;
	s5 =	sshrl.u32 s21, $0x2  }
0xb: {  	s21 =	simm.s32 $0xB900;
	s4 =	sadd.s32 s4, s20;
	s2 =	ssub.s32 s2, s22  }
0xc: {  	s23 =	sadd.s32 s7, s6;
	s5 =	sadd.s32 s5, s3;
	s20 =	simm.s32 $0xB800  }
0xd: {  	s22 =	simm.s32 $0x6800;
	s0 =	sadd.s32 s4, s0;
	s4 =	sadd.s32 $0x3800, s23  }
0xe: {  	s24 =	sadd.s32 $0x2800, s5;
	s25 =	sadd.s32 $0x5000, s5;
	[dreg:$0x4] =	wrdreg s4  }
0xf: {  	s26 =	sadd.s32 $0x7800, s5;
	s31 =	sadd.s32 $0xA000, s5;
	[dreg:$0x5] =	wrdreg s24  }
0x10: {  	s11 =	sadd.s32 $0xC800, s5;
	s12 =	sadd.s32 $0xF000, s5;
	[dreg:$0x6] =	wrdreg s25  }
0x11: {  	s13 =	sadd.s32 $0x11800, s5;
	s15 =	smax.u32 s2, $0x1;
	[dreg:$0x7] =	wrdreg s26  }
0x12: {  	s23 =	simm.s32 $0x1;
	[dreg:$0x8] =	wrdreg s31;
	s14 =	sadd.s32 $0x13800, s0  }
0x13: {  	v0 =	vimm.f32 $0.0e+00;
	s24 =	simm.s32 $0xB880;
	s25 =	simm.s32 $0xB980;
	s26 =	simm.s32 $0x4  }
.LBB2_1:
0x14: {  	s0 =	simm.s32 $0x0;
	s2 =	rddreg [dreg:$0x4]  }
0x15: {  	[tilespmem:s0], [sflag:$0x7] =	stream.linear.gather [hbm4b:s2+s0], $0x4000, $0x38;
	[tilespmem:$0x1FB00] =	vst v63  }
0x16: {  	s0 =	simm.s32 $0x0;
	s2 =	simm.s32 $0x200  }
.LBB2_2:
0x17: {  	p0 =	sne.s32 s2, $0x9E00;
	[tilespmem:s0+$0x4070] =	vst v0  }
0x18: {  	[tilespmem:s0+$0x4000] =	vst v0  }
0x19: {  	[tilespmem:s0+$0x4010] =	vst v0  }
.Ltmp0:
0x1a: {  	[tilespmem:s0+$0x4020] =	vst v0;
	(pc) =	sbr.rel @p0 .LBB2_2-.Ltmp0, $4  }
0x1b: {  	[tilespmem:s0+$0x4030] =	vst v0  }
0x1c: {  	[tilespmem:s0+$0x4040] =	vst v0  }
0x1d: {  	[tilespmem:s0+$0x4050] =	vst v0  }
0x1e: {  	[tilespmem:s0+$0x4060] =	vst v0;
	s0 =	sshra.s32 s2, $0x2;
	s2 =	sadd.s32 $0x200, s2  }
0x1f: {  	[tilespmem:s0+$0x4070] =	vst v0  }
0x20: {  	[tilespmem:s0+$0x4000] =	vst v0  }
0x21: {  	[tilespmem:s0+$0x4010] =	vst v0  }
0x22: {  	[tilespmem:s0+$0x4020] =	vst v0  }
0x23: {  	[tilespmem:s0+$0x4030] =	vst v0  }
0x24: {  	[tilespmem:s0+$0x4040] =	vst v0  }
0x25: {  	[tilespmem:s0+$0x4050] =	vst v0  }
0x26: {  	[tilespmem:s0+$0x4060] =	vst v0  }
0x27: {  	[spmem:s5] =	stream.linear.scatter [tilespmem:s16], [sflag:$0x2], $0x2800, $0x38;
	[tilespmem:$0x1FB00] =	vst v63  }
0x28: {  	s7 =	rddreg [dreg:$0x5]  }
0x29: {  	[spmem:s7] =	stream.linear.scatter [tilespmem:s16], [sflag:$0x2], $0x2800, $0x38;
	[tilespmem:$0x1FB00] =	vst v63  }
0x2a: {  	s8 =	rddreg [dreg:$0x6]  }
0x2b: {  	[spmem:s8] =	stream.linear.scatter [tilespmem:s16], [sflag:$0x2], $0x2800, $0x38;
	[tilespmem:$0x1FB00] =	vst v63  }
0x2c: {  	s9 =	rddreg [dreg:$0x7]  }
0x2d: {  	[spmem:s9] =	stream.linear.scatter [tilespmem:s16], [sflag:$0x2], $0x2800, $0x38;
	[tilespmem:$0x1FB00] =	vst v63  }
0x2e: {  	s10 =	rddreg [dreg:$0x8]  }
0x2f: {  	[spmem:s10] =	stream.linear.scatter [tilespmem:s16], [sflag:$0x2], $0x2800, $0x38;
	[tilespmem:$0x1FB00] =	vst v63  }
0x30: {  	_ = 	snop  }
0x31: {  	[spmem:s11] =	stream.linear.scatter [tilespmem:s16], [sflag:$0x2], $0x2800, $0x38;
	[tilespmem:$0x1FB00] =	vst v63  }
0x32: {  	_ = 	snop  }
0x33: {  	[spmem:s12] =	stream.linear.scatter [tilespmem:s16], [sflag:$0x2], $0x2800, $0x38;
	[tilespmem:$0x1FB00] =	vst v63  }
0x34: {  	_ = 	snop  }
0x35: {  	[spmem:s13] =	stream.linear.scatter [tilespmem:s16], [sflag:$0x2], $0x2800, $0x38;
	[tilespmem:$0x1FB00] =	vst v63  }
0x36: {  	_ =	swait.ge [sflag:s17], $0x2800  }
0x37: {  	[sflag:s17] =	ssyncset.done $0x0  }
0x38: {  	[sflag:s17] =	ssyncadd.s32 $0xFFFFD800  }
0x39: {  	_ =	swait.ge [sflag:s17], $0x2800  }
0x3a: {  	[sflag:s17] =	ssyncset.done $0x0  }
0x3b: {  	[sflag:s17] =	ssyncadd.s32 $0xFFFFD800  }
0x3c: {  	_ =	swait.ge [sflag:s17], $0x2800  }
0x3d: {  	[sflag:s17] =	ssyncset.done $0x0  }
0x3e: {  	[sflag:s17] =	ssyncadd.s32 $0xFFFFD800  }
0x3f: {  	_ =	swait.ge [sflag:s17], $0x2800  }
0x40: {  	[sflag:s17] =	ssyncset.done $0x0  }
0x41: {  	[sflag:s17] =	ssyncadd.s32 $0xFFFFD800  }
0x42: {  	_ =	swait.ge [sflag:s17], $0x2800  }
0x43: {  	[sflag:s17] =	ssyncset.done $0x0  }
0x44: {  	[sflag:s17] =	ssyncadd.s32 $0xFFFFD800  }
0x45: {  	_ =	swait.ge [sflag:s17], $0x2800  }
0x46: {  	[sflag:s17] =	ssyncset.done $0x0  }
0x47: {  	[sflag:s17] =	ssyncadd.s32 $0xFFFFD800  }
0x48: {  	_ =	swait.ge [sflag:s17], $0x2800  }
0x49: {  	[sflag:s17] =	ssyncset.done $0x0  }
0x4a: {  	[sflag:s17] =	ssyncadd.s32 $0xFFFFD800  }
0x4b: {  	_ =	swait.ge [sflag:s17], $0x2800  }
0x4c: {  	[sflag:s17] =	ssyncset.done $0x0  }
0x4d: {  	[sflag:s17] =	ssyncadd.s32 $0xFFFFD800  }
0x4e: {  	_ =	swait.ge [sflag:s18], $0x4000  }
0x4f: {  	[sflag:s18] =	ssyncset.done $0x0  }
0x50: {  	p0 =	por $0x1, $0x1;
	[sflag:s18] =	ssyncadd.s32 $0xFFFFC000  }
0x51: {  	s0 =	simm.s32 @!p0 $0x4;
	[bflag:$0x0] =	sbarrier.arrive $0xFFFF  }
0x52: {  	_ =	swait.ge @!p0 [sflag:s0], $0x2800  }
0x53: {  	[sflag:s0] =	ssyncset.done @!p0 $0x0  }
0x54: {  	s31 =	simm.s32 $0xA0;
	[sflag:s0] =	ssyncadd.s32 @!p0 $0xFFFFD800  }
0x55: {  	v1 =	vld [tilespmem:s31+$0xFFFFFF60];
	_ =	sdelay $0x4  }
0x56: {  	v2 =	vand.u32 $0x3FFF, v1  }
0x57: {  	v1 =	vshrl.u32 v1, $0xE;
	[tilespmem:$0xB800] =	vst v2  }
0x58: {  	[tilespmem:$0xB880] =	vst v1  }
0x59: {  	v1 =	vld [tilespmem:s31+$0xFFFFFF70];
	_ =	sdelay $0x4  }
0x5a: {  	v2 =	vand.u32 $0x3FFF, v1  }
0x5b: {  	v1 =	vshrl.u32 v1, $0xE;
	[tilespmem:$0xB810] =	vst v2  }
0x5c: {  	[tilespmem:$0xB890] =	vst v1  }
0x5d: {  	v1 =	vld [tilespmem:s31+$0xFFFFFF80];
	_ =	sdelay $0x4  }
0x5e: {  	v2 =	vand.u32 $0x3FFF, v1  }
0x5f: {  	v1 =	vshrl.u32 v1, $0xE;
	[tilespmem:$0xB820] =	vst v2  }
0x60: {  	[tilespmem:$0xB8A0] =	vst v1  }
0x61: {  	v1 =	vld [tilespmem:s31+$0xFFFFFF90];
	_ =	sdelay $0x4  }
0x62: {  	v2 =	vand.u32 $0x3FFF, v1  }
0x63: {  	v1 =	vshrl.u32 v1, $0xE;
	[tilespmem:$0xB830] =	vst v2  }
0x64: {  	[tilespmem:$0xB8B0] =	vst v1  }
0x65: {  	v1 =	vld [tilespmem:s31+$0xFFFFFFA0];
	_ =	sdelay $0x4  }
0x66: {  	v2 =	vand.u32 $0x3FFF, v1  }
0x67: {  	p0 =	por $0x1, $0x1;
	v1 =	vshrl.u32 v1, $0xE;
	[tilespmem:$0xB840] =	vst v2  }
0x68: {  	s0 =	simm.s32 @!p0 $0x3;
	[tilespmem:$0xB8C0] =	vst v1  }
0x69: {  	[tilespmem:s16], [sflag:$0x1] =	stream.indirect.gather [hbm4b:s1+s19], $0x80, s20, s19, $0xb8;
	[tilespmem:$0x1FB00] =	vst v63  }
0x6a: {  	p1 =	por @!p0 $0x1, $0x1;
	s2 =	simm.s32 @!p0 $0x9000;
	_ =	swait.ge @!p0 [sflag:s0], $0x2800  }
0x6b: {  	s4 =	simm.s32 @!p0 $0x50;
	p1 =	por p1, p0;
	[sflag:s0] =	ssyncset.done @!p0 $0x0  }
0x6c: {  	s6 =	simm.s32 @!p0 $0xBA80;
	s7 =	simm.s32 @!p1 $0x5;
	[sflag:s0] =	ssyncadd.s32 @!p0 $0xFFFFD800  }
0x6d: {  	[spmem:s3] =	stream.indirect.scatter.add.f32 @!p0 [tilespmem:s2], [sflag:$0x6], $0x80, s6, s4, $0xb8;
	[tilespmem:$0x1FB00] =	vst v63  }
0x6e: {  	_ =	swait.ge @!p1 [sflag:s7], $0x2800  }
0x6f: {  	[sflag:s7] =	ssyncset.done @!p1 $0x0  }
0x70: {  	[sflag:s7] =	ssyncadd.s32 @!p1 $0xFFFFD800  }
0x71: {  	v1 =	vld [tilespmem:s31+$0xFFFFFFE0];
	_ =	sdelay $0x4  }
0x72: {  	v2 =	vand.u32 $0x3FFF, v1  }
0x73: {  	v1 =	vshrl.u32 v1, $0xE;
	[tilespmem:$0xB900] =	vst v2  }
0x74: {  	[tilespmem:$0xB980] =	vst v1  }
0x75: {  	v1 =	vld [tilespmem:s31+$0xFFFFFFF0];
	_ =	sdelay $0x4  }
0x76: {  	v2 =	vand.u32 $0x3FFF, v1  }
0x77: {  	v1 =	vshrl.u32 v1, $0xE;
	[tilespmem:$0xB910] =	vst v2  }
0x78: {  	[tilespmem:$0xB990] =	vst v1  }
0x79: {  	v1 =	vld [tilespmem:s31+$0x0];
	_ =	sdelay $0x4  }
0x7a: {  	v2 =	vand.u32 $0x3FFF, v1  }
0x7b: {  	v1 =	vshrl.u32 v1, $0xE;
	[tilespmem:$0xB920] =	vst v2  }
0x7c: {  	[tilespmem:$0xB9A0] =	vst v1  }
0x7d: {  	v1 =	vld [tilespmem:s31+$0x10];
	_ =	sdelay $0x4  }
0x7e: {  	v2 =	vand.u32 $0x3FFF, v1  }
0x7f: {  	v1 =	vshrl.u32 v1, $0xE;
	[tilespmem:$0xB930] =	vst v2  }
0x80: {  	[tilespmem:$0xB9B0] =	vst v1  }
0x81: {  	v1 =	vld [tilespmem:s31+$0x20];
	_ =	sdelay $0x4  }
0x82: {  	v2 =	vand.u32 $0x3FFF, v1  }
0x83: {  	v1 =	vshrl.u32 v1, $0xE;
	[tilespmem:$0xB940] =	vst v2  }
0x84: {  	[tilespmem:$0xB9C0] =	vst v1  }
0x85: {  	[tilespmem:s22], [sflag:$0x2] =	stream.indirect.gather [hbm4b:s1+s19], $0x80, s21, s19, $0xb8;
	[tilespmem:$0x1FB00] =	vst v63  }
0x86: {  	_ =	swait.ge [sflag:s23], $0x2800  }
0x87: {  	[sflag:s23] =	ssyncset.done $0x0  }
0x88: {  	s0 =	simm.s32 @!p0 $0x6;
	[sflag:s23] =	ssyncadd.s32 $0xFFFFD800  }
0x89: {  	[spmem:s3] =	stream.indirect.scatter.add.f32 [tilespmem:s16], [sflag:$0x4], $0x80, s24, s19, $0xb8;
	[tilespmem:$0x1FB00] =	vst v63  }
0x8a: {  	_ =	swait.ge @!p0 [sflag:s0], $0x2800  }
0x8b: {  	[sflag:s0] =	ssyncset.done @!p0 $0x0  }
0x8c: {  	p1 =	por $0x0, $0x0;
	[sflag:s0] =	ssyncadd.s32 @!p0 $0xFFFFD800  }
0x8d: {  	v1 =	vld @!p1 [tilespmem:s31+$0x60];
	_ =	sdelay $0x4  }
0x8e: {  	v2 =	vand.u32 @!p1 $0x3FFF, v1  }
0x8f: {  	v1 =	vshrl.u32 @!p1 v1, $0xE;
	[tilespmem:$0xBA00] =	vst @!p1 v2  }
0x90: {  	[tilespmem:$0xBA80] =	vst @!p1 v1  }
0x91: {  	v1 =	vld @!p1 [tilespmem:s31+$0x70];
	_ =	sdelay $0x4  }
0x92: {  	v2 =	vand.u32 @!p1 $0x3FFF, v1  }
0x93: {  	v1 =	vshrl.u32 @!p1 v1, $0xE;
	[tilespmem:$0xBA10] =	vst @!p1 v2  }
0x94: {  	[tilespmem:$0xBA90] =	vst @!p1 v1  }
0x95: {  	s4 =	simm.s32 $0x0;
	s0 =	simm.s32 $0xA0;
	v1 =	vld @!p1 [tilespmem:s31+$0x80]  }
.LBB2_4:
0x96: {  	_ =	sdelay $0x2  }
0x97: {  	s31 =	sadd.s32 $0x180, s31;
	s2 =	smov.u32 s4;
	s4 =	sadd.s32 $0x3, s4  }
0x98: {  	p0 =	sne.s32 s4, $0x7B;
	v2 =	vand.u32 @!p1 $0x3FFF, v1;
	v1 =	vshrl.u32 @!p1 v1, $0xE  }
0x99: {  	[tilespmem:$0xBA20] =	vst @!p1 v2  }
0x9a: {  	[tilespmem:$0xBAA0] =	vst @!p1 v1  }
0x9b: {  	v1 =	vld @!p1 [tilespmem:s0+$0x90];
	_ =	sdelay $0x4  }
0x9c: {  	v2 =	vand.u32 @!p1 $0x3FFF, v1;
	v1 =	vshrl.u32 @!p1 v1, $0xE  }
0x9d: {  	[tilespmem:$0xBA30] =	vst @!p1 v2  }
0x9e: {  	[tilespmem:$0xBAB0] =	vst @!p1 v1  }
0x9f: {  	v1 =	vld @!p1 [tilespmem:s0+$0xA0];
	s0 =	smov.u32 s31;
	_ =	sdelay $0x1  }
0xa0: {  	p2 =	sgt.u32 s2, $0x7C  }
0xa1: {  	s6 =	simm.s32 @!p2 $0x4;
	_ =	sdelay $0x1  }
0xa2: {  	v2 =	vand.u32 @!p1 $0x3FFF, v1;
	v1 =	vshrl.u32 @!p1 v1, $0xE  }
0xa3: {  	s7 =	simm.s32 @!p1 $0x50;
	s8 =	simm.s32 @!p1 $0xBA00;
	s9 =	simm.s32 @!p1 $0x9000;
	[tilespmem:$0xBA40] =	vst @!p1 v2  }
0xa4: {  	[tilespmem:$0xBAC0] =	vst @!p1 v1  }
0xa5: {  	[tilespmem:s9], [sflag:$0x3] =	stream.indirect.gather @!p1 [hbm4b:s1+s7], $0x80, s8, s7, $0xb8;
	[tilespmem:$0x1FB00] =	vst v63  }
0xa6: {  	_ =	swait.ge [sflag:s17], $0x2800  }
0xa7: {  	[sflag:s17] =	ssyncset.done $0x0  }
0xa8: {  	[sflag:s17] =	ssyncadd.s32 $0xFFFFD800  }
0xa9: {  	[spmem:s3] =	stream.indirect.scatter.add.f32 [tilespmem:s22], [sflag:$0x5], $0x80, s25, s19, $0xb8;
	[tilespmem:$0x1FB00] =	vst v63  }
0xaa: {  	_ =	swait.ge @!p2 [sflag:s6], $0x2800  }
0xab: {  	[sflag:s6] =	ssyncset.done @!p2 $0x0  }
0xac: {  	[sflag:s6] =	ssyncadd.s32 @!p2 $0xFFFFD800  }
0xad: {  	v1 =	vld [tilespmem:s31+$0xFFFFFF60];
	_ =	sdelay $0x4  }
0xae: {  	v2 =	vand.u32 $0x3FFF, v1;
	v1 =	vshrl.u32 v1, $0xE  }
0xaf: {  	[tilespmem:$0xB800] =	vst v2  }
0xb0: {  	[tilespmem:$0xB880] =	vst v1  }
0xb1: {  	v1 =	vld [tilespmem:s31+$0xFFFFFF70];
	_ =	sdelay $0x4  }
0xb2: {  	v2 =	vand.u32 $0x3FFF, v1;
	v1 =	vshrl.u32 v1, $0xE  }
0xb3: {  	[tilespmem:$0xB810] =	vst v2  }
0xb4: {  	[tilespmem:$0xB890] =	vst v1  }
0xb5: {  	v1 =	vld [tilespmem:s31+$0xFFFFFF80];
	_ =	sdelay $0x4  }
0xb6: {  	v2 =	vand.u32 $0x3FFF, v1;
	v1 =	vshrl.u32 v1, $0xE  }
0xb7: {  	[tilespmem:$0xB820] =	vst v2  }
0xb8: {  	[tilespmem:$0xB8A0] =	vst v1  }
0xb9: {  	v1 =	vld [tilespmem:s31+$0xFFFFFF90];
	_ =	sdelay $0x4  }
0xba: {  	v2 =	vand.u32 $0x3FFF, v1;
	v1 =	vshrl.u32 v1, $0xE  }
0xbb: {  	s6 =	sadd.s32 $0x2, s2;
	[tilespmem:$0xB830] =	vst v2  }
0xbc: {  	p1 =	sgt.u32 s6, $0x7C;
	[tilespmem:$0xB8B0] =	vst v1  }
0xbd: {  	s6 =	simm.s32 @!p1 $0x3;
	s7 =	sadd.s32 @!p1 $0x1, s2;
	v1 =	vld [tilespmem:s31+$0xFFFFFFA0]  }
0xbe: {  	p2 =	sgt.u32 @!p1 s7, $0x7C  }
0xbf: {  	p2 =	por p2, p1;
	_ =	sdelay $0x2  }
0xc0: {  	s7 =	simm.s32 @!p1 $0x9000;
	v2 =	vand.u32 $0x3FFF, v1;
	v1 =	vshrl.u32 v1, $0xE  }
0xc1: {  	s8 =	simm.s32 @!p1 $0x50;
	s9 =	simm.s32 @!p1 $0xBA80;
	s10 =	simm.s32 @!p2 $0x5;
	[tilespmem:$0xB840] =	vst v2  }
0xc2: {  	[tilespmem:$0xB8C0] =	vst v1  }
0xc3: {  	[tilespmem:s16], [sflag:$0x1] =	stream.indirect.gather [hbm4b:s1+s19], $0x80, s20, s19, $0xb8;
	[tilespmem:$0x1FB00] =	vst v63  }
0xc4: {  	_ =	swait.ge @!p1 [sflag:s6], $0x2800  }
0xc5: {  	[sflag:s6] =	ssyncset.done @!p1 $0x0  }
0xc6: {  	[sflag:s6] =	ssyncadd.s32 @!p1 $0xFFFFD800  }
0xc7: {  	[spmem:s3] =	stream.indirect.scatter.add.f32 @!p1 [tilespmem:s7], [sflag:$0x6], $0x80, s9, s8, $0xb8;
	[tilespmem:$0x1FB00] =	vst v63  }
0xc8: {  	_ =	swait.ge @!p2 [sflag:s10], $0x2800  }
0xc9: {  	[sflag:s10] =	ssyncset.done @!p2 $0x0  }
0xca: {  	[sflag:s10] =	ssyncadd.s32 @!p2 $0xFFFFD800  }
0xcb: {  	v1 =	vld [tilespmem:s31+$0xFFFFFFE0];
	_ =	sdelay $0x4  }
0xcc: {  	v2 =	vand.u32 $0x3FFF, v1;
	v1 =	vshrl.u32 v1, $0xE  }
0xcd: {  	[tilespmem:$0xB900] =	vst v2  }
0xce: {  	[tilespmem:$0xB980] =	vst v1  }
0xcf: {  	v1 =	vld [tilespmem:s31+$0xFFFFFFF0];
	_ =	sdelay $0x4  }
0xd0: {  	v2 =	vand.u32 $0x3FFF, v1;
	v1 =	vshrl.u32 v1, $0xE  }
0xd1: {  	[tilespmem:$0xB910] =	vst v2  }
0xd2: {  	[tilespmem:$0xB990] =	vst v1  }
0xd3: {  	v1 =	vld [tilespmem:s31+$0x0];
	_ =	sdelay $0x4  }
0xd4: {  	v2 =	vand.u32 $0x3FFF, v1;
	v1 =	vshrl.u32 v1, $0xE  }
0xd5: {  	[tilespmem:$0xB920] =	vst v2  }
0xd6: {  	[tilespmem:$0xB9A0] =	vst v1  }
0xd7: {  	v1 =	vld [tilespmem:s31+$0x10];
	_ =	sdelay $0x4  }
0xd8: {  	v2 =	vand.u32 $0x3FFF, v1;
	v1 =	vshrl.u32 v1, $0xE  }
0xd9: {  	[tilespmem:$0xB930] =	vst v2  }
0xda: {  	[tilespmem:$0xB9B0] =	vst v1  }
0xdb: {  	v1 =	vld [tilespmem:s31+$0x20];
	_ =	sdelay $0x4  }
0xdc: {  	v2 =	vand.u32 $0x3FFF, v1;
	v1 =	vshrl.u32 v1, $0xE  }
0xdd: {  	[tilespmem:$0xB940] =	vst v2  }
0xde: {  	[tilespmem:$0xB9C0] =	vst v1  }
0xdf: {  	[tilespmem:s22], [sflag:$0x2] =	stream.indirect.gather [hbm4b:s1+s19], $0x80, s21, s19, $0xb8;
	[tilespmem:$0x1FB00] =	vst v63  }
0xe0: {  	_ =	swait.ge [sflag:s23], $0x2800  }
0xe1: {  	[sflag:s23] =	ssyncset.done $0x0  }
0xe2: {  	s6 =	simm.s32 @!p1 $0x6;
	[sflag:s23] =	ssyncadd.s32 $0xFFFFD800  }
0xe3: {  	[spmem:s3] =	stream.indirect.scatter.add.f32 [tilespmem:s16], [sflag:$0x4], $0x80, s24, s19, $0xb8;
	[tilespmem:$0x1FB00] =	vst v63  }
0xe4: {  	_ =	swait.ge @!p1 [sflag:s6], $0x2800  }
0xe5: {  	[sflag:s6] =	ssyncset.done @!p1 $0x0  }
0xe6: {  	[sflag:s6] =	ssyncadd.s32 @!p1 $0xFFFFD800;
	p1 =	seq.s32 s2, $0x78  }
0xe7: {  	v1 =	vld @!p1 [tilespmem:s31+$0x60];
	_ =	sdelay $0x4  }
0xe8: {  	v2 =	vand.u32 @!p1 $0x3FFF, v1;
	v1 =	vshrl.u32 @!p1 v1, $0xE  }
0xe9: {  	[tilespmem:$0xBA00] =	vst @!p1 v2  }
0xea: {  	[tilespmem:$0xBA80] =	vst @!p1 v1  }
0xeb: {  	v1 =	vld @!p1 [tilespmem:s31+$0x70];
	_ =	sdelay $0x3  }
.Ltmp1:
0xec: {  	(pc) =	sbr.rel @p0 .LBB2_4-.Ltmp1, $4  }
0xed: {  	v2 =	vand.u32 @!p1 $0x3FFF, v1;
	v1 =	vshrl.u32 @!p1 v1, $0xE  }
0xee: {  	[tilespmem:$0xBA10] =	vst @!p1 v2  }
0xef: {  	[tilespmem:$0xBA90] =	vst @!p1 v1  }
0xf0: {  	v1 =	vld @!p1 [tilespmem:s31+$0x80]  }
0xf1: {  	_ =	sdelay $0x3  }
0xf2: {  	v2 =	vand.u32 @!p1 $0x3FFF, v1  }
0xf3: {  	v1 =	vshrl.u32 @!p1 v1, $0xE;
	[tilespmem:$0xBA20] =	vst @!p1 v2  }
0xf4: {  	[tilespmem:$0xBAA0] =	vst @!p1 v1  }
0xf5: {  	v1 =	vld @!p1 [tilespmem:s0+$0x90];
	_ =	sdelay $0x4  }
0xf6: {  	v2 =	vand.u32 @!p1 $0x3FFF, v1  }
0xf7: {  	v1 =	vshrl.u32 @!p1 v1, $0xE;
	[tilespmem:$0xBA30] =	vst @!p1 v2  }
0xf8: {  	[tilespmem:$0xBAB0] =	vst @!p1 v1  }
0xf9: {  	v1 =	vld @!p1 [tilespmem:s0+$0xA0];
	_ =	sdelay $0x4  }
0xfa: {  	v2 =	vand.u32 @!p1 $0x3FFF, v1  }
0xfb: {  	v1 =	vshrl.u32 @!p1 v1, $0xE;
	[tilespmem:$0xBA40] =	vst @!p1 v2  }
0xfc: {  	s2 =	simm.s32 @!p1 $0xBA00;
	s4 =	simm.s32 @!p1 $0x9000;
	s0 =	simm.s32 @!p1 $0x50;
	[tilespmem:$0xBAC0] =	vst @!p1 v1  }
0xfd: {  	[tilespmem:s4], [sflag:$0x3] =	stream.indirect.gather @!p1 [hbm4b:s1+s0], $0x80, s2, s0, $0xb8;
	[tilespmem:$0x1FB00] =	vst v63  }
0xfe: {  	_ =	swait.ge [sflag:s17], $0x2800  }
0xff: {  	[sflag:s17] =	ssyncset.done $0x0  }
0x100: {  	[sflag:s17] =	ssyncadd.s32 $0xFFFFD800  }
0x101: {  	[spmem:s3] =	stream.indirect.scatter.add.f32 [tilespmem:s22], [sflag:$0x5], $0x80, s25, s19, $0xb8;
	[tilespmem:$0x1FB00] =	vst v63  }
0x102: {  	_ =	swait.ge [sflag:s26], $0x2800  }
0x103: {  	[sflag:s26] =	ssyncset.done $0x0  }
0x104: {  	[sflag:s26] =	ssyncadd.s32 $0xFFFFD800  }
0x105: {  	s10 =	stileid.u32;
	_ =	swait.ge [sflag:s28], $0x2800  }
0x106: {  	s31 =	sshrl.u32 s5, $0x3;
	s30 =	sadd.s32 $0x1, s30;
	[sflag:s28] =	ssyncset.done $0x0  }
0x107: {  	p0 =	sne.s32 s30, s15;
	s0 =	sshll.u32 s10, $0x6;
	[sflag:s28] =	ssyncadd.s32 $0xFFFFD800  }
.Ltmp2:
0x108: {  	s0 =	sor.u32 $0x1C08, s0;
	[bflag:$0x0] =	sbarrier.arrive $0xFFFF;
	(pc) =	sbr.rel @p0 .LBB2_1-.Ltmp2, $4  }
0x109: {  	[hbm:s14], [sflag:s0] =	dma.local [spmem:s31], $0x2800  }
0x10a: {  	_ =	swait.ge [sflag:s29], $0x2800  }
0x10b: {  	[sflag:s29] =	ssyncset.done $0x0  }
0x10c: {  	[sflag:s29] =	ssyncadd.s32 $0xFFFFD800  }
0x10d: {  	_ =	sfence.sel $0x180000  }
0x10e: {  	[bflag:$0x0] =	sbarrier.arrive $0xFFFF  }
0x10f: {  	_ =	strace $0x90000047  }
0x110: {  	s0 =	stileid.u32;
	[bflag:$0x2] =	sbarrier.arrive $0xFFFF  }
0x111: {  	p0 =	sne.s32 s0, $0x0;
	s0 =	rddreg [dreg:$0x3]  }
0x112: {  	s0 =	sadd.s32 @!p0 $0x100000, s0  }
0x113: {  	[sflag:s0] =	ssyncadd.tile.s32 @!p0 $0x1;
	_ =	shalt  }
.Lfunc_end2:
_tile_overlayer_lowered:
.L_overlay_start_2:
0x114: {  	(tag) =	ssettag $0x2  }
0x115: {  	s0 =	rddreg [dreg:$0x0];
	s2 =	stileid.u32  }
0x116: {  	s1 =	rddreg [dreg:$0x1];
	p0 =	sne.s32 s2, $0x0  }
0x117: {  	s3 =	rddreg [dreg:$0x2];
	[bflag:$0x3] =	sbarrier.arrive $0xFFFF;
	s2 =	simm.s32 @!p0 $0x1C08  }
0x118: {  	[timem:s3], [sflag:s2] =	dma.local @!p0 [hbm:s0], s1  }
0x119: {  	s0 =	simm.s32 @!p0 $0x8  }
0x11a: {  	_ =	swait.ge @!p0 [sflag:s0], s1  }
0x11b: {  	s1 =	ssub.s32 @!p0 $0x0, s1;
	[sflag:s0] =	ssyncset.done @!p0 $0x0  }
0x11c: {  	[sflag:s0] =	ssyncadd.s32 @!p0 s1  }
0x11d: {  	[bflag:$0x3] =	sbarrier.arrive $0xFFFF  }
0x11e: {  	_ =	shalt  }

// kernel: kernel.17.cloned.1.call-start
scs
__scs_entry_jumppad:
0x0: {  	(pc) =	sbr.rel $0x88, $3  }
0x1: {  	(tag) =	ssettag $0x0;
	lr =	simm.s32 $0x1  }
0x2: {  	[smem:$0x3F93] =	sst lr;
	_ =	strace $0xD0000000  }
0x3: {  	_ = 	snop  }
0x4: {  	_ = 	snop  }
0x5: {  	_ = 	snop  }
0x6: {  	_ = 	snop  }
0x7: {  	_ = 	snop  }
__scs_overlays_trampoline_lowered:
0x8: {  	[smem:$0x3FA2] =	sst s0  }
0x9: {  	[smem:$0x3FA3] =	sst s1  }
0xa: {  	[smem:$0x3FA4] =	sst s2  }
0xb: {  	[smem:$0x3FA5] =	sst s3  }
0xc: {  	[smem:$0x3FA6] =	sst s4  }
0xd: {  	[smem:$0x3FA7] =	sst s5  }
0xe: {  	[smem:$0x3FA8] =	sst s6  }
0xf: {  	[smem:$0x3FA9] =	sst s7  }
0x10: {  	[smem:$0x3FAA] =	sst s8  }
0x11: {  	[smem:$0x3FAB] =	sst s9;
	s0 =	simm.s32 @!p0 $0x0  }
0x12: {  	s1 =	sld [smem:$0x3F91];
	s0 =	simm.s32 @p0 $0x1  }
0x13: {  	[smem:$0x3FAC] =	sst s0;
	s0 =	simm.s32 @!p1 $0x0  }
0x14: {  	s2 =	sld [smem:$0x3F90];
	s0 =	simm.s32 @p1 $0x1  }
0x15: {  	[smem:$0x3FAD] =	sst s0;
	s0 =	simm.s32 @!p2 $0x0  }
0x16: {  	s3 =	sld [smem:$0x3FDB];
	s0 =	simm.s32 @p2 $0x1  }
0x17: {  	s4 =	simm.s32 $0x1BF5;
	[smem:$0x3FAF] =	sst s0  }
0x18: {  	s0 =	sld [smem:$0x3F92];
	_ =	swait.ge [sflag:s4], $0x0  }
0x19: {  	s7 =	sld [smem:$0x3F93]  }
0x1a: {  	s8 =	sadd.s32 $0xFFFFE003, lr  }
0x1b: {  	s9 =	sadd.s32 $0xFFFFFEF7, lr;
	s5 =	simm.s32 $0xFFFFFFFF;
	p2 =	slt.u32 s8, $0xFFFFF086  }
0x1c: {  	p1 =	slt.u32 s9, $0xF7A;
	s5 =	simm.s32 @!p2 $0x0  }
0x1d: {  	s5 =	simm.s32 @p1 $0x1;
	p0 =	seq.s32 s7, s2  }
0x1e: {  	s7 =	smul.u32 @!p0 $0xF7A, s2;
	p2 =	seq.s32 @!p0 s5, $0x0  }
0x1f: {  	s9 =	smul.u32 $0xF7A, s1;
	s8 =	simm.s32 @!p0 $0x1BF5;
	p2 =	por !p2, p0  }
0x20: {  	[sflag:s8] =	ssyncset.s32 @!p0 $0xFFFFF086;
	s6 =	sadd.s32 @!p0 s3, s7;
	s7 =	simm.s32 @!p0 $0x108  }
0x21: {  	s3 =	sadd.s32 s3, s9;
	s6 =	sadd.s32 @!p0 $0x88, s6;
	s7 =	simm.s32 @p2 $0x1082  }
0x22: {  	[simem:s7], [sflag:s8] =	dma.local @!p0 [hbm:s6], $0xF7A  }
0x23: {  	s9 =	sor.u32 $0xD0000000, s2;
	s6 =	simm.s32 $0x108;
	_ =	swait.ge @!p0 [sflag:s8], $0x0  }
0x24: {  	s3 =	sadd.s32 $0x88, s3;
	s6 =	simm.s32 @!p1 $0x1082;
	[sflag:s4] =	ssyncset.s32 $0xFFFFF086  }
0x25: {  	[simem:s6], [sflag:s4] =	dma.local [hbm:s3], $0xF7A  }
0x26: {  	[smem:$0x3F93] =	sst s1;
	(tag) =	ssettag s2;
	_ =	strace s9  }
0x27: {  	s1 =	sld [smem:$0x3FA3]  }
0x28: {  	s2 =	sld [smem:$0x3FA4]  }
0x29: {  	s4 =	sld [smem:$0x3FA6]  }
0x2a: {  	p0 =	seq.s32 s5, $0x0;
	s5 =	sld [smem:$0x3FA7]  }
0x2b: {  	s6 =	sld [smem:$0x3FA8]  }
0x2c: {  	s7 =	sld [smem:$0x3FA9]  }
0x2d: {  	s3 =	simm.s32 $0x108;
	s8 =	sld [smem:$0x3FAA]  }
0x2e: {  	s3 =	simm.s32 @!p0 $0x1082;
	s9 =	sld [smem:$0x3FAB]  }
0x2f: {  	lr =	sadd.s32 s0, s3;
	s0 =	sld [smem:$0x3FA2]  }
0x30: {  	s3 =	sld [smem:$0x3FA5]  }
0x31: {  	[smem:$0x3FAE] =	sst s10  }
0x32: {  	s10 =	sld [smem:$0x3FAC];
	_ =	sdelay $0x3  }
0x33: {  	p0 =	seq.s32 s10, $0x1;
	s10 =	sld [smem:$0x3FAE];
	_ =	sdelay $0x3  }
0x34: {  	[smem:$0x3FAE] =	sst s10  }
0x35: {  	s10 =	sld [smem:$0x3FAD];
	_ =	sdelay $0x3  }
0x36: {  	p1 =	seq.s32 s10, $0x1;
	s10 =	sld [smem:$0x3FAE];
	_ =	sdelay $0x3  }
0x37: {  	[smem:$0x3FAE] =	sst s10  }
0x38: {  	s10 =	sld [smem:$0x3FAF]  }
0x39: {  	_ = 	snop;
	(pc) =	sbr.ind lr, $3  }
0x3a: {  	_ = 	snop  }
0x3b: {  	_ = 	snop  }
0x3c: {  	p2 =	seq.s32 s10, $0x1;
	s10 =	sld [smem:$0x3FAE]  }
0x3d: {  	_ =	shalt  }
0x3e: {  	_ =	shalt  }
0x3f: {  	_ =	shalt  }
0x40: {  	_ =	shalt  }
0x41: {  	_ =	shalt  }
0x42: {  	_ =	shalt  }
0x43: {  	_ =	shalt  }
0x44: {  	_ =	shalt  }
0x45: {  	_ =	shalt  }
0x46: {  	_ =	shalt  }
0x47: {  	_ =	shalt  }
0x48: {  	_ =	shalt  }
0x49: {  	_ =	shalt  }
0x4a: {  	_ =	shalt  }
0x4b: {  	_ =	shalt  }
0x4c: {  	_ =	shalt  }
0x4d: {  	_ =	shalt  }
0x4e: {  	_ =	shalt  }
0x4f: {  	_ =	shalt  }
0x50: {  	_ =	shalt  }
0x51: {  	_ =	shalt  }
0x52: {  	_ =	shalt  }
0x53: {  	_ =	shalt  }
0x54: {  	_ =	shalt  }
0x55: {  	_ =	shalt  }
0x56: {  	_ =	shalt  }
0x57: {  	_ =	shalt  }
0x58: {  	_ =	shalt  }
0x59: {  	_ =	shalt  }
0x5a: {  	_ =	shalt  }
0x5b: {  	_ =	shalt  }
0x5c: {  	_ =	shalt  }
0x5d: {  	_ =	shalt  }
0x5e: {  	_ =	shalt  }
0x5f: {  	_ =	shalt  }
0x60: {  	_ =	shalt  }
0x61: {  	_ =	shalt  }
0x62: {  	_ =	shalt  }
0x63: {  	_ =	shalt  }
0x64: {  	_ =	shalt  }
0x65: {  	_ =	shalt  }
0x66: {  	_ =	shalt  }
0x67: {  	_ =	shalt  }
0x68: {  	_ =	shalt  }
0x69: {  	_ =	shalt  }
0x6a: {  	_ =	shalt  }
0x6b: {  	_ =	shalt  }
0x6c: {  	_ =	shalt  }
0x6d: {  	_ =	shalt  }
0x6e: {  	_ =	shalt  }
0x6f: {  	_ =	shalt  }
0x70: {  	_ =	shalt  }
0x71: {  	_ =	shalt  }
0x72: {  	_ =	shalt  }
0x73: {  	_ =	shalt  }
0x74: {  	_ =	shalt  }
0x75: {  	_ =	shalt  }
0x76: {  	_ =	shalt  }
0x77: {  	_ =	shalt  }
0x78: {  	_ =	shalt  }
0x79: {  	_ =	shalt  }
0x7a: {  	_ =	shalt  }
0x7b: {  	_ =	shalt  }
0x7c: {  	_ =	shalt  }
0x7d: {  	_ =	shalt  }
0x7e: {  	_ =	shalt  }
0x7f: {  	_ =	shalt  }
0x80: {  	_ =	shalt  }
0x81: {  	_ =	shalt  }
0x82: {  	_ =	shalt  }
0x83: {  	_ =	shalt  }
0x84: {  	_ =	shalt  }
0x85: {  	_ =	shalt  }
0x86: {  	_ =	shalt  }
0x87: {  	_ =	shalt  }
.Lfunc_end0:
.L_simem_size_0:
called_computation.2_lowered:
.L_overlay_start_0:
0x88: {  	s2 =	sld [smem:$0x3FD9]  }
0x89: {  	s3 =	sld [smem:$0x3FFE];
	_ =	sdelay $0x1  }
0x8a: {  	s1 =	srdreg.scid  }
0x8b: {  	s0 =	sand.u32 $0x1, s1  }
0x8c: {  	s16 =	sshll.u32 s0, $0xA;
	s2 =	sadd.s32 s3, s2  }
0x8d: {  	s2 =	sadd.s32 s2, s16  }
0x8e: {  	[smem:$0x3FBA] =	sst s2  }
0x8f: {  	_ = 	snop  }
0x90: {  	(tm) =	ssettm $0x1  }
0x91: {  	s17 =	sld [smem:$0x3FFB];
	_ =	sdelay $0x3  }
0x92: {  	_ =	strace s17  }
0x93: {  	s2 =	sld [smem:$0x3FFC];
	_ =	sdelay $0x3  }
0x94: {  	_ =	strace s2  }
0x95: {  	s2 =	sld [smem:$0x3FFD];
	_ =	sdelay $0x3  }
0x96: {  	_ =	strace s2  }
0x97: {  	_ =	strace $0x8FFFFFFF  }
0x98: {  	s18 =	sld [smem:$0x3FDB];
	_ =	sdelay $0x1  }
0x99: {  	s19 =	simm.s32 $_scs_section_size  }
0x9a: {  	s4 =	simm.s32 $_size__tile_overlayer_lowered;
	s5 =	simm.s32 $_tile_overlayer_lowered  }
0x9b: {  	s22 =	simm.s32 $0x1BFF;
	s21 =	sshll.u32 s5, $0x1;
	s2 =	sadd.s32 s19, s18  }
0x9c: {  	s6 =	simm.s32 $0x0;
	s20 =	sshll.u32 s4, $0x1;
	s4 =	sadd.s32 s21, s2  }
0x9d: {  	[timem:s6], [sflag:s22] =	dma.local [hbm:s4], s20  }
0x9e: {  	_ =	swait.ge [sflag:s22], s20  }
0x9f: {  	s3 =	ssub.s32 $0x0, s20;
	[sflag:s22] =	ssyncset.done $0x0  }
0xa0: {  	[sflag:s22] =	ssyncadd.s32 s3;
	_ =	sdelay $0x1  }
0xa1: {  	s23 =	simm.s32 $0x1B8B  }
0xa2: {  	_ =	swait.ge [sflag:s23], $0x1  }
0xa3: {  	[sflag:s23] =	ssyncset.done $0x0  }
0xa4: {  	s25 =	simm.s32 $0x1B8E;
	s24 =	sld [smem:$0x3FFE];
	[sflag:s23] =	ssyncadd.s32 $0xFFFFFFFF  }
0xa5: {  	s26 =	simm.s32 $execute0_lowered;
	[smem:$0x3FD2] =	sst s25  }
0xa6: {  	s4 =	sshll.u32 s26, $0x1;
	_ =	strace $0x8000004C;
	[dreg:$0x1] =	wrdreg $0xFFFFFFFF  }
0xa7: {  	s28 =	simm.s32 $_size_execute0_lowered;
	s2 =	sadd.s32 s2, s4;
	[dreg:$0x0] =	wrdreg $0x0  }
0xa8: {  	s4 =	sshll.u32 s28, $0x1;
	[dreg:$0x2] =	wrdreg s2  }
0xa9: {  	[dreg:$0x3] =	wrdreg s4  }
0xaa: {  	[dreg:$0x4] =	wrdreg $0xC0  }
0xab: {  	_ =	task [dreg:s6], $0x5FFFF  }
0xac: {  	[dreg:$0x1] =	wrdreg $0xFFFFFFFF  }
0xad: {  	[dreg:$0x0] =	wrdreg $0x60  }
0xae: {  	[dreg:$0x2] =	wrdreg s24  }
0xaf: {  	[dreg:$0x3] =	wrdreg $0xBB000  }
0xb0: {  	[dreg:$0x4] =	wrdreg $0x9  }
0xb1: {  	_ =	task.clear_ibuf [dreg:s6], $0x5FFFF;
	_ =	strace $0x9000004C  }
0xb2: {  	s29 =	simm.s32 $0x9;
	_ =	strace $0x8000004E  }
0xb3: {  	_ =	swait.ge [sflag:s29], $0x1  }
0xb4: {  	[sflag:s29] =	ssyncadd.s32 $0xFFFFFFFF  }
0xb5: {  	_ =	strace $0x9000004E  }
0xb6: {  	_ =	sfence  }
0xb7: {  	s30 =	sld [smem:$0x0];
	_ =	sdelay $0x2  }
0xb8: {  	s31 =	sshll.u32 s1, $0xD;
	s1 =	sshrl.u32 s1, $0x2  }
0xb9: {  	s3 =	sand.u32 $0x4000, s31;
	s1 =	sadd.s32 s1, s30  }
0xba: {  	s0 =	sor.u32 s3, s0;
	s1 =	sshll.u32 s1, $0x11  }
0xbb: {  	s0 =	sor.u32 s1, s0  }
0xbc: {  	s0 =	sadd.s32 $0x8F2B, s0  }
0xbd: {  	[sflag:s0] =	ssyncadd.remote.s32 $0x1  }
0xbe: {  	_ =	sfence.sel $0xFFFF  }
0xbf: {  	[dreg:$0x0] =	wrdreg $0xFFFFFFFF;
	(pc) =	sbr.abs _section_cstart, $3  }
0xc0: {  	[dreg:$0x1] =	wrdreg $0xFFFFFFFF  }
0xc1: {  	_ =	task.clear_ibuf [dreg:s6], $0x2FFFF;
	_ =	strace $0x9FFFFFFF  }
0xc2: {  	(tm) =	ssettm $0x7FFFFFFF  }
0xc3: {  	_ =	shalt  }
tec
execute0_lowered:
.L_overlay_start_1:
0x0: {  	(tag) =	ssettag $0x1  }
0x1: {  	s0 =	rddreg [dreg:$0x0]  }
0x2: {  	s2 =	rddreg [dreg:$0x1]  }
0x3: {  	s1 =	srdreg.scid;
	s7 =	stileid.u32  }
0x4: {  	s4 =	simm.s32 $0x0;
	s16 =	simm.s32 $0x4000;
	s17 =	simm.s32 $0x2  }
0x5: {  	s18 =	simm.s32 $0x7;
	s19 =	simm.s32 $0x50;
	s20 =	simm.s32 $0xB800  }
0x6: {  	s28 =	simm.s32 $0x5;
	s29 =	simm.s32 $0x8;
	s30 =	simm.s32 $0x0  }
0x7: {  	s1 =	sand.u32 $0x1, s1;
	s3 =	smul.u32 $0x2800, s7;
	[smem:$0x7FF] =	sst s4  }
0x8: {  	s4 =	sadd.s32 $0x13800, s0;
	s21 =	smul.u32 $0x50000, s7;
	s7 =	sshll.u32 s7, $0xC  }
0x9: {  	s5 =	smul.u32 $0x28000, s1;
	s6 =	sshll.u32 s1, $0xB;
	s1 =	ssub.s32 $0x2, s1  }
0xa: {  	_ =	strace $0x8000004D;
	s6 =	sadd.s32 s6, s0;
	s22 =	sshrl.u32 s1, $0x1  }
0xb: {  	s3 =	sadd.s32 s3, s5;
	s5 =	sshrl.u32 s21, $0x2;
	s1 =	ssub.s32 s1, s22  }
0xc: {  	s23 =	sadd.s32 s7, s6;
	s21 =	simm.s32 $0xB900;
	s22 =	simm.s32 $0x6800  }
0xd: {  	s0 =	sadd.s32 s3, s0;
	s5 =	sadd.s32 s5, s2;
	s3 =	sadd.s32 $0x3800, s23  }
0xe: {  	s15 =	smax.u32 s1, $0x1;
	[dreg:$0x3] =	wrdreg s3;
	s24 =	sadd.s32 $0x2800, s5  }
0xf: {  	s23 =	simm.s32 $0x1;
	s25 =	sadd.s32 $0x5000, s5;
	[dreg:$0x4] =	wrdreg s24  }
0x10: {  	s26 =	sadd.s32 $0x7800, s5;
	s31 =	sadd.s32 $0xA000, s5;
	[dreg:$0x5] =	wrdreg s25  }
0x11: {  	s11 =	sadd.s32 $0xC800, s5;
	s12 =	sadd.s32 $0xF000, s5;
	[dreg:$0x6] =	wrdreg s26  }
0x12: {  	s13 =	sadd.s32 $0x11800, s5;
	s14 =	sadd.s32 $0x3AA00, s0;
	[dreg:$0x7] =	wrdreg s31  }
0x13: {  	v0 =	vimm.f32 $0.0e+00;
	s24 =	simm.s32 $0xB880;
	s25 =	simm.s32 $0xB980;
	s26 =	simm.s32 $0x4  }
.LBB2_1:
0x14: {  	s0 =	simm.s32 $0x0;
	s1 =	rddreg [dreg:$0x3]  }
0x15: {  	[tilespmem:s0], [sflag:$0x7] =	stream.linear.gather [hbm4b:s1+s0], $0x4000, $0x38;
	[tilespmem:$0x1FB00] =	vst v63  }
0x16: {  	s0 =	simm.s32 $0x0;
	s1 =	simm.s32 $0x200  }
.LBB2_2:
0x17: {  	p0 =	sne.s32 s1, $0x9E00;
	[tilespmem:s0+$0x4070] =	vst v0  }
0x18: {  	[tilespmem:s0+$0x4000] =	vst v0  }
0x19: {  	[tilespmem:s0+$0x4010] =	vst v0  }
.Ltmp0:
0x1a: {  	[tilespmem:s0+$0x4020] =	vst v0;
	(pc) =	sbr.rel @p0 .LBB2_2-.Ltmp0, $4  }
0x1b: {  	[tilespmem:s0+$0x4030] =	vst v0  }
0x1c: {  	[tilespmem:s0+$0x4040] =	vst v0  }
0x1d: {  	[tilespmem:s0+$0x4050] =	vst v0  }
0x1e: {  	[tilespmem:s0+$0x4060] =	vst v0;
	s0 =	sshra.s32 s1, $0x2;
	s1 =	sadd.s32 $0x200, s1  }
0x1f: {  	[tilespmem:s0+$0x4070] =	vst v0  }
0x20: {  	[tilespmem:s0+$0x4000] =	vst v0  }
0x21: {  	[tilespmem:s0+$0x4010] =	vst v0  }
0x22: {  	[tilespmem:s0+$0x4020] =	vst v0  }
0x23: {  	[tilespmem:s0+$0x4030] =	vst v0  }
0x24: {  	[tilespmem:s0+$0x4040] =	vst v0  }
0x25: {  	[tilespmem:s0+$0x4050] =	vst v0  }
0x26: {  	[tilespmem:s0+$0x4060] =	vst v0  }
0x27: {  	[spmem:s5] =	stream.linear.scatter [tilespmem:s16], [sflag:$0x2], $0x2800, $0x38;
	[tilespmem:$0x1FB00] =	vst v63  }
0x28: {  	s7 =	rddreg [dreg:$0x4]  }
0x29: {  	[spmem:s7] =	stream.linear.scatter [tilespmem:s16], [sflag:$0x2], $0x2800, $0x38;
	[tilespmem:$0x1FB00] =	vst v63  }
0x2a: {  	s8 =	rddreg [dreg:$0x5]  }
0x2b: {  	[spmem:s8] =	stream.linear.scatter [tilespmem:s16], [sflag:$0x2], $0x2800, $0x38;
	[tilespmem:$0x1FB00] =	vst v63  }
0x2c: {  	s9 =	rddreg [dreg:$0x6]  }
0x2d: {  	[spmem:s9] =	stream.linear.scatter [tilespmem:s16], [sflag:$0x2], $0x2800, $0x38;
	[tilespmem:$0x1FB00] =	vst v63  }
0x2e: {  	s10 =	rddreg [dreg:$0x7]  }
0x2f: {  	[spmem:s10] =	stream.linear.scatter [tilespmem:s16], [sflag:$0x2], $0x2800, $0x38;
	[tilespmem:$0x1FB00] =	vst v63  }
0x30: {  	_ = 	snop  }
0x31: {  	[spmem:s11] =	stream.linear.scatter [tilespmem:s16], [sflag:$0x2], $0x2800, $0x38;
	[tilespmem:$0x1FB00] =	vst v63  }
0x32: {  	_ = 	snop  }
0x33: {  	[spmem:s12] =	stream.linear.scatter [tilespmem:s16], [sflag:$0x2], $0x2800, $0x38;
	[tilespmem:$0x1FB00] =	vst v63  }
0x34: {  	_ = 	snop  }
0x35: {  	[spmem:s13] =	stream.linear.scatter [tilespmem:s16], [sflag:$0x2], $0x2800, $0x38;
	[tilespmem:$0x1FB00] =	vst v63  }
0x36: {  	_ =	swait.ge [sflag:s17], $0x2800  }
0x37: {  	[sflag:s17] =	ssyncset.done $0x0  }
0x38: {  	[sflag:s17] =	ssyncadd.s32 $0xFFFFD800  }
0x39: {  	_ =	swait.ge [sflag:s17], $0x2800  }
0x3a: {  	[sflag:s17] =	ssyncset.done $0x0  }
0x3b: {  	[sflag:s17] =	ssyncadd.s32 $0xFFFFD800  }
0x3c: {  	_ =	swait.ge [sflag:s17], $0x2800  }
0x3d: {  	[sflag:s17] =	ssyncset.done $0x0  }
0x3e: {  	[sflag:s17] =	ssyncadd.s32 $0xFFFFD800  }
0x3f: {  	_ =	swait.ge [sflag:s17], $0x2800  }
0x40: {  	[sflag:s17] =	ssyncset.done $0x0  }
0x41: {  	[sflag:s17] =	ssyncadd.s32 $0xFFFFD800  }
0x42: {  	_ =	swait.ge [sflag:s17], $0x2800  }
0x43: {  	[sflag:s17] =	ssyncset.done $0x0  }
0x44: {  	[sflag:s17] =	ssyncadd.s32 $0xFFFFD800  }
0x45: {  	_ =	swait.ge [sflag:s17], $0x2800  }
0x46: {  	[sflag:s17] =	ssyncset.done $0x0  }
0x47: {  	[sflag:s17] =	ssyncadd.s32 $0xFFFFD800  }
0x48: {  	_ =	swait.ge [sflag:s17], $0x2800  }
0x49: {  	[sflag:s17] =	ssyncset.done $0x0  }
0x4a: {  	[sflag:s17] =	ssyncadd.s32 $0xFFFFD800  }
0x4b: {  	_ =	swait.ge [sflag:s17], $0x2800  }
0x4c: {  	[sflag:s17] =	ssyncset.done $0x0  }
0x4d: {  	[sflag:s17] =	ssyncadd.s32 $0xFFFFD800  }
0x4e: {  	_ =	swait.ge [sflag:s18], $0x4000  }
0x4f: {  	[sflag:s18] =	ssyncset.done $0x0  }
0x50: {  	p0 =	por $0x1, $0x1;
	[sflag:s18] =	ssyncadd.s32 $0xFFFFC000  }
0x51: {  	s0 =	simm.s32 @!p0 $0x4;
	[bflag:$0x0] =	sbarrier.arrive $0xFFFF  }
0x52: {  	_ =	swait.ge @!p0 [sflag:s0], $0x2800  }
0x53: {  	[sflag:s0] =	ssyncset.done @!p0 $0x0  }
0x54: {  	s31 =	simm.s32 $0xA0;
	[sflag:s0] =	ssyncadd.s32 @!p0 $0xFFFFD800  }
0x55: {  	v1 =	vld [tilespmem:s31+$0xFFFFFF60];
	_ =	sdelay $0x4  }
0x56: {  	v2 =	vand.u32 $0x3FFF, v1  }
0x57: {  	v1 =	vshrl.u32 v1, $0xE;
	[tilespmem:$0xB800] =	vst v2  }
0x58: {  	[tilespmem:$0xB880] =	vst v1  }
0x59: {  	v1 =	vld [tilespmem:s31+$0xFFFFFF70];
	_ =	sdelay $0x4  }
0x5a: {  	v2 =	vand.u32 $0x3FFF, v1  }
0x5b: {  	v1 =	vshrl.u32 v1, $0xE;
	[tilespmem:$0xB810] =	vst v2  }
0x5c: {  	[tilespmem:$0xB890] =	vst v1  }
0x5d: {  	v1 =	vld [tilespmem:s31+$0xFFFFFF80];
	_ =	sdelay $0x4  }
0x5e: {  	v2 =	vand.u32 $0x3FFF, v1  }
0x5f: {  	v1 =	vshrl.u32 v1, $0xE;
	[tilespmem:$0xB820] =	vst v2  }
0x60: {  	[tilespmem:$0xB8A0] =	vst v1  }
0x61: {  	v1 =	vld [tilespmem:s31+$0xFFFFFF90];
	_ =	sdelay $0x4  }
0x62: {  	v2 =	vand.u32 $0x3FFF, v1  }
0x63: {  	v1 =	vshrl.u32 v1, $0xE;
	[tilespmem:$0xB830] =	vst v2  }
0x64: {  	[tilespmem:$0xB8B0] =	vst v1  }
0x65: {  	v1 =	vld [tilespmem:s31+$0xFFFFFFA0];
	_ =	sdelay $0x4  }
0x66: {  	v2 =	vand.u32 $0x3FFF, v1  }
0x67: {  	p0 =	por $0x1, $0x1;
	v1 =	vshrl.u32 v1, $0xE;
	[tilespmem:$0xB840] =	vst v2  }
0x68: {  	s0 =	simm.s32 @!p0 $0x3;
	[tilespmem:$0xB8C0] =	vst v1  }
0x69: {  	[tilespmem:s16], [sflag:$0x1] =	stream.indirect.gather [hbm4b:s4+s19], $0x80, s20, s19, $0xb8;
	[tilespmem:$0x1FB00] =	vst v63  }
0x6a: {  	p1 =	por @!p0 $0x1, $0x1;
	s1 =	simm.s32 @!p0 $0x9000;
	_ =	swait.ge @!p0 [sflag:s0], $0x2800  }
0x6b: {  	s3 =	simm.s32 @!p0 $0x50;
	p1 =	por p1, p0;
	[sflag:s0] =	ssyncset.done @!p0 $0x0  }
0x6c: {  	s6 =	simm.s32 @!p0 $0xBA80;
	s7 =	simm.s32 @!p1 $0x5;
	[sflag:s0] =	ssyncadd.s32 @!p0 $0xFFFFD800  }
0x6d: {  	[spmem:s2] =	stream.indirect.scatter.add.f32 @!p0 [tilespmem:s1], [sflag:$0x6], $0x80, s6, s3, $0xb8;
	[tilespmem:$0x1FB00] =	vst v63  }
0x6e: {  	_ =	swait.ge @!p1 [sflag:s7], $0x2800  }
0x6f: {  	[sflag:s7] =	ssyncset.done @!p1 $0x0  }
0x70: {  	[sflag:s7] =	ssyncadd.s32 @!p1 $0xFFFFD800  }
0x71: {  	v1 =	vld [tilespmem:s31+$0xFFFFFFE0];
	_ =	sdelay $0x4  }
0x72: {  	v2 =	vand.u32 $0x3FFF, v1  }
0x73: {  	v1 =	vshrl.u32 v1, $0xE;
	[tilespmem:$0xB900] =	vst v2  }
0x74: {  	[tilespmem:$0xB980] =	vst v1  }
0x75: {  	v1 =	vld [tilespmem:s31+$0xFFFFFFF0];
	_ =	sdelay $0x4  }
0x76: {  	v2 =	vand.u32 $0x3FFF, v1  }
0x77: {  	v1 =	vshrl.u32 v1, $0xE;
	[tilespmem:$0xB910] =	vst v2  }
0x78: {  	[tilespmem:$0xB990] =	vst v1  }
0x79: {  	v1 =	vld [tilespmem:s31+$0x0];
	_ =	sdelay $0x4  }
0x7a: {  	v2 =	vand.u32 $0x3FFF, v1  }
0x7b: {  	v1 =	vshrl.u32 v1, $0xE;
	[tilespmem:$0xB920] =	vst v2  }
0x7c: {  	[tilespmem:$0xB9A0] =	vst v1  }
0x7d: {  	v1 =	vld [tilespmem:s31+$0x10];
	_ =	sdelay $0x4  }
0x7e: {  	v2 =	vand.u32 $0x3FFF, v1  }
0x7f: {  	v1 =	vshrl.u32 v1, $0xE;
	[tilespmem:$0xB930] =	vst v2  }
0x80: {  	[tilespmem:$0xB9B0] =	vst v1  }
0x81: {  	v1 =	vld [tilespmem:s31+$0x20];
	_ =	sdelay $0x4  }
0x82: {  	v2 =	vand.u32 $0x3FFF, v1  }
0x83: {  	v1 =	vshrl.u32 v1, $0xE;
	[tilespmem:$0xB940] =	vst v2  }
0x84: {  	[tilespmem:$0xB9C0] =	vst v1  }
0x85: {  	[tilespmem:s22], [sflag:$0x2] =	stream.indirect.gather [hbm4b:s4+s19], $0x80, s21, s19, $0xb8;
	[tilespmem:$0x1FB00] =	vst v63  }
0x86: {  	_ =	swait.ge [sflag:s23], $0x2800  }
0x87: {  	[sflag:s23] =	ssyncset.done $0x0  }
0x88: {  	s0 =	simm.s32 @!p0 $0x6;
	[sflag:s23] =	ssyncadd.s32 $0xFFFFD800  }
0x89: {  	[spmem:s2] =	stream.indirect.scatter.add.f32 [tilespmem:s16], [sflag:$0x4], $0x80, s24, s19, $0xb8;
	[tilespmem:$0x1FB00] =	vst v63  }
0x8a: {  	_ =	swait.ge @!p0 [sflag:s0], $0x2800  }
0x8b: {  	[sflag:s0] =	ssyncset.done @!p0 $0x0  }
0x8c: {  	p1 =	por $0x0, $0x0;
	[sflag:s0] =	ssyncadd.s32 @!p0 $0xFFFFD800  }
0x8d: {  	v1 =	vld @!p1 [tilespmem:s31+$0x60];
	_ =	sdelay $0x4  }
0x8e: {  	v2 =	vand.u32 @!p1 $0x3FFF, v1  }
0x8f: {  	v1 =	vshrl.u32 @!p1 v1, $0xE;
	[tilespmem:$0xBA00] =	vst @!p1 v2  }
0x90: {  	[tilespmem:$0xBA80] =	vst @!p1 v1  }
0x91: {  	v1 =	vld @!p1 [tilespmem:s31+$0x70];
	_ =	sdelay $0x4  }
0x92: {  	v2 =	vand.u32 @!p1 $0x3FFF, v1  }
0x93: {  	v1 =	vshrl.u32 @!p1 v1, $0xE;
	[tilespmem:$0xBA10] =	vst @!p1 v2  }
0x94: {  	[tilespmem:$0xBA90] =	vst @!p1 v1  }
0x95: {  	s3 =	simm.s32 $0x0;
	s0 =	simm.s32 $0xA0;
	v1 =	vld @!p1 [tilespmem:s31+$0x80]  }
.LBB2_4:
0x96: {  	_ =	sdelay $0x2  }
0x97: {  	s31 =	sadd.s32 $0x180, s31;
	s1 =	smov.u32 s3;
	s3 =	sadd.s32 $0x3, s3  }
0x98: {  	p0 =	sne.s32 s3, $0x7B;
	v2 =	vand.u32 @!p1 $0x3FFF, v1;
	v1 =	vshrl.u32 @!p1 v1, $0xE  }
0x99: {  	[tilespmem:$0xBA20] =	vst @!p1 v2  }
0x9a: {  	[tilespmem:$0xBAA0] =	vst @!p1 v1  }
0x9b: {  	v1 =	vld @!p1 [tilespmem:s0+$0x90];
	_ =	sdelay $0x4  }
0x9c: {  	v2 =	vand.u32 @!p1 $0x3FFF, v1;
	v1 =	vshrl.u32 @!p1 v1, $0xE  }
0x9d: {  	[tilespmem:$0xBA30] =	vst @!p1 v2  }
0x9e: {  	[tilespmem:$0xBAB0] =	vst @!p1 v1  }
0x9f: {  	v1 =	vld @!p1 [tilespmem:s0+$0xA0];
	s0 =	smov.u32 s31;
	_ =	sdelay $0x1  }
0xa0: {  	p2 =	sgt.u32 s1, $0x7C  }
0xa1: {  	s6 =	simm.s32 @!p2 $0x4;
	_ =	sdelay $0x1  }
0xa2: {  	v2 =	vand.u32 @!p1 $0x3FFF, v1;
	v1 =	vshrl.u32 @!p1 v1, $0xE  }
0xa3: {  	s7 =	simm.s32 @!p1 $0x50;
	s8 =	simm.s32 @!p1 $0xBA00;
	s9 =	simm.s32 @!p1 $0x9000;
	[tilespmem:$0xBA40] =	vst @!p1 v2  }
0xa4: {  	[tilespmem:$0xBAC0] =	vst @!p1 v1  }
0xa5: {  	[tilespmem:s9], [sflag:$0x3] =	stream.indirect.gather @!p1 [hbm4b:s4+s7], $0x80, s8, s7, $0xb8;
	[tilespmem:$0x1FB00] =	vst v63  }
0xa6: {  	_ =	swait.ge [sflag:s17], $0x2800  }
0xa7: {  	[sflag:s17] =	ssyncset.done $0x0  }
0xa8: {  	[sflag:s17] =	ssyncadd.s32 $0xFFFFD800  }
0xa9: {  	[spmem:s2] =	stream.indirect.scatter.add.f32 [tilespmem:s22], [sflag:$0x5], $0x80, s25, s19, $0xb8;
	[tilespmem:$0x1FB00] =	vst v63  }
0xaa: {  	_ =	swait.ge @!p2 [sflag:s6], $0x2800  }
0xab: {  	[sflag:s6] =	ssyncset.done @!p2 $0x0  }
0xac: {  	[sflag:s6] =	ssyncadd.s32 @!p2 $0xFFFFD800  }
0xad: {  	v1 =	vld [tilespmem:s31+$0xFFFFFF60];
	_ =	sdelay $0x4  }
0xae: {  	v2 =	vand.u32 $0x3FFF, v1;
	v1 =	vshrl.u32 v1, $0xE  }
0xaf: {  	[tilespmem:$0xB800] =	vst v2  }
0xb0: {  	[tilespmem:$0xB880] =	vst v1  }
0xb1: {  	v1 =	vld [tilespmem:s31+$0xFFFFFF70];
	_ =	sdelay $0x4  }
0xb2: {  	v2 =	vand.u32 $0x3FFF, v1;
	v1 =	vshrl.u32 v1, $0xE  }
0xb3: {  	[tilespmem:$0xB810] =	vst v2  }
0xb4: {  	[tilespmem:$0xB890] =	vst v1  }
0xb5: {  	v1 =	vld [tilespmem:s31+$0xFFFFFF80];
	_ =	sdelay $0x4  }
0xb6: {  	v2 =	vand.u32 $0x3FFF, v1;
	v1 =	vshrl.u32 v1, $0xE  }
0xb7: {  	[tilespmem:$0xB820] =	vst v2  }
0xb8: {  	[tilespmem:$0xB8A0] =	vst v1  }
0xb9: {  	v1 =	vld [tilespmem:s31+$0xFFFFFF90];
	_ =	sdelay $0x4  }
0xba: {  	v2 =	vand.u32 $0x3FFF, v1;
	v1 =	vshrl.u32 v1, $0xE  }
0xbb: {  	s6 =	sadd.s32 $0x2, s1;
	[tilespmem:$0xB830] =	vst v2  }
0xbc: {  	p1 =	sgt.u32 s6, $0x7C;
	[tilespmem:$0xB8B0] =	vst v1  }
0xbd: {  	s6 =	simm.s32 @!p1 $0x3;
	s7 =	sadd.s32 @!p1 $0x1, s1;
	v1 =	vld [tilespmem:s31+$0xFFFFFFA0]  }
0xbe: {  	p2 =	sgt.u32 @!p1 s7, $0x7C  }
0xbf: {  	p2 =	por p2, p1;
	_ =	sdelay $0x2  }
0xc0: {  	s7 =	simm.s32 @!p1 $0x9000;
	v2 =	vand.u32 $0x3FFF, v1;
	v1 =	vshrl.u32 v1, $0xE  }
0xc1: {  	s8 =	simm.s32 @!p1 $0x50;
	s9 =	simm.s32 @!p1 $0xBA80;
	s10 =	simm.s32 @!p2 $0x5;
	[tilespmem:$0xB840] =	vst v2  }
0xc2: {  	[tilespmem:$0xB8C0] =	vst v1  }
0xc3: {  	[tilespmem:s16], [sflag:$0x1] =	stream.indirect.gather [hbm4b:s4+s19], $0x80, s20, s19, $0xb8;
	[tilespmem:$0x1FB00] =	vst v63  }
0xc4: {  	_ =	swait.ge @!p1 [sflag:s6], $0x2800  }
0xc5: {  	[sflag:s6] =	ssyncset.done @!p1 $0x0  }
0xc6: {  	[sflag:s6] =	ssyncadd.s32 @!p1 $0xFFFFD800  }
0xc7: {  	[spmem:s2] =	stream.indirect.scatter.add.f32 @!p1 [tilespmem:s7], [sflag:$0x6], $0x80, s9, s8, $0xb8;
	[tilespmem:$0x1FB00] =	vst v63  }
0xc8: {  	_ =	swait.ge @!p2 [sflag:s10], $0x2800  }
0xc9: {  	[sflag:s10] =	ssyncset.done @!p2 $0x0  }
0xca: {  	[sflag:s10] =	ssyncadd.s32 @!p2 $0xFFFFD800  }
0xcb: {  	v1 =	vld [tilespmem:s31+$0xFFFFFFE0];
	_ =	sdelay $0x4  }
0xcc: {  	v2 =	vand.u32 $0x3FFF, v1;
	v1 =	vshrl.u32 v1, $0xE  }
0xcd: {  	[tilespmem:$0xB900] =	vst v2  }
0xce: {  	[tilespmem:$0xB980] =	vst v1  }
0xcf: {  	v1 =	vld [tilespmem:s31+$0xFFFFFFF0];
	_ =	sdelay $0x4  }
0xd0: {  	v2 =	vand.u32 $0x3FFF, v1;
	v1 =	vshrl.u32 v1, $0xE  }
0xd1: {  	[tilespmem:$0xB910] =	vst v2  }
0xd2: {  	[tilespmem:$0xB990] =	vst v1  }
0xd3: {  	v1 =	vld [tilespmem:s31+$0x0];
	_ =	sdelay $0x4  }
0xd4: {  	v2 =	vand.u32 $0x3FFF, v1;
	v1 =	vshrl.u32 v1, $0xE  }
0xd5: {  	[tilespmem:$0xB920] =	vst v2  }
0xd6: {  	[tilespmem:$0xB9A0] =	vst v1  }
0xd7: {  	v1 =	vld [tilespmem:s31+$0x10];
	_ =	sdelay $0x4  }
0xd8: {  	v2 =	vand.u32 $0x3FFF, v1;
	v1 =	vshrl.u32 v1, $0xE  }
0xd9: {  	[tilespmem:$0xB930] =	vst v2  }
0xda: {  	[tilespmem:$0xB9B0] =	vst v1  }
0xdb: {  	v1 =	vld [tilespmem:s31+$0x20];
	_ =	sdelay $0x4  }
0xdc: {  	v2 =	vand.u32 $0x3FFF, v1;
	v1 =	vshrl.u32 v1, $0xE  }
0xdd: {  	[tilespmem:$0xB940] =	vst v2  }
0xde: {  	[tilespmem:$0xB9C0] =	vst v1  }
0xdf: {  	[tilespmem:s22], [sflag:$0x2] =	stream.indirect.gather [hbm4b:s4+s19], $0x80, s21, s19, $0xb8;
	[tilespmem:$0x1FB00] =	vst v63  }
0xe0: {  	_ =	swait.ge [sflag:s23], $0x2800  }
0xe1: {  	[sflag:s23] =	ssyncset.done $0x0  }
0xe2: {  	s6 =	simm.s32 @!p1 $0x6;
	[sflag:s23] =	ssyncadd.s32 $0xFFFFD800  }
0xe3: {  	[spmem:s2] =	stream.indirect.scatter.add.f32 [tilespmem:s16], [sflag:$0x4], $0x80, s24, s19, $0xb8;
	[tilespmem:$0x1FB00] =	vst v63  }
0xe4: {  	_ =	swait.ge @!p1 [sflag:s6], $0x2800  }
0xe5: {  	[sflag:s6] =	ssyncset.done @!p1 $0x0  }
0xe6: {  	[sflag:s6] =	ssyncadd.s32 @!p1 $0xFFFFD800;
	p1 =	seq.s32 s1, $0x78  }
0xe7: {  	v1 =	vld @!p1 [tilespmem:s31+$0x60];
	_ =	sdelay $0x4  }
0xe8: {  	v2 =	vand.u32 @!p1 $0x3FFF, v1;
	v1 =	vshrl.u32 @!p1 v1, $0xE  }
0xe9: {  	[tilespmem:$0xBA00] =	vst @!p1 v2  }
0xea: {  	[tilespmem:$0xBA80] =	vst @!p1 v1  }
0xeb: {  	v1 =	vld @!p1 [tilespmem:s31+$0x70];
	_ =	sdelay $0x3  }
.Ltmp1:
0xec: {  	(pc) =	sbr.rel @p0 .LBB2_4-.Ltmp1, $4  }
0xed: {  	v2 =	vand.u32 @!p1 $0x3FFF, v1;
	v1 =	vshrl.u32 @!p1 v1, $0xE  }
0xee: {  	[tilespmem:$0xBA10] =	vst @!p1 v2  }
0xef: {  	[tilespmem:$0xBA90] =	vst @!p1 v1  }
0xf0: {  	v1 =	vld @!p1 [tilespmem:s31+$0x80]  }
0xf1: {  	_ =	sdelay $0x3  }
0xf2: {  	v2 =	vand.u32 @!p1 $0x3FFF, v1  }
0xf3: {  	v1 =	vshrl.u32 @!p1 v1, $0xE;
	[tilespmem:$0xBA20] =	vst @!p1 v2  }
0xf4: {  	[tilespmem:$0xBAA0] =	vst @!p1 v1  }
0xf5: {  	v1 =	vld @!p1 [tilespmem:s0+$0x90];
	_ =	sdelay $0x4  }
0xf6: {  	v2 =	vand.u32 @!p1 $0x3FFF, v1  }
0xf7: {  	v1 =	vshrl.u32 @!p1 v1, $0xE;
	[tilespmem:$0xBA30] =	vst @!p1 v2  }
0xf8: {  	[tilespmem:$0xBAB0] =	vst @!p1 v1  }
0xf9: {  	v1 =	vld @!p1 [tilespmem:s0+$0xA0];
	_ =	sdelay $0x4  }
0xfa: {  	v2 =	vand.u32 @!p1 $0x3FFF, v1  }
0xfb: {  	v1 =	vshrl.u32 @!p1 v1, $0xE;
	[tilespmem:$0xBA40] =	vst @!p1 v2  }
0xfc: {  	s1 =	simm.s32 @!p1 $0xBA00;
	s3 =	simm.s32 @!p1 $0x9000;
	s0 =	simm.s32 @!p1 $0x50;
	[tilespmem:$0xBAC0] =	vst @!p1 v1  }
0xfd: {  	[tilespmem:s3], [sflag:$0x3] =	stream.indirect.gather @!p1 [hbm4b:s4+s0], $0x80, s1, s0, $0xb8;
	[tilespmem:$0x1FB00] =	vst v63  }
0xfe: {  	_ =	swait.ge [sflag:s17], $0x2800  }
0xff: {  	[sflag:s17] =	ssyncset.done $0x0  }
0x100: {  	[sflag:s17] =	ssyncadd.s32 $0xFFFFD800  }
0x101: {  	[spmem:s2] =	stream.indirect.scatter.add.f32 [tilespmem:s22], [sflag:$0x5], $0x80, s25, s19, $0xb8;
	[tilespmem:$0x1FB00] =	vst v63  }
0x102: {  	_ =	swait.ge [sflag:s26], $0x2800  }
0x103: {  	[sflag:s26] =	ssyncset.done $0x0  }
0x104: {  	[sflag:s26] =	ssyncadd.s32 $0xFFFFD800  }
0x105: {  	s10 =	stileid.u32;
	_ =	swait.ge [sflag:s28], $0x2800  }
0x106: {  	s31 =	sshrl.u32 s5, $0x3;
	s30 =	sadd.s32 $0x1, s30;
	[sflag:s28] =	ssyncset.done $0x0  }
0x107: {  	p0 =	sne.s32 s30, s15;
	s0 =	sshll.u32 s10, $0x6;
	[sflag:s28] =	ssyncadd.s32 $0xFFFFD800  }
.Ltmp2:
0x108: {  	s0 =	sor.u32 $0x1C08, s0;
	[bflag:$0x0] =	sbarrier.arrive $0xFFFF;
	(pc) =	sbr.rel @p0 .LBB2_1-.Ltmp2, $4  }
0x109: {  	[hbm:s14], [sflag:s0] =	dma.local [spmem:s31], $0x2800  }
0x10a: {  	_ =	swait.ge [sflag:s29], $0x2800  }
0x10b: {  	[sflag:s29] =	ssyncset.done $0x0  }
0x10c: {  	[sflag:s29] =	ssyncadd.s32 $0xFFFFD800  }
0x10d: {  	_ =	sfence.sel $0x180000  }
0x10e: {  	[bflag:$0x0] =	sbarrier.arrive $0xFFFF  }
0x10f: {  	_ =	strace $0x9000004D  }
0x110: {  	s0 =	stileid.u32;
	[bflag:$0x2] =	sbarrier.arrive $0xFFFF  }
0x111: {  	p0 =	sne.s32 s0, $0x0;
	s0 =	rddreg [dreg:$0x2]  }
0x112: {  	s0 =	sadd.s32 @!p0 $0x100000, s0  }
0x113: {  	[sflag:s0] =	ssyncadd.tile.s32 @!p0 $0x1;
	_ =	shalt  }
.Lfunc_end2:
_tile_overlayer_lowered:
.L_overlay_start_2:
0x114: {  	(tag) =	ssettag $0x2  }
0x115: {  	s0 =	rddreg [dreg:$0x0];
	s2 =	stileid.u32  }
0x116: {  	s1 =	rddreg [dreg:$0x1];
	p0 =	sne.s32 s2, $0x0  }
0x117: {  	s3 =	rddreg [dreg:$0x2];
	[bflag:$0x3] =	sbarrier.arrive $0xFFFF;
	s2 =	simm.s32 @!p0 $0x1C08  }
0x118: {  	[timem:s3], [sflag:s2] =	dma.local @!p0 [hbm:s0], s1  }
0x119: {  	s0 =	simm.s32 @!p0 $0x8  }
0x11a: {  	_ =	swait.ge @!p0 [sflag:s0], s1  }
0x11b: {  	s1 =	ssub.s32 @!p0 $0x0, s1;
	[sflag:s0] =	ssyncset.done @!p0 $0x0  }
0x11c: {  	[sflag:s0] =	ssyncadd.s32 @!p0 s1  }
0x11d: {  	[bflag:$0x3] =	sbarrier.arrive $0xFFFF  }
0x11e: {  	_ =	shalt  }

// kernel: kernel.20.cloned.1.call-start
scs
__scs_entry_jumppad:
0x0: {  	(pc) =	sbr.rel $0x88, $3  }
0x1: {  	(tag) =	ssettag $0x0;
	lr =	simm.s32 $0x1  }
0x2: {  	[smem:$0x3F93] =	sst lr;
	_ =	strace $0xD0000000  }
0x3: {  	_ = 	snop  }
0x4: {  	_ = 	snop  }
0x5: {  	_ = 	snop  }
0x6: {  	_ = 	snop  }
0x7: {  	_ = 	snop  }
__scs_overlays_trampoline_lowered:
0x8: {  	[smem:$0x3FA2] =	sst s0  }
0x9: {  	[smem:$0x3FA3] =	sst s1  }
0xa: {  	[smem:$0x3FA4] =	sst s2  }
0xb: {  	[smem:$0x3FA5] =	sst s3  }
0xc: {  	[smem:$0x3FA6] =	sst s4  }
0xd: {  	[smem:$0x3FA7] =	sst s5  }
0xe: {  	[smem:$0x3FA8] =	sst s6  }
0xf: {  	[smem:$0x3FA9] =	sst s7  }
0x10: {  	[smem:$0x3FAA] =	sst s8  }
0x11: {  	[smem:$0x3FAB] =	sst s9;
	s0 =	simm.s32 @!p0 $0x0  }
0x12: {  	s1 =	sld [smem:$0x3F91];
	s0 =	simm.s32 @p0 $0x1  }
0x13: {  	[smem:$0x3FAC] =	sst s0;
	s0 =	simm.s32 @!p1 $0x0  }
0x14: {  	s2 =	sld [smem:$0x3F90];
	s0 =	simm.s32 @p1 $0x1  }
0x15: {  	[smem:$0x3FAD] =	sst s0;
	s0 =	simm.s32 @!p2 $0x0  }
0x16: {  	s3 =	sld [smem:$0x3FDB];
	s0 =	simm.s32 @p2 $0x1  }
0x17: {  	s4 =	simm.s32 $0x1BF5;
	[smem:$0x3FAF] =	sst s0  }
0x18: {  	s0 =	sld [smem:$0x3F92];
	_ =	swait.ge [sflag:s4], $0x0  }
0x19: {  	s7 =	sld [smem:$0x3F93]  }
0x1a: {  	s8 =	sadd.s32 $0xFFFFE003, lr  }
0x1b: {  	s9 =	sadd.s32 $0xFFFFFEF7, lr;
	s5 =	simm.s32 $0xFFFFFFFF;
	p2 =	slt.u32 s8, $0xFFFFF086  }
0x1c: {  	p1 =	slt.u32 s9, $0xF7A;
	s5 =	simm.s32 @!p2 $0x0  }
0x1d: {  	s5 =	simm.s32 @p1 $0x1;
	p0 =	seq.s32 s7, s2  }
0x1e: {  	s7 =	smul.u32 @!p0 $0xF7A, s2;
	p2 =	seq.s32 @!p0 s5, $0x0  }
0x1f: {  	s9 =	smul.u32 $0xF7A, s1;
	s8 =	simm.s32 @!p0 $0x1BF5;
	p2 =	por !p2, p0  }
0x20: {  	[sflag:s8] =	ssyncset.s32 @!p0 $0xFFFFF086;
	s6 =	sadd.s32 @!p0 s3, s7;
	s7 =	simm.s32 @!p0 $0x108  }
0x21: {  	s3 =	sadd.s32 s3, s9;
	s6 =	sadd.s32 @!p0 $0x88, s6;
	s7 =	simm.s32 @p2 $0x1082  }
0x22: {  	[simem:s7], [sflag:s8] =	dma.local @!p0 [hbm:s6], $0xF7A  }
0x23: {  	s9 =	sor.u32 $0xD0000000, s2;
	s6 =	simm.s32 $0x108;
	_ =	swait.ge @!p0 [sflag:s8], $0x0  }
0x24: {  	s3 =	sadd.s32 $0x88, s3;
	s6 =	simm.s32 @!p1 $0x1082;
	[sflag:s4] =	ssyncset.s32 $0xFFFFF086  }
0x25: {  	[simem:s6], [sflag:s4] =	dma.local [hbm:s3], $0xF7A  }
0x26: {  	[smem:$0x3F93] =	sst s1;
	(tag) =	ssettag s2;
	_ =	strace s9  }
0x27: {  	s1 =	sld [smem:$0x3FA3]  }
0x28: {  	s2 =	sld [smem:$0x3FA4]  }
0x29: {  	s4 =	sld [smem:$0x3FA6]  }
0x2a: {  	p0 =	seq.s32 s5, $0x0;
	s5 =	sld [smem:$0x3FA7]  }
0x2b: {  	s6 =	sld [smem:$0x3FA8]  }
0x2c: {  	s7 =	sld [smem:$0x3FA9]  }
0x2d: {  	s3 =	simm.s32 $0x108;
	s8 =	sld [smem:$0x3FAA]  }
0x2e: {  	s3 =	simm.s32 @!p0 $0x1082;
	s9 =	sld [smem:$0x3FAB]  }
0x2f: {  	lr =	sadd.s32 s0, s3;
	s0 =	sld [smem:$0x3FA2]  }
0x30: {  	s3 =	sld [smem:$0x3FA5]  }
0x31: {  	[smem:$0x3FAE] =	sst s10  }
0x32: {  	s10 =	sld [smem:$0x3FAC];
	_ =	sdelay $0x3  }
0x33: {  	p0 =	seq.s32 s10, $0x1;
	s10 =	sld [smem:$0x3FAE];
	_ =	sdelay $0x3  }
0x34: {  	[smem:$0x3FAE] =	sst s10  }
0x35: {  	s10 =	sld [smem:$0x3FAD];
	_ =	sdelay $0x3  }
0x36: {  	p1 =	seq.s32 s10, $0x1;
	s10 =	sld [smem:$0x3FAE];
	_ =	sdelay $0x3  }
0x37: {  	[smem:$0x3FAE] =	sst s10  }
0x38: {  	s10 =	sld [smem:$0x3FAF]  }
0x39: {  	_ = 	snop;
	(pc) =	sbr.ind lr, $3  }
0x3a: {  	_ = 	snop  }
0x3b: {  	_ = 	snop  }
0x3c: {  	p2 =	seq.s32 s10, $0x1;
	s10 =	sld [smem:$0x3FAE]  }
0x3d: {  	_ =	shalt  }
0x3e: {  	_ =	shalt  }
0x3f: {  	_ =	shalt  }
0x40: {  	_ =	shalt  }
0x41: {  	_ =	shalt  }
0x42: {  	_ =	shalt  }
0x43: {  	_ =	shalt  }
0x44: {  	_ =	shalt  }
0x45: {  	_ =	shalt  }
0x46: {  	_ =	shalt  }
0x47: {  	_ =	shalt  }
0x48: {  	_ =	shalt  }
0x49: {  	_ =	shalt  }
0x4a: {  	_ =	shalt  }
0x4b: {  	_ =	shalt  }
0x4c: {  	_ =	shalt  }
0x4d: {  	_ =	shalt  }
0x4e: {  	_ =	shalt  }
0x4f: {  	_ =	shalt  }
0x50: {  	_ =	shalt  }
0x51: {  	_ =	shalt  }
0x52: {  	_ =	shalt  }
0x53: {  	_ =	shalt  }
0x54: {  	_ =	shalt  }
0x55: {  	_ =	shalt  }
0x56: {  	_ =	shalt  }
0x57: {  	_ =	shalt  }
0x58: {  	_ =	shalt  }
0x59: {  	_ =	shalt  }
0x5a: {  	_ =	shalt  }
0x5b: {  	_ =	shalt  }
0x5c: {  	_ =	shalt  }
0x5d: {  	_ =	shalt  }
0x5e: {  	_ =	shalt  }
0x5f: {  	_ =	shalt  }
0x60: {  	_ =	shalt  }
0x61: {  	_ =	shalt  }
0x62: {  	_ =	shalt  }
0x63: {  	_ =	shalt  }
0x64: {  	_ =	shalt  }
0x65: {  	_ =	shalt  }
0x66: {  	_ =	shalt  }
0x67: {  	_ =	shalt  }
0x68: {  	_ =	shalt  }
0x69: {  	_ =	shalt  }
0x6a: {  	_ =	shalt  }
0x6b: {  	_ =	shalt  }
0x6c: {  	_ =	shalt  }
0x6d: {  	_ =	shalt  }
0x6e: {  	_ =	shalt  }
0x6f: {  	_ =	shalt  }
0x70: {  	_ =	shalt  }
0x71: {  	_ =	shalt  }
0x72: {  	_ =	shalt  }
0x73: {  	_ =	shalt  }
0x74: {  	_ =	shalt  }
0x75: {  	_ =	shalt  }
0x76: {  	_ =	shalt  }
0x77: {  	_ =	shalt  }
0x78: {  	_ =	shalt  }
0x79: {  	_ =	shalt  }
0x7a: {  	_ =	shalt  }
0x7b: {  	_ =	shalt  }
0x7c: {  	_ =	shalt  }
0x7d: {  	_ =	shalt  }
0x7e: {  	_ =	shalt  }
0x7f: {  	_ =	shalt  }
0x80: {  	_ =	shalt  }
0x81: {  	_ =	shalt  }
0x82: {  	_ =	shalt  }
0x83: {  	_ =	shalt  }
0x84: {  	_ =	shalt  }
0x85: {  	_ =	shalt  }
0x86: {  	_ =	shalt  }
0x87: {  	_ =	shalt  }
.Lfunc_end0:
.L_simem_size_0:
called_computation.3_lowered:
.L_overlay_start_0:
0x88: {  	s2 =	sld [smem:$0x3FD9]  }
0x89: {  	s3 =	sld [smem:$0x3FFE];
	_ =	sdelay $0x1  }
0x8a: {  	s1 =	srdreg.scid  }
0x8b: {  	s0 =	sand.u32 $0x1, s1  }
0x8c: {  	s16 =	sshll.u32 s0, $0xA;
	s2 =	sadd.s32 s3, s2  }
0x8d: {  	s2 =	sadd.s32 s2, s16  }
0x8e: {  	[smem:$0x3FBA] =	sst s2  }
0x8f: {  	_ = 	snop  }
0x90: {  	(tm) =	ssettm $0x1  }
0x91: {  	s17 =	sld [smem:$0x3FFB];
	_ =	sdelay $0x3  }
0x92: {  	_ =	strace s17  }
0x93: {  	s2 =	sld [smem:$0x3FFC];
	_ =	sdelay $0x3  }
0x94: {  	_ =	strace s2  }
0x95: {  	s2 =	sld [smem:$0x3FFD];
	_ =	sdelay $0x3  }
0x96: {  	_ =	strace s2  }
0x97: {  	_ =	strace $0x8FFFFFFF  }
0x98: {  	s18 =	sld [smem:$0x3FDB];
	_ =	sdelay $0x1  }
0x99: {  	s19 =	simm.s32 $_scs_section_size  }
0x9a: {  	s4 =	simm.s32 $_size__tile_overlayer_lowered;
	s5 =	simm.s32 $_tile_overlayer_lowered  }
0x9b: {  	s22 =	simm.s32 $0x1BFF;
	s21 =	sshll.u32 s5, $0x1;
	s2 =	sadd.s32 s19, s18  }
0x9c: {  	s6 =	simm.s32 $0x0;
	s20 =	sshll.u32 s4, $0x1;
	s4 =	sadd.s32 s21, s2  }
0x9d: {  	[timem:s6], [sflag:s22] =	dma.local [hbm:s4], s20  }
0x9e: {  	_ =	swait.ge [sflag:s22], s20  }
0x9f: {  	s3 =	ssub.s32 $0x0, s20;
	[sflag:s22] =	ssyncset.done $0x0  }
0xa0: {  	[sflag:s22] =	ssyncadd.s32 s3;
	_ =	sdelay $0x1  }
0xa1: {  	s23 =	simm.s32 $0x1B8B  }
0xa2: {  	_ =	swait.ge [sflag:s23], $0x1  }
0xa3: {  	[sflag:s23] =	ssyncset.done $0x0  }
0xa4: {  	s25 =	simm.s32 $0x1B8E;
	s24 =	sld [smem:$0x3FFE];
	[sflag:s23] =	ssyncadd.s32 $0xFFFFFFFF  }
0xa5: {  	s26 =	simm.s32 $execute0_lowered;
	[smem:$0x3FD2] =	sst s25  }
0xa6: {  	s4 =	sshll.u32 s26, $0x1;
	_ =	strace $0x8000004F;
	[dreg:$0x1] =	wrdreg $0xFFFFFFFF  }
0xa7: {  	s28 =	simm.s32 $_size_execute0_lowered;
	s2 =	sadd.s32 s2, s4;
	[dreg:$0x0] =	wrdreg $0x0  }
0xa8: {  	s4 =	sshll.u32 s28, $0x1;
	[dreg:$0x2] =	wrdreg s2  }
0xa9: {  	[dreg:$0x3] =	wrdreg s4  }
0xaa: {  	[dreg:$0x4] =	wrdreg $0xC0  }
0xab: {  	_ =	task [dreg:s6], $0x5FFFF  }
0xac: {  	[dreg:$0x1] =	wrdreg $0xFFFFFFFF  }
0xad: {  	[dreg:$0x0] =	wrdreg $0x60  }
0xae: {  	[dreg:$0x2] =	wrdreg s24  }
0xaf: {  	[dreg:$0x3] =	wrdreg $0xBB000  }
0xb0: {  	[dreg:$0x4] =	wrdreg $0x9  }
0xb1: {  	_ =	task.clear_ibuf [dreg:s6], $0x5FFFF;
	_ =	strace $0x9000004F  }
0xb2: {  	s29 =	simm.s32 $0x9;
	_ =	strace $0x80000051  }
0xb3: {  	_ =	swait.ge [sflag:s29], $0x1  }
0xb4: {  	[sflag:s29] =	ssyncadd.s32 $0xFFFFFFFF  }
0xb5: {  	_ =	strace $0x90000051  }
0xb6: {  	_ =	sfence  }
0xb7: {  	s30 =	sld [smem:$0x0];
	_ =	sdelay $0x2  }
0xb8: {  	s31 =	sshll.u32 s1, $0xD;
	s1 =	sshrl.u32 s1, $0x2  }
0xb9: {  	s3 =	sand.u32 $0x4000, s31;
	s1 =	sadd.s32 s1, s30  }
0xba: {  	s0 =	sor.u32 s3, s0;
	s1 =	sshll.u32 s1, $0x11  }
0xbb: {  	s0 =	sor.u32 s1, s0  }
0xbc: {  	s0 =	sadd.s32 $0x8F2B, s0  }
0xbd: {  	[sflag:s0] =	ssyncadd.remote.s32 $0x1  }
0xbe: {  	_ =	sfence.sel $0xFFFF  }
0xbf: {  	[dreg:$0x0] =	wrdreg $0xFFFFFFFF;
	(pc) =	sbr.abs _section_cstart, $3  }
0xc0: {  	[dreg:$0x1] =	wrdreg $0xFFFFFFFF  }
0xc1: {  	_ =	task.clear_ibuf [dreg:s6], $0x2FFFF;
	_ =	strace $0x9FFFFFFF  }
0xc2: {  	(tm) =	ssettm $0x7FFFFFFF  }
0xc3: {  	_ =	shalt  }
tec
execute0_lowered:
.L_overlay_start_1:
0x0: {  	(tag) =	ssettag $0x1  }
0x1: {  	s0 =	rddreg [dreg:$0x0]  }
0x2: {  	s2 =	rddreg [dreg:$0x1]  }
0x3: {  	s1 =	srdreg.scid;
	s7 =	stileid.u32  }
0x4: {  	s4 =	simm.s32 $0x0;
	s16 =	simm.s32 $0x4000;
	s17 =	simm.s32 $0x2  }
0x5: {  	s18 =	simm.s32 $0x7;
	s19 =	simm.s32 $0x50;
	s20 =	simm.s32 $0xB800  }
0x6: {  	s28 =	simm.s32 $0x5;
	s29 =	simm.s32 $0x8;
	s30 =	simm.s32 $0x0  }
0x7: {  	s1 =	sand.u32 $0x1, s1;
	s3 =	smul.u32 $0x2800, s7;
	[smem:$0x7FF] =	sst s4  }
0x8: {  	s4 =	sadd.s32 $0x13800, s0;
	s21 =	smul.u32 $0x50000, s7;
	s7 =	sshll.u32 s7, $0xC  }
0x9: {  	s5 =	smul.u32 $0x28000, s1;
	s6 =	sshll.u32 s1, $0xB;
	s1 =	ssub.s32 $0x2, s1  }
0xa: {  	_ =	strace $0x80000050;
	s6 =	sadd.s32 s6, s0;
	s22 =	sshrl.u32 s1, $0x1  }
0xb: {  	s3 =	sadd.s32 s3, s5;
	s5 =	sshrl.u32 s21, $0x2;
	s1 =	ssub.s32 s1, s22  }
0xc: {  	s23 =	sadd.s32 s7, s6;
	s21 =	simm.s32 $0xB900;
	s22 =	simm.s32 $0x6800  }
0xd: {  	s0 =	sadd.s32 s3, s0;
	s5 =	sadd.s32 s5, s2;
	s3 =	sadd.s32 $0x3800, s23  }
0xe: {  	s15 =	smax.u32 s1, $0x1;
	[dreg:$0x3] =	wrdreg s3;
	s24 =	sadd.s32 $0x2800, s5  }
0xf: {  	s23 =	simm.s32 $0x1;
	s25 =	sadd.s32 $0x5000, s5;
	[dreg:$0x4] =	wrdreg s24  }
0x10: {  	s26 =	sadd.s32 $0x7800, s5;
	s31 =	sadd.s32 $0xA000, s5;
	[dreg:$0x5] =	wrdreg s25  }
0x11: {  	s11 =	sadd.s32 $0xC800, s5;
	s12 =	sadd.s32 $0xF000, s5;
	[dreg:$0x6] =	wrdreg s26  }
0x12: {  	s13 =	sadd.s32 $0x11800, s5;
	s14 =	sadd.s32 $0x3AA00, s0;
	[dreg:$0x7] =	wrdreg s31  }
0x13: {  	v0 =	vimm.f32 $0.0e+00;
	s24 =	simm.s32 $0xB880;
	s25 =	simm.s32 $0xB980;
	s26 =	simm.s32 $0x4  }
.LBB2_1:
0x14: {  	s0 =	simm.s32 $0x0;
	s1 =	rddreg [dreg:$0x3]  }
0x15: {  	[tilespmem:s0], [sflag:$0x7] =	stream.linear.gather [hbm4b:s1+s0], $0x4000, $0x38;
	[tilespmem:$0x1FB00] =	vst v63  }
0x16: {  	s0 =	simm.s32 $0x0;
	s1 =	simm.s32 $0x200  }
.LBB2_2:
0x17: {  	p0 =	sne.s32 s1, $0x9E00;
	[tilespmem:s0+$0x4070] =	vst v0  }
0x18: {  	[tilespmem:s0+$0x4000] =	vst v0  }
0x19: {  	[tilespmem:s0+$0x4010] =	vst v0  }
.Ltmp0:
0x1a: {  	[tilespmem:s0+$0x4020] =	vst v0;
	(pc) =	sbr.rel @p0 .LBB2_2-.Ltmp0, $4  }
0x1b: {  	[tilespmem:s0+$0x4030] =	vst v0  }
0x1c: {  	[tilespmem:s0+$0x4040] =	vst v0  }
0x1d: {  	[tilespmem:s0+$0x4050] =	vst v0  }
0x1e: {  	[tilespmem:s0+$0x4060] =	vst v0;
	s0 =	sshra.s32 s1, $0x2;
	s1 =	sadd.s32 $0x200, s1  }
0x1f: {  	[tilespmem:s0+$0x4070] =	vst v0  }
0x20: {  	[tilespmem:s0+$0x4000] =	vst v0  }
0x21: {  	[tilespmem:s0+$0x4010] =	vst v0  }
0x22: {  	[tilespmem:s0+$0x4020] =	vst v0  }
0x23: {  	[tilespmem:s0+$0x4030] =	vst v0  }
0x24: {  	[tilespmem:s0+$0x4040] =	vst v0  }
0x25: {  	[tilespmem:s0+$0x4050] =	vst v0  }
0x26: {  	[tilespmem:s0+$0x4060] =	vst v0  }
0x27: {  	[spmem:s5] =	stream.linear.scatter [tilespmem:s16], [sflag:$0x2], $0x2800, $0x38;
	[tilespmem:$0x1FB00] =	vst v63  }
0x28: {  	s7 =	rddreg [dreg:$0x4]  }
0x29: {  	[spmem:s7] =	stream.linear.scatter [tilespmem:s16], [sflag:$0x2], $0x2800, $0x38;
	[tilespmem:$0x1FB00] =	vst v63  }
0x2a: {  	s8 =	rddreg [dreg:$0x5]  }
0x2b: {  	[spmem:s8] =	stream.linear.scatter [tilespmem:s16], [sflag:$0x2], $0x2800, $0x38;
	[tilespmem:$0x1FB00] =	vst v63  }
0x2c: {  	s9 =	rddreg [dreg:$0x6]  }
0x2d: {  	[spmem:s9] =	stream.linear.scatter [tilespmem:s16], [sflag:$0x2], $0x2800, $0x38;
	[tilespmem:$0x1FB00] =	vst v63  }
0x2e: {  	s10 =	rddreg [dreg:$0x7]  }
0x2f: {  	[spmem:s10] =	stream.linear.scatter [tilespmem:s16], [sflag:$0x2], $0x2800, $0x38;
	[tilespmem:$0x1FB00] =	vst v63  }
0x30: {  	_ = 	snop  }
0x31: {  	[spmem:s11] =	stream.linear.scatter [tilespmem:s16], [sflag:$0x2], $0x2800, $0x38;
	[tilespmem:$0x1FB00] =	vst v63  }
0x32: {  	_ = 	snop  }
0x33: {  	[spmem:s12] =	stream.linear.scatter [tilespmem:s16], [sflag:$0x2], $0x2800, $0x38;
	[tilespmem:$0x1FB00] =	vst v63  }
0x34: {  	_ = 	snop  }
0x35: {  	[spmem:s13] =	stream.linear.scatter [tilespmem:s16], [sflag:$0x2], $0x2800, $0x38;
	[tilespmem:$0x1FB00] =	vst v63  }
0x36: {  	_ =	swait.ge [sflag:s17], $0x2800  }
0x37: {  	[sflag:s17] =	ssyncset.done $0x0  }
0x38: {  	[sflag:s17] =	ssyncadd.s32 $0xFFFFD800  }
0x39: {  	_ =	swait.ge [sflag:s17], $0x2800  }
0x3a: {  	[sflag:s17] =	ssyncset.done $0x0  }
0x3b: {  	[sflag:s17] =	ssyncadd.s32 $0xFFFFD800  }
0x3c: {  	_ =	swait.ge [sflag:s17], $0x2800  }
0x3d: {  	[sflag:s17] =	ssyncset.done $0x0  }
0x3e: {  	[sflag:s17] =	ssyncadd.s32 $0xFFFFD800  }
0x3f: {  	_ =	swait.ge [sflag:s17], $0x2800  }
0x40: {  	[sflag:s17] =	ssyncset.done $0x0  }
0x41: {  	[sflag:s17] =	ssyncadd.s32 $0xFFFFD800  }
0x42: {  	_ =	swait.ge [sflag:s17], $0x2800  }
0x43: {  	[sflag:s17] =	ssyncset.done $0x0  }
0x44: {  	[sflag:s17] =	ssyncadd.s32 $0xFFFFD800  }
0x45: {  	_ =	swait.ge [sflag:s17], $0x2800  }
0x46: {  	[sflag:s17] =	ssyncset.done $0x0  }
0x47: {  	[sflag:s17] =	ssyncadd.s32 $0xFFFFD800  }
0x48: {  	_ =	swait.ge [sflag:s17], $0x2800  }
0x49: {  	[sflag:s17] =	ssyncset.done $0x0  }
0x4a: {  	[sflag:s17] =	ssyncadd.s32 $0xFFFFD800  }
0x4b: {  	_ =	swait.ge [sflag:s17], $0x2800  }
0x4c: {  	[sflag:s17] =	ssyncset.done $0x0  }
0x4d: {  	[sflag:s17] =	ssyncadd.s32 $0xFFFFD800  }
0x4e: {  	_ =	swait.ge [sflag:s18], $0x4000  }
0x4f: {  	[sflag:s18] =	ssyncset.done $0x0  }
0x50: {  	p0 =	por $0x1, $0x1;
	[sflag:s18] =	ssyncadd.s32 $0xFFFFC000  }
0x51: {  	s0 =	simm.s32 @!p0 $0x4;
	[bflag:$0x0] =	sbarrier.arrive $0xFFFF  }
0x52: {  	_ =	swait.ge @!p0 [sflag:s0], $0x2800  }
0x53: {  	[sflag:s0] =	ssyncset.done @!p0 $0x0  }
0x54: {  	s31 =	simm.s32 $0xA0;
	[sflag:s0] =	ssyncadd.s32 @!p0 $0xFFFFD800  }
0x55: {  	v1 =	vld [tilespmem:s31+$0xFFFFFF60];
	_ =	sdelay $0x4  }
0x56: {  	v2 =	vand.u32 $0x3FFF, v1  }
0x57: {  	v1 =	vshrl.u32 v1, $0xE;
	[tilespmem:$0xB800] =	vst v2  }
0x58: {  	[tilespmem:$0xB880] =	vst v1  }
0x59: {  	v1 =	vld [tilespmem:s31+$0xFFFFFF70];
	_ =	sdelay $0x4  }
0x5a: {  	v2 =	vand.u32 $0x3FFF, v1  }
0x5b: {  	v1 =	vshrl.u32 v1, $0xE;
	[tilespmem:$0xB810] =	vst v2  }
0x5c: {  	[tilespmem:$0xB890] =	vst v1  }
0x5d: {  	v1 =	vld [tilespmem:s31+$0xFFFFFF80];
	_ =	sdelay $0x4  }
0x5e: {  	v2 =	vand.u32 $0x3FFF, v1  }
0x5f: {  	v1 =	vshrl.u32 v1, $0xE;
	[tilespmem:$0xB820] =	vst v2  }
0x60: {  	[tilespmem:$0xB8A0] =	vst v1  }
0x61: {  	v1 =	vld [tilespmem:s31+$0xFFFFFF90];
	_ =	sdelay $0x4  }
0x62: {  	v2 =	vand.u32 $0x3FFF, v1  }
0x63: {  	v1 =	vshrl.u32 v1, $0xE;
	[tilespmem:$0xB830] =	vst v2  }
0x64: {  	[tilespmem:$0xB8B0] =	vst v1  }
0x65: {  	v1 =	vld [tilespmem:s31+$0xFFFFFFA0];
	_ =	sdelay $0x4  }
0x66: {  	v2 =	vand.u32 $0x3FFF, v1  }
0x67: {  	p0 =	por $0x1, $0x1;
	v1 =	vshrl.u32 v1, $0xE;
	[tilespmem:$0xB840] =	vst v2  }
0x68: {  	s0 =	simm.s32 @!p0 $0x3;
	[tilespmem:$0xB8C0] =	vst v1  }
0x69: {  	[tilespmem:s16], [sflag:$0x1] =	stream.indirect.gather [hbm4b:s4+s19], $0x80, s20, s19, $0xb8;
	[tilespmem:$0x1FB00] =	vst v63  }
0x6a: {  	p1 =	por @!p0 $0x1, $0x1;
	s1 =	simm.s32 @!p0 $0x9000;
	_ =	swait.ge @!p0 [sflag:s0], $0x2800  }
0x6b: {  	s3 =	simm.s32 @!p0 $0x50;
	p1 =	por p1, p0;
	[sflag:s0] =	ssyncset.done @!p0 $0x0  }
0x6c: {  	s6 =	simm.s32 @!p0 $0xBA80;
	s7 =	simm.s32 @!p1 $0x5;
	[sflag:s0] =	ssyncadd.s32 @!p0 $0xFFFFD800  }
0x6d: {  	[spmem:s2] =	stream.indirect.scatter.add.f32 @!p0 [tilespmem:s1], [sflag:$0x6], $0x80, s6, s3, $0xb8;
	[tilespmem:$0x1FB00] =	vst v63  }
0x6e: {  	_ =	swait.ge @!p1 [sflag:s7], $0x2800  }
0x6f: {  	[sflag:s7] =	ssyncset.done @!p1 $0x0  }
0x70: {  	[sflag:s7] =	ssyncadd.s32 @!p1 $0xFFFFD800  }
0x71: {  	v1 =	vld [tilespmem:s31+$0xFFFFFFE0];
	_ =	sdelay $0x4  }
0x72: {  	v2 =	vand.u32 $0x3FFF, v1  }
0x73: {  	v1 =	vshrl.u32 v1, $0xE;
	[tilespmem:$0xB900] =	vst v2  }
0x74: {  	[tilespmem:$0xB980] =	vst v1  }
0x75: {  	v1 =	vld [tilespmem:s31+$0xFFFFFFF0];
	_ =	sdelay $0x4  }
0x76: {  	v2 =	vand.u32 $0x3FFF, v1  }
0x77: {  	v1 =	vshrl.u32 v1, $0xE;
	[tilespmem:$0xB910] =	vst v2  }
0x78: {  	[tilespmem:$0xB990] =	vst v1  }
0x79: {  	v1 =	vld [tilespmem:s31+$0x0];
	_ =	sdelay $0x4  }
0x7a: {  	v2 =	vand.u32 $0x3FFF, v1  }
0x7b: {  	v1 =	vshrl.u32 v1, $0xE;
	[tilespmem:$0xB920] =	vst v2  }
0x7c: {  	[tilespmem:$0xB9A0] =	vst v1  }
0x7d: {  	v1 =	vld [tilespmem:s31+$0x10];
	_ =	sdelay $0x4  }
0x7e: {  	v2 =	vand.u32 $0x3FFF, v1  }
0x7f: {  	v1 =	vshrl.u32 v1, $0xE;
	[tilespmem:$0xB930] =	vst v2  }
0x80: {  	[tilespmem:$0xB9B0] =	vst v1  }
0x81: {  	v1 =	vld [tilespmem:s31+$0x20];
	_ =	sdelay $0x4  }
0x82: {  	v2 =	vand.u32 $0x3FFF, v1  }
0x83: {  	v1 =	vshrl.u32 v1, $0xE;
	[tilespmem:$0xB940] =	vst v2  }
0x84: {  	[tilespmem:$0xB9C0] =	vst v1  }
0x85: {  	[tilespmem:s22], [sflag:$0x2] =	stream.indirect.gather [hbm4b:s4+s19], $0x80, s21, s19, $0xb8;
	[tilespmem:$0x1FB00] =	vst v63  }
0x86: {  	_ =	swait.ge [sflag:s23], $0x2800  }
0x87: {  	[sflag:s23] =	ssyncset.done $0x0  }
0x88: {  	s0 =	simm.s32 @!p0 $0x6;
	[sflag:s23] =	ssyncadd.s32 $0xFFFFD800  }
0x89: {  	[spmem:s2] =	stream.indirect.scatter.add.f32 [tilespmem:s16], [sflag:$0x4], $0x80, s24, s19, $0xb8;
	[tilespmem:$0x1FB00] =	vst v63  }
0x8a: {  	_ =	swait.ge @!p0 [sflag:s0], $0x2800  }
0x8b: {  	[sflag:s0] =	ssyncset.done @!p0 $0x0  }
0x8c: {  	p1 =	por $0x0, $0x0;
	[sflag:s0] =	ssyncadd.s32 @!p0 $0xFFFFD800  }
0x8d: {  	v1 =	vld @!p1 [tilespmem:s31+$0x60];
	_ =	sdelay $0x4  }
0x8e: {  	v2 =	vand.u32 @!p1 $0x3FFF, v1  }
0x8f: {  	v1 =	vshrl.u32 @!p1 v1, $0xE;
	[tilespmem:$0xBA00] =	vst @!p1 v2  }
0x90: {  	[tilespmem:$0xBA80] =	vst @!p1 v1  }
0x91: {  	v1 =	vld @!p1 [tilespmem:s31+$0x70];
	_ =	sdelay $0x4  }
0x92: {  	v2 =	vand.u32 @!p1 $0x3FFF, v1  }
0x93: {  	v1 =	vshrl.u32 @!p1 v1, $0xE;
	[tilespmem:$0xBA10] =	vst @!p1 v2  }
0x94: {  	[tilespmem:$0xBA90] =	vst @!p1 v1  }
0x95: {  	s3 =	simm.s32 $0x0;
	s0 =	simm.s32 $0xA0;
	v1 =	vld @!p1 [tilespmem:s31+$0x80]  }
.LBB2_4:
0x96: {  	_ =	sdelay $0x2  }
0x97: {  	s31 =	sadd.s32 $0x180, s31;
	s1 =	smov.u32 s3;
	s3 =	sadd.s32 $0x3, s3  }
0x98: {  	p0 =	sne.s32 s3, $0x7B;
	v2 =	vand.u32 @!p1 $0x3FFF, v1;
	v1 =	vshrl.u32 @!p1 v1, $0xE  }
0x99: {  	[tilespmem:$0xBA20] =	vst @!p1 v2  }
0x9a: {  	[tilespmem:$0xBAA0] =	vst @!p1 v1  }
0x9b: {  	v1 =	vld @!p1 [tilespmem:s0+$0x90];
	_ =	sdelay $0x4  }
0x9c: {  	v2 =	vand.u32 @!p1 $0x3FFF, v1;
	v1 =	vshrl.u32 @!p1 v1, $0xE  }
0x9d: {  	[tilespmem:$0xBA30] =	vst @!p1 v2  }
0x9e: {  	[tilespmem:$0xBAB0] =	vst @!p1 v1  }
0x9f: {  	v1 =	vld @!p1 [tilespmem:s0+$0xA0];
	s0 =	smov.u32 s31;
	_ =	sdelay $0x1  }
0xa0: {  	p2 =	sgt.u32 s1, $0x7C  }
0xa1: {  	s6 =	simm.s32 @!p2 $0x4;
	_ =	sdelay $0x1  }
0xa2: {  	v2 =	vand.u32 @!p1 $0x3FFF, v1;
	v1 =	vshrl.u32 @!p1 v1, $0xE  }
0xa3: {  	s7 =	simm.s32 @!p1 $0x50;
	s8 =	simm.s32 @!p1 $0xBA00;
	s9 =	simm.s32 @!p1 $0x9000;
	[tilespmem:$0xBA40] =	vst @!p1 v2  }
0xa4: {  	[tilespmem:$0xBAC0] =	vst @!p1 v1  }
0xa5: {  	[tilespmem:s9], [sflag:$0x3] =	stream.indirect.gather @!p1 [hbm4b:s4+s7], $0x80, s8, s7, $0xb8;
	[tilespmem:$0x1FB00] =	vst v63  }
0xa6: {  	_ =	swait.ge [sflag:s17], $0x2800  }
0xa7: {  	[sflag:s17] =	ssyncset.done $0x0  }
0xa8: {  	[sflag:s17] =	ssyncadd.s32 $0xFFFFD800  }
0xa9: {  	[spmem:s2] =	stream.indirect.scatter.add.f32 [tilespmem:s22], [sflag:$0x5], $0x80, s25, s19, $0xb8;
	[tilespmem:$0x1FB00] =	vst v63  }
0xaa: {  	_ =	swait.ge @!p2 [sflag:s6], $0x2800  }
0xab: {  	[sflag:s6] =	ssyncset.done @!p2 $0x0  }
0xac: {  	[sflag:s6] =	ssyncadd.s32 @!p2 $0xFFFFD800  }
0xad: {  	v1 =	vld [tilespmem:s31+$0xFFFFFF60];
	_ =	sdelay $0x4  }
0xae: {  	v2 =	vand.u32 $0x3FFF, v1;
	v1 =	vshrl.u32 v1, $0xE  }
0xaf: {  	[tilespmem:$0xB800] =	vst v2  }
0xb0: {  	[tilespmem:$0xB880] =	vst v1  }
0xb1: {  	v1 =	vld [tilespmem:s31+$0xFFFFFF70];
	_ =	sdelay $0x4  }
0xb2: {  	v2 =	vand.u32 $0x3FFF, v1;
	v1 =	vshrl.u32 v1, $0xE  }
0xb3: {  	[tilespmem:$0xB810] =	vst v2  }
0xb4: {  	[tilespmem:$0xB890] =	vst v1  }
0xb5: {  	v1 =	vld [tilespmem:s31+$0xFFFFFF80];
	_ =	sdelay $0x4  }
0xb6: {  	v2 =	vand.u32 $0x3FFF, v1;
	v1 =	vshrl.u32 v1, $0xE  }
0xb7: {  	[tilespmem:$0xB820] =	vst v2  }
0xb8: {  	[tilespmem:$0xB8A0] =	vst v1  }
0xb9: {  	v1 =	vld [tilespmem:s31+$0xFFFFFF90];
	_ =	sdelay $0x4  }
0xba: {  	v2 =	vand.u32 $0x3FFF, v1;
	v1 =	vshrl.u32 v1, $0xE  }
0xbb: {  	s6 =	sadd.s32 $0x2, s1;
	[tilespmem:$0xB830] =	vst v2  }
0xbc: {  	p1 =	sgt.u32 s6, $0x7C;
	[tilespmem:$0xB8B0] =	vst v1  }
0xbd: {  	s6 =	simm.s32 @!p1 $0x3;
	s7 =	sadd.s32 @!p1 $0x1, s1;
	v1 =	vld [tilespmem:s31+$0xFFFFFFA0]  }
0xbe: {  	p2 =	sgt.u32 @!p1 s7, $0x7C  }
0xbf: {  	p2 =	por p2, p1;
	_ =	sdelay $0x2  }
0xc0: {  	s7 =	simm.s32 @!p1 $0x9000;
	v2 =	vand.u32 $0x3FFF, v1;
	v1 =	vshrl.u32 v1, $0xE  }
0xc1: {  	s8 =	simm.s32 @!p1 $0x50;
	s9 =	simm.s32 @!p1 $0xBA80;
	s10 =	simm.s32 @!p2 $0x5;
	[tilespmem:$0xB840] =	vst v2  }
0xc2: {  	[tilespmem:$0xB8C0] =	vst v1  }
0xc3: {  	[tilespmem:s16], [sflag:$0x1] =	stream.indirect.gather [hbm4b:s4+s19], $0x80, s20, s19, $0xb8;
	[tilespmem:$0x1FB00] =	vst v63  }
0xc4: {  	_ =	swait.ge @!p1 [sflag:s6], $0x2800  }
0xc5: {  	[sflag:s6] =	ssyncset.done @!p1 $0x0  }
0xc6: {  	[sflag:s6] =	ssyncadd.s32 @!p1 $0xFFFFD800  }
0xc7: {  	[spmem:s2] =	stream.indirect.scatter.add.f32 @!p1 [tilespmem:s7], [sflag:$0x6], $0x80, s9, s8, $0xb8;
	[tilespmem:$0x1FB00] =	vst v63  }
0xc8: {  	_ =	swait.ge @!p2 [sflag:s10], $0x2800  }
0xc9: {  	[sflag:s10] =	ssyncset.done @!p2 $0x0  }
0xca: {  	[sflag:s10] =	ssyncadd.s32 @!p2 $0xFFFFD800  }
0xcb: {  	v1 =	vld [tilespmem:s31+$0xFFFFFFE0];
	_ =	sdelay $0x4  }
0xcc: {  	v2 =	vand.u32 $0x3FFF, v1;
	v1 =	vshrl.u32 v1, $0xE  }
0xcd: {  	[tilespmem:$0xB900] =	vst v2  }
0xce: {  	[tilespmem:$0xB980] =	vst v1  }
0xcf: {  	v1 =	vld [tilespmem:s31+$0xFFFFFFF0];
	_ =	sdelay $0x4  }
0xd0: {  	v2 =	vand.u32 $0x3FFF, v1;
	v1 =	vshrl.u32 v1, $0xE  }
0xd1: {  	[tilespmem:$0xB910] =	vst v2  }
0xd2: {  	[tilespmem:$0xB990] =	vst v1  }
0xd3: {  	v1 =	vld [tilespmem:s31+$0x0];
	_ =	sdelay $0x4  }
0xd4: {  	v2 =	vand.u32 $0x3FFF, v1;
	v1 =	vshrl.u32 v1, $0xE  }
0xd5: {  	[tilespmem:$0xB920] =	vst v2  }
0xd6: {  	[tilespmem:$0xB9A0] =	vst v1  }
0xd7: {  	v1 =	vld [tilespmem:s31+$0x10];
	_ =	sdelay $0x4  }
0xd8: {  	v2 =	vand.u32 $0x3FFF, v1;
	v1 =	vshrl.u32 v1, $0xE  }
0xd9: {  	[tilespmem:$0xB930] =	vst v2  }
0xda: {  	[tilespmem:$0xB9B0] =	vst v1  }
0xdb: {  	v1 =	vld [tilespmem:s31+$0x20];
	_ =	sdelay $0x4  }
0xdc: {  	v2 =	vand.u32 $0x3FFF, v1;
	v1 =	vshrl.u32 v1, $0xE  }
0xdd: {  	[tilespmem:$0xB940] =	vst v2  }
0xde: {  	[tilespmem:$0xB9C0] =	vst v1  }
0xdf: {  	[tilespmem:s22], [sflag:$0x2] =	stream.indirect.gather [hbm4b:s4+s19], $0x80, s21, s19, $0xb8;
	[tilespmem:$0x1FB00] =	vst v63  }
0xe0: {  	_ =	swait.ge [sflag:s23], $0x2800  }
0xe1: {  	[sflag:s23] =	ssyncset.done $0x0  }
0xe2: {  	s6 =	simm.s32 @!p1 $0x6;
	[sflag:s23] =	ssyncadd.s32 $0xFFFFD800  }
0xe3: {  	[spmem:s2] =	stream.indirect.scatter.add.f32 [tilespmem:s16], [sflag:$0x4], $0x80, s24, s19, $0xb8;
	[tilespmem:$0x1FB00] =	vst v63  }
0xe4: {  	_ =	swait.ge @!p1 [sflag:s6], $0x2800  }
0xe5: {  	[sflag:s6] =	ssyncset.done @!p1 $0x0  }
0xe6: {  	[sflag:s6] =	ssyncadd.s32 @!p1 $0xFFFFD800;
	p1 =	seq.s32 s1, $0x78  }
0xe7: {  	v1 =	vld @!p1 [tilespmem:s31+$0x60];
	_ =	sdelay $0x4  }
0xe8: {  	v2 =	vand.u32 @!p1 $0x3FFF, v1;
	v1 =	vshrl.u32 @!p1 v1, $0xE  }
0xe9: {  	[tilespmem:$0xBA00] =	vst @!p1 v2  }
0xea: {  	[tilespmem:$0xBA80] =	vst @!p1 v1  }
0xeb: {  	v1 =	vld @!p1 [tilespmem:s31+$0x70];
	_ =	sdelay $0x3  }
.Ltmp1:
0xec: {  	(pc) =	sbr.rel @p0 .LBB2_4-.Ltmp1, $4  }
0xed: {  	v2 =	vand.u32 @!p1 $0x3FFF, v1;
	v1 =	vshrl.u32 @!p1 v1, $0xE  }
0xee: {  	[tilespmem:$0xBA10] =	vst @!p1 v2  }
0xef: {  	[tilespmem:$0xBA90] =	vst @!p1 v1  }
0xf0: {  	v1 =	vld @!p1 [tilespmem:s31+$0x80]  }
0xf1: {  	_ =	sdelay $0x3  }
0xf2: {  	v2 =	vand.u32 @!p1 $0x3FFF, v1  }
0xf3: {  	v1 =	vshrl.u32 @!p1 v1, $0xE;
	[tilespmem:$0xBA20] =	vst @!p1 v2  }
0xf4: {  	[tilespmem:$0xBAA0] =	vst @!p1 v1  }
0xf5: {  	v1 =	vld @!p1 [tilespmem:s0+$0x90];
	_ =	sdelay $0x4  }
0xf6: {  	v2 =	vand.u32 @!p1 $0x3FFF, v1  }
0xf7: {  	v1 =	vshrl.u32 @!p1 v1, $0xE;
	[tilespmem:$0xBA30] =	vst @!p1 v2  }
0xf8: {  	[tilespmem:$0xBAB0] =	vst @!p1 v1  }
0xf9: {  	v1 =	vld @!p1 [tilespmem:s0+$0xA0];
	_ =	sdelay $0x4  }
0xfa: {  	v2 =	vand.u32 @!p1 $0x3FFF, v1  }
0xfb: {  	v1 =	vshrl.u32 @!p1 v1, $0xE;
	[tilespmem:$0xBA40] =	vst @!p1 v2  }
0xfc: {  	s1 =	simm.s32 @!p1 $0xBA00;
	s3 =	simm.s32 @!p1 $0x9000;
	s0 =	simm.s32 @!p1 $0x50;
	[tilespmem:$0xBAC0] =	vst @!p1 v1  }
0xfd: {  	[tilespmem:s3], [sflag:$0x3] =	stream.indirect.gather @!p1 [hbm4b:s4+s0], $0x80, s1, s0, $0xb8;
	[tilespmem:$0x1FB00] =	vst v63  }
0xfe: {  	_ =	swait.ge [sflag:s17], $0x2800  }
0xff: {  	[sflag:s17] =	ssyncset.done $0x0  }
0x100: {  	[sflag:s17] =	ssyncadd.s32 $0xFFFFD800  }
0x101: {  	[spmem:s2] =	stream.indirect.scatter.add.f32 [tilespmem:s22], [sflag:$0x5], $0x80, s25, s19, $0xb8;
	[tilespmem:$0x1FB00] =	vst v63  }
0x102: {  	_ =	swait.ge [sflag:s26], $0x2800  }
0x103: {  	[sflag:s26] =	ssyncset.done $0x0  }
0x104: {  	[sflag:s26] =	ssyncadd.s32 $0xFFFFD800  }
0x105: {  	s10 =	stileid.u32;
	_ =	swait.ge [sflag:s28], $0x2800  }
0x106: {  	s31 =	sshrl.u32 s5, $0x3;
	s30 =	sadd.s32 $0x1, s30;
	[sflag:s28] =	ssyncset.done $0x0  }
0x107: {  	p0 =	sne.s32 s30, s15;
	s0 =	sshll.u32 s10, $0x6;
	[sflag:s28] =	ssyncadd.s32 $0xFFFFD800  }
.Ltmp2:
0x108: {  	s0 =	sor.u32 $0x1C08, s0;
	[bflag:$0x0] =	sbarrier.arrive $0xFFFF;
	(pc) =	sbr.rel @p0 .LBB2_1-.Ltmp2, $4  }
0x109: {  	[hbm:s14], [sflag:s0] =	dma.local [spmem:s31], $0x2800  }
0x10a: {  	_ =	swait.ge [sflag:s29], $0x2800  }
0x10b: {  	[sflag:s29] =	ssyncset.done $0x0  }
0x10c: {  	[sflag:s29] =	ssyncadd.s32 $0xFFFFD800  }
0x10d: {  	_ =	sfence.sel $0x180000  }
0x10e: {  	[bflag:$0x0] =	sbarrier.arrive $0xFFFF  }
0x10f: {  	_ =	strace $0x90000050  }
0x110: {  	s0 =	stileid.u32;
	[bflag:$0x2] =	sbarrier.arrive $0xFFFF  }
0x111: {  	p0 =	sne.s32 s0, $0x0;
	s0 =	rddreg [dreg:$0x2]  }
0x112: {  	s0 =	sadd.s32 @!p0 $0x100000, s0  }
0x113: {  	[sflag:s0] =	ssyncadd.tile.s32 @!p0 $0x1;
	_ =	shalt  }
.Lfunc_end2:
_tile_overlayer_lowered:
.L_overlay_start_2:
0x114: {  	(tag) =	ssettag $0x2  }
0x115: {  	s0 =	rddreg [dreg:$0x0];
	s2 =	stileid.u32  }
0x116: {  	s1 =	rddreg [dreg:$0x1];
	p0 =	sne.s32 s2, $0x0  }
0x117: {  	s3 =	rddreg [dreg:$0x2];
	[bflag:$0x3] =	sbarrier.arrive $0xFFFF;
	s2 =	simm.s32 @!p0 $0x1C08  }
0x118: {  	[timem:s3], [sflag:s2] =	dma.local @!p0 [hbm:s0], s1  }
0x119: {  	s0 =	simm.s32 @!p0 $0x8  }
0x11a: {  	_ =	swait.ge @!p0 [sflag:s0], s1  }
0x11b: {  	s1 =	ssub.s32 @!p0 $0x0, s1;
	[sflag:s0] =	ssyncset.done @!p0 $0x0  }
0x11c: {  	[sflag:s0] =	ssyncadd.s32 @!p0 s1  }
0x11d: {  	[bflag:$0x3] =	sbarrier.arrive $0xFFFF  }
0x11e: {  	_ =	shalt  }

// kernel: kernel.23.cloned.1.call-start
scs
__scs_entry_jumppad:
0x0: {  	(pc) =	sbr.rel $0x88, $3  }
0x1: {  	(tag) =	ssettag $0x0;
	lr =	simm.s32 $0x1  }
0x2: {  	[smem:$0x3F93] =	sst lr;
	_ =	strace $0xD0000000  }
0x3: {  	_ = 	snop  }
0x4: {  	_ = 	snop  }
0x5: {  	_ = 	snop  }
0x6: {  	_ = 	snop  }
0x7: {  	_ = 	snop  }
__scs_overlays_trampoline_lowered:
0x8: {  	[smem:$0x3FA2] =	sst s0  }
0x9: {  	[smem:$0x3FA3] =	sst s1  }
0xa: {  	[smem:$0x3FA4] =	sst s2  }
0xb: {  	[smem:$0x3FA5] =	sst s3  }
0xc: {  	[smem:$0x3FA6] =	sst s4  }
0xd: {  	[smem:$0x3FA7] =	sst s5  }
0xe: {  	[smem:$0x3FA8] =	sst s6  }
0xf: {  	[smem:$0x3FA9] =	sst s7  }
0x10: {  	[smem:$0x3FAA] =	sst s8  }
0x11: {  	[smem:$0x3FAB] =	sst s9;
	s0 =	simm.s32 @!p0 $0x0  }
0x12: {  	s1 =	sld [smem:$0x3F91];
	s0 =	simm.s32 @p0 $0x1  }
0x13: {  	[smem:$0x3FAC] =	sst s0;
	s0 =	simm.s32 @!p1 $0x0  }
0x14: {  	s2 =	sld [smem:$0x3F90];
	s0 =	simm.s32 @p1 $0x1  }
0x15: {  	[smem:$0x3FAD] =	sst s0;
	s0 =	simm.s32 @!p2 $0x0  }
0x16: {  	s3 =	sld [smem:$0x3FDB];
	s0 =	simm.s32 @p2 $0x1  }
0x17: {  	s4 =	simm.s32 $0x1BF5;
	[smem:$0x3FAF] =	sst s0  }
0x18: {  	s0 =	sld [smem:$0x3F92];
	_ =	swait.ge [sflag:s4], $0x0  }
0x19: {  	s7 =	sld [smem:$0x3F93]  }
0x1a: {  	s8 =	sadd.s32 $0xFFFFE003, lr  }
0x1b: {  	s9 =	sadd.s32 $0xFFFFFEF7, lr;
	s5 =	simm.s32 $0xFFFFFFFF;
	p2 =	slt.u32 s8, $0xFFFFF086  }
0x1c: {  	p1 =	slt.u32 s9, $0xF7A;
	s5 =	simm.s32 @!p2 $0x0  }
0x1d: {  	s5 =	simm.s32 @p1 $0x1;
	p0 =	seq.s32 s7, s2  }
0x1e: {  	s7 =	smul.u32 @!p0 $0xF7A, s2;
	p2 =	seq.s32 @!p0 s5, $0x0  }
0x1f: {  	s9 =	smul.u32 $0xF7A, s1;
	s8 =	simm.s32 @!p0 $0x1BF5;
	p2 =	por !p2, p0  }
0x20: {  	[sflag:s8] =	ssyncset.s32 @!p0 $0xFFFFF086;
	s6 =	sadd.s32 @!p0 s3, s7;
	s7 =	simm.s32 @!p0 $0x108  }
0x21: {  	s3 =	sadd.s32 s3, s9;
	s6 =	sadd.s32 @!p0 $0x88, s6;
	s7 =	simm.s32 @p2 $0x1082  }
0x22: {  	[simem:s7], [sflag:s8] =	dma.local @!p0 [hbm:s6], $0xF7A  }
0x23: {  	s9 =	sor.u32 $0xD0000000, s2;
	s6 =	simm.s32 $0x108;
	_ =	swait.ge @!p0 [sflag:s8], $0x0  }
0x24: {  	s3 =	sadd.s32 $0x88, s3;
	s6 =	simm.s32 @!p1 $0x1082;
	[sflag:s4] =	ssyncset.s32 $0xFFFFF086  }
0x25: {  	[simem:s6], [sflag:s4] =	dma.local [hbm:s3], $0xF7A  }
0x26: {  	[smem:$0x3F93] =	sst s1;
	(tag) =	ssettag s2;
	_ =	strace s9  }
0x27: {  	s1 =	sld [smem:$0x3FA3]  }
0x28: {  	s2 =	sld [smem:$0x3FA4]  }
0x29: {  	s4 =	sld [smem:$0x3FA6]  }
0x2a: {  	p0 =	seq.s32 s5, $0x0;
	s5 =	sld [smem:$0x3FA7]  }
0x2b: {  	s6 =	sld [smem:$0x3FA8]  }
0x2c: {  	s7 =	sld [smem:$0x3FA9]  }
0x2d: {  	s3 =	simm.s32 $0x108;
	s8 =	sld [smem:$0x3FAA]  }
0x2e: {  	s3 =	simm.s32 @!p0 $0x1082;
	s9 =	sld [smem:$0x3FAB]  }
0x2f: {  	lr =	sadd.s32 s0, s3;
	s0 =	sld [smem:$0x3FA2]  }
0x30: {  	s3 =	sld [smem:$0x3FA5]  }
0x31: {  	[smem:$0x3FAE] =	sst s10  }
0x32: {  	s10 =	sld [smem:$0x3FAC];
	_ =	sdelay $0x3  }
0x33: {  	p0 =	seq.s32 s10, $0x1;
	s10 =	sld [smem:$0x3FAE];
	_ =	sdelay $0x3  }
0x34: {  	[smem:$0x3FAE] =	sst s10  }
0x35: {  	s10 =	sld [smem:$0x3FAD];
	_ =	sdelay $0x3  }
0x36: {  	p1 =	seq.s32 s10, $0x1;
	s10 =	sld [smem:$0x3FAE];
	_ =	sdelay $0x3  }
0x37: {  	[smem:$0x3FAE] =	sst s10  }
0x38: {  	s10 =	sld [smem:$0x3FAF]  }
0x39: {  	_ = 	snop;
	(pc) =	sbr.ind lr, $3  }
0x3a: {  	_ = 	snop  }
0x3b: {  	_ = 	snop  }
0x3c: {  	p2 =	seq.s32 s10, $0x1;
	s10 =	sld [smem:$0x3FAE]  }
0x3d: {  	_ =	shalt  }
0x3e: {  	_ =	shalt  }
0x3f: {  	_ =	shalt  }
0x40: {  	_ =	shalt  }
0x41: {  	_ =	shalt  }
0x42: {  	_ =	shalt  }
0x43: {  	_ =	shalt  }
0x44: {  	_ =	shalt  }
0x45: {  	_ =	shalt  }
0x46: {  	_ =	shalt  }
0x47: {  	_ =	shalt  }
0x48: {  	_ =	shalt  }
0x49: {  	_ =	shalt  }
0x4a: {  	_ =	shalt  }
0x4b: {  	_ =	shalt  }
0x4c: {  	_ =	shalt  }
0x4d: {  	_ =	shalt  }
0x4e: {  	_ =	shalt  }
0x4f: {  	_ =	shalt  }
0x50: {  	_ =	shalt  }
0x51: {  	_ =	shalt  }
0x52: {  	_ =	shalt  }
0x53: {  	_ =	shalt  }
0x54: {  	_ =	shalt  }
0x55: {  	_ =	shalt  }
0x56: {  	_ =	shalt  }
0x57: {  	_ =	shalt  }
0x58: {  	_ =	shalt  }
0x59: {  	_ =	shalt  }
0x5a: {  	_ =	shalt  }
0x5b: {  	_ =	shalt  }
0x5c: {  	_ =	shalt  }
0x5d: {  	_ =	shalt  }
0x5e: {  	_ =	shalt  }
0x5f: {  	_ =	shalt  }
0x60: {  	_ =	shalt  }
0x61: {  	_ =	shalt  }
0x62: {  	_ =	shalt  }
0x63: {  	_ =	shalt  }
0x64: {  	_ =	shalt  }
0x65: {  	_ =	shalt  }
0x66: {  	_ =	shalt  }
0x67: {  	_ =	shalt  }
0x68: {  	_ =	shalt  }
0x69: {  	_ =	shalt  }
0x6a: {  	_ =	shalt  }
0x6b: {  	_ =	shalt  }
0x6c: {  	_ =	shalt  }
0x6d: {  	_ =	shalt  }
0x6e: {  	_ =	shalt  }
0x6f: {  	_ =	shalt  }
0x70: {  	_ =	shalt  }
0x71: {  	_ =	shalt  }
0x72: {  	_ =	shalt  }
0x73: {  	_ =	shalt  }
0x74: {  	_ =	shalt  }
0x75: {  	_ =	shalt  }
0x76: {  	_ =	shalt  }
0x77: {  	_ =	shalt  }
0x78: {  	_ =	shalt  }
0x79: {  	_ =	shalt  }
0x7a: {  	_ =	shalt  }
0x7b: {  	_ =	shalt  }
0x7c: {  	_ =	shalt  }
0x7d: {  	_ =	shalt  }
0x7e: {  	_ =	shalt  }
0x7f: {  	_ =	shalt  }
0x80: {  	_ =	shalt  }
0x81: {  	_ =	shalt  }
0x82: {  	_ =	shalt  }
0x83: {  	_ =	shalt  }
0x84: {  	_ =	shalt  }
0x85: {  	_ =	shalt  }
0x86: {  	_ =	shalt  }
0x87: {  	_ =	shalt  }
.Lfunc_end0:
.L_simem_size_0:
called_computation.4_lowered:
.L_overlay_start_0:
0x88: {  	s2 =	sld [smem:$0x3FD9]  }
0x89: {  	s3 =	sld [smem:$0x3FFE];
	_ =	sdelay $0x1  }
0x8a: {  	s1 =	srdreg.scid  }
0x8b: {  	s0 =	sand.u32 $0x1, s1  }
0x8c: {  	s16 =	sshll.u32 s0, $0xA;
	s2 =	sadd.s32 s3, s2  }
0x8d: {  	s2 =	sadd.s32 s2, s16  }
0x8e: {  	[smem:$0x3FBA] =	sst s2  }
0x8f: {  	_ = 	snop  }
0x90: {  	(tm) =	ssettm $0x1  }
0x91: {  	s17 =	sld [smem:$0x3FFB];
	_ =	sdelay $0x3  }
0x92: {  	_ =	strace s17  }
0x93: {  	s2 =	sld [smem:$0x3FFC];
	_ =	sdelay $0x3  }
0x94: {  	_ =	strace s2  }
0x95: {  	s2 =	sld [smem:$0x3FFD];
	_ =	sdelay $0x3  }
0x96: {  	_ =	strace s2  }
0x97: {  	_ =	strace $0x8FFFFFFF  }
0x98: {  	s18 =	sld [smem:$0x3FDB];
	_ =	sdelay $0x1  }
0x99: {  	s19 =	simm.s32 $_scs_section_size  }
0x9a: {  	s4 =	simm.s32 $_size__tile_overlayer_lowered;
	s5 =	simm.s32 $_tile_overlayer_lowered  }
0x9b: {  	s22 =	simm.s32 $0x1BFF;
	s21 =	sshll.u32 s5, $0x1;
	s2 =	sadd.s32 s19, s18  }
0x9c: {  	s6 =	simm.s32 $0x0;
	s20 =	sshll.u32 s4, $0x1;
	s4 =	sadd.s32 s21, s2  }
0x9d: {  	[timem:s6], [sflag:s22] =	dma.local [hbm:s4], s20  }
0x9e: {  	_ =	swait.ge [sflag:s22], s20  }
0x9f: {  	s3 =	ssub.s32 $0x0, s20;
	[sflag:s22] =	ssyncset.done $0x0  }
0xa0: {  	[sflag:s22] =	ssyncadd.s32 s3;
	_ =	sdelay $0x1  }
0xa1: {  	s23 =	simm.s32 $0x1B8B  }
0xa2: {  	_ =	swait.ge [sflag:s23], $0x1  }
0xa3: {  	[sflag:s23] =	ssyncset.done $0x0  }
0xa4: {  	s25 =	simm.s32 $0x1B8E;
	s24 =	sld [smem:$0x3FFE];
	[sflag:s23] =	ssyncadd.s32 $0xFFFFFFFF  }
0xa5: {  	s26 =	simm.s32 $execute0_lowered;
	[smem:$0x3FD2] =	sst s25  }
0xa6: {  	s4 =	sshll.u32 s26, $0x1;
	_ =	strace $0x80000052;
	[dreg:$0x1] =	wrdreg $0xFFFFFFFF  }
0xa7: {  	s28 =	simm.s32 $_size_execute0_lowered;
	s2 =	sadd.s32 s2, s4;
	[dreg:$0x0] =	wrdreg $0x0  }
0xa8: {  	s4 =	sshll.u32 s28, $0x1;
	[dreg:$0x2] =	wrdreg s2  }
0xa9: {  	[dreg:$0x3] =	wrdreg s4  }
0xaa: {  	[dreg:$0x4] =	wrdreg $0xC0  }
0xab: {  	_ =	task [dreg:s6], $0x5FFFF  }
0xac: {  	[dreg:$0x1] =	wrdreg $0xFFFFFFFF  }
0xad: {  	[dreg:$0x0] =	wrdreg $0x60  }
0xae: {  	[dreg:$0x2] =	wrdreg s24  }
0xaf: {  	[dreg:$0x3] =	wrdreg $0xBB000  }
0xb0: {  	[dreg:$0x4] =	wrdreg $0x9  }
0xb1: {  	_ =	task.clear_ibuf [dreg:s6], $0x5FFFF;
	_ =	strace $0x90000052  }
0xb2: {  	s29 =	simm.s32 $0x9;
	_ =	strace $0x80000054  }
0xb3: {  	_ =	swait.ge [sflag:s29], $0x1  }
0xb4: {  	[sflag:s29] =	ssyncadd.s32 $0xFFFFFFFF  }
0xb5: {  	_ =	strace $0x90000054  }
0xb6: {  	_ =	sfence  }
0xb7: {  	s30 =	sld [smem:$0x0];
	_ =	sdelay $0x2  }
0xb8: {  	s31 =	sshll.u32 s1, $0xD;
	s1 =	sshrl.u32 s1, $0x2  }
0xb9: {  	s3 =	sand.u32 $0x4000, s31;
	s1 =	sadd.s32 s1, s30  }
0xba: {  	s0 =	sor.u32 s3, s0;
	s1 =	sshll.u32 s1, $0x11  }
0xbb: {  	s0 =	sor.u32 s1, s0  }
0xbc: {  	s0 =	sadd.s32 $0x8F2B, s0  }
0xbd: {  	[sflag:s0] =	ssyncadd.remote.s32 $0x1  }
0xbe: {  	_ =	sfence.sel $0xFFFF  }
0xbf: {  	[dreg:$0x0] =	wrdreg $0xFFFFFFFF;
	(pc) =	sbr.abs _section_cstart, $3  }
0xc0: {  	[dreg:$0x1] =	wrdreg $0xFFFFFFFF  }
0xc1: {  	_ =	task.clear_ibuf [dreg:s6], $0x2FFFF;
	_ =	strace $0x9FFFFFFF  }
0xc2: {  	(tm) =	ssettm $0x7FFFFFFF  }
0xc3: {  	_ =	shalt  }
tec
execute0_lowered:
.L_overlay_start_1:
0x0: {  	(tag) =	ssettag $0x1  }
0x1: {  	s0 =	rddreg [dreg:$0x0]  }
0x2: {  	s2 =	rddreg [dreg:$0x1]  }
0x3: {  	s1 =	srdreg.scid;
	s7 =	stileid.u32  }
0x4: {  	s4 =	simm.s32 $0x0;
	s16 =	simm.s32 $0x4000;
	s17 =	simm.s32 $0x2  }
0x5: {  	s18 =	simm.s32 $0x7;
	s19 =	simm.s32 $0x50;
	s20 =	simm.s32 $0xB800  }
0x6: {  	s28 =	simm.s32 $0x5;
	s29 =	simm.s32 $0x8;
	s30 =	simm.s32 $0x0  }
0x7: {  	s1 =	sand.u32 $0x1, s1;
	s3 =	smul.u32 $0x2800, s7;
	[smem:$0x7FF] =	sst s4  }
0x8: {  	s4 =	sadd.s32 $0x13800, s0;
	s21 =	smul.u32 $0x50000, s7;
	s7 =	sshll.u32 s7, $0xC  }
0x9: {  	s5 =	smul.u32 $0x28000, s1;
	s6 =	sshll.u32 s1, $0xB;
	s1 =	ssub.s32 $0x2, s1  }
0xa: {  	_ =	strace $0x80000053;
	s6 =	sadd.s32 s6, s0;
	s22 =	sshrl.u32 s1, $0x1  }
0xb: {  	s3 =	sadd.s32 s3, s5;
	s5 =	sshrl.u32 s21, $0x2;
	s1 =	ssub.s32 s1, s22  }
0xc: {  	s23 =	sadd.s32 s7, s6;
	s21 =	simm.s32 $0xB900;
	s22 =	simm.s32 $0x6800  }
0xd: {  	s0 =	sadd.s32 s3, s0;
	s5 =	sadd.s32 s5, s2;
	s3 =	sadd.s32 $0x3800, s23  }
0xe: {  	s15 =	smax.u32 s1, $0x1;
	[dreg:$0x3] =	wrdreg s3;
	s24 =	sadd.s32 $0x2800, s5  }
0xf: {  	s23 =	simm.s32 $0x1;
	s25 =	sadd.s32 $0x5000, s5;
	[dreg:$0x4] =	wrdreg s24  }
0x10: {  	s26 =	sadd.s32 $0x7800, s5;
	s31 =	sadd.s32 $0xA000, s5;
	[dreg:$0x5] =	wrdreg s25  }
0x11: {  	s11 =	sadd.s32 $0xC800, s5;
	s12 =	sadd.s32 $0xF000, s5;
	[dreg:$0x6] =	wrdreg s26  }
0x12: {  	s13 =	sadd.s32 $0x11800, s5;
	s14 =	sadd.s32 $0x3AA00, s0;
	[dreg:$0x7] =	wrdreg s31  }
0x13: {  	v0 =	vimm.f32 $0.0e+00;
	s24 =	simm.s32 $0xB880;
	s25 =	simm.s32 $0xB980;
	s26 =	simm.s32 $0x4  }
.LBB2_1:
0x14: {  	s0 =	simm.s32 $0x0;
	s1 =	rddreg [dreg:$0x3]  }
0x15: {  	[tilespmem:s0], [sflag:$0x7] =	stream.linear.gather [hbm4b:s1+s0], $0x4000, $0x38;
	[tilespmem:$0x1FB00] =	vst v63  }
0x16: {  	s0 =	simm.s32 $0x0;
	s1 =	simm.s32 $0x200  }
.LBB2_2:
0x17: {  	p0 =	sne.s32 s1, $0x9E00;
	[tilespmem:s0+$0x4070] =	vst v0  }
0x18: {  	[tilespmem:s0+$0x4000] =	vst v0  }
0x19: {  	[tilespmem:s0+$0x4010] =	vst v0  }
.Ltmp0:
0x1a: {  	[tilespmem:s0+$0x4020] =	vst v0;
	(pc) =	sbr.rel @p0 .LBB2_2-.Ltmp0, $4  }
0x1b: {  	[tilespmem:s0+$0x4030] =	vst v0  }
0x1c: {  	[tilespmem:s0+$0x4040] =	vst v0  }
0x1d: {  	[tilespmem:s0+$0x4050] =	vst v0  }
0x1e: {  	[tilespmem:s0+$0x4060] =	vst v0;
	s0 =	sshra.s32 s1, $0x2;
	s1 =	sadd.s32 $0x200, s1  }
0x1f: {  	[tilespmem:s0+$0x4070] =	vst v0  }
0x20: {  	[tilespmem:s0+$0x4000] =	vst v0  }
0x21: {  	[tilespmem:s0+$0x4010] =	vst v0  }
0x22: {  	[tilespmem:s0+$0x4020] =	vst v0  }
0x23: {  	[tilespmem:s0+$0x4030] =	vst v0  }
0x24: {  	[tilespmem:s0+$0x4040] =	vst v0  }
0x25: {  	[tilespmem:s0+$0x4050] =	vst v0  }
0x26: {  	[tilespmem:s0+$0x4060] =	vst v0  }
0x27: {  	[spmem:s5] =	stream.linear.scatter [tilespmem:s16], [sflag:$0x2], $0x2800, $0x38;
	[tilespmem:$0x1FB00] =	vst v63  }
0x28: {  	s7 =	rddreg [dreg:$0x4]  }
0x29: {  	[spmem:s7] =	stream.linear.scatter [tilespmem:s16], [sflag:$0x2], $0x2800, $0x38;
	[tilespmem:$0x1FB00] =	vst v63  }
0x2a: {  	s8 =	rddreg [dreg:$0x5]  }
0x2b: {  	[spmem:s8] =	stream.linear.scatter [tilespmem:s16], [sflag:$0x2], $0x2800, $0x38;
	[tilespmem:$0x1FB00] =	vst v63  }
0x2c: {  	s9 =	rddreg [dreg:$0x6]  }
0x2d: {  	[spmem:s9] =	stream.linear.scatter [tilespmem:s16], [sflag:$0x2], $0x2800, $0x38;
	[tilespmem:$0x1FB00] =	vst v63  }
0x2e: {  	s10 =	rddreg [dreg:$0x7]  }
0x2f: {  	[spmem:s10] =	stream.linear.scatter [tilespmem:s16], [sflag:$0x2], $0x2800, $0x38;
	[tilespmem:$0x1FB00] =	vst v63  }
0x30: {  	_ = 	snop  }
0x31: {  	[spmem:s11] =	stream.linear.scatter [tilespmem:s16], [sflag:$0x2], $0x2800, $0x38;
	[tilespmem:$0x1FB00] =	vst v63  }
0x32: {  	_ = 	snop  }
0x33: {  	[spmem:s12] =	stream.linear.scatter [tilespmem:s16], [sflag:$0x2], $0x2800, $0x38;
	[tilespmem:$0x1FB00] =	vst v63  }
0x34: {  	_ = 	snop  }
0x35: {  	[spmem:s13] =	stream.linear.scatter [tilespmem:s16], [sflag:$0x2], $0x2800, $0x38;
	[tilespmem:$0x1FB00] =	vst v63  }
0x36: {  	_ =	swait.ge [sflag:s17], $0x2800  }
0x37: {  	[sflag:s17] =	ssyncset.done $0x0  }
0x38: {  	[sflag:s17] =	ssyncadd.s32 $0xFFFFD800  }
0x39: {  	_ =	swait.ge [sflag:s17], $0x2800  }
0x3a: {  	[sflag:s17] =	ssyncset.done $0x0  }
0x3b: {  	[sflag:s17] =	ssyncadd.s32 $0xFFFFD800  }
0x3c: {  	_ =	swait.ge [sflag:s17], $0x2800  }
0x3d: {  	[sflag:s17] =	ssyncset.done $0x0  }
0x3e: {  	[sflag:s17] =	ssyncadd.s32 $0xFFFFD800  }
0x3f: {  	_ =	swait.ge [sflag:s17], $0x2800  }
0x40: {  	[sflag:s17] =	ssyncset.done $0x0  }
0x41: {  	[sflag:s17] =	ssyncadd.s32 $0xFFFFD800  }
0x42: {  	_ =	swait.ge [sflag:s17], $0x2800  }
0x43: {  	[sflag:s17] =	ssyncset.done $0x0  }
0x44: {  	[sflag:s17] =	ssyncadd.s32 $0xFFFFD800  }
0x45: {  	_ =	swait.ge [sflag:s17], $0x2800  }
0x46: {  	[sflag:s17] =	ssyncset.done $0x0  }
0x47: {  	[sflag:s17] =	ssyncadd.s32 $0xFFFFD800  }
0x48: {  	_ =	swait.ge [sflag:s17], $0x2800  }
0x49: {  	[sflag:s17] =	ssyncset.done $0x0  }
0x4a: {  	[sflag:s17] =	ssyncadd.s32 $0xFFFFD800  }
0x4b: {  	_ =	swait.ge [sflag:s17], $0x2800  }
0x4c: {  	[sflag:s17] =	ssyncset.done $0x0  }
0x4d: {  	[sflag:s17] =	ssyncadd.s32 $0xFFFFD800  }
0x4e: {  	_ =	swait.ge [sflag:s18], $0x4000  }
0x4f: {  	[sflag:s18] =	ssyncset.done $0x0  }
0x50: {  	p0 =	por $0x1, $0x1;
	[sflag:s18] =	ssyncadd.s32 $0xFFFFC000  }
0x51: {  	s0 =	simm.s32 @!p0 $0x4;
	[bflag:$0x0] =	sbarrier.arrive $0xFFFF  }
0x52: {  	_ =	swait.ge @!p0 [sflag:s0], $0x2800  }
0x53: {  	[sflag:s0] =	ssyncset.done @!p0 $0x0  }
0x54: {  	s31 =	simm.s32 $0xA0;
	[sflag:s0] =	ssyncadd.s32 @!p0 $0xFFFFD800  }
0x55: {  	v1 =	vld [tilespmem:s31+$0xFFFFFF60];
	_ =	sdelay $0x4  }
0x56: {  	v2 =	vand.u32 $0x3FFF, v1  }
0x57: {  	v1 =	vshrl.u32 v1, $0xE;
	[tilespmem:$0xB800] =	vst v2  }
0x58: {  	[tilespmem:$0xB880] =	vst v1  }
0x59: {  	v1 =	vld [tilespmem:s31+$0xFFFFFF70];
	_ =	sdelay $0x4  }
0x5a: {  	v2 =	vand.u32 $0x3FFF, v1  }
0x5b: {  	v1 =	vshrl.u32 v1, $0xE;
	[tilespmem:$0xB810] =	vst v2  }
0x5c: {  	[tilespmem:$0xB890] =	vst v1  }
0x5d: {  	v1 =	vld [tilespmem:s31+$0xFFFFFF80];
	_ =	sdelay $0x4  }
0x5e: {  	v2 =	vand.u32 $0x3FFF, v1  }
0x5f: {  	v1 =	vshrl.u32 v1, $0xE;
	[tilespmem:$0xB820] =	vst v2  }
0x60: {  	[tilespmem:$0xB8A0] =	vst v1  }
0x61: {  	v1 =	vld [tilespmem:s31+$0xFFFFFF90];
	_ =	sdelay $0x4  }
0x62: {  	v2 =	vand.u32 $0x3FFF, v1  }
0x63: {  	v1 =	vshrl.u32 v1, $0xE;
	[tilespmem:$0xB830] =	vst v2  }
0x64: {  	[tilespmem:$0xB8B0] =	vst v1  }
0x65: {  	v1 =	vld [tilespmem:s31+$0xFFFFFFA0];
	_ =	sdelay $0x4  }
0x66: {  	v2 =	vand.u32 $0x3FFF, v1  }
0x67: {  	p0 =	por $0x1, $0x1;
	v1 =	vshrl.u32 v1, $0xE;
	[tilespmem:$0xB840] =	vst v2  }
0x68: {  	s0 =	simm.s32 @!p0 $0x3;
	[tilespmem:$0xB8C0] =	vst v1  }
0x69: {  	[tilespmem:s16], [sflag:$0x1] =	stream.indirect.gather [hbm4b:s4+s19], $0x80, s20, s19, $0xb8;
	[tilespmem:$0x1FB00] =	vst v63  }
0x6a: {  	p1 =	por @!p0 $0x1, $0x1;
	s1 =	simm.s32 @!p0 $0x9000;
	_ =	swait.ge @!p0 [sflag:s0], $0x2800  }
0x6b: {  	s3 =	simm.s32 @!p0 $0x50;
	p1 =	por p1, p0;
	[sflag:s0] =	ssyncset.done @!p0 $0x0  }
0x6c: {  	s6 =	simm.s32 @!p0 $0xBA80;
	s7 =	simm.s32 @!p1 $0x5;
	[sflag:s0] =	ssyncadd.s32 @!p0 $0xFFFFD800  }
0x6d: {  	[spmem:s2] =	stream.indirect.scatter.add.f32 @!p0 [tilespmem:s1], [sflag:$0x6], $0x80, s6, s3, $0xb8;
	[tilespmem:$0x1FB00] =	vst v63  }
0x6e: {  	_ =	swait.ge @!p1 [sflag:s7], $0x2800  }
0x6f: {  	[sflag:s7] =	ssyncset.done @!p1 $0x0  }
0x70: {  	[sflag:s7] =	ssyncadd.s32 @!p1 $0xFFFFD800  }
0x71: {  	v1 =	vld [tilespmem:s31+$0xFFFFFFE0];
	_ =	sdelay $0x4  }
0x72: {  	v2 =	vand.u32 $0x3FFF, v1  }
0x73: {  	v1 =	vshrl.u32 v1, $0xE;
	[tilespmem:$0xB900] =	vst v2  }
0x74: {  	[tilespmem:$0xB980] =	vst v1  }
0x75: {  	v1 =	vld [tilespmem:s31+$0xFFFFFFF0];
	_ =	sdelay $0x4  }
0x76: {  	v2 =	vand.u32 $0x3FFF, v1  }
0x77: {  	v1 =	vshrl.u32 v1, $0xE;
	[tilespmem:$0xB910] =	vst v2  }
0x78: {  	[tilespmem:$0xB990] =	vst v1  }
0x79: {  	v1 =	vld [tilespmem:s31+$0x0];
	_ =	sdelay $0x4  }
0x7a: {  	v2 =	vand.u32 $0x3FFF, v1  }
0x7b: {  	v1 =	vshrl.u32 v1, $0xE;
	[tilespmem:$0xB920] =	vst v2  }
0x7c: {  	[tilespmem:$0xB9A0] =	vst v1  }
0x7d: {  	v1 =	vld [tilespmem:s31+$0x10];
	_ =	sdelay $0x4  }
0x7e: {  	v2 =	vand.u32 $0x3FFF, v1  }
0x7f: {  	v1 =	vshrl.u32 v1, $0xE;
	[tilespmem:$0xB930] =	vst v2  }
0x80: {  	[tilespmem:$0xB9B0] =	vst v1  }
0x81: {  	v1 =	vld [tilespmem:s31+$0x20];
	_ =	sdelay $0x4  }
0x82: {  	v2 =	vand.u32 $0x3FFF, v1  }
0x83: {  	v1 =	vshrl.u32 v1, $0xE;
	[tilespmem:$0xB940] =	vst v2  }
0x84: {  	[tilespmem:$0xB9C0] =	vst v1  }
0x85: {  	[tilespmem:s22], [sflag:$0x2] =	stream.indirect.gather [hbm4b:s4+s19], $0x80, s21, s19, $0xb8;
	[tilespmem:$0x1FB00] =	vst v63  }
0x86: {  	_ =	swait.ge [sflag:s23], $0x2800  }
0x87: {  	[sflag:s23] =	ssyncset.done $0x0  }
0x88: {  	s0 =	simm.s32 @!p0 $0x6;
	[sflag:s23] =	ssyncadd.s32 $0xFFFFD800  }
0x89: {  	[spmem:s2] =	stream.indirect.scatter.add.f32 [tilespmem:s16], [sflag:$0x4], $0x80, s24, s19, $0xb8;
	[tilespmem:$0x1FB00] =	vst v63  }
0x8a: {  	_ =	swait.ge @!p0 [sflag:s0], $0x2800  }
0x8b: {  	[sflag:s0] =	ssyncset.done @!p0 $0x0  }
0x8c: {  	p1 =	por $0x0, $0x0;
	[sflag:s0] =	ssyncadd.s32 @!p0 $0xFFFFD800  }
0x8d: {  	v1 =	vld @!p1 [tilespmem:s31+$0x60];
	_ =	sdelay $0x4  }
0x8e: {  	v2 =	vand.u32 @!p1 $0x3FFF, v1  }
0x8f: {  	v1 =	vshrl.u32 @!p1 v1, $0xE;
	[tilespmem:$0xBA00] =	vst @!p1 v2  }
0x90: {  	[tilespmem:$0xBA80] =	vst @!p1 v1  }
0x91: {  	v1 =	vld @!p1 [tilespmem:s31+$0x70];
	_ =	sdelay $0x4  }
0x92: {  	v2 =	vand.u32 @!p1 $0x3FFF, v1  }
0x93: {  	v1 =	vshrl.u32 @!p1 v1, $0xE;
	[tilespmem:$0xBA10] =	vst @!p1 v2  }
0x94: {  	[tilespmem:$0xBA90] =	vst @!p1 v1  }
0x95: {  	s3 =	simm.s32 $0x0;
	s0 =	simm.s32 $0xA0;
	v1 =	vld @!p1 [tilespmem:s31+$0x80]  }
.LBB2_4:
0x96: {  	_ =	sdelay $0x2  }
0x97: {  	s31 =	sadd.s32 $0x180, s31;
	s1 =	smov.u32 s3;
	s3 =	sadd.s32 $0x3, s3  }
0x98: {  	p0 =	sne.s32 s3, $0x7B;
	v2 =	vand.u32 @!p1 $0x3FFF, v1;
	v1 =	vshrl.u32 @!p1 v1, $0xE  }
0x99: {  	[tilespmem:$0xBA20] =	vst @!p1 v2  }
0x9a: {  	[tilespmem:$0xBAA0] =	vst @!p1 v1  }
0x9b: {  	v1 =	vld @!p1 [tilespmem:s0+$0x90];
	_ =	sdelay $0x4  }
0x9c: {  	v2 =	vand.u32 @!p1 $0x3FFF, v1;
	v1 =	vshrl.u32 @!p1 v1, $0xE  }
0x9d: {  	[tilespmem:$0xBA30] =	vst @!p1 v2  }
0x9e: {  	[tilespmem:$0xBAB0] =	vst @!p1 v1  }
0x9f: {  	v1 =	vld @!p1 [tilespmem:s0+$0xA0];
	s0 =	smov.u32 s31;
	_ =	sdelay $0x1  }
0xa0: {  	p2 =	sgt.u32 s1, $0x7C  }
0xa1: {  	s6 =	simm.s32 @!p2 $0x4;
	_ =	sdelay $0x1  }
0xa2: {  	v2 =	vand.u32 @!p1 $0x3FFF, v1;
	v1 =	vshrl.u32 @!p1 v1, $0xE  }
0xa3: {  	s7 =	simm.s32 @!p1 $0x50;
	s8 =	simm.s32 @!p1 $0xBA00;
	s9 =	simm.s32 @!p1 $0x9000;
	[tilespmem:$0xBA40] =	vst @!p1 v2  }
0xa4: {  	[tilespmem:$0xBAC0] =	vst @!p1 v1  }
0xa5: {  	[tilespmem:s9], [sflag:$0x3] =	stream.indirect.gather @!p1 [hbm4b:s4+s7], $0x80, s8, s7, $0xb8;
	[tilespmem:$0x1FB00] =	vst v63  }
0xa6: {  	_ =	swait.ge [sflag:s17], $0x2800  }
0xa7: {  	[sflag:s17] =	ssyncset.done $0x0  }
0xa8: {  	[sflag:s17] =	ssyncadd.s32 $0xFFFFD800  }
0xa9: {  	[spmem:s2] =	stream.indirect.scatter.add.f32 [tilespmem:s22], [sflag:$0x5], $0x80, s25, s19, $0xb8;
	[tilespmem:$0x1FB00] =	vst v63  }
0xaa: {  	_ =	swait.ge @!p2 [sflag:s6], $0x2800  }
0xab: {  	[sflag:s6] =	ssyncset.done @!p2 $0x0  }
0xac: {  	[sflag:s6] =	ssyncadd.s32 @!p2 $0xFFFFD800  }
0xad: {  	v1 =	vld [tilespmem:s31+$0xFFFFFF60];
	_ =	sdelay $0x4  }
0xae: {  	v2 =	vand.u32 $0x3FFF, v1;
	v1 =	vshrl.u32 v1, $0xE  }
0xaf: {  	[tilespmem:$0xB800] =	vst v2  }
0xb0: {  	[tilespmem:$0xB880] =	vst v1  }
0xb1: {  	v1 =	vld [tilespmem:s31+$0xFFFFFF70];
	_ =	sdelay $0x4  }
0xb2: {  	v2 =	vand.u32 $0x3FFF, v1;
	v1 =	vshrl.u32 v1, $0xE  }
0xb3: {  	[tilespmem:$0xB810] =	vst v2  }
0xb4: {  	[tilespmem:$0xB890] =	vst v1  }
0xb5: {  	v1 =	vld [tilespmem:s31+$0xFFFFFF80];
	_ =	sdelay $0x4  }
0xb6: {  	v2 =	vand.u32 $0x3FFF, v1;
	v1 =	vshrl.u32 v1, $0xE  }
0xb7: {  	[tilespmem:$0xB820] =	vst v2  }
0xb8: {  	[tilespmem:$0xB8A0] =	vst v1  }
0xb9: {  	v1 =	vld [tilespmem:s31+$0xFFFFFF90];
	_ =	sdelay $0x4  }
0xba: {  	v2 =	vand.u32 $0x3FFF, v1;
	v1 =	vshrl.u32 v1, $0xE  }
0xbb: {  	s6 =	sadd.s32 $0x2, s1;
	[tilespmem:$0xB830] =	vst v2  }
0xbc: {  	p1 =	sgt.u32 s6, $0x7C;
	[tilespmem:$0xB8B0] =	vst v1  }
0xbd: {  	s6 =	simm.s32 @!p1 $0x3;
	s7 =	sadd.s32 @!p1 $0x1, s1;
	v1 =	vld [tilespmem:s31+$0xFFFFFFA0]  }
0xbe: {  	p2 =	sgt.u32 @!p1 s7, $0x7C  }
0xbf: {  	p2 =	por p2, p1;
	_ =	sdelay $0x2  }
0xc0: {  	s7 =	simm.s32 @!p1 $0x9000;
	v2 =	vand.u32 $0x3FFF, v1;
	v1 =	vshrl.u32 v1, $0xE  }
0xc1: {  	s8 =	simm.s32 @!p1 $0x50;
	s9 =	simm.s32 @!p1 $0xBA80;
	s10 =	simm.s32 @!p2 $0x5;
	[tilespmem:$0xB840] =	vst v2  }
0xc2: {  	[tilespmem:$0xB8C0] =	vst v1  }
0xc3: {  	[tilespmem:s16], [sflag:$0x1] =	stream.indirect.gather [hbm4b:s4+s19], $0x80, s20, s19, $0xb8;
	[tilespmem:$0x1FB00] =	vst v63  }
0xc4: {  	_ =	swait.ge @!p1 [sflag:s6], $0x2800  }
0xc5: {  	[sflag:s6] =	ssyncset.done @!p1 $0x0  }
0xc6: {  	[sflag:s6] =	ssyncadd.s32 @!p1 $0xFFFFD800  }
0xc7: {  	[spmem:s2] =	stream.indirect.scatter.add.f32 @!p1 [tilespmem:s7], [sflag:$0x6], $0x80, s9, s8, $0xb8;
	[tilespmem:$0x1FB00] =	vst v63  }
0xc8: {  	_ =	swait.ge @!p2 [sflag:s10], $0x2800  }
0xc9: {  	[sflag:s10] =	ssyncset.done @!p2 $0x0  }
0xca: {  	[sflag:s10] =	ssyncadd.s32 @!p2 $0xFFFFD800  }
0xcb: {  	v1 =	vld [tilespmem:s31+$0xFFFFFFE0];
	_ =	sdelay $0x4  }
0xcc: {  	v2 =	vand.u32 $0x3FFF, v1;
	v1 =	vshrl.u32 v1, $0xE  }
0xcd: {  	[tilespmem:$0xB900] =	vst v2  }
0xce: {  	[tilespmem:$0xB980] =	vst v1  }
0xcf: {  	v1 =	vld [tilespmem:s31+$0xFFFFFFF0];
	_ =	sdelay $0x4  }
0xd0: {  	v2 =	vand.u32 $0x3FFF, v1;
	v1 =	vshrl.u32 v1, $0xE  }
0xd1: {  	[tilespmem:$0xB910] =	vst v2  }
0xd2: {  	[tilespmem:$0xB990] =	vst v1  }
0xd3: {  	v1 =	vld [tilespmem:s31+$0x0];
	_ =	sdelay $0x4  }
0xd4: {  	v2 =	vand.u32 $0x3FFF, v1;
	v1 =	vshrl.u32 v1, $0xE  }
0xd5: {  	[tilespmem:$0xB920] =	vst v2  }
0xd6: {  	[tilespmem:$0xB9A0] =	vst v1  }
0xd7: {  	v1 =	vld [tilespmem:s31+$0x10];
	_ =	sdelay $0x4  }
0xd8: {  	v2 =	vand.u32 $0x3FFF, v1;
	v1 =	vshrl.u32 v1, $0xE  }
0xd9: {  	[tilespmem:$0xB930] =	vst v2  }
0xda: {  	[tilespmem:$0xB9B0] =	vst v1  }
0xdb: {  	v1 =	vld [tilespmem:s31+$0x20];
	_ =	sdelay $0x4  }
0xdc: {  	v2 =	vand.u32 $0x3FFF, v1;
	v1 =	vshrl.u32 v1, $0xE  }
0xdd: {  	[tilespmem:$0xB940] =	vst v2  }
0xde: {  	[tilespmem:$0xB9C0] =	vst v1  }
0xdf: {  	[tilespmem:s22], [sflag:$0x2] =	stream.indirect.gather [hbm4b:s4+s19], $0x80, s21, s19, $0xb8;
	[tilespmem:$0x1FB00] =	vst v63  }
0xe0: {  	_ =	swait.ge [sflag:s23], $0x2800  }
0xe1: {  	[sflag:s23] =	ssyncset.done $0x0  }
0xe2: {  	s6 =	simm.s32 @!p1 $0x6;
	[sflag:s23] =	ssyncadd.s32 $0xFFFFD800  }
0xe3: {  	[spmem:s2] =	stream.indirect.scatter.add.f32 [tilespmem:s16], [sflag:$0x4], $0x80, s24, s19, $0xb8;
	[tilespmem:$0x1FB00] =	vst v63  }
0xe4: {  	_ =	swait.ge @!p1 [sflag:s6], $0x2800  }
0xe5: {  	[sflag:s6] =	ssyncset.done @!p1 $0x0  }
0xe6: {  	[sflag:s6] =	ssyncadd.s32 @!p1 $0xFFFFD800;
	p1 =	seq.s32 s1, $0x78  }
0xe7: {  	v1 =	vld @!p1 [tilespmem:s31+$0x60];
	_ =	sdelay $0x4  }
0xe8: {  	v2 =	vand.u32 @!p1 $0x3FFF, v1;
	v1 =	vshrl.u32 @!p1 v1, $0xE  }
0xe9: {  	[tilespmem:$0xBA00] =	vst @!p1 v2  }
0xea: {  	[tilespmem:$0xBA80] =	vst @!p1 v1  }
0xeb: {  	v1 =	vld @!p1 [tilespmem:s31+$0x70];
	_ =	sdelay $0x3  }
.Ltmp1:
0xec: {  	(pc) =	sbr.rel @p0 .LBB2_4-.Ltmp1, $4  }
0xed: {  	v2 =	vand.u32 @!p1 $0x3FFF, v1;
	v1 =	vshrl.u32 @!p1 v1, $0xE  }
0xee: {  	[tilespmem:$0xBA10] =	vst @!p1 v2  }
0xef: {  	[tilespmem:$0xBA90] =	vst @!p1 v1  }
0xf0: {  	v1 =	vld @!p1 [tilespmem:s31+$0x80]  }
0xf1: {  	_ =	sdelay $0x3  }
0xf2: {  	v2 =	vand.u32 @!p1 $0x3FFF, v1  }
0xf3: {  	v1 =	vshrl.u32 @!p1 v1, $0xE;
	[tilespmem:$0xBA20] =	vst @!p1 v2  }
0xf4: {  	[tilespmem:$0xBAA0] =	vst @!p1 v1  }
0xf5: {  	v1 =	vld @!p1 [tilespmem:s0+$0x90];
	_ =	sdelay $0x4  }
0xf6: {  	v2 =	vand.u32 @!p1 $0x3FFF, v1  }
0xf7: {  	v1 =	vshrl.u32 @!p1 v1, $0xE;
	[tilespmem:$0xBA30] =	vst @!p1 v2  }
0xf8: {  	[tilespmem:$0xBAB0] =	vst @!p1 v1  }
0xf9: {  	v1 =	vld @!p1 [tilespmem:s0+$0xA0];
	_ =	sdelay $0x4  }
0xfa: {  	v2 =	vand.u32 @!p1 $0x3FFF, v1  }
0xfb: {  	v1 =	vshrl.u32 @!p1 v1, $0xE;
	[tilespmem:$0xBA40] =	vst @!p1 v2  }
0xfc: {  	s1 =	simm.s32 @!p1 $0xBA00;
	s3 =	simm.s32 @!p1 $0x9000;
	s0 =	simm.s32 @!p1 $0x50;
	[tilespmem:$0xBAC0] =	vst @!p1 v1  }
0xfd: {  	[tilespmem:s3], [sflag:$0x3] =	stream.indirect.gather @!p1 [hbm4b:s4+s0], $0x80, s1, s0, $0xb8;
	[tilespmem:$0x1FB00] =	vst v63  }
0xfe: {  	_ =	swait.ge [sflag:s17], $0x2800  }
0xff: {  	[sflag:s17] =	ssyncset.done $0x0  }
0x100: {  	[sflag:s17] =	ssyncadd.s32 $0xFFFFD800  }
0x101: {  	[spmem:s2] =	stream.indirect.scatter.add.f32 [tilespmem:s22], [sflag:$0x5], $0x80, s25, s19, $0xb8;
	[tilespmem:$0x1FB00] =	vst v63  }
0x102: {  	_ =	swait.ge [sflag:s26], $0x2800  }
0x103: {  	[sflag:s26] =	ssyncset.done $0x0  }
0x104: {  	[sflag:s26] =	ssyncadd.s32 $0xFFFFD800  }
0x105: {  	s10 =	stileid.u32;
	_ =	swait.ge [sflag:s28], $0x2800  }
0x106: {  	s31 =	sshrl.u32 s5, $0x3;
	s30 =	sadd.s32 $0x1, s30;
	[sflag:s28] =	ssyncset.done $0x0  }
0x107: {  	p0 =	sne.s32 s30, s15;
	s0 =	sshll.u32 s10, $0x6;
	[sflag:s28] =	ssyncadd.s32 $0xFFFFD800  }
.Ltmp2:
0x108: {  	s0 =	sor.u32 $0x1C08, s0;
	[bflag:$0x0] =	sbarrier.arrive $0xFFFF;
	(pc) =	sbr.rel @p0 .LBB2_1-.Ltmp2, $4  }
0x109: {  	[hbm:s14], [sflag:s0] =	dma.local [spmem:s31], $0x2800  }
0x10a: {  	_ =	swait.ge [sflag:s29], $0x2800  }
0x10b: {  	[sflag:s29] =	ssyncset.done $0x0  }
0x10c: {  	[sflag:s29] =	ssyncadd.s32 $0xFFFFD800  }
0x10d: {  	_ =	sfence.sel $0x180000  }
0x10e: {  	[bflag:$0x0] =	sbarrier.arrive $0xFFFF  }
0x10f: {  	_ =	strace $0x90000053  }
0x110: {  	s0 =	stileid.u32;
	[bflag:$0x2] =	sbarrier.arrive $0xFFFF  }
0x111: {  	p0 =	sne.s32 s0, $0x0;
	s0 =	rddreg [dreg:$0x2]  }
0x112: {  	s0 =	sadd.s32 @!p0 $0x100000, s0  }
0x113: {  	[sflag:s0] =	ssyncadd.tile.s32 @!p0 $0x1;
	_ =	shalt  }
.Lfunc_end2:
_tile_overlayer_lowered:
.L_overlay_start_2:
0x114: {  	(tag) =	ssettag $0x2  }
0x115: {  	s0 =	rddreg [dreg:$0x0];
	s2 =	stileid.u32  }
0x116: {  	s1 =	rddreg [dreg:$0x1];
	p0 =	sne.s32 s2, $0x0  }
0x117: {  	s3 =	rddreg [dreg:$0x2];
	[bflag:$0x3] =	sbarrier.arrive $0xFFFF;
	s2 =	simm.s32 @!p0 $0x1C08  }
0x118: {  	[timem:s3], [sflag:s2] =	dma.local @!p0 [hbm:s0], s1  }
0x119: {  	s0 =	simm.s32 @!p0 $0x8  }
0x11a: {  	_ =	swait.ge @!p0 [sflag:s0], s1  }
0x11b: {  	s1 =	ssub.s32 @!p0 $0x0, s1;
	[sflag:s0] =	ssyncset.done @!p0 $0x0  }
0x11c: {  	[sflag:s0] =	ssyncadd.s32 @!p0 s1  }
0x11d: {  	[bflag:$0x3] =	sbarrier.arrive $0xFFFF  }
0x11e: {  	_ =	shalt  }

</sc_bundles>
